<compile_context>
chip_gen: v7x
topology: tpu7x:2x2x1
jax: 0.10.2.dev20260603
libtpu: 0.0.44.dev20260713+nightly
codegen_flags: <defaults>
</compile_context>

<pallas_src>
import dataclasses
import functools
import math

import jax
import jax.numpy as jnp
from jax import lax
from jax.experimental import pallas as pl
from jax.experimental.pallas import tpu as pltpu
from jax.experimental.pallas import tpu_sc as plsc

H = 128
EPS = 1e-5
SQH = math.sqrt(H)
NC, NS = 2, 16
NW = NC * NS
CHUNK = 128
NGBUF = 3
NOBUF = 2


def _fused_embed_ln(table, ids_arr, pe, gamma, beta, b, s):
    n = b * s
    pos_per_w = s // NW
    nch = n // (NW * CHUNK)
    ch_per_seq = pos_per_w // CHUNK
    mesh = plsc.VectorSubcoreMesh(core_axis_name="c", subcore_axis_name="s")
    cp = pltpu.CompilerParams()
    if "needs_layout_passes" in pltpu.CompilerParams.__dataclass_fields__:
        cp = dataclasses.replace(cp, needs_layout_passes=False)

    @functools.partial(
        pl.kernel,
        compiler_params=cp,
        out_type=jax.ShapeDtypeStruct((n, H), jnp.float32),
        mesh=mesh,
        scratch_types=[
            pltpu.VMEM((nch, CHUNK), jnp.int32),
            pltpu.VMEM((pos_per_w, H), jnp.float32),
            pltpu.VMEM((H,), jnp.float32),
            pltpu.VMEM((H,), jnp.float32),
            *[pltpu.VMEM((CHUNK, H), jnp.float32) for _ in range(NGBUF + NOBUF)],
            *[pltpu.SemaphoreType.DMA for _ in range(NGBUF + NOBUF)],
        ],
    )
    def body(table_hbm, idx_hbm, pe_hbm, gamma_hbm, beta_hbm, out_hbm,
             idx_v, pe_v, gamma_v, beta_v, *bufs_and_sems):
        gbufs = bufs_and_sems[:NGBUF]
        obufs = bufs_and_sems[NGBUF:NGBUF + NOBUF]
        gsems = bufs_and_sems[NGBUF + NOBUF:2 * NGBUF + NOBUF]
        wsems = bufs_and_sems[2 * NGBUF + NOBUF:]
        wid = lax.axis_index("s") * NC + lax.axis_index("c")
        idx_copies = []
        for k in range(nch):
            off = (k // ch_per_seq) * s + wid * pos_per_w \
                + (k % ch_per_seq) * CHUNK
            idx_copies.append(pltpu.async_copy(
                idx_hbm.at[pl.ds(off, CHUNK)], idx_v.at[k], gsems[0]))
        pe_copy = pltpu.async_copy(
            pe_hbm.at[pl.ds(wid * pos_per_w, pos_per_w)], pe_v, wsems[0])
        gm_copy = pltpu.async_copy(gamma_hbm, gamma_v, wsems[1])
        bt_copy = pltpu.async_copy(beta_hbm, beta_v, wsems[1])
        for c in idx_copies:
            c.wait()

        nsub = H // 16
        iota16 = lax.iota(jnp.int32, 16)

        def _tree_add(vs):
            vs = list(vs)
            while len(vs) > 1:
                vs = [a + b for a, b in zip(vs[0::2], vs[1::2])]
            return vs[0]

        def compute_chunk(buf, obuf, pe_base):
            @plsc.parallel_loop(0, CHUNK, unroll=1)
            def _(r):
                pe_r = pe_base + r
                xs = [buf[r, pl.ds(16 * i, 16)] * SQH
                      + pe_v[pe_r, pl.ds(16 * i, 16)] for i in range(nsub)]
                t1 = lax.broadcast(jnp.sum(_tree_add(xs)), (16,))
                t2 = lax.broadcast(
                    jnp.sum(_tree_add([x * x for x in xs])), (16,))
                mean = t1 * (1.0 / H)
                var = t2 * (1.0 / H) - mean * mean
                v = var + EPS
                iv = plsc.bitcast(v, jnp.int32)
                y = plsc.bitcast(
                    jnp.full((16,), 0x5F3759DF, jnp.int32) - (iv >> 1),
                    jnp.float32)
                rstd = y * (1.5 - 0.5 * v * y * y)
                for i in range(nsub):
                    obuf[r, pl.ds(16 * i, 16)] = \
                        (xs[i] - mean) * rstd * gvecs[i] + bvecs[i]

        gathers = [None] * nch
        writes = [None] * nch
        for k in range(min(NGBUF, nch)):
            gathers[k] = pltpu.async_copy(
                table_hbm.at[idx_v.at[k]], gbufs[k], gsems[k])
        pe_copy.wait()
        gm_copy.wait()
        bt_copy.wait()
        gvecs = [gamma_v[pl.ds(16 * i, 16)] for i in range(nsub)]
        bvecs = [beta_v[pl.ds(16 * i, 16)] for i in range(nsub)]
        for k in range(nch):
            p, q = k % NGBUF, k % NOBUF
            gathers[k].wait()
            if k >= NOBUF:
                writes[k - NOBUF].wait()
            compute_chunk(gbufs[p], obufs[q], (k % ch_per_seq) * CHUNK)
            if k + NGBUF < nch:
                gathers[k + NGBUF] = pltpu.async_copy(
                    table_hbm.at[idx_v.at[k + NGBUF]], gbufs[p], gsems[p])
            out_base = (k // ch_per_seq) * s + wid * pos_per_w \
                + (k % ch_per_seq) * CHUNK
            writes[k] = pltpu.async_copy(
                obufs[q], out_hbm.at[pl.ds(out_base, CHUNK)], wsems[q])
        for k in range(max(0, nch - NOBUF), nch):
            writes[k].wait()

    return body(table, ids_arr, pe, gamma, beta)


def kernel(token_ids, table, gamma, beta, pe):
    b, s = token_ids.shape
    ids_flat = token_ids.astype(jnp.int32).reshape(-1)
    out = _fused_embed_ln(table, ids_flat, pe[:s], gamma, beta, b, s)
    return out.reshape(b, s, H)

# --- scband reference (transcript-rebuilt; emitter-appended) ---
"""Pipeline reference for scband-open-embedder-23295902613679 (READ-ONLY COPY).

The authoritative reference and input builder live on the scoring server;
editing this copy changes nothing except your own understanding.
"""

import jax, jax.numpy as jnp
import numpy as np
import math

V = 100000
H = 128
MAXPOS = 8192
B = 4
S = 8192
EPS = 1e-5

def _build_pe():
    position = np.arange(0, MAXPOS, dtype=np.float64)[:, None]
    div_term = np.exp(np.arange(0, H, 2, dtype=np.float64) * (-math.log(10000.0) / H))
    pe = np.zeros((MAXPOS, H), dtype=np.float64)
    pe[:, 0::2] = np.sin(position * div_term)
    pe[:, 1::2] = np.cos(position * div_term)
    return jnp.asarray(pe, dtype=jnp.float32)

def setup_inputs(seed: int = 0) -> dict:
    key = jax.random.key(seed)
    k1, k2 = jax.random.split(key)
    token_ids = jax.random.randint(k1, (B, S), 0, V, dtype=jnp.int64)
    table = jax.random.normal(k2, (V, H), dtype=jnp.float32) * 0.02
    table = table.at[0].set(0.0)  # padding_idx row zeroed
    gamma = jnp.ones((H,), dtype=jnp.float32)
    beta = jnp.zeros((H,), dtype=jnp.float32)
    pe = _build_pe()
    return {"token_ids": token_ids, "table": table, "gamma": gamma, "beta": beta, "pe": pe}

def reference(token_ids, table, gamma, beta, pe):
    emb = jnp.take(table, token_ids, axis=0)  # (B, S, H) gather
    emb = emb * math.sqrt(H)
    emb = emb + pe[None, :S, :]
    mean = jnp.mean(emb, axis=-1, keepdims=True)
    var = jnp.mean(jnp.square(emb - mean), axis=-1, keepdims=True)
    out = (emb - mean) / jnp.sqrt(var + EPS) * gamma + beta
    # dropout p=0.0 (eval / disabled) -> identity
    return out

if __name__ == "__main__":
    import jax
    _d = setup_inputs()
    print(jax.jit(kernel)(*tuple(_d.values())))

</pallas_src>

<mosaic_0001>
#map = affine_map<(d0, d1) -> (0, 0)>
#map1 = affine_map<(d0, d1) -> (0)>
module attributes {stable_mosaic.version = 14 : i64} {
  func.func @body(%arg0: i32, %arg1: i32, %arg2: memref<100000x128xf32, #tpu.memory_space<hbm>>, %arg3: memref<32768xi32, #tpu.memory_space<hbm>>, %arg4: memref<8192x128xf32, #tpu.memory_space<hbm>>, %arg5: memref<128xf32, #tpu.memory_space<hbm>>, %arg6: memref<128xf32, #tpu.memory_space<hbm>>, %arg7: memref<32768x128xf32, #tpu.memory_space<hbm>>, %arg8: memref<8x128xi32, #tpu.memory_space<vmem>>, %arg9: memref<256x128xf32, #tpu.memory_space<vmem>>, %arg10: memref<128xf32, #tpu.memory_space<vmem>>, %arg11: memref<128xf32, #tpu.memory_space<vmem>>, %arg12: memref<128x128xf32, #tpu.memory_space<vmem>>, %arg13: memref<128x128xf32, #tpu.memory_space<vmem>>, %arg14: memref<128x128xf32, #tpu.memory_space<vmem>>, %arg15: memref<128x128xf32, #tpu.memory_space<vmem>>, %arg16: memref<128x128xf32, #tpu.memory_space<vmem>>, %arg17: memref<!tpu.dma_semaphore, #tpu.memory_space<semaphore_mem>>, %arg18: memref<!tpu.dma_semaphore, #tpu.memory_space<semaphore_mem>>, %arg19: memref<!tpu.dma_semaphore, #tpu.memory_space<semaphore_mem>>, %arg20: memref<!tpu.dma_semaphore, #tpu.memory_space<semaphore_mem>>, %arg21: memref<!tpu.dma_semaphore, #tpu.memory_space<semaphore_mem>>) attributes {dimension_semantics = [#tpu.dimension_semantics<core_parallel>, #tpu.dimension_semantics<subcore_parallel>], iteration_bounds = array<i64: 2, 16>, scalar_prefetch = 0 : i64, scratch_operands = 14 : i64, tpu.core_type = #tpu.core_type<sc_vector_subcore>, window_params = [{transform_indices = #map}, {transform_indices = #map1}, {transform_indices = #map}, {transform_indices = #map1}, {transform_indices = #map1}, {transform_indices = #map}]} {
    %mul3A = arith.constant 2 : i32
    %mul3A_0 = arith.muli %arg1, %mul3A : i32
    %add3A = arith.addi %mul3A_0, %arg0 : i32
    %mul3A_1 = arith.constant 256 : i32
    %mul3A_2 = arith.muli %add3A, %mul3A_1 : i32
    %add3A_3 = arith.constant 0 : i32
    %add3A_4 = arith.addi %add3A_3, %mul3A_2 : i32
    %add3A_5 = arith.constant 0 : i32
    %add3A_6 = arith.addi %add3A_4, %add3A_5 : i32
    %dma_start3A = arith.constant 0 : i32
    %dma_start3A_7 = arith.constant 0 : i32
    %dma_start3A_8 = tpu.memref_slice %arg8[%dma_start3A, %dma_start3A_7] : memref<8x128xi32, #tpu.memory_space<vmem>> -> memref<1x128xi32, #tpu.memory_space<vmem>>
    %dma_start3A_9 = tpu.memref_squeeze %dma_start3A_8 : memref<1x128xi32, #tpu.memory_space<vmem>> -> memref<128xi32, #tpu.memory_space<vmem>>
    %dma_start3A_10 = tpu.memref_slice %arg3[%add3A_6] : memref<32768xi32, #tpu.memory_space<hbm>> -> memref<128xi32, #tpu.memory_space<hbm>>
    %dma_start3A_11 = arith.constant 0 : i32
    %dma_start3A_12 = tpu.memref_slice %arg8[%dma_start3A, %dma_start3A_11] : memref<8x128xi32, #tpu.memory_space<vmem>> -> memref<1x128xi32, #tpu.memory_space<vmem>>
    %dma_start3A_13 = tpu.memref_squeeze %dma_start3A_12 : memref<1x128xi32, #tpu.memory_space<vmem>> -> memref<128xi32, #tpu.memory_space<vmem>>
    %dma_start3A_14 = tpu.memref_slice %arg3[%add3A_6] : memref<32768xi32, #tpu.memory_space<hbm>> -> memref<128xi32, #tpu.memory_space<hbm>>
    tpu.enqueue_dma source(%dma_start3A_14 : memref<128xi32, #tpu.memory_space<hbm>>) target(%dma_start3A_13 : memref<128xi32, #tpu.memory_space<vmem>>) target_semaphore(%arg17 : memref<!tpu.dma_semaphore, #tpu.memory_space<semaphore_mem>>)
    %mul3A_15 = arith.constant 256 : i32
    %mul3A_16 = arith.muli %add3A, %mul3A_15 : i32
    %add3A_17 = arith.constant 0 : i32
    %add3A_18 = arith.addi %add3A_17, %mul3A_16 : i32
    %add3A_19 = arith.constant 128 : i32
    %add3A_20 = arith.addi %add3A_18, %add3A_19 : i32
    %dma_start3A_21 = arith.constant 1 : i32
    %dma_start3A_22 = arith.constant 0 : i32
    %dma_start3A_23 = tpu.memref_slice %arg8[%dma_start3A_21, %dma_start3A_22] : memref<8x128xi32, #tpu.memory_space<vmem>> -> memref<1x128xi32, #tpu.memory_space<vmem>>
    %dma_start3A_24 = tpu.memref_squeeze %dma_start3A_23 : memref<1x128xi32, #tpu.memory_space<vmem>> -> memref<128xi32, #tpu.memory_space<vmem>>
    %dma_start3A_25 = tpu.memref_slice %arg3[%add3A_20] : memref<32768xi32, #tpu.memory_space<hbm>> -> memref<128xi32, #tpu.memory_space<hbm>>
    %dma_start3A_26 = arith.constant 0 : i32
    %dma_start3A_27 = tpu.memref_slice %arg8[%dma_start3A_21, %dma_start3A_26] : memref<8x128xi32, #tpu.memory_space<vmem>> -> memref<1x128xi32, #tpu.memory_space<vmem>>
    %dma_start3A_28 = tpu.memref_squeeze %dma_start3A_27 : memref<1x128xi32, #tpu.memory_space<vmem>> -> memref<128xi32, #tpu.memory_space<vmem>>
    %dma_start3A_29 = tpu.memref_slice %arg3[%add3A_20] : memref<32768xi32, #tpu.memory_space<hbm>> -> memref<128xi32, #tpu.memory_space<hbm>>
    tpu.enqueue_dma source(%dma_start3A_29 : memref<128xi32, #tpu.memory_space<hbm>>) target(%dma_start3A_28 : memref<128xi32, #tpu.memory_space<vmem>>) target_semaphore(%arg17 : memref<!tpu.dma_semaphore, #tpu.memory_space<semaphore_mem>>)
    %mul3A_30 = arith.constant 256 : i32
    %mul3A_31 = arith.muli %add3A, %mul3A_30 : i32
    %add3A_32 = arith.constant 8192 : i32
    %add3A_33 = arith.addi %add3A_32, %mul3A_31 : i32
    %add3A_34 = arith.constant 0 : i32
    %add3A_35 = arith.addi %add3A_33, %add3A_34 : i32
    %dma_start3A_36 = arith.constant 2 : i32
    %dma_start3A_37 = arith.constant 0 : i32
    %dma_start3A_38 = tpu.memref_slice %arg8[%dma_start3A_36, %dma_start3A_37] : memref<8x128xi32, #tpu.memory_space<vmem>> -> memref<1x128xi32, #tpu.memory_space<vmem>>
    %dma_start3A_39 = tpu.memref_squeeze %dma_start3A_38 : memref<1x128xi32, #tpu.memory_space<vmem>> -> memref<128xi32, #tpu.memory_space<vmem>>
    %dma_start3A_40 = tpu.memref_slice %arg3[%add3A_35] : memref<32768xi32, #tpu.memory_space<hbm>> -> memref<128xi32, #tpu.memory_space<hbm>>
    %dma_start3A_41 = arith.constant 0 : i32
    %dma_start3A_42 = tpu.memref_slice %arg8[%dma_start3A_36, %dma_start3A_41] : memref<8x128xi32, #tpu.memory_space<vmem>> -> memref<1x128xi32, #tpu.memory_space<vmem>>
    %dma_start3A_43 = tpu.memref_squeeze %dma_start3A_42 : memref<1x128xi32, #tpu.memory_space<vmem>> -> memref<128xi32, #tpu.memory_space<vmem>>
    %dma_start3A_44 = tpu.memref_slice %arg3[%add3A_35] : memref<32768xi32, #tpu.memory_space<hbm>> -> memref<128xi32, #tpu.memory_space<hbm>>
    tpu.enqueue_dma source(%dma_start3A_44 : memref<128xi32, #tpu.memory_space<hbm>>) target(%dma_start3A_43 : memref<128xi32, #tpu.memory_space<vmem>>) target_semaphore(%arg17 : memref<!tpu.dma_semaphore, #tpu.memory_space<semaphore_mem>>)
    %mul3A_45 = arith.constant 256 : i32
    %mul3A_46 = arith.muli %add3A, %mul3A_45 : i32
    %add3A_47 = arith.constant 8192 : i32
    %add3A_48 = arith.addi %add3A_47, %mul3A_46 : i32
    %add3A_49 = arith.constant 128 : i32
    %add3A_50 = arith.addi %add3A_48, %add3A_49 : i32
    %dma_start3A_51 = arith.constant 3 : i32
    %dma_start3A_52 = arith.constant 0 : i32
    %dma_start3A_53 = tpu.memref_slice %arg8[%dma_start3A_51, %dma_start3A_52] : memref<8x128xi32, #tpu.memory_space<vmem>> -> memref<1x128xi32, #tpu.memory_space<vmem>>
    %dma_start3A_54 = tpu.memref_squeeze %dma_start3A_53 : memref<1x128xi32, #tpu.memory_space<vmem>> -> memref<128xi32, #tpu.memory_space<vmem>>
    %dma_start3A_55 = tpu.memref_slice %arg3[%add3A_50] : memref<32768xi32, #tpu.memory_space<hbm>> -> memref<128xi32, #tpu.memory_space<hbm>>
    %dma_start3A_56 = arith.constant 0 : i32
    %dma_start3A_57 = tpu.memref_slice %arg8[%dma_start3A_51, %dma_start3A_56] : memref<8x128xi32, #tpu.memory_space<vmem>> -> memref<1x128xi32, #tpu.memory_space<vmem>>
    %dma_start3A_58 = tpu.memref_squeeze %dma_start3A_57 : memref<1x128xi32, #tpu.memory_space<vmem>> -> memref<128xi32, #tpu.memory_space<vmem>>
    %dma_start3A_59 = tpu.memref_slice %arg3[%add3A_50] : memref<32768xi32, #tpu.memory_space<hbm>> -> memref<128xi32, #tpu.memory_space<hbm>>
    tpu.enqueue_dma source(%dma_start3A_59 : memref<128xi32, #tpu.memory_space<hbm>>) target(%dma_start3A_58 : memref<128xi32, #tpu.memory_space<vmem>>) target_semaphore(%arg17 : memref<!tpu.dma_semaphore, #tpu.memory_space<semaphore_mem>>)
    %mul3A_60 = arith.constant 256 : i32
    %mul3A_61 = arith.muli %add3A, %mul3A_60 : i32
    %add3A_62 = arith.constant 16384 : i32
    %add3A_63 = arith.addi %add3A_62, %mul3A_61 : i32
    %add3A_64 = arith.constant 0 : i32
    %add3A_65 = arith.addi %add3A_63, %add3A_64 : i32
    %dma_start3A_66 = arith.constant 4 : i32
    %dma_start3A_67 = arith.constant 0 : i32
    %dma_start3A_68 = tpu.memref_slice %arg8[%dma_start3A_66, %dma_start3A_67] : memref<8x128xi32, #tpu.memory_space<vmem>> -> memref<1x128xi32, #tpu.memory_space<vmem>>
    %dma_start3A_69 = tpu.memref_squeeze %dma_start3A_68 : memref<1x128xi32, #tpu.memory_space<vmem>> -> memref<128xi32, #tpu.memory_space<vmem>>
    %dma_start3A_70 = tpu.memref_slice %arg3[%add3A_65] : memref<32768xi32, #tpu.memory_space<hbm>> -> memref<128xi32, #tpu.memory_space<hbm>>
    %dma_start3A_71 = arith.constant 0 : i32
    %dma_start3A_72 = tpu.memref_slice %arg8[%dma_start3A_66, %dma_start3A_71] : memref<8x128xi32, #tpu.memory_space<vmem>> -> memref<1x128xi32, #tpu.memory_space<vmem>>
    %dma_start3A_73 = tpu.memref_squeeze %dma_start3A_72 : memref<1x128xi32, #tpu.memory_space<vmem>> -> memref<128xi32, #tpu.memory_space<vmem>>
    %dma_start3A_74 = tpu.memref_slice %arg3[%add3A_65] : memref<32768xi32, #tpu.memory_space<hbm>> -> memref<128xi32, #tpu.memory_space<hbm>>
    tpu.enqueue_dma source(%dma_start3A_74 : memref<128xi32, #tpu.memory_space<hbm>>) target(%dma_start3A_73 : memref<128xi32, #tpu.memory_space<vmem>>) target_semaphore(%arg17 : memref<!tpu.dma_semaphore, #tpu.memory_space<semaphore_mem>>)
    %mul3A_75 = arith.constant 256 : i32
    %mul3A_76 = arith.muli %add3A, %mul3A_75 : i32
    %add3A_77 = arith.constant 16384 : i32
    %add3A_78 = arith.addi %add3A_77, %mul3A_76 : i32
    %add3A_79 = arith.constant 128 : i32
    %add3A_80 = arith.addi %add3A_78, %add3A_79 : i32
    %dma_start3A_81 = arith.constant 5 : i32
    %dma_start3A_82 = arith.constant 0 : i32
    %dma_start3A_83 = tpu.memref_slice %arg8[%dma_start3A_81, %dma_start3A_82] : memref<8x128xi32, #tpu.memory_space<vmem>> -> memref<1x128xi32, #tpu.memory_space<vmem>>
    %dma_start3A_84 = tpu.memref_squeeze %dma_start3A_83 : memref<1x128xi32, #tpu.memory_space<vmem>> -> memref<128xi32, #tpu.memory_space<vmem>>
    %dma_start3A_85 = tpu.memref_slice %arg3[%add3A_80] : memref<32768xi32, #tpu.memory_space<hbm>> -> memref<128xi32, #tpu.memory_space<hbm>>
    %dma_start3A_86 = arith.constant 0 : i32
    %dma_start3A_87 = tpu.memref_slice %arg8[%dma_start3A_81, %dma_start3A_86] : memref<8x128xi32, #tpu.memory_space<vmem>> -> memref<1x128xi32, #tpu.memory_space<vmem>>
    %dma_start3A_88 = tpu.memref_squeeze %dma_start3A_87 : memref<1x128xi32, #tpu.memory_space<vmem>> -> memref<128xi32, #tpu.memory_space<vmem>>
    %dma_start3A_89 = tpu.memref_slice %arg3[%add3A_80] : memref<32768xi32, #tpu.memory_space<hbm>> -> memref<128xi32, #tpu.memory_space<hbm>>
    tpu.enqueue_dma source(%dma_start3A_89 : memref<128xi32, #tpu.memory_space<hbm>>) target(%dma_start3A_88 : memref<128xi32, #tpu.memory_space<vmem>>) target_semaphore(%arg17 : memref<!tpu.dma_semaphore, #tpu.memory_space<semaphore_mem>>)
    %mul3A_90 = arith.constant 256 : i32
    %mul3A_91 = arith.muli %add3A, %mul3A_90 : i32
    %add3A_92 = arith.constant 24576 : i32
    %add3A_93 = arith.addi %add3A_92, %mul3A_91 : i32
    %add3A_94 = arith.constant 0 : i32
    %add3A_95 = arith.addi %add3A_93, %add3A_94 : i32
    %dma_start3A_96 = arith.constant 6 : i32
    %dma_start3A_97 = arith.constant 0 : i32
    %dma_start3A_98 = tpu.memref_slice %arg8[%dma_start3A_96, %dma_start3A_97] : memref<8x128xi32, #tpu.memory_space<vmem>> -> memref<1x128xi32, #tpu.memory_space<vmem>>
    %dma_start3A_99 = tpu.memref_squeeze %dma_start3A_98 : memref<1x128xi32, #tpu.memory_space<vmem>> -> memref<128xi32, #tpu.memory_space<vmem>>
    %dma_start3A_100 = tpu.memref_slice %arg3[%add3A_95] : memref<32768xi32, #tpu.memory_space<hbm>> -> memref<128xi32, #tpu.memory_space<hbm>>
    %dma_start3A_101 = arith.constant 0 : i32
    %dma_start3A_102 = tpu.memref_slice %arg8[%dma_start3A_96, %dma_start3A_101] : memref<8x128xi32, #tpu.memory_space<vmem>> -> memref<1x128xi32, #tpu.memory_space<vmem>>
    %dma_start3A_103 = tpu.memref_squeeze %dma_start3A_102 : memref<1x128xi32, #tpu.memory_space<vmem>> -> memref<128xi32, #tpu.memory_space<vmem>>
    %dma_start3A_104 = tpu.memref_slice %arg3[%add3A_95] : memref<32768xi32, #tpu.memory_space<hbm>> -> memref<128xi32, #tpu.memory_space<hbm>>
    tpu.enqueue_dma source(%dma_start3A_104 : memref<128xi32, #tpu.memory_space<hbm>>) target(%dma_start3A_103 : memref<128xi32, #tpu.memory_space<vmem>>) target_semaphore(%arg17 : memref<!tpu.dma_semaphore, #tpu.memory_space<semaphore_mem>>)
    %mul3A_105 = arith.constant 256 : i32
    %mul3A_106 = arith.muli %add3A, %mul3A_105 : i32
    %add3A_107 = arith.constant 24576 : i32
    %add3A_108 = arith.addi %add3A_107, %mul3A_106 : i32
    %add3A_109 = arith.constant 128 : i32
    %add3A_110 = arith.addi %add3A_108, %add3A_109 : i32
    %dma_start3A_111 = arith.constant 7 : i32
    %dma_start3A_112 = arith.constant 0 : i32
    %dma_start3A_113 = tpu.memref_slice %arg8[%dma_start3A_111, %dma_start3A_112] : memref<8x128xi32, #tpu.memory_space<vmem>> -> memref<1x128xi32, #tpu.memory_space<vmem>>
    %dma_start3A_114 = tpu.memref_squeeze %dma_start3A_113 : memref<1x128xi32, #tpu.memory_space<vmem>> -> memref<128xi32, #tpu.memory_space<vmem>>
    %dma_start3A_115 = tpu.memref_slice %arg3[%add3A_110] : memref<32768xi32, #tpu.memory_space<hbm>> -> memref<128xi32, #tpu.memory_space<hbm>>
    %dma_start3A_116 = arith.constant 0 : i32
    %dma_start3A_117 = tpu.memref_slice %arg8[%dma_start3A_111, %dma_start3A_116] : memref<8x128xi32, #tpu.memory_space<vmem>> -> memref<1x128xi32, #tpu.memory_space<vmem>>
    %dma_start3A_118 = tpu.memref_squeeze %dma_start3A_117 : memref<1x128xi32, #tpu.memory_space<vmem>> -> memref<128xi32, #tpu.memory_space<vmem>>
    %dma_start3A_119 = tpu.memref_slice %arg3[%add3A_110] : memref<32768xi32, #tpu.memory_space<hbm>> -> memref<128xi32, #tpu.memory_space<hbm>>
    tpu.enqueue_dma source(%dma_start3A_119 : memref<128xi32, #tpu.memory_space<hbm>>) target(%dma_start3A_118 : memref<128xi32, #tpu.memory_space<vmem>>) target_semaphore(%arg17 : memref<!tpu.dma_semaphore, #tpu.memory_space<semaphore_mem>>)
    %mul3A_120 = arith.constant 256 : i32
    %mul3A_121 = arith.muli %add3A, %mul3A_120 : i32
    %dma_start3A_122 = arith.constant 0 : i32
    %dma_start3A_123 = tpu.memref_slice %arg4[%mul3A_121, %dma_start3A_122] : memref<8192x128xf32, #tpu.memory_space<hbm>> -> memref<256x128xf32, #tpu.memory_space<hbm>>
    %dma_start3A_124 = arith.constant 0 : i32
    %dma_start3A_125 = tpu.memref_slice %arg4[%mul3A_121, %dma_start3A_124] : memref<8192x128xf32, #tpu.memory_space<hbm>> -> memref<256x128xf32, #tpu.memory_space<hbm>>
    tpu.enqueue_dma source(%dma_start3A_125 : memref<256x128xf32, #tpu.memory_space<hbm>>) target(%arg9 : memref<256x128xf32, #tpu.memory_space<vmem>>) target_semaphore(%arg20 : memref<!tpu.dma_semaphore, #tpu.memory_space<semaphore_mem>>)
    tpu.enqueue_dma source(%arg5 : memref<128xf32, #tpu.memory_space<hbm>>) target(%arg10 : memref<128xf32, #tpu.memory_space<vmem>>) target_semaphore(%arg21 : memref<!tpu.dma_semaphore, #tpu.memory_space<semaphore_mem>>)
    tpu.enqueue_dma source(%arg6 : memref<128xf32, #tpu.memory_space<hbm>>) target(%arg11 : memref<128xf32, #tpu.memory_space<vmem>>) target_semaphore(%arg21 : memref<!tpu.dma_semaphore, #tpu.memory_space<semaphore_mem>>)
    %dma_wait3A = arith.constant 0 : i32
    %dma_wait3A_126 = arith.constant 0 : i32
    %dma_wait3A_127 = tpu.memref_slice %arg8[%dma_wait3A, %dma_wait3A_126] : memref<8x128xi32, #tpu.memory_space<vmem>> -> memref<1x128xi32, #tpu.memory_space<vmem>>
    %dma_wait3A_128 = tpu.memref_squeeze %dma_wait3A_127 : memref<1x128xi32, #tpu.memory_space<vmem>> -> memref<128xi32, #tpu.memory_space<vmem>>
    %dma_wait3A_129 = tpu.memref_slice %arg3[%add3A_6] : memref<32768xi32, #tpu.memory_space<hbm>> -> memref<128xi32, #tpu.memory_space<hbm>>
    %dma_wait3A_130 = arith.constant 0 : i32
    %dma_wait3A_131 = tpu.memref_slice %arg8[%dma_wait3A, %dma_wait3A_130] : memref<8x128xi32, #tpu.memory_space<vmem>> -> memref<1x128xi32, #tpu.memory_space<vmem>>
    %dma_wait3A_132 = tpu.memref_squeeze %dma_wait3A_131 : memref<1x128xi32, #tpu.memory_space<vmem>> -> memref<128xi32, #tpu.memory_space<vmem>>
    %dma_wait3A_133 = tpu.memref_slice %arg3[%add3A_6] : memref<32768xi32, #tpu.memory_space<hbm>> -> memref<128xi32, #tpu.memory_space<hbm>>
    tpu.wait_dma2 semaphore(%arg17 : memref<!tpu.dma_semaphore, #tpu.memory_space<semaphore_mem>>) src(%dma_wait3A_133 : memref<128xi32, #tpu.memory_space<hbm>>) dst(%dma_wait3A_132 : memref<128xi32, #tpu.memory_space<vmem>>)
    %dma_wait3A_134 = arith.constant 1 : i32
    %dma_wait3A_135 = arith.constant 0 : i32
    %dma_wait3A_136 = tpu.memref_slice %arg8[%dma_wait3A_134, %dma_wait3A_135] : memref<8x128xi32, #tpu.memory_space<vmem>> -> memref<1x128xi32, #tpu.memory_space<vmem>>
    %dma_wait3A_137 = tpu.memref_squeeze %dma_wait3A_136 : memref<1x128xi32, #tpu.memory_space<vmem>> -> memref<128xi32, #tpu.memory_space<vmem>>
    %dma_wait3A_138 = tpu.memref_slice %arg3[%add3A_20] : memref<32768xi32, #tpu.memory_space<hbm>> -> memref<128xi32, #tpu.memory_space<hbm>>
    %dma_wait3A_139 = arith.constant 0 : i32
    %dma_wait3A_140 = tpu.memref_slice %arg8[%dma_wait3A_134, %dma_wait3A_139] : memref<8x128xi32, #tpu.memory_space<vmem>> -> memref<1x128xi32, #tpu.memory_space<vmem>>
    %dma_wait3A_141 = tpu.memref_squeeze %dma_wait3A_140 : memref<1x128xi32, #tpu.memory_space<vmem>> -> memref<128xi32, #tpu.memory_space<vmem>>
    %dma_wait3A_142 = tpu.memref_slice %arg3[%add3A_20] : memref<32768xi32, #tpu.memory_space<hbm>> -> memref<128xi32, #tpu.memory_space<hbm>>
    tpu.wait_dma2 semaphore(%arg17 : memref<!tpu.dma_semaphore, #tpu.memory_space<semaphore_mem>>) src(%dma_wait3A_142 : memref<128xi32, #tpu.memory_space<hbm>>) dst(%dma_wait3A_141 : memref<128xi32, #tpu.memory_space<vmem>>)
    %dma_wait3A_143 = arith.constant 2 : i32
    %dma_wait3A_144 = arith.constant 0 : i32
    %dma_wait3A_145 = tpu.memref_slice %arg8[%dma_wait3A_143, %dma_wait3A_144] : memref<8x128xi32, #tpu.memory_space<vmem>> -> memref<1x128xi32, #tpu.memory_space<vmem>>
    %dma_wait3A_146 = tpu.memref_squeeze %dma_wait3A_145 : memref<1x128xi32, #tpu.memory_space<vmem>> -> memref<128xi32, #tpu.memory_space<vmem>>
    %dma_wait3A_147 = tpu.memref_slice %arg3[%add3A_35] : memref<32768xi32, #tpu.memory_space<hbm>> -> memref<128xi32, #tpu.memory_space<hbm>>
    %dma_wait3A_148 = arith.constant 0 : i32
    %dma_wait3A_149 = tpu.memref_slice %arg8[%dma_wait3A_143, %dma_wait3A_148] : memref<8x128xi32, #tpu.memory_space<vmem>> -> memref<1x128xi32, #tpu.memory_space<vmem>>
    %dma_wait3A_150 = tpu.memref_squeeze %dma_wait3A_149 : memref<1x128xi32, #tpu.memory_space<vmem>> -> memref<128xi32, #tpu.memory_space<vmem>>
    %dma_wait3A_151 = tpu.memref_slice %arg3[%add3A_35] : memref<32768xi32, #tpu.memory_space<hbm>> -> memref<128xi32, #tpu.memory_space<hbm>>
    tpu.wait_dma2 semaphore(%arg17 : memref<!tpu.dma_semaphore, #tpu.memory_space<semaphore_mem>>) src(%dma_wait3A_151 : memref<128xi32, #tpu.memory_space<hbm>>) dst(%dma_wait3A_150 : memref<128xi32, #tpu.memory_space<vmem>>)
    %dma_wait3A_152 = arith.constant 3 : i32
    %dma_wait3A_153 = arith.constant 0 : i32
    %dma_wait3A_154 = tpu.memref_slice %arg8[%dma_wait3A_152, %dma_wait3A_153] : memref<8x128xi32, #tpu.memory_space<vmem>> -> memref<1x128xi32, #tpu.memory_space<vmem>>
    %dma_wait3A_155 = tpu.memref_squeeze %dma_wait3A_154 : memref<1x128xi32, #tpu.memory_space<vmem>> -> memref<128xi32, #tpu.memory_space<vmem>>
    %dma_wait3A_156 = tpu.memref_slice %arg3[%add3A_50] : memref<32768xi32, #tpu.memory_space<hbm>> -> memref<128xi32, #tpu.memory_space<hbm>>
    %dma_wait3A_157 = arith.constant 0 : i32
    %dma_wait3A_158 = tpu.memref_slice %arg8[%dma_wait3A_152, %dma_wait3A_157] : memref<8x128xi32, #tpu.memory_space<vmem>> -> memref<1x128xi32, #tpu.memory_space<vmem>>
    %dma_wait3A_159 = tpu.memref_squeeze %dma_wait3A_158 : memref<1x128xi32, #tpu.memory_space<vmem>> -> memref<128xi32, #tpu.memory_space<vmem>>
    %dma_wait3A_160 = tpu.memref_slice %arg3[%add3A_50] : memref<32768xi32, #tpu.memory_space<hbm>> -> memref<128xi32, #tpu.memory_space<hbm>>
    tpu.wait_dma2 semaphore(%arg17 : memref<!tpu.dma_semaphore, #tpu.memory_space<semaphore_mem>>) src(%dma_wait3A_160 : memref<128xi32, #tpu.memory_space<hbm>>) dst(%dma_wait3A_159 : memref<128xi32, #tpu.memory_space<vmem>>)
    %dma_wait3A_161 = arith.constant 4 : i32
    %dma_wait3A_162 = arith.constant 0 : i32
    %dma_wait3A_163 = tpu.memref_slice %arg8[%dma_wait3A_161, %dma_wait3A_162] : memref<8x128xi32, #tpu.memory_space<vmem>> -> memref<1x128xi32, #tpu.memory_space<vmem>>
    %dma_wait3A_164 = tpu.memref_squeeze %dma_wait3A_163 : memref<1x128xi32, #tpu.memory_space<vmem>> -> memref<128xi32, #tpu.memory_space<vmem>>
    %dma_wait3A_165 = tpu.memref_slice %arg3[%add3A_65] : memref<32768xi32, #tpu.memory_space<hbm>> -> memref<128xi32, #tpu.memory_space<hbm>>
    %dma_wait3A_166 = arith.constant 0 : i32
    %dma_wait3A_167 = tpu.memref_slice %arg8[%dma_wait3A_161, %dma_wait3A_166] : memref<8x128xi32, #tpu.memory_space<vmem>> -> memref<1x128xi32, #tpu.memory_space<vmem>>
    %dma_wait3A_168 = tpu.memref_squeeze %dma_wait3A_167 : memref<1x128xi32, #tpu.memory_space<vmem>> -> memref<128xi32, #tpu.memory_space<vmem>>
    %dma_wait3A_169 = tpu.memref_slice %arg3[%add3A_65] : memref<32768xi32, #tpu.memory_space<hbm>> -> memref<128xi32, #tpu.memory_space<hbm>>
    tpu.wait_dma2 semaphore(%arg17 : memref<!tpu.dma_semaphore, #tpu.memory_space<semaphore_mem>>) src(%dma_wait3A_169 : memref<128xi32, #tpu.memory_space<hbm>>) dst(%dma_wait3A_168 : memref<128xi32, #tpu.memory_space<vmem>>)
    %dma_wait3A_170 = arith.constant 5 : i32
    %dma_wait3A_171 = arith.constant 0 : i32
    %dma_wait3A_172 = tpu.memref_slice %arg8[%dma_wait3A_170, %dma_wait3A_171] : memref<8x128xi32, #tpu.memory_space<vmem>> -> memref<1x128xi32, #tpu.memory_space<vmem>>
    %dma_wait3A_173 = tpu.memref_squeeze %dma_wait3A_172 : memref<1x128xi32, #tpu.memory_space<vmem>> -> memref<128xi32, #tpu.memory_space<vmem>>
    %dma_wait3A_174 = tpu.memref_slice %arg3[%add3A_80] : memref<32768xi32, #tpu.memory_space<hbm>> -> memref<128xi32, #tpu.memory_space<hbm>>
    %dma_wait3A_175 = arith.constant 0 : i32
    %dma_wait3A_176 = tpu.memref_slice %arg8[%dma_wait3A_170, %dma_wait3A_175] : memref<8x128xi32, #tpu.memory_space<vmem>> -> memref<1x128xi32, #tpu.memory_space<vmem>>
    %dma_wait3A_177 = tpu.memref_squeeze %dma_wait3A_176 : memref<1x128xi32, #tpu.memory_space<vmem>> -> memref<128xi32, #tpu.memory_space<vmem>>
    %dma_wait3A_178 = tpu.memref_slice %arg3[%add3A_80] : memref<32768xi32, #tpu.memory_space<hbm>> -> memref<128xi32, #tpu.memory_space<hbm>>
    tpu.wait_dma2 semaphore(%arg17 : memref<!tpu.dma_semaphore, #tpu.memory_space<semaphore_mem>>) src(%dma_wait3A_178 : memref<128xi32, #tpu.memory_space<hbm>>) dst(%dma_wait3A_177 : memref<128xi32, #tpu.memory_space<vmem>>)
    %dma_wait3A_179 = arith.constant 6 : i32
    %dma_wait3A_180 = arith.constant 0 : i32
    %dma_wait3A_181 = tpu.memref_slice %arg8[%dma_wait3A_179, %dma_wait3A_180] : memref<8x128xi32, #tpu.memory_space<vmem>> -> memref<1x128xi32, #tpu.memory_space<vmem>>
    %dma_wait3A_182 = tpu.memref_squeeze %dma_wait3A_181 : memref<1x128xi32, #tpu.memory_space<vmem>> -> memref<128xi32, #tpu.memory_space<vmem>>
    %dma_wait3A_183 = tpu.memref_slice %arg3[%add3A_95] : memref<32768xi32, #tpu.memory_space<hbm>> -> memref<128xi32, #tpu.memory_space<hbm>>
    %dma_wait3A_184 = arith.constant 0 : i32
    %dma_wait3A_185 = tpu.memref_slice %arg8[%dma_wait3A_179, %dma_wait3A_184] : memref<8x128xi32, #tpu.memory_space<vmem>> -> memref<1x128xi32, #tpu.memory_space<vmem>>
    %dma_wait3A_186 = tpu.memref_squeeze %dma_wait3A_185 : memref<1x128xi32, #tpu.memory_space<vmem>> -> memref<128xi32, #tpu.memory_space<vmem>>
    %dma_wait3A_187 = tpu.memref_slice %arg3[%add3A_95] : memref<32768xi32, #tpu.memory_space<hbm>> -> memref<128xi32, #tpu.memory_space<hbm>>
    tpu.wait_dma2 semaphore(%arg17 : memref<!tpu.dma_semaphore, #tpu.memory_space<semaphore_mem>>) src(%dma_wait3A_187 : memref<128xi32, #tpu.memory_space<hbm>>) dst(%dma_wait3A_186 : memref<128xi32, #tpu.memory_space<vmem>>)
    %dma_wait3A_188 = arith.constant 7 : i32
    %dma_wait3A_189 = arith.constant 0 : i32
    %dma_wait3A_190 = tpu.memref_slice %arg8[%dma_wait3A_188, %dma_wait3A_189] : memref<8x128xi32, #tpu.memory_space<vmem>> -> memref<1x128xi32, #tpu.memory_space<vmem>>
    %dma_wait3A_191 = tpu.memref_squeeze %dma_wait3A_190 : memref<1x128xi32, #tpu.memory_space<vmem>> -> memref<128xi32, #tpu.memory_space<vmem>>
    %dma_wait3A_192 = tpu.memref_slice %arg3[%add3A_110] : memref<32768xi32, #tpu.memory_space<hbm>> -> memref<128xi32, #tpu.memory_space<hbm>>
    %dma_wait3A_193 = arith.constant 0 : i32
    %dma_wait3A_194 = tpu.memref_slice %arg8[%dma_wait3A_188, %dma_wait3A_193] : memref<8x128xi32, #tpu.memory_space<vmem>> -> memref<1x128xi32, #tpu.memory_space<vmem>>
    %dma_wait3A_195 = tpu.memref_squeeze %dma_wait3A_194 : memref<1x128xi32, #tpu.memory_space<vmem>> -> memref<128xi32, #tpu.memory_space<vmem>>
    %dma_wait3A_196 = tpu.memref_slice %arg3[%add3A_110] : memref<32768xi32, #tpu.memory_space<hbm>> -> memref<128xi32, #tpu.memory_space<hbm>>
    tpu.wait_dma2 semaphore(%arg17 : memref<!tpu.dma_semaphore, #tpu.memory_space<semaphore_mem>>) src(%dma_wait3A_196 : memref<128xi32, #tpu.memory_space<hbm>>) dst(%dma_wait3A_195 : memref<128xi32, #tpu.memory_space<vmem>>)
    %iota3A = tpu.iota {dimensions = array<i32: 0>} : vector<16xi32>
    %dma_start3A_197 = arith.constant 0 : i32
    %dma_start3A_198 = arith.constant 0 : i32
    %dma_start3A_199 = tpu.memref_slice %arg8[%dma_start3A_197, %dma_start3A_198] : memref<8x128xi32, #tpu.memory_space<vmem>> -> memref<1x128xi32, #tpu.memory_space<vmem>>
    %dma_start3A_200 = tpu.memref_squeeze %dma_start3A_199 : memref<1x128xi32, #tpu.memory_space<vmem>> -> memref<128xi32, #tpu.memory_space<vmem>>
    %dma_start3A_201 = arith.constant 0 : i32
    %dma_start3A_202 = arith.constant 0 : i32
    %dma_start3A_203 = tpu.memref_slice %arg2[%dma_start3A_201, %dma_start3A_202] : memref<100000x128xf32, #tpu.memory_space<hbm>> -> memref<100000x128xf32, #tpu.memory_space<hbm>>
    tpu.enqueue_indirect_dma source(%dma_start3A_203 : memref<100000x128xf32, #tpu.memory_space<hbm>>) target(%arg12 : memref<128x128xf32, #tpu.memory_space<vmem>>) offsets(%dma_start3A_200 : memref<128xi32, #tpu.memory_space<vmem>>) semaphore(%arg17 : memref<!tpu.dma_semaphore, #tpu.memory_space<semaphore_mem>>)
    %dma_start3A_204 = arith.constant 1 : i32
    %dma_start3A_205 = arith.constant 0 : i32
    %dma_start3A_206 = tpu.memref_slice %arg8[%dma_start3A_204, %dma_start3A_205] : memref<8x128xi32, #tpu.memory_space<vmem>> -> memref<1x128xi32, #tpu.memory_space<vmem>>
    %dma_start3A_207 = tpu.memref_squeeze %dma_start3A_206 : memref<1x128xi32, #tpu.memory_space<vmem>> -> memref<128xi32, #tpu.memory_space<vmem>>
    %dma_start3A_208 = arith.constant 0 : i32
    %dma_start3A_209 = arith.constant 0 : i32
    %dma_start3A_210 = tpu.memref_slice %arg2[%dma_start3A_208, %dma_start3A_209] : memref<100000x128xf32, #tpu.memory_space<hbm>> -> memref<100000x128xf32, #tpu.memory_space<hbm>>
    tpu.enqueue_indirect_dma source(%dma_start3A_210 : memref<100000x128xf32, #tpu.memory_space<hbm>>) target(%arg13 : memref<128x128xf32, #tpu.memory_space<vmem>>) offsets(%dma_start3A_207 : memref<128xi32, #tpu.memory_space<vmem>>) semaphore(%arg18 : memref<!tpu.dma_semaphore, #tpu.memory_space<semaphore_mem>>)
    %dma_start3A_211 = arith.constant 2 : i32
    %dma_start3A_212 = arith.constant 0 : i32
    %dma_start3A_213 = tpu.memref_slice %arg8[%dma_start3A_211, %dma_start3A_212] : memref<8x128xi32, #tpu.memory_space<vmem>> -> memref<1x128xi32, #tpu.memory_space<vmem>>
    %dma_start3A_214 = tpu.memref_squeeze %dma_start3A_213 : memref<1x128xi32, #tpu.memory_space<vmem>> -> memref<128xi32, #tpu.memory_space<vmem>>
    %dma_start3A_215 = arith.constant 0 : i32
    %dma_start3A_216 = arith.constant 0 : i32
    %dma_start3A_217 = tpu.memref_slice %arg2[%dma_start3A_215, %dma_start3A_216] : memref<100000x128xf32, #tpu.memory_space<hbm>> -> memref<100000x128xf32, #tpu.memory_space<hbm>>
    tpu.enqueue_indirect_dma source(%dma_start3A_217 : memref<100000x128xf32, #tpu.memory_space<hbm>>) target(%arg14 : memref<128x128xf32, #tpu.memory_space<vmem>>) offsets(%dma_start3A_214 : memref<128xi32, #tpu.memory_space<vmem>>) semaphore(%arg19 : memref<!tpu.dma_semaphore, #tpu.memory_space<semaphore_mem>>)
    %dma_wait3A_218 = arith.constant 0 : i32
    %dma_wait3A_219 = tpu.memref_slice %arg4[%mul3A_121, %dma_wait3A_218] : memref<8192x128xf32, #tpu.memory_space<hbm>> -> memref<256x128xf32, #tpu.memory_space<hbm>>
    %dma_wait3A_220 = arith.constant 0 : i32
    %dma_wait3A_221 = tpu.memref_slice %arg4[%mul3A_121, %dma_wait3A_220] : memref<8192x128xf32, #tpu.memory_space<hbm>> -> memref<256x128xf32, #tpu.memory_space<hbm>>
    tpu.wait_dma2 semaphore(%arg20 : memref<!tpu.dma_semaphore, #tpu.memory_space<semaphore_mem>>) src(%dma_wait3A_221 : memref<256x128xf32, #tpu.memory_space<hbm>>) dst(%arg9 : memref<256x128xf32, #tpu.memory_space<vmem>>)
    tpu.wait_dma2 semaphore(%arg21 : memref<!tpu.dma_semaphore, #tpu.memory_space<semaphore_mem>>) src(%arg5 : memref<128xf32, #tpu.memory_space<hbm>>) dst(%arg10 : memref<128xf32, #tpu.memory_space<vmem>>)
    tpu.wait_dma2 semaphore(%arg21 : memref<!tpu.dma_semaphore, #tpu.memory_space<semaphore_mem>>) src(%arg6 : memref<128xf32, #tpu.memory_space<hbm>>) dst(%arg11 : memref<128xf32, #tpu.memory_space<vmem>>)
    %get3A = arith.constant 0 : index
    %get3A_222 = tpu.vector_load %arg10[%get3A] {strides = array<i32>} : memref<128xf32, #tpu.memory_space<vmem>>, vector<16xf32>,
    %get3A_223 = arith.constant 16 : index
    %get3A_224 = tpu.vector_load %arg10[%get3A_223] {strides = array<i32>} : memref<128xf32, #tpu.memory_space<vmem>>, vector<16xf32>,
    %get3A_225 = arith.constant 32 : index
    %get3A_226 = tpu.vector_load %arg10[%get3A_225] {strides = array<i32>} : memref<128xf32, #tpu.memory_space<vmem>>, vector<16xf32>,
    %get3A_227 = arith.constant 48 : index
    %get3A_228 = tpu.vector_load %arg10[%get3A_227] {strides = array<i32>} : memref<128xf32, #tpu.memory_space<vmem>>, vector<16xf32>,
    %get3A_229 = arith.constant 64 : index
    %get3A_230 = tpu.vector_load %arg10[%get3A_229] {strides = array<i32>} : memref<128xf32, #tpu.memory_space<vmem>>, vector<16xf32>,
    %get3A_231 = arith.constant 80 : index
    %get3A_232 = tpu.vector_load %arg10[%get3A_231] {strides = array<i32>} : memref<128xf32, #tpu.memory_space<vmem>>, vector<16xf32>,
    %get3A_233 = arith.constant 96 : index
    %get3A_234 = tpu.vector_load %arg10[%get3A_233] {strides = array<i32>} : memref<128xf32, #tpu.memory_space<vmem>>, vector<16xf32>,
    %get3A_235 = arith.constant 112 : index
    %get3A_236 = tpu.vector_load %arg10[%get3A_235] {strides = array<i32>} : memref<128xf32, #tpu.memory_space<vmem>>, vector<16xf32>,
    %get3A_237 = arith.constant 0 : index
    %get3A_238 = tpu.vector_load %arg11[%get3A_237] {strides = array<i32>} : memref<128xf32, #tpu.memory_space<vmem>>, vector<16xf32>,
    %get3A_239 = arith.constant 16 : index
    %get3A_240 = tpu.vector_load %arg11[%get3A_239] {strides = array<i32>} : memref<128xf32, #tpu.memory_space<vmem>>, vector<16xf32>,
    %get3A_241 = arith.constant 32 : index
    %get3A_242 = tpu.vector_load %arg11[%get3A_241] {strides = array<i32>} : memref<128xf32, #tpu.memory_space<vmem>>, vector<16xf32>,
    %get3A_243 = arith.constant 48 : index
    %get3A_244 = tpu.vector_load %arg11[%get3A_243] {strides = array<i32>} : memref<128xf32, #tpu.memory_space<vmem>>, vector<16xf32>,
    %get3A_245 = arith.constant 64 : index
    %get3A_246 = tpu.vector_load %arg11[%get3A_245] {strides = array<i32>} : memref<128xf32, #tpu.memory_space<vmem>>, vector<16xf32>,
    %get3A_247 = arith.constant 80 : index
    %get3A_248 = tpu.vector_load %arg11[%get3A_247] {strides = array<i32>} : memref<128xf32, #tpu.memory_space<vmem>>, vector<16xf32>,
    %get3A_249 = arith.constant 96 : index
    %get3A_250 = tpu.vector_load %arg11[%get3A_249] {strides = array<i32>} : memref<128xf32, #tpu.memory_space<vmem>>, vector<16xf32>,
    %get3A_251 = arith.constant 112 : index
    %get3A_252 = tpu.vector_load %arg11[%get3A_251] {strides = array<i32>} : memref<128xf32, #tpu.memory_space<vmem>>, vector<16xf32>,
    %dma_wait3A_253 = arith.constant 0 : i32
    %dma_wait3A_254 = arith.constant 0 : i32
    %dma_wait3A_255 = tpu.memref_slice %arg8[%dma_wait3A_253, %dma_wait3A_254] : memref<8x128xi32, #tpu.memory_space<vmem>> -> memref<1x128xi32, #tpu.memory_space<vmem>>
    %dma_wait3A_256 = tpu.memref_squeeze %dma_wait3A_255 : memref<1x128xi32, #tpu.memory_space<vmem>> -> memref<128xi32, #tpu.memory_space<vmem>>
    %dma_wait3A_257 = arith.constant 0 : i32
    %dma_wait3A_258 = arith.constant 0 : i32
    %dma_wait3A_259 = tpu.memref_slice %arg2[%dma_wait3A_257, %dma_wait3A_258] : memref<100000x128xf32, #tpu.memory_space<hbm>> -> memref<100000x128xf32, #tpu.memory_space<hbm>>
    tpu.wait_indirect_dma semaphore(%arg17 : memref<!tpu.dma_semaphore, #tpu.memory_space<semaphore_mem>>) src(%dma_wait3A_259 : memref<100000x128xf32, #tpu.memory_space<hbm>>) dst(%arg12 : memref<128x128xf32, #tpu.memory_space<vmem>>)
    %parallel_loop3A = arith.constant 0 : i32
    %parallel_loop3A_260 = arith.constant 128 : i32
    %parallel_loop3A_261 = arith.constant 1 : i32
    scf.for %parallel_loop3A_479 = %parallel_loop3A to %parallel_loop3A_260 step %parallel_loop3A_261  : i32 {
      %parallel_loop3A_480 = arith.constant 0 : i32
      %parallel_loop3A_481 = arith.addi %parallel_loop3A_480, %parallel_loop3A_479 : i32
      %parallel_loop3A_482 = arith.index_cast %parallel_loop3A_479 : i32 to index
      %parallel_loop3A_483 = arith.constant 0 : index
      %parallel_loop3A_484 = tpu.vector_load %arg12[%parallel_loop3A_482, %parallel_loop3A_483] {strides = array<i32>} : memref<128x128xf32, #tpu.memory_space<vmem>>, vector<16xf32>,
      %parallel_loop3A_485 = arith.constant 11.3137083 : f32
      %parallel_loop3A_486 = vector.broadcast %parallel_loop3A_485 : f32 to vector<16xf32>
      %parallel_loop3A_487 = arith.mulf %parallel_loop3A_484, %parallel_loop3A_486 : vector<16xf32>
      %parallel_loop3A_488 = arith.index_cast %parallel_loop3A_481 : i32 to index
      %parallel_loop3A_489 = arith.constant 0 : index
      %parallel_loop3A_490 = tpu.vector_load %arg9[%parallel_loop3A_488, %parallel_loop3A_489] {strides = array<i32>} : memref<256x128xf32, #tpu.memory_space<vmem>>, vector<16xf32>,
      %parallel_loop3A_491 = arith.addf %parallel_loop3A_487, %parallel_loop3A_490 : vector<16xf32>
      %parallel_loop3A_492 = arith.index_cast %parallel_loop3A_479 : i32 to index
      %parallel_loop3A_493 = arith.constant 16 : index
      %parallel_loop3A_494 = tpu.vector_load %arg12[%parallel_loop3A_492, %parallel_loop3A_493] {strides = array<i32>} : memref<128x128xf32, #tpu.memory_space<vmem>>, vector<16xf32>,
      %parallel_loop3A_495 = arith.constant 11.3137083 : f32
      %parallel_loop3A_496 = vector.broadcast %parallel_loop3A_495 : f32 to vector<16xf32>
      %parallel_loop3A_497 = arith.mulf %parallel_loop3A_494, %parallel_loop3A_496 : vector<16xf32>
      %parallel_loop3A_498 = arith.index_cast %parallel_loop3A_481 : i32 to index
      %parallel_loop3A_499 = arith.constant 16 : index
      %parallel_loop3A_500 = tpu.vector_load %arg9[%parallel_loop3A_498, %parallel_loop3A_499] {strides = array<i32>} : memref<256x128xf32, #tpu.memory_space<vmem>>, vector<16xf32>,
      %parallel_loop3A_501 = arith.addf %parallel_loop3A_497, %parallel_loop3A_500 : vector<16xf32>
      %parallel_loop3A_502 = arith.index_cast %parallel_loop3A_479 : i32 to index
      %parallel_loop3A_503 = arith.constant 32 : index
      %parallel_loop3A_504 = tpu.vector_load %arg12[%parallel_loop3A_502, %parallel_loop3A_503] {strides = array<i32>} : memref<128x128xf32, #tpu.memory_space<vmem>>, vector<16xf32>,
      %parallel_loop3A_505 = arith.constant 11.3137083 : f32
      %parallel_loop3A_506 = vector.broadcast %parallel_loop3A_505 : f32 to vector<16xf32>
      %parallel_loop3A_507 = arith.mulf %parallel_loop3A_504, %parallel_loop3A_506 : vector<16xf32>
      %parallel_loop3A_508 = arith.index_cast %parallel_loop3A_481 : i32 to index
      %parallel_loop3A_509 = arith.constant 32 : index
      %parallel_loop3A_510 = tpu.vector_load %arg9[%parallel_loop3A_508, %parallel_loop3A_509] {strides = array<i32>} : memref<256x128xf32, #tpu.memory_space<vmem>>, vector<16xf32>,
      %parallel_loop3A_511 = arith.addf %parallel_loop3A_507, %parallel_loop3A_510 : vector<16xf32>
      %parallel_loop3A_512 = arith.index_cast %parallel_loop3A_479 : i32 to index
      %parallel_loop3A_513 = arith.constant 48 : index
      %parallel_loop3A_514 = tpu.vector_load %arg12[%parallel_loop3A_512, %parallel_loop3A_513] {strides = array<i32>} : memref<128x128xf32, #tpu.memory_space<vmem>>, vector<16xf32>,
      %parallel_loop3A_515 = arith.constant 11.3137083 : f32
      %parallel_loop3A_516 = vector.broadcast %parallel_loop3A_515 : f32 to vector<16xf32>
      %parallel_loop3A_517 = arith.mulf %parallel_loop3A_514, %parallel_loop3A_516 : vector<16xf32>
      %parallel_loop3A_518 = arith.index_cast %parallel_loop3A_481 : i32 to index
      %parallel_loop3A_519 = arith.constant 48 : index
      %parallel_loop3A_520 = tpu.vector_load %arg9[%parallel_loop3A_518, %parallel_loop3A_519] {strides = array<i32>} : memref<256x128xf32, #tpu.memory_space<vmem>>, vector<16xf32>,
      %parallel_loop3A_521 = arith.addf %parallel_loop3A_517, %parallel_loop3A_520 : vector<16xf32>
      %parallel_loop3A_522 = arith.index_cast %parallel_loop3A_479 : i32 to index
      %parallel_loop3A_523 = arith.constant 64 : index
      %parallel_loop3A_524 = tpu.vector_load %arg12[%parallel_loop3A_522, %parallel_loop3A_523] {strides = array<i32>} : memref<128x128xf32, #tpu.memory_space<vmem>>, vector<16xf32>,
      %parallel_loop3A_525 = arith.constant 11.3137083 : f32
      %parallel_loop3A_526 = vector.broadcast %parallel_loop3A_525 : f32 to vector<16xf32>
      %parallel_loop3A_527 = arith.mulf %parallel_loop3A_524, %parallel_loop3A_526 : vector<16xf32>
      %parallel_loop3A_528 = arith.index_cast %parallel_loop3A_481 : i32 to index
      %parallel_loop3A_529 = arith.constant 64 : index
      %parallel_loop3A_530 = tpu.vector_load %arg9[%parallel_loop3A_528, %parallel_loop3A_529] {strides = array<i32>} : memref<256x128xf32, #tpu.memory_space<vmem>>, vector<16xf32>,
      %parallel_loop3A_531 = arith.addf %parallel_loop3A_527, %parallel_loop3A_530 : vector<16xf32>
      %parallel_loop3A_532 = arith.index_cast %parallel_loop3A_479 : i32 to index
      %parallel_loop3A_533 = arith.constant 80 : index
      %parallel_loop3A_534 = tpu.vector_load %arg12[%parallel_loop3A_532, %parallel_loop3A_533] {strides = array<i32>} : memref<128x128xf32, #tpu.memory_space<vmem>>, vector<16xf32>,
      %parallel_loop3A_535 = arith.constant 11.3137083 : f32
      %parallel_loop3A_536 = vector.broadcast %parallel_loop3A_535 : f32 to vector<16xf32>
      %parallel_loop3A_537 = arith.mulf %parallel_loop3A_534, %parallel_loop3A_536 : vector<16xf32>
      %parallel_loop3A_538 = arith.index_cast %parallel_loop3A_481 : i32 to index
      %parallel_loop3A_539 = arith.constant 80 : index
      %parallel_loop3A_540 = tpu.vector_load %arg9[%parallel_loop3A_538, %parallel_loop3A_539] {strides = array<i32>} : memref<256x128xf32, #tpu.memory_space<vmem>>, vector<16xf32>,
      %parallel_loop3A_541 = arith.addf %parallel_loop3A_537, %parallel_loop3A_540 : vector<16xf32>
      %parallel_loop3A_542 = arith.index_cast %parallel_loop3A_479 : i32 to index
      %parallel_loop3A_543 = arith.constant 96 : index
      %parallel_loop3A_544 = tpu.vector_load %arg12[%parallel_loop3A_542, %parallel_loop3A_543] {strides = array<i32>} : memref<128x128xf32, #tpu.memory_space<vmem>>, vector<16xf32>,
      %parallel_loop3A_545 = arith.constant 11.3137083 : f32
      %parallel_loop3A_546 = vector.broadcast %parallel_loop3A_545 : f32 to vector<16xf32>
      %parallel_loop3A_547 = arith.mulf %parallel_loop3A_544, %parallel_loop3A_546 : vector<16xf32>
      %parallel_loop3A_548 = arith.index_cast %parallel_loop3A_481 : i32 to index
      %parallel_loop3A_549 = arith.constant 96 : index
      %parallel_loop3A_550 = tpu.vector_load %arg9[%parallel_loop3A_548, %parallel_loop3A_549] {strides = array<i32>} : memref<256x128xf32, #tpu.memory_space<vmem>>, vector<16xf32>,
      %parallel_loop3A_551 = arith.addf %parallel_loop3A_547, %parallel_loop3A_550 : vector<16xf32>
      %parallel_loop3A_552 = arith.index_cast %parallel_loop3A_479 : i32 to index
      %parallel_loop3A_553 = arith.constant 112 : index
      %parallel_loop3A_554 = tpu.vector_load %arg12[%parallel_loop3A_552, %parallel_loop3A_553] {strides = array<i32>} : memref<128x128xf32, #tpu.memory_space<vmem>>, vector<16xf32>,
      %parallel_loop3A_555 = arith.constant 11.3137083 : f32
      %parallel_loop3A_556 = vector.broadcast %parallel_loop3A_555 : f32 to vector<16xf32>
      %parallel_loop3A_557 = arith.mulf %parallel_loop3A_554, %parallel_loop3A_556 : vector<16xf32>
      %parallel_loop3A_558 = arith.index_cast %parallel_loop3A_481 : i32 to index
      %parallel_loop3A_559 = arith.constant 112 : index
      %parallel_loop3A_560 = tpu.vector_load %arg9[%parallel_loop3A_558, %parallel_loop3A_559] {strides = array<i32>} : memref<256x128xf32, #tpu.memory_space<vmem>>, vector<16xf32>,
      %parallel_loop3A_561 = arith.addf %parallel_loop3A_557, %parallel_loop3A_560 : vector<16xf32>
      %parallel_loop3A_562 = arith.addf %parallel_loop3A_491, %parallel_loop3A_501 : vector<16xf32>
      %parallel_loop3A_563 = arith.addf %parallel_loop3A_511, %parallel_loop3A_521 : vector<16xf32>
      %parallel_loop3A_564 = arith.addf %parallel_loop3A_531, %parallel_loop3A_541 : vector<16xf32>
      %parallel_loop3A_565 = arith.addf %parallel_loop3A_551, %parallel_loop3A_561 : vector<16xf32>
      %parallel_loop3A_566 = arith.addf %parallel_loop3A_562, %parallel_loop3A_563 : vector<16xf32>
      %parallel_loop3A_567 = arith.addf %parallel_loop3A_564, %parallel_loop3A_565 : vector<16xf32>
      %parallel_loop3A_568 = arith.addf %parallel_loop3A_566, %parallel_loop3A_567 : vector<16xf32>
      %parallel_loop3A_569 = arith.constant true
      %parallel_loop3A_570 = vector.broadcast %parallel_loop3A_569 : i1 to vector<16xi1>
      %parallel_loop3A_571 = tpu.scan <sum>, %parallel_loop3A_568 masked %parallel_loop3A_570 : vector<16xf32>, vector<16xi1> -> vector<16xf32>
      %parallel_loop3A_572 = vector.extract %parallel_loop3A_571[15] : f32 from vector<16xf32>
      %parallel_loop3A_573 = vector.broadcast %parallel_loop3A_572 : f32 to vector<16xf32>
      %parallel_loop3A_574 = arith.mulf %parallel_loop3A_491, %parallel_loop3A_491 : vector<16xf32>
      %parallel_loop3A_575 = arith.mulf %parallel_loop3A_501, %parallel_loop3A_501 : vector<16xf32>
      %parallel_loop3A_576 = arith.mulf %parallel_loop3A_511, %parallel_loop3A_511 : vector<16xf32>
      %parallel_loop3A_577 = arith.mulf %parallel_loop3A_521, %parallel_loop3A_521 : vector<16xf32>
      %parallel_loop3A_578 = arith.mulf %parallel_loop3A_531, %parallel_loop3A_531 : vector<16xf32>
      %parallel_loop3A_579 = arith.mulf %parallel_loop3A_541, %parallel_loop3A_541 : vector<16xf32>
      %parallel_loop3A_580 = arith.mulf %parallel_loop3A_551, %parallel_loop3A_551 : vector<16xf32>
      %parallel_loop3A_581 = arith.mulf %parallel_loop3A_561, %parallel_loop3A_561 : vector<16xf32>
      %parallel_loop3A_582 = arith.addf %parallel_loop3A_574, %parallel_loop3A_575 : vector<16xf32>
      %parallel_loop3A_583 = arith.addf %parallel_loop3A_576, %parallel_loop3A_577 : vector<16xf32>
      %parallel_loop3A_584 = arith.addf %parallel_loop3A_578, %parallel_loop3A_579 : vector<16xf32>
      %parallel_loop3A_585 = arith.addf %parallel_loop3A_580, %parallel_loop3A_581 : vector<16xf32>
      %parallel_loop3A_586 = arith.addf %parallel_loop3A_582, %parallel_loop3A_583 : vector<16xf32>
      %parallel_loop3A_587 = arith.addf %parallel_loop3A_584, %parallel_loop3A_585 : vector<16xf32>
      %parallel_loop3A_588 = arith.addf %parallel_loop3A_586, %parallel_loop3A_587 : vector<16xf32>
      %parallel_loop3A_589 = arith.constant true
      %parallel_loop3A_590 = vector.broadcast %parallel_loop3A_589 : i1 to vector<16xi1>
      %parallel_loop3A_591 = tpu.scan <sum>, %parallel_loop3A_588 masked %parallel_loop3A_590 : vector<16xf32>, vector<16xi1> -> vector<16xf32>
      %parallel_loop3A_592 = vector.extract %parallel_loop3A_591[15] : f32 from vector<16xf32>
      %parallel_loop3A_593 = vector.broadcast %parallel_loop3A_592 : f32 to vector<16xf32>
      %parallel_loop3A_594 = arith.constant 7.812500e-03 : f32
      %parallel_loop3A_595 = vector.broadcast %parallel_loop3A_594 : f32 to vector<16xf32>
      %parallel_loop3A_596 = arith.mulf %parallel_loop3A_573, %parallel_loop3A_595 : vector<16xf32>
      %parallel_loop3A_597 = arith.constant 7.812500e-03 : f32
      %parallel_loop3A_598 = vector.broadcast %parallel_loop3A_597 : f32 to vector<16xf32>
      %parallel_loop3A_599 = arith.mulf %parallel_loop3A_593, %parallel_loop3A_598 : vector<16xf32>
      %parallel_loop3A_600 = arith.mulf %parallel_loop3A_596, %parallel_loop3A_596 : vector<16xf32>
      %parallel_loop3A_601 = arith.subf %parallel_loop3A_599, %parallel_loop3A_600 : vector<16xf32>
      %parallel_loop3A_602 = arith.constant 9.99999974E-6 : f32
      %parallel_loop3A_603 = vector.broadcast %parallel_loop3A_602 : f32 to vector<16xf32>
      %parallel_loop3A_604 = arith.addf %parallel_loop3A_601, %parallel_loop3A_603 : vector<16xf32>
      %parallel_loop3A_605 = vector.bitcast %parallel_loop3A_604 : vector<16xf32> to vector<16xi32>
      %parallel_loop3A_606 = arith.constant 1597463007 : i32
      %parallel_loop3A_607 = vector.broadcast %parallel_loop3A_606 : i32 to vector<16xi32>
      %parallel_loop3A_608 = arith.constant 1 : i32
      %parallel_loop3A_609 = vector.broadcast %parallel_loop3A_608 : i32 to vector<16xi32>
      %parallel_loop3A_610 = arith.shrsi %parallel_loop3A_605, %parallel_loop3A_609 : vector<16xi32>
      %parallel_loop3A_611 = arith.subi %parallel_loop3A_607, %parallel_loop3A_610 : vector<16xi32>
      %parallel_loop3A_612 = vector.bitcast %parallel_loop3A_611 : vector<16xi32> to vector<16xf32>
      %parallel_loop3A_613 = arith.constant 5.000000e-01 : f32
      %parallel_loop3A_614 = vector.broadcast %parallel_loop3A_613 : f32 to vector<16xf32>
      %parallel_loop3A_615 = arith.mulf %parallel_loop3A_614, %parallel_loop3A_604 : vector<16xf32>
      %parallel_loop3A_616 = arith.mulf %parallel_loop3A_615, %parallel_loop3A_612 : vector<16xf32>
      %parallel_loop3A_617 = arith.mulf %parallel_loop3A_616, %parallel_loop3A_612 : vector<16xf32>
      %parallel_loop3A_618 = arith.constant 1.500000e+00 : f32
      %parallel_loop3A_619 = vector.broadcast %parallel_loop3A_618 : f32 to vector<16xf32>
      %parallel_loop3A_620 = arith.subf %parallel_loop3A_619, %parallel_loop3A_617 : vector<16xf32>
      %parallel_loop3A_621 = arith.mulf %parallel_loop3A_612, %parallel_loop3A_620 : vector<16xf32>
      %parallel_loop3A_622 = arith.subf %parallel_loop3A_491, %parallel_loop3A_596 : vector<16xf32>
      %parallel_loop3A_623 = arith.mulf %parallel_loop3A_622, %parallel_loop3A_621 : vector<16xf32>
      %parallel_loop3A_624 = arith.mulf %parallel_loop3A_623, %get3A_222 : vector<16xf32>
      %parallel_loop3A_625 = arith.addf %parallel_loop3A_624, %get3A_238 : vector<16xf32>
      %parallel_loop3A_626 = arith.index_cast %parallel_loop3A_479 : i32 to index
      %parallel_loop3A_627 = arith.constant 0 : index
      %parallel_loop3A_628 = tpu.vector_load %arg15[%parallel_loop3A_626, %parallel_loop3A_627] {strides = array<i32>} : memref<128x128xf32, #tpu.memory_space<vmem>>, vector<16xf32>,
      tpu.vector_store %arg15[%parallel_loop3A_626, %parallel_loop3A_627], %parallel_loop3A_625 {strides = array<i32>} : memref<128x128xf32, #tpu.memory_space<vmem>>, vector<16xf32>,
      %parallel_loop3A_629 = arith.subf %parallel_loop3A_501, %parallel_loop3A_596 : vector<16xf32>
      %parallel_loop3A_630 = arith.mulf %parallel_loop3A_629, %parallel_loop3A_621 : vector<16xf32>
      %parallel_loop3A_631 = arith.mulf %parallel_loop3A_630, %get3A_224 : vector<16xf32>
      %parallel_loop3A_632 = arith.addf %parallel_loop3A_631, %get3A_240 : vector<16xf32>
      %parallel_loop3A_633 = arith.index_cast %parallel_loop3A_479 : i32 to index
      %parallel_loop3A_634 = arith.constant 16 : index
      %parallel_loop3A_635 = tpu.vector_load %arg15[%parallel_loop3A_633, %parallel_loop3A_634] {strides = array<i32>} : memref<128x128xf32, #tpu.memory_space<vmem>>, vector<16xf32>,
      tpu.vector_store %arg15[%parallel_loop3A_633, %parallel_loop3A_634], %parallel_loop3A_632 {strides = array<i32>} : memref<128x128xf32, #tpu.memory_space<vmem>>, vector<16xf32>,
      %parallel_loop3A_636 = arith.subf %parallel_loop3A_511, %parallel_loop3A_596 : vector<16xf32>
      %parallel_loop3A_637 = arith.mulf %parallel_loop3A_636, %parallel_loop3A_621 : vector<16xf32>
      %parallel_loop3A_638 = arith.mulf %parallel_loop3A_637, %get3A_226 : vector<16xf32>
      %parallel_loop3A_639 = arith.addf %parallel_loop3A_638, %get3A_242 : vector<16xf32>
      %parallel_loop3A_640 = arith.index_cast %parallel_loop3A_479 : i32 to index
      %parallel_loop3A_641 = arith.constant 32 : index
      %parallel_loop3A_642 = tpu.vector_load %arg15[%parallel_loop3A_640, %parallel_loop3A_641] {strides = array<i32>} : memref<128x128xf32, #tpu.memory_space<vmem>>, vector<16xf32>,
      tpu.vector_store %arg15[%parallel_loop3A_640, %parallel_loop3A_641], %parallel_loop3A_639 {strides = array<i32>} : memref<128x128xf32, #tpu.memory_space<vmem>>, vector<16xf32>,
      %parallel_loop3A_643 = arith.subf %parallel_loop3A_521, %parallel_loop3A_596 : vector<16xf32>
      %parallel_loop3A_644 = arith.mulf %parallel_loop3A_643, %parallel_loop3A_621 : vector<16xf32>
      %parallel_loop3A_645 = arith.mulf %parallel_loop3A_644, %get3A_228 : vector<16xf32>
      %parallel_loop3A_646 = arith.addf %parallel_loop3A_645, %get3A_244 : vector<16xf32>
      %parallel_loop3A_647 = arith.index_cast %parallel_loop3A_479 : i32 to index
      %parallel_loop3A_648 = arith.constant 48 : index
      %parallel_loop3A_649 = tpu.vector_load %arg15[%parallel_loop3A_647, %parallel_loop3A_648] {strides = array<i32>} : memref<128x128xf32, #tpu.memory_space<vmem>>, vector<16xf32>,
      tpu.vector_store %arg15[%parallel_loop3A_647, %parallel_loop3A_648], %parallel_loop3A_646 {strides = array<i32>} : memref<128x128xf32, #tpu.memory_space<vmem>>, vector<16xf32>,
      %parallel_loop3A_650 = arith.subf %parallel_loop3A_531, %parallel_loop3A_596 : vector<16xf32>
      %parallel_loop3A_651 = arith.mulf %parallel_loop3A_650, %parallel_loop3A_621 : vector<16xf32>
      %parallel_loop3A_652 = arith.mulf %parallel_loop3A_651, %get3A_230 : vector<16xf32>
      %parallel_loop3A_653 = arith.addf %parallel_loop3A_652, %get3A_246 : vector<16xf32>
      %parallel_loop3A_654 = arith.index_cast %parallel_loop3A_479 : i32 to index
      %parallel_loop3A_655 = arith.constant 64 : index
      %parallel_loop3A_656 = tpu.vector_load %arg15[%parallel_loop3A_654, %parallel_loop3A_655] {strides = array<i32>} : memref<128x128xf32, #tpu.memory_space<vmem>>, vector<16xf32>,
      tpu.vector_store %arg15[%parallel_loop3A_654, %parallel_loop3A_655], %parallel_loop3A_653 {strides = array<i32>} : memref<128x128xf32, #tpu.memory_space<vmem>>, vector<16xf32>,
      %parallel_loop3A_657 = arith.subf %parallel_loop3A_541, %parallel_loop3A_596 : vector<16xf32>
      %parallel_loop3A_658 = arith.mulf %parallel_loop3A_657, %parallel_loop3A_621 : vector<16xf32>
      %parallel_loop3A_659 = arith.mulf %parallel_loop3A_658, %get3A_232 : vector<16xf32>
      %parallel_loop3A_660 = arith.addf %parallel_loop3A_659, %get3A_248 : vector<16xf32>
      %parallel_loop3A_661 = arith.index_cast %parallel_loop3A_479 : i32 to index
      %parallel_loop3A_662 = arith.constant 80 : index
      %parallel_loop3A_663 = tpu.vector_load %arg15[%parallel_loop3A_661, %parallel_loop3A_662] {strides = array<i32>} : memref<128x128xf32, #tpu.memory_space<vmem>>, vector<16xf32>,
      tpu.vector_store %arg15[%parallel_loop3A_661, %parallel_loop3A_662], %parallel_loop3A_660 {strides = array<i32>} : memref<128x128xf32, #tpu.memory_space<vmem>>, vector<16xf32>,
      %parallel_loop3A_664 = arith.subf %parallel_loop3A_551, %parallel_loop3A_596 : vector<16xf32>
      %parallel_loop3A_665 = arith.mulf %parallel_loop3A_664, %parallel_loop3A_621 : vector<16xf32>
      %parallel_loop3A_666 = arith.mulf %parallel_loop3A_665, %get3A_234 : vector<16xf32>
      %parallel_loop3A_667 = arith.addf %parallel_loop3A_666, %get3A_250 : vector<16xf32>
      %parallel_loop3A_668 = arith.index_cast %parallel_loop3A_479 : i32 to index
      %parallel_loop3A_669 = arith.constant 96 : index
      %parallel_loop3A_670 = tpu.vector_load %arg15[%parallel_loop3A_668, %parallel_loop3A_669] {strides = array<i32>} : memref<128x128xf32, #tpu.memory_space<vmem>>, vector<16xf32>,
      tpu.vector_store %arg15[%parallel_loop3A_668, %parallel_loop3A_669], %parallel_loop3A_667 {strides = array<i32>} : memref<128x128xf32, #tpu.memory_space<vmem>>, vector<16xf32>,
      %parallel_loop3A_671 = arith.subf %parallel_loop3A_561, %parallel_loop3A_596 : vector<16xf32>
      %parallel_loop3A_672 = arith.mulf %parallel_loop3A_671, %parallel_loop3A_621 : vector<16xf32>
      %parallel_loop3A_673 = arith.mulf %parallel_loop3A_672, %get3A_236 : vector<16xf32>
      %parallel_loop3A_674 = arith.addf %parallel_loop3A_673, %get3A_252 : vector<16xf32>
      %parallel_loop3A_675 = arith.index_cast %parallel_loop3A_479 : i32 to index
      %parallel_loop3A_676 = arith.constant 112 : index
      %parallel_loop3A_677 = tpu.vector_load %arg15[%parallel_loop3A_675, %parallel_loop3A_676] {strides = array<i32>} : memref<128x128xf32, #tpu.memory_space<vmem>>, vector<16xf32>,
      tpu.vector_store %arg15[%parallel_loop3A_675, %parallel_loop3A_676], %parallel_loop3A_674 {strides = array<i32>} : memref<128x128xf32, #tpu.memory_space<vmem>>, vector<16xf32>,
    } {sc.loop_unroll_factor = 1 : i64, sc.parallel_access}
    %dma_start3A_262 = arith.constant 3 : i32
    %dma_start3A_263 = arith.constant 0 : i32
    %dma_start3A_264 = tpu.memref_slice %arg8[%dma_start3A_262, %dma_start3A_263] : memref<8x128xi32, #tpu.memory_space<vmem>> -> memref<1x128xi32, #tpu.memory_space<vmem>>
    %dma_start3A_265 = tpu.memref_squeeze %dma_start3A_264 : memref<1x128xi32, #tpu.memory_space<vmem>> -> memref<128xi32, #tpu.memory_space<vmem>>
    %dma_start3A_266 = arith.constant 0 : i32
    %dma_start3A_267 = arith.constant 0 : i32
    %dma_start3A_268 = tpu.memref_slice %arg2[%dma_start3A_266, %dma_start3A_267] : memref<100000x128xf32, #tpu.memory_space<hbm>> -> memref<100000x128xf32, #tpu.memory_space<hbm>>
    tpu.enqueue_indirect_dma source(%dma_start3A_268 : memref<100000x128xf32, #tpu.memory_space<hbm>>) target(%arg12 : memref<128x128xf32, #tpu.memory_space<vmem>>) offsets(%dma_start3A_265 : memref<128xi32, #tpu.memory_space<vmem>>) semaphore(%arg17 : memref<!tpu.dma_semaphore, #tpu.memory_space<semaphore_mem>>)
    %mul3A_269 = arith.constant 256 : i32
    %mul3A_270 = arith.muli %add3A, %mul3A_269 : i32
    %add3A_271 = arith.constant 0 : i32
    %add3A_272 = arith.addi %add3A_271, %mul3A_270 : i32
    %add3A_273 = arith.constant 0 : i32
    %add3A_274 = arith.addi %add3A_272, %add3A_273 : i32
    %dma_start3A_275 = arith.constant 0 : i32
    %dma_start3A_276 = tpu.memref_slice %arg7[%add3A_274, %dma_start3A_275] : memref<32768x128xf32, #tpu.memory_space<hbm>> -> memref<128x128xf32, #tpu.memory_space<hbm>>
    %dma_start3A_277 = arith.constant 0 : i32
    %dma_start3A_278 = tpu.memref_slice %arg7[%add3A_274, %dma_start3A_277] : memref<32768x128xf32, #tpu.memory_space<hbm>> -> memref<128x128xf32, #tpu.memory_space<hbm>>
    tpu.enqueue_dma source(%arg15 : memref<128x128xf32, #tpu.memory_space<vmem>>) target(%dma_start3A_278 : memref<128x128xf32, #tpu.memory_space<hbm>>) target_semaphore(%arg20 : memref<!tpu.dma_semaphore, #tpu.memory_space<semaphore_mem>>)
    %dma_wait3A_279 = arith.constant 1 : i32
    %dma_wait3A_280 = arith.constant 0 : i32
    %dma_wait3A_281 = tpu.memref_slice %arg8[%dma_wait3A_279, %dma_wait3A_280] : memref<8x128xi32, #tpu.memory_space<vmem>> -> memref<1x128xi32, #tpu.memory_space<vmem>>
    %dma_wait3A_282 = tpu.memref_squeeze %dma_wait3A_281 : memref<1x128xi32, #tpu.memory_space<vmem>> -> memref<128xi32, #tpu.memory_space<vmem>>
    %dma_wait3A_283 = arith.constant 0 : i32
    %dma_wait3A_284 = arith.constant 0 : i32
    %dma_wait3A_285 = tpu.memref_slice %arg2[%dma_wait3A_283, %dma_wait3A_284] : memref<100000x128xf32, #tpu.memory_space<hbm>> -> memref<100000x128xf32, #tpu.memory_space<hbm>>
    tpu.wait_indirect_dma semaphore(%arg18 : memref<!tpu.dma_semaphore, #tpu.memory_space<semaphore_mem>>) src(%dma_wait3A_285 : memref<100000x128xf32, #tpu.memory_space<hbm>>) dst(%arg13 : memref<128x128xf32, #tpu.memory_space<vmem>>)
    %parallel_loop3A_286 = arith.constant 0 : i32
    %parallel_loop3A_287 = arith.constant 128 : i32
    %parallel_loop3A_288 = arith.constant 1 : i32
    scf.for %parallel_loop3A_479 = %parallel_loop3A_286 to %parallel_loop3A_287 step %parallel_loop3A_288  : i32 {
      %parallel_loop3A_480 = arith.constant 128 : i32
      %parallel_loop3A_481 = arith.addi %parallel_loop3A_480, %parallel_loop3A_479 : i32
      %parallel_loop3A_482 = arith.index_cast %parallel_loop3A_479 : i32 to index
      %parallel_loop3A_483 = arith.constant 0 : index
      %parallel_loop3A_484 = tpu.vector_load %arg13[%parallel_loop3A_482, %parallel_loop3A_483] {strides = array<i32>} : memref<128x128xf32, #tpu.memory_space<vmem>>, vector<16xf32>,
      %parallel_loop3A_485 = arith.constant 11.3137083 : f32
      %parallel_loop3A_486 = vector.broadcast %parallel_loop3A_485 : f32 to vector<16xf32>
      %parallel_loop3A_487 = arith.mulf %parallel_loop3A_484, %parallel_loop3A_486 : vector<16xf32>
      %parallel_loop3A_488 = arith.index_cast %parallel_loop3A_481 : i32 to index
      %parallel_loop3A_489 = arith.constant 0 : index
      %parallel_loop3A_490 = tpu.vector_load %arg9[%parallel_loop3A_488, %parallel_loop3A_489] {strides = array<i32>} : memref<256x128xf32, #tpu.memory_space<vmem>>, vector<16xf32>,
      %parallel_loop3A_491 = arith.addf %parallel_loop3A_487, %parallel_loop3A_490 : vector<16xf32>
      %parallel_loop3A_492 = arith.index_cast %parallel_loop3A_479 : i32 to index
      %parallel_loop3A_493 = arith.constant 16 : index
      %parallel_loop3A_494 = tpu.vector_load %arg13[%parallel_loop3A_492, %parallel_loop3A_493] {strides = array<i32>} : memref<128x128xf32, #tpu.memory_space<vmem>>, vector<16xf32>,
      %parallel_loop3A_495 = arith.constant 11.3137083 : f32
      %parallel_loop3A_496 = vector.broadcast %parallel_loop3A_495 : f32 to vector<16xf32>
      %parallel_loop3A_497 = arith.mulf %parallel_loop3A_494, %parallel_loop3A_496 : vector<16xf32>
      %parallel_loop3A_498 = arith.index_cast %parallel_loop3A_481 : i32 to index
      %parallel_loop3A_499 = arith.constant 16 : index
      %parallel_loop3A_500 = tpu.vector_load %arg9[%parallel_loop3A_498, %parallel_loop3A_499] {strides = array<i32>} : memref<256x128xf32, #tpu.memory_space<vmem>>, vector<16xf32>,
      %parallel_loop3A_501 = arith.addf %parallel_loop3A_497, %parallel_loop3A_500 : vector<16xf32>
      %parallel_loop3A_502 = arith.index_cast %parallel_loop3A_479 : i32 to index
      %parallel_loop3A_503 = arith.constant 32 : index
      %parallel_loop3A_504 = tpu.vector_load %arg13[%parallel_loop3A_502, %parallel_loop3A_503] {strides = array<i32>} : memref<128x128xf32, #tpu.memory_space<vmem>>, vector<16xf32>,
      %parallel_loop3A_505 = arith.constant 11.3137083 : f32
      %parallel_loop3A_506 = vector.broadcast %parallel_loop3A_505 : f32 to vector<16xf32>
      %parallel_loop3A_507 = arith.mulf %parallel_loop3A_504, %parallel_loop3A_506 : vector<16xf32>
      %parallel_loop3A_508 = arith.index_cast %parallel_loop3A_481 : i32 to index
      %parallel_loop3A_509 = arith.constant 32 : index
      %parallel_loop3A_510 = tpu.vector_load %arg9[%parallel_loop3A_508, %parallel_loop3A_509] {strides = array<i32>} : memref<256x128xf32, #tpu.memory_space<vmem>>, vector<16xf32>,
      %parallel_loop3A_511 = arith.addf %parallel_loop3A_507, %parallel_loop3A_510 : vector<16xf32>
      %parallel_loop3A_512 = arith.index_cast %parallel_loop3A_479 : i32 to index
      %parallel_loop3A_513 = arith.constant 48 : index
      %parallel_loop3A_514 = tpu.vector_load %arg13[%parallel_loop3A_512, %parallel_loop3A_513] {strides = array<i32>} : memref<128x128xf32, #tpu.memory_space<vmem>>, vector<16xf32>,
      %parallel_loop3A_515 = arith.constant 11.3137083 : f32
      %parallel_loop3A_516 = vector.broadcast %parallel_loop3A_515 : f32 to vector<16xf32>
      %parallel_loop3A_517 = arith.mulf %parallel_loop3A_514, %parallel_loop3A_516 : vector<16xf32>
      %parallel_loop3A_518 = arith.index_cast %parallel_loop3A_481 : i32 to index
      %parallel_loop3A_519 = arith.constant 48 : index
      %parallel_loop3A_520 = tpu.vector_load %arg9[%parallel_loop3A_518, %parallel_loop3A_519] {strides = array<i32>} : memref<256x128xf32, #tpu.memory_space<vmem>>, vector<16xf32>,
      %parallel_loop3A_521 = arith.addf %parallel_loop3A_517, %parallel_loop3A_520 : vector<16xf32>
      %parallel_loop3A_522 = arith.index_cast %parallel_loop3A_479 : i32 to index
      %parallel_loop3A_523 = arith.constant 64 : index
      %parallel_loop3A_524 = tpu.vector_load %arg13[%parallel_loop3A_522, %parallel_loop3A_523] {strides = array<i32>} : memref<128x128xf32, #tpu.memory_space<vmem>>, vector<16xf32>,
      %parallel_loop3A_525 = arith.constant 11.3137083 : f32
      %parallel_loop3A_526 = vector.broadcast %parallel_loop3A_525 : f32 to vector<16xf32>
      %parallel_loop3A_527 = arith.mulf %parallel_loop3A_524, %parallel_loop3A_526 : vector<16xf32>
      %parallel_loop3A_528 = arith.index_cast %parallel_loop3A_481 : i32 to index
      %parallel_loop3A_529 = arith.constant 64 : index
      %parallel_loop3A_530 = tpu.vector_load %arg9[%parallel_loop3A_528, %parallel_loop3A_529] {strides = array<i32>} : memref<256x128xf32, #tpu.memory_space<vmem>>, vector<16xf32>,
      %parallel_loop3A_531 = arith.addf %parallel_loop3A_527, %parallel_loop3A_530 : vector<16xf32>
      %parallel_loop3A_532 = arith.index_cast %parallel_loop3A_479 : i32 to index
      %parallel_loop3A_533 = arith.constant 80 : index
      %parallel_loop3A_534 = tpu.vector_load %arg13[%parallel_loop3A_532, %parallel_loop3A_533] {strides = array<i32>} : memref<128x128xf32, #tpu.memory_space<vmem>>, vector<16xf32>,
      %parallel_loop3A_535 = arith.constant 11.3137083 : f32
      %parallel_loop3A_536 = vector.broadcast %parallel_loop3A_535 : f32 to vector<16xf32>
      %parallel_loop3A_537 = arith.mulf %parallel_loop3A_534, %parallel_loop3A_536 : vector<16xf32>
      %parallel_loop3A_538 = arith.index_cast %parallel_loop3A_481 : i32 to index
      %parallel_loop3A_539 = arith.constant 80 : index
      %parallel_loop3A_540 = tpu.vector_load %arg9[%parallel_loop3A_538, %parallel_loop3A_539] {strides = array<i32>} : memref<256x128xf32, #tpu.memory_space<vmem>>, vector<16xf32>,
      %parallel_loop3A_541 = arith.addf %parallel_loop3A_537, %parallel_loop3A_540 : vector<16xf32>
      %parallel_loop3A_542 = arith.index_cast %parallel_loop3A_479 : i32 to index
      %parallel_loop3A_543 = arith.constant 96 : index
      %parallel_loop3A_544 = tpu.vector_load %arg13[%parallel_loop3A_542, %parallel_loop3A_543] {strides = array<i32>} : memref<128x128xf32, #tpu.memory_space<vmem>>, vector<16xf32>,
      %parallel_loop3A_545 = arith.constant 11.3137083 : f32
      %parallel_loop3A_546 = vector.broadcast %parallel_loop3A_545 : f32 to vector<16xf32>
      %parallel_loop3A_547 = arith.mulf %parallel_loop3A_544, %parallel_loop3A_546 : vector<16xf32>
      %parallel_loop3A_548 = arith.index_cast %parallel_loop3A_481 : i32 to index
      %parallel_loop3A_549 = arith.constant 96 : index
      %parallel_loop3A_550 = tpu.vector_load %arg9[%parallel_loop3A_548, %parallel_loop3A_549] {strides = array<i32>} : memref<256x128xf32, #tpu.memory_space<vmem>>, vector<16xf32>,
      %parallel_loop3A_551 = arith.addf %parallel_loop3A_547, %parallel_loop3A_550 : vector<16xf32>
      %parallel_loop3A_552 = arith.index_cast %parallel_loop3A_479 : i32 to index
      %parallel_loop3A_553 = arith.constant 112 : index
      %parallel_loop3A_554 = tpu.vector_load %arg13[%parallel_loop3A_552, %parallel_loop3A_553] {strides = array<i32>} : memref<128x128xf32, #tpu.memory_space<vmem>>, vector<16xf32>,
      %parallel_loop3A_555 = arith.constant 11.3137083 : f32
      %parallel_loop3A_556 = vector.broadcast %parallel_loop3A_555 : f32 to vector<16xf32>
      %parallel_loop3A_557 = arith.mulf %parallel_loop3A_554, %parallel_loop3A_556 : vector<16xf32>
      %parallel_loop3A_558 = arith.index_cast %parallel_loop3A_481 : i32 to index
      %parallel_loop3A_559 = arith.constant 112 : index
      %parallel_loop3A_560 = tpu.vector_load %arg9[%parallel_loop3A_558, %parallel_loop3A_559] {strides = array<i32>} : memref<256x128xf32, #tpu.memory_space<vmem>>, vector<16xf32>,
      %parallel_loop3A_561 = arith.addf %parallel_loop3A_557, %parallel_loop3A_560 : vector<16xf32>
      %parallel_loop3A_562 = arith.addf %parallel_loop3A_491, %parallel_loop3A_501 : vector<16xf32>
      %parallel_loop3A_563 = arith.addf %parallel_loop3A_511, %parallel_loop3A_521 : vector<16xf32>
      %parallel_loop3A_564 = arith.addf %parallel_loop3A_531, %parallel_loop3A_541 : vector<16xf32>
      %parallel_loop3A_565 = arith.addf %parallel_loop3A_551, %parallel_loop3A_561 : vector<16xf32>
      %parallel_loop3A_566 = arith.addf %parallel_loop3A_562, %parallel_loop3A_563 : vector<16xf32>
      %parallel_loop3A_567 = arith.addf %parallel_loop3A_564, %parallel_loop3A_565 : vector<16xf32>
      %parallel_loop3A_568 = arith.addf %parallel_loop3A_566, %parallel_loop3A_567 : vector<16xf32>
      %parallel_loop3A_569 = arith.constant true
      %parallel_loop3A_570 = vector.broadcast %parallel_loop3A_569 : i1 to vector<16xi1>
      %parallel_loop3A_571 = tpu.scan <sum>, %parallel_loop3A_568 masked %parallel_loop3A_570 : vector<16xf32>, vector<16xi1> -> vector<16xf32>
      %parallel_loop3A_572 = vector.extract %parallel_loop3A_571[15] : f32 from vector<16xf32>
      %parallel_loop3A_573 = vector.broadcast %parallel_loop3A_572 : f32 to vector<16xf32>
      %parallel_loop3A_574 = arith.mulf %parallel_loop3A_491, %parallel_loop3A_491 : vector<16xf32>
      %parallel_loop3A_575 = arith.mulf %parallel_loop3A_501, %parallel_loop3A_501 : vector<16xf32>
      %parallel_loop3A_576 = arith.mulf %parallel_loop3A_511, %parallel_loop3A_511 : vector<16xf32>
      %parallel_loop3A_577 = arith.mulf %parallel_loop3A_521, %parallel_loop3A_521 : vector<16xf32>
      %parallel_loop3A_578 = arith.mulf %parallel_loop3A_531, %parallel_loop3A_531 : vector<16xf32>
      %parallel_loop3A_579 = arith.mulf %parallel_loop3A_541, %parallel_loop3A_541 : vector<16xf32>
      %parallel_loop3A_580 = arith.mulf %parallel_loop3A_551, %parallel_loop3A_551 : vector<16xf32>
      %parallel_loop3A_581 = arith.mulf %parallel_loop3A_561, %parallel_loop3A_561 : vector<16xf32>
      %parallel_loop3A_582 = arith.addf %parallel_loop3A_574, %parallel_loop3A_575 : vector<16xf32>
      %parallel_loop3A_583 = arith.addf %parallel_loop3A_576, %parallel_loop3A_577 : vector<16xf32>
      %parallel_loop3A_584 = arith.addf %parallel_loop3A_578, %parallel_loop3A_579 : vector<16xf32>
      %parallel_loop3A_585 = arith.addf %parallel_loop3A_580, %parallel_loop3A_581 : vector<16xf32>
      %parallel_loop3A_586 = arith.addf %parallel_loop3A_582, %parallel_loop3A_583 : vector<16xf32>
      %parallel_loop3A_587 = arith.addf %parallel_loop3A_584, %parallel_loop3A_585 : vector<16xf32>
      %parallel_loop3A_588 = arith.addf %parallel_loop3A_586, %parallel_loop3A_587 : vector<16xf32>
      %parallel_loop3A_589 = arith.constant true
      %parallel_loop3A_590 = vector.broadcast %parallel_loop3A_589 : i1 to vector<16xi1>
      %parallel_loop3A_591 = tpu.scan <sum>, %parallel_loop3A_588 masked %parallel_loop3A_590 : vector<16xf32>, vector<16xi1> -> vector<16xf32>
      %parallel_loop3A_592 = vector.extract %parallel_loop3A_591[15] : f32 from vector<16xf32>
      %parallel_loop3A_593 = vector.broadcast %parallel_loop3A_592 : f32 to vector<16xf32>
      %parallel_loop3A_594 = arith.constant 7.812500e-03 : f32
      %parallel_loop3A_595 = vector.broadcast %parallel_loop3A_594 : f32 to vector<16xf32>
      %parallel_loop3A_596 = arith.mulf %parallel_loop3A_573, %parallel_loop3A_595 : vector<16xf32>
      %parallel_loop3A_597 = arith.constant 7.812500e-03 : f32
      %parallel_loop3A_598 = vector.broadcast %parallel_loop3A_597 : f32 to vector<16xf32>
      %parallel_loop3A_599 = arith.mulf %parallel_loop3A_593, %parallel_loop3A_598 : vector<16xf32>
      %parallel_loop3A_600 = arith.mulf %parallel_loop3A_596, %parallel_loop3A_596 : vector<16xf32>
      %parallel_loop3A_601 = arith.subf %parallel_loop3A_599, %parallel_loop3A_600 : vector<16xf32>
      %parallel_loop3A_602 = arith.constant 9.99999974E-6 : f32
      %parallel_loop3A_603 = vector.broadcast %parallel_loop3A_602 : f32 to vector<16xf32>
      %parallel_loop3A_604 = arith.addf %parallel_loop3A_601, %parallel_loop3A_603 : vector<16xf32>
      %parallel_loop3A_605 = vector.bitcast %parallel_loop3A_604 : vector<16xf32> to vector<16xi32>
      %parallel_loop3A_606 = arith.constant 1597463007 : i32
      %parallel_loop3A_607 = vector.broadcast %parallel_loop3A_606 : i32 to vector<16xi32>
      %parallel_loop3A_608 = arith.constant 1 : i32
      %parallel_loop3A_609 = vector.broadcast %parallel_loop3A_608 : i32 to vector<16xi32>
      %parallel_loop3A_610 = arith.shrsi %parallel_loop3A_605, %parallel_loop3A_609 : vector<16xi32>
      %parallel_loop3A_611 = arith.subi %parallel_loop3A_607, %parallel_loop3A_610 : vector<16xi32>
      %parallel_loop3A_612 = vector.bitcast %parallel_loop3A_611 : vector<16xi32> to vector<16xf32>
      %parallel_loop3A_613 = arith.constant 5.000000e-01 : f32
      %parallel_loop3A_614 = vector.broadcast %parallel_loop3A_613 : f32 to vector<16xf32>
      %parallel_loop3A_615 = arith.mulf %parallel_loop3A_614, %parallel_loop3A_604 : vector<16xf32>
      %parallel_loop3A_616 = arith.mulf %parallel_loop3A_615, %parallel_loop3A_612 : vector<16xf32>
      %parallel_loop3A_617 = arith.mulf %parallel_loop3A_616, %parallel_loop3A_612 : vector<16xf32>
      %parallel_loop3A_618 = arith.constant 1.500000e+00 : f32
      %parallel_loop3A_619 = vector.broadcast %parallel_loop3A_618 : f32 to vector<16xf32>
      %parallel_loop3A_620 = arith.subf %parallel_loop3A_619, %parallel_loop3A_617 : vector<16xf32>
      %parallel_loop3A_621 = arith.mulf %parallel_loop3A_612, %parallel_loop3A_620 : vector<16xf32>
      %parallel_loop3A_622 = arith.subf %parallel_loop3A_491, %parallel_loop3A_596 : vector<16xf32>
      %parallel_loop3A_623 = arith.mulf %parallel_loop3A_622, %parallel_loop3A_621 : vector<16xf32>
      %parallel_loop3A_624 = arith.mulf %parallel_loop3A_623, %get3A_222 : vector<16xf32>
      %parallel_loop3A_625 = arith.addf %parallel_loop3A_624, %get3A_238 : vector<16xf32>
      %parallel_loop3A_626 = arith.index_cast %parallel_loop3A_479 : i32 to index
      %parallel_loop3A_627 = arith.constant 0 : index
      %parallel_loop3A_628 = tpu.vector_load %arg16[%parallel_loop3A_626, %parallel_loop3A_627] {strides = array<i32>} : memref<128x128xf32, #tpu.memory_space<vmem>>, vector<16xf32>,
      tpu.vector_store %arg16[%parallel_loop3A_626, %parallel_loop3A_627], %parallel_loop3A_625 {strides = array<i32>} : memref<128x128xf32, #tpu.memory_space<vmem>>, vector<16xf32>,
      %parallel_loop3A_629 = arith.subf %parallel_loop3A_501, %parallel_loop3A_596 : vector<16xf32>
      %parallel_loop3A_630 = arith.mulf %parallel_loop3A_629, %parallel_loop3A_621 : vector<16xf32>
      %parallel_loop3A_631 = arith.mulf %parallel_loop3A_630, %get3A_224 : vector<16xf32>
      %parallel_loop3A_632 = arith.addf %parallel_loop3A_631, %get3A_240 : vector<16xf32>
      %parallel_loop3A_633 = arith.index_cast %parallel_loop3A_479 : i32 to index
      %parallel_loop3A_634 = arith.constant 16 : index
      %parallel_loop3A_635 = tpu.vector_load %arg16[%parallel_loop3A_633, %parallel_loop3A_634] {strides = array<i32>} : memref<128x128xf32, #tpu.memory_space<vmem>>, vector<16xf32>,
      tpu.vector_store %arg16[%parallel_loop3A_633, %parallel_loop3A_634], %parallel_loop3A_632 {strides = array<i32>} : memref<128x128xf32, #tpu.memory_space<vmem>>, vector<16xf32>,
      %parallel_loop3A_636 = arith.subf %parallel_loop3A_511, %parallel_loop3A_596 : vector<16xf32>
      %parallel_loop3A_637 = arith.mulf %parallel_loop3A_636, %parallel_loop3A_621 : vector<16xf32>
      %parallel_loop3A_638 = arith.mulf %parallel_loop3A_637, %get3A_226 : vector<16xf32>
      %parallel_loop3A_639 = arith.addf %parallel_loop3A_638, %get3A_242 : vector<16xf32>
      %parallel_loop3A_640 = arith.index_cast %parallel_loop3A_479 : i32 to index
      %parallel_loop3A_641 = arith.constant 32 : index
      %parallel_loop3A_642 = tpu.vector_load %arg16[%parallel_loop3A_640, %parallel_loop3A_641] {strides = array<i32>} : memref<128x128xf32, #tpu.memory_space<vmem>>, vector<16xf32>,
      tpu.vector_store %arg16[%parallel_loop3A_640, %parallel_loop3A_641], %parallel_loop3A_639 {strides = array<i32>} : memref<128x128xf32, #tpu.memory_space<vmem>>, vector<16xf32>,
      %parallel_loop3A_643 = arith.subf %parallel_loop3A_521, %parallel_loop3A_596 : vector<16xf32>
      %parallel_loop3A_644 = arith.mulf %parallel_loop3A_643, %parallel_loop3A_621 : vector<16xf32>
      %parallel_loop3A_645 = arith.mulf %parallel_loop3A_644, %get3A_228 : vector<16xf32>
      %parallel_loop3A_646 = arith.addf %parallel_loop3A_645, %get3A_244 : vector<16xf32>
      %parallel_loop3A_647 = arith.index_cast %parallel_loop3A_479 : i32 to index
      %parallel_loop3A_648 = arith.constant 48 : index
      %parallel_loop3A_649 = tpu.vector_load %arg16[%parallel_loop3A_647, %parallel_loop3A_648] {strides = array<i32>} : memref<128x128xf32, #tpu.memory_space<vmem>>, vector<16xf32>,
      tpu.vector_store %arg16[%parallel_loop3A_647, %parallel_loop3A_648], %parallel_loop3A_646 {strides = array<i32>} : memref<128x128xf32, #tpu.memory_space<vmem>>, vector<16xf32>,
      %parallel_loop3A_650 = arith.subf %parallel_loop3A_531, %parallel_loop3A_596 : vector<16xf32>
      %parallel_loop3A_651 = arith.mulf %parallel_loop3A_650, %parallel_loop3A_621 : vector<16xf32>
      %parallel_loop3A_652 = arith.mulf %parallel_loop3A_651, %get3A_230 : vector<16xf32>
      %parallel_loop3A_653 = arith.addf %parallel_loop3A_652, %get3A_246 : vector<16xf32>
      %parallel_loop3A_654 = arith.index_cast %parallel_loop3A_479 : i32 to index
      %parallel_loop3A_655 = arith.constant 64 : index
      %parallel_loop3A_656 = tpu.vector_load %arg16[%parallel_loop3A_654, %parallel_loop3A_655] {strides = array<i32>} : memref<128x128xf32, #tpu.memory_space<vmem>>, vector<16xf32>,
      tpu.vector_store %arg16[%parallel_loop3A_654, %parallel_loop3A_655], %parallel_loop3A_653 {strides = array<i32>} : memref<128x128xf32, #tpu.memory_space<vmem>>, vector<16xf32>,
      %parallel_loop3A_657 = arith.subf %parallel_loop3A_541, %parallel_loop3A_596 : vector<16xf32>
      %parallel_loop3A_658 = arith.mulf %parallel_loop3A_657, %parallel_loop3A_621 : vector<16xf32>
      %parallel_loop3A_659 = arith.mulf %parallel_loop3A_658, %get3A_232 : vector<16xf32>
      %parallel_loop3A_660 = arith.addf %parallel_loop3A_659, %get3A_248 : vector<16xf32>
      %parallel_loop3A_661 = arith.index_cast %parallel_loop3A_479 : i32 to index
      %parallel_loop3A_662 = arith.constant 80 : index
      %parallel_loop3A_663 = tpu.vector_load %arg16[%parallel_loop3A_661, %parallel_loop3A_662] {strides = array<i32>} : memref<128x128xf32, #tpu.memory_space<vmem>>, vector<16xf32>,
      tpu.vector_store %arg16[%parallel_loop3A_661, %parallel_loop3A_662], %parallel_loop3A_660 {strides = array<i32>} : memref<128x128xf32, #tpu.memory_space<vmem>>, vector<16xf32>,
      %parallel_loop3A_664 = arith.subf %parallel_loop3A_551, %parallel_loop3A_596 : vector<16xf32>
      %parallel_loop3A_665 = arith.mulf %parallel_loop3A_664, %parallel_loop3A_621 : vector<16xf32>
      %parallel_loop3A_666 = arith.mulf %parallel_loop3A_665, %get3A_234 : vector<16xf32>
      %parallel_loop3A_667 = arith.addf %parallel_loop3A_666, %get3A_250 : vector<16xf32>
      %parallel_loop3A_668 = arith.index_cast %parallel_loop3A_479 : i32 to index
      %parallel_loop3A_669 = arith.constant 96 : index
      %parallel_loop3A_670 = tpu.vector_load %arg16[%parallel_loop3A_668, %parallel_loop3A_669] {strides = array<i32>} : memref<128x128xf32, #tpu.memory_space<vmem>>, vector<16xf32>,
      tpu.vector_store %arg16[%parallel_loop3A_668, %parallel_loop3A_669], %parallel_loop3A_667 {strides = array<i32>} : memref<128x128xf32, #tpu.memory_space<vmem>>, vector<16xf32>,
      %parallel_loop3A_671 = arith.subf %parallel_loop3A_561, %parallel_loop3A_596 : vector<16xf32>
      %parallel_loop3A_672 = arith.mulf %parallel_loop3A_671, %parallel_loop3A_621 : vector<16xf32>
      %parallel_loop3A_673 = arith.mulf %parallel_loop3A_672, %get3A_236 : vector<16xf32>
      %parallel_loop3A_674 = arith.addf %parallel_loop3A_673, %get3A_252 : vector<16xf32>
      %parallel_loop3A_675 = arith.index_cast %parallel_loop3A_479 : i32 to index
      %parallel_loop3A_676 = arith.constant 112 : index
      %parallel_loop3A_677 = tpu.vector_load %arg16[%parallel_loop3A_675, %parallel_loop3A_676] {strides = array<i32>} : memref<128x128xf32, #tpu.memory_space<vmem>>, vector<16xf32>,
      tpu.vector_store %arg16[%parallel_loop3A_675, %parallel_loop3A_676], %parallel_loop3A_674 {strides = array<i32>} : memref<128x128xf32, #tpu.memory_space<vmem>>, vector<16xf32>,
    } {sc.loop_unroll_factor = 1 : i64, sc.parallel_access}
    %dma_start3A_289 = arith.constant 4 : i32
    %dma_start3A_290 = arith.constant 0 : i32
    %dma_start3A_291 = tpu.memref_slice %arg8[%dma_start3A_289, %dma_start3A_290] : memref<8x128xi32, #tpu.memory_space<vmem>> -> memref<1x128xi32, #tpu.memory_space<vmem>>
    %dma_start3A_292 = tpu.memref_squeeze %dma_start3A_291 : memref<1x128xi32, #tpu.memory_space<vmem>> -> memref<128xi32, #tpu.memory_space<vmem>>
    %dma_start3A_293 = arith.constant 0 : i32
    %dma_start3A_294 = arith.constant 0 : i32
    %dma_start3A_295 = tpu.memref_slice %arg2[%dma_start3A_293, %dma_start3A_294] : memref<100000x128xf32, #tpu.memory_space<hbm>> -> memref<100000x128xf32, #tpu.memory_space<hbm>>
    tpu.enqueue_indirect_dma source(%dma_start3A_295 : memref<100000x128xf32, #tpu.memory_space<hbm>>) target(%arg13 : memref<128x128xf32, #tpu.memory_space<vmem>>) offsets(%dma_start3A_292 : memref<128xi32, #tpu.memory_space<vmem>>) semaphore(%arg18 : memref<!tpu.dma_semaphore, #tpu.memory_space<semaphore_mem>>)
    %mul3A_296 = arith.constant 256 : i32
    %mul3A_297 = arith.muli %add3A, %mul3A_296 : i32
    %add3A_298 = arith.constant 0 : i32
    %add3A_299 = arith.addi %add3A_298, %mul3A_297 : i32
    %add3A_300 = arith.constant 128 : i32
    %add3A_301 = arith.addi %add3A_299, %add3A_300 : i32
    %dma_start3A_302 = arith.constant 0 : i32
    %dma_start3A_303 = tpu.memref_slice %arg7[%add3A_301, %dma_start3A_302] : memref<32768x128xf32, #tpu.memory_space<hbm>> -> memref<128x128xf32, #tpu.memory_space<hbm>>
    %dma_start3A_304 = arith.constant 0 : i32
    %dma_start3A_305 = tpu.memref_slice %arg7[%add3A_301, %dma_start3A_304] : memref<32768x128xf32, #tpu.memory_space<hbm>> -> memref<128x128xf32, #tpu.memory_space<hbm>>
    tpu.enqueue_dma source(%arg16 : memref<128x128xf32, #tpu.memory_space<vmem>>) target(%dma_start3A_305 : memref<128x128xf32, #tpu.memory_space<hbm>>) target_semaphore(%arg21 : memref<!tpu.dma_semaphore, #tpu.memory_space<semaphore_mem>>)
    %dma_wait3A_306 = arith.constant 2 : i32
    %dma_wait3A_307 = arith.constant 0 : i32
    %dma_wait3A_308 = tpu.memref_slice %arg8[%dma_wait3A_306, %dma_wait3A_307] : memref<8x128xi32, #tpu.memory_space<vmem>> -> memref<1x128xi32, #tpu.memory_space<vmem>>
    %dma_wait3A_309 = tpu.memref_squeeze %dma_wait3A_308 : memref<1x128xi32, #tpu.memory_space<vmem>> -> memref<128xi32, #tpu.memory_space<vmem>>
    %dma_wait3A_310 = arith.constant 0 : i32
    %dma_wait3A_311 = arith.constant 0 : i32
    %dma_wait3A_312 = tpu.memref_slice %arg2[%dma_wait3A_310, %dma_wait3A_311] : memref<100000x128xf32, #tpu.memory_space<hbm>> -> memref<100000x128xf32, #tpu.memory_space<hbm>>
    tpu.wait_indirect_dma semaphore(%arg19 : memref<!tpu.dma_semaphore, #tpu.memory_space<semaphore_mem>>) src(%dma_wait3A_312 : memref<100000x128xf32, #tpu.memory_space<hbm>>) dst(%arg14 : memref<128x128xf32, #tpu.memory_space<vmem>>)
    %dma_wait3A_313 = arith.constant 0 : i32
    %dma_wait3A_314 = tpu.memref_slice %arg7[%add3A_274, %dma_wait3A_313] : memref<32768x128xf32, #tpu.memory_space<hbm>> -> memref<128x128xf32, #tpu.memory_space<hbm>>
    %dma_wait3A_315 = arith.constant 0 : i32
    %dma_wait3A_316 = tpu.memref_slice %arg7[%add3A_274, %dma_wait3A_315] : memref<32768x128xf32, #tpu.memory_space<hbm>> -> memref<128x128xf32, #tpu.memory_space<hbm>>
    tpu.wait_dma2 semaphore(%arg20 : memref<!tpu.dma_semaphore, #tpu.memory_space<semaphore_mem>>) src(%arg15 : memref<128x128xf32, #tpu.memory_space<vmem>>) dst(%dma_wait3A_316 : memref<128x128xf32, #tpu.memory_space<hbm>>)
    %parallel_loop3A_317 = arith.constant 0 : i32
    %parallel_loop3A_318 = arith.constant 128 : i32
    %parallel_loop3A_319 = arith.constant 1 : i32
    scf.for %parallel_loop3A_479 = %parallel_loop3A_317 to %parallel_loop3A_318 step %parallel_loop3A_319  : i32 {
      %parallel_loop3A_480 = arith.constant 0 : i32
      %parallel_loop3A_481 = arith.addi %parallel_loop3A_480, %parallel_loop3A_479 : i32
      %parallel_loop3A_482 = arith.index_cast %parallel_loop3A_479 : i32 to index
      %parallel_loop3A_483 = arith.constant 0 : index
      %parallel_loop3A_484 = tpu.vector_load %arg14[%parallel_loop3A_482, %parallel_loop3A_483] {strides = array<i32>} : memref<128x128xf32, #tpu.memory_space<vmem>>, vector<16xf32>,
      %parallel_loop3A_485 = arith.constant 11.3137083 : f32
      %parallel_loop3A_486 = vector.broadcast %parallel_loop3A_485 : f32 to vector<16xf32>
      %parallel_loop3A_487 = arith.mulf %parallel_loop3A_484, %parallel_loop3A_486 : vector<16xf32>
      %parallel_loop3A_488 = arith.index_cast %parallel_loop3A_481 : i32 to index
      %parallel_loop3A_489 = arith.constant 0 : index
      %parallel_loop3A_490 = tpu.vector_load %arg9[%parallel_loop3A_488, %parallel_loop3A_489] {strides = array<i32>} : memref<256x128xf32, #tpu.memory_space<vmem>>, vector<16xf32>,
      %parallel_loop3A_491 = arith.addf %parallel_loop3A_487, %parallel_loop3A_490 : vector<16xf32>
      %parallel_loop3A_492 = arith.index_cast %parallel_loop3A_479 : i32 to index
      %parallel_loop3A_493 = arith.constant 16 : index
      %parallel_loop3A_494 = tpu.vector_load %arg14[%parallel_loop3A_492, %parallel_loop3A_493] {strides = array<i32>} : memref<128x128xf32, #tpu.memory_space<vmem>>, vector<16xf32>,
      %parallel_loop3A_495 = arith.constant 11.3137083 : f32
      %parallel_loop3A_496 = vector.broadcast %parallel_loop3A_495 : f32 to vector<16xf32>
      %parallel_loop3A_497 = arith.mulf %parallel_loop3A_494, %parallel_loop3A_496 : vector<16xf32>
      %parallel_loop3A_498 = arith.index_cast %parallel_loop3A_481 : i32 to index
      %parallel_loop3A_499 = arith.constant 16 : index
      %parallel_loop3A_500 = tpu.vector_load %arg9[%parallel_loop3A_498, %parallel_loop3A_499] {strides = array<i32>} : memref<256x128xf32, #tpu.memory_space<vmem>>, vector<16xf32>,
      %parallel_loop3A_501 = arith.addf %parallel_loop3A_497, %parallel_loop3A_500 : vector<16xf32>
      %parallel_loop3A_502 = arith.index_cast %parallel_loop3A_479 : i32 to index
      %parallel_loop3A_503 = arith.constant 32 : index
      %parallel_loop3A_504 = tpu.vector_load %arg14[%parallel_loop3A_502, %parallel_loop3A_503] {strides = array<i32>} : memref<128x128xf32, #tpu.memory_space<vmem>>, vector<16xf32>,
      %parallel_loop3A_505 = arith.constant 11.3137083 : f32
      %parallel_loop3A_506 = vector.broadcast %parallel_loop3A_505 : f32 to vector<16xf32>
      %parallel_loop3A_507 = arith.mulf %parallel_loop3A_504, %parallel_loop3A_506 : vector<16xf32>
      %parallel_loop3A_508 = arith.index_cast %parallel_loop3A_481 : i32 to index
      %parallel_loop3A_509 = arith.constant 32 : index
      %parallel_loop3A_510 = tpu.vector_load %arg9[%parallel_loop3A_508, %parallel_loop3A_509] {strides = array<i32>} : memref<256x128xf32, #tpu.memory_space<vmem>>, vector<16xf32>,
      %parallel_loop3A_511 = arith.addf %parallel_loop3A_507, %parallel_loop3A_510 : vector<16xf32>
      %parallel_loop3A_512 = arith.index_cast %parallel_loop3A_479 : i32 to index
      %parallel_loop3A_513 = arith.constant 48 : index
      %parallel_loop3A_514 = tpu.vector_load %arg14[%parallel_loop3A_512, %parallel_loop3A_513] {strides = array<i32>} : memref<128x128xf32, #tpu.memory_space<vmem>>, vector<16xf32>,
      %parallel_loop3A_515 = arith.constant 11.3137083 : f32
      %parallel_loop3A_516 = vector.broadcast %parallel_loop3A_515 : f32 to vector<16xf32>
      %parallel_loop3A_517 = arith.mulf %parallel_loop3A_514, %parallel_loop3A_516 : vector<16xf32>
      %parallel_loop3A_518 = arith.index_cast %parallel_loop3A_481 : i32 to index
      %parallel_loop3A_519 = arith.constant 48 : index
      %parallel_loop3A_520 = tpu.vector_load %arg9[%parallel_loop3A_518, %parallel_loop3A_519] {strides = array<i32>} : memref<256x128xf32, #tpu.memory_space<vmem>>, vector<16xf32>,
      %parallel_loop3A_521 = arith.addf %parallel_loop3A_517, %parallel_loop3A_520 : vector<16xf32>
      %parallel_loop3A_522 = arith.index_cast %parallel_loop3A_479 : i32 to index
      %parallel_loop3A_523 = arith.constant 64 : index
      %parallel_loop3A_524 = tpu.vector_load %arg14[%parallel_loop3A_522, %parallel_loop3A_523] {strides = array<i32>} : memref<128x128xf32, #tpu.memory_space<vmem>>, vector<16xf32>,
      %parallel_loop3A_525 = arith.constant 11.3137083 : f32
      %parallel_loop3A_526 = vector.broadcast %parallel_loop3A_525 : f32 to vector<16xf32>
      %parallel_loop3A_527 = arith.mulf %parallel_loop3A_524, %parallel_loop3A_526 : vector<16xf32>
      %parallel_loop3A_528 = arith.index_cast %parallel_loop3A_481 : i32 to index
      %parallel_loop3A_529 = arith.constant 64 : index
      %parallel_loop3A_530 = tpu.vector_load %arg9[%parallel_loop3A_528, %parallel_loop3A_529] {strides = array<i32>} : memref<256x128xf32, #tpu.memory_space<vmem>>, vector<16xf32>,
      %parallel_loop3A_531 = arith.addf %parallel_loop3A_527, %parallel_loop3A_530 : vector<16xf32>
      %parallel_loop3A_532 = arith.index_cast %parallel_loop3A_479 : i32 to index
      %parallel_loop3A_533 = arith.constant 80 : index
      %parallel_loop3A_534 = tpu.vector_load %arg14[%parallel_loop3A_532, %parallel_loop3A_533] {strides = array<i32>} : memref<128x128xf32, #tpu.memory_space<vmem>>, vector<16xf32>,
      %parallel_loop3A_535 = arith.constant 11.3137083 : f32
      %parallel_loop3A_536 = vector.broadcast %parallel_loop3A_535 : f32 to vector<16xf32>
      %parallel_loop3A_537 = arith.mulf %parallel_loop3A_534, %parallel_loop3A_536 : vector<16xf32>
      %parallel_loop3A_538 = arith.index_cast %parallel_loop3A_481 : i32 to index
      %parallel_loop3A_539 = arith.constant 80 : index
      %parallel_loop3A_540 = tpu.vector_load %arg9[%parallel_loop3A_538, %parallel_loop3A_539] {strides = array<i32>} : memref<256x128xf32, #tpu.memory_space<vmem>>, vector<16xf32>,
      %parallel_loop3A_541 = arith.addf %parallel_loop3A_537, %parallel_loop3A_540 : vector<16xf32>
      %parallel_loop3A_542 = arith.index_cast %parallel_loop3A_479 : i32 to index
      %parallel_loop3A_543 = arith.constant 96 : index
      %parallel_loop3A_544 = tpu.vector_load %arg14[%parallel_loop3A_542, %parallel_loop3A_543] {strides = array<i32>} : memref<128x128xf32, #tpu.memory_space<vmem>>, vector<16xf32>,
      %parallel_loop3A_545 = arith.constant 11.3137083 : f32
      %parallel_loop3A_546 = vector.broadcast %parallel_loop3A_545 : f32 to vector<16xf32>
      %parallel_loop3A_547 = arith.mulf %parallel_loop3A_544, %parallel_loop3A_546 : vector<16xf32>
      %parallel_loop3A_548 = arith.index_cast %parallel_loop3A_481 : i32 to index
      %parallel_loop3A_549 = arith.constant 96 : index
      %parallel_loop3A_550 = tpu.vector_load %arg9[%parallel_loop3A_548, %parallel_loop3A_549] {strides = array<i32>} : memref<256x128xf32, #tpu.memory_space<vmem>>, vector<16xf32>,
      %parallel_loop3A_551 = arith.addf %parallel_loop3A_547, %parallel_loop3A_550 : vector<16xf32>
      %parallel_loop3A_552 = arith.index_cast %parallel_loop3A_479 : i32 to index
      %parallel_loop3A_553 = arith.constant 112 : index
      %parallel_loop3A_554 = tpu.vector_load %arg14[%parallel_loop3A_552, %parallel_loop3A_553] {strides = array<i32>} : memref<128x128xf32, #tpu.memory_space<vmem>>, vector<16xf32>,
      %parallel_loop3A_555 = arith.constant 11.3137083 : f32
      %parallel_loop3A_556 = vector.broadcast %parallel_loop3A_555 : f32 to vector<16xf32>
      %parallel_loop3A_557 = arith.mulf %parallel_loop3A_554, %parallel_loop3A_556 : vector<16xf32>
      %parallel_loop3A_558 = arith.index_cast %parallel_loop3A_481 : i32 to index
      %parallel_loop3A_559 = arith.constant 112 : index
      %parallel_loop3A_560 = tpu.vector_load %arg9[%parallel_loop3A_558, %parallel_loop3A_559] {strides = array<i32>} : memref<256x128xf32, #tpu.memory_space<vmem>>, vector<16xf32>,
      %parallel_loop3A_561 = arith.addf %parallel_loop3A_557, %parallel_loop3A_560 : vector<16xf32>
      %parallel_loop3A_562 = arith.addf %parallel_loop3A_491, %parallel_loop3A_501 : vector<16xf32>
      %parallel_loop3A_563 = arith.addf %parallel_loop3A_511, %parallel_loop3A_521 : vector<16xf32>
      %parallel_loop3A_564 = arith.addf %parallel_loop3A_531, %parallel_loop3A_541 : vector<16xf32>
      %parallel_loop3A_565 = arith.addf %parallel_loop3A_551, %parallel_loop3A_561 : vector<16xf32>
      %parallel_loop3A_566 = arith.addf %parallel_loop3A_562, %parallel_loop3A_563 : vector<16xf32>
      %parallel_loop3A_567 = arith.addf %parallel_loop3A_564, %parallel_loop3A_565 : vector<16xf32>
      %parallel_loop3A_568 = arith.addf %parallel_loop3A_566, %parallel_loop3A_567 : vector<16xf32>
      %parallel_loop3A_569 = arith.constant true
      %parallel_loop3A_570 = vector.broadcast %parallel_loop3A_569 : i1 to vector<16xi1>
      %parallel_loop3A_571 = tpu.scan <sum>, %parallel_loop3A_568 masked %parallel_loop3A_570 : vector<16xf32>, vector<16xi1> -> vector<16xf32>
      %parallel_loop3A_572 = vector.extract %parallel_loop3A_571[15] : f32 from vector<16xf32>
      %parallel_loop3A_573 = vector.broadcast %parallel_loop3A_572 : f32 to vector<16xf32>
      %parallel_loop3A_574 = arith.mulf %parallel_loop3A_491, %parallel_loop3A_491 : vector<16xf32>
      %parallel_loop3A_575 = arith.mulf %parallel_loop3A_501, %parallel_loop3A_501 : vector<16xf32>
      %parallel_loop3A_576 = arith.mulf %parallel_loop3A_511, %parallel_loop3A_511 : vector<16xf32>
      %parallel_loop3A_577 = arith.mulf %parallel_loop3A_521, %parallel_loop3A_521 : vector<16xf32>
      %parallel_loop3A_578 = arith.mulf %parallel_loop3A_531, %parallel_loop3A_531 : vector<16xf32>
      %parallel_loop3A_579 = arith.mulf %parallel_loop3A_541, %parallel_loop3A_541 : vector<16xf32>
      %parallel_loop3A_580 = arith.mulf %parallel_loop3A_551, %parallel_loop3A_551 : vector<16xf32>
      %parallel_loop3A_581 = arith.mulf %parallel_loop3A_561, %parallel_loop3A_561 : vector<16xf32>
      %parallel_loop3A_582 = arith.addf %parallel_loop3A_574, %parallel_loop3A_575 : vector<16xf32>
      %parallel_loop3A_583 = arith.addf %parallel_loop3A_576, %parallel_loop3A_577 : vector<16xf32>
      %parallel_loop3A_584 = arith.addf %parallel_loop3A_578, %parallel_loop3A_579 : vector<16xf32>
      %parallel_loop3A_585 = arith.addf %parallel_loop3A_580, %parallel_loop3A_581 : vector<16xf32>
      %parallel_loop3A_586 = arith.addf %parallel_loop3A_582, %parallel_loop3A_583 : vector<16xf32>
      %parallel_loop3A_587 = arith.addf %parallel_loop3A_584, %parallel_loop3A_585 : vector<16xf32>
      %parallel_loop3A_588 = arith.addf %parallel_loop3A_586, %parallel_loop3A_587 : vector<16xf32>
      %parallel_loop3A_589 = arith.constant true
      %parallel_loop3A_590 = vector.broadcast %parallel_loop3A_589 : i1 to vector<16xi1>
      %parallel_loop3A_591 = tpu.scan <sum>, %parallel_loop3A_588 masked %parallel_loop3A_590 : vector<16xf32>, vector<16xi1> -> vector<16xf32>
      %parallel_loop3A_592 = vector.extract %parallel_loop3A_591[15] : f32 from vector<16xf32>
      %parallel_loop3A_593 = vector.broadcast %parallel_loop3A_592 : f32 to vector<16xf32>
      %parallel_loop3A_594 = arith.constant 7.812500e-03 : f32
      %parallel_loop3A_595 = vector.broadcast %parallel_loop3A_594 : f32 to vector<16xf32>
      %parallel_loop3A_596 = arith.mulf %parallel_loop3A_573, %parallel_loop3A_595 : vector<16xf32>
      %parallel_loop3A_597 = arith.constant 7.812500e-03 : f32
      %parallel_loop3A_598 = vector.broadcast %parallel_loop3A_597 : f32 to vector<16xf32>
      %parallel_loop3A_599 = arith.mulf %parallel_loop3A_593, %parallel_loop3A_598 : vector<16xf32>
      %parallel_loop3A_600 = arith.mulf %parallel_loop3A_596, %parallel_loop3A_596 : vector<16xf32>
      %parallel_loop3A_601 = arith.subf %parallel_loop3A_599, %parallel_loop3A_600 : vector<16xf32>
      %parallel_loop3A_602 = arith.constant 9.99999974E-6 : f32
      %parallel_loop3A_603 = vector.broadcast %parallel_loop3A_602 : f32 to vector<16xf32>
      %parallel_loop3A_604 = arith.addf %parallel_loop3A_601, %parallel_loop3A_603 : vector<16xf32>
      %parallel_loop3A_605 = vector.bitcast %parallel_loop3A_604 : vector<16xf32> to vector<16xi32>
      %parallel_loop3A_606 = arith.constant 1597463007 : i32
      %parallel_loop3A_607 = vector.broadcast %parallel_loop3A_606 : i32 to vector<16xi32>
      %parallel_loop3A_608 = arith.constant 1 : i32
      %parallel_loop3A_609 = vector.broadcast %parallel_loop3A_608 : i32 to vector<16xi32>
      %parallel_loop3A_610 = arith.shrsi %parallel_loop3A_605, %parallel_loop3A_609 : vector<16xi32>
      %parallel_loop3A_611 = arith.subi %parallel_loop3A_607, %parallel_loop3A_610 : vector<16xi32>
      %parallel_loop3A_612 = vector.bitcast %parallel_loop3A_611 : vector<16xi32> to vector<16xf32>
      %parallel_loop3A_613 = arith.constant 5.000000e-01 : f32
      %parallel_loop3A_614 = vector.broadcast %parallel_loop3A_613 : f32 to vector<16xf32>
      %parallel_loop3A_615 = arith.mulf %parallel_loop3A_614, %parallel_loop3A_604 : vector<16xf32>
      %parallel_loop3A_616 = arith.mulf %parallel_loop3A_615, %parallel_loop3A_612 : vector<16xf32>
      %parallel_loop3A_617 = arith.mulf %parallel_loop3A_616, %parallel_loop3A_612 : vector<16xf32>
      %parallel_loop3A_618 = arith.constant 1.500000e+00 : f32
      %parallel_loop3A_619 = vector.broadcast %parallel_loop3A_618 : f32 to vector<16xf32>
      %parallel_loop3A_620 = arith.subf %parallel_loop3A_619, %parallel_loop3A_617 : vector<16xf32>
      %parallel_loop3A_621 = arith.mulf %parallel_loop3A_612, %parallel_loop3A_620 : vector<16xf32>
      %parallel_loop3A_622 = arith.subf %parallel_loop3A_491, %parallel_loop3A_596 : vector<16xf32>
      %parallel_loop3A_623 = arith.mulf %parallel_loop3A_622, %parallel_loop3A_621 : vector<16xf32>
      %parallel_loop3A_624 = arith.mulf %parallel_loop3A_623, %get3A_222 : vector<16xf32>
      %parallel_loop3A_625 = arith.addf %parallel_loop3A_624, %get3A_238 : vector<16xf32>
      %parallel_loop3A_626 = arith.index_cast %parallel_loop3A_479 : i32 to index
      %parallel_loop3A_627 = arith.constant 0 : index
      %parallel_loop3A_628 = tpu.vector_load %arg15[%parallel_loop3A_626, %parallel_loop3A_627] {strides = array<i32>} : memref<128x128xf32, #tpu.memory_space<vmem>>, vector<16xf32>,
      tpu.vector_store %arg15[%parallel_loop3A_626, %parallel_loop3A_627], %parallel_loop3A_625 {strides = array<i32>} : memref<128x128xf32, #tpu.memory_space<vmem>>, vector<16xf32>,
      %parallel_loop3A_629 = arith.subf %parallel_loop3A_501, %parallel_loop3A_596 : vector<16xf32>
      %parallel_loop3A_630 = arith.mulf %parallel_loop3A_629, %parallel_loop3A_621 : vector<16xf32>
      %parallel_loop3A_631 = arith.mulf %parallel_loop3A_630, %get3A_224 : vector<16xf32>
      %parallel_loop3A_632 = arith.addf %parallel_loop3A_631, %get3A_240 : vector<16xf32>
      %parallel_loop3A_633 = arith.index_cast %parallel_loop3A_479 : i32 to index
      %parallel_loop3A_634 = arith.constant 16 : index
      %parallel_loop3A_635 = tpu.vector_load %arg15[%parallel_loop3A_633, %parallel_loop3A_634] {strides = array<i32>} : memref<128x128xf32, #tpu.memory_space<vmem>>, vector<16xf32>,
      tpu.vector_store %arg15[%parallel_loop3A_633, %parallel_loop3A_634], %parallel_loop3A_632 {strides = array<i32>} : memref<128x128xf32, #tpu.memory_space<vmem>>, vector<16xf32>,
      %parallel_loop3A_636 = arith.subf %parallel_loop3A_511, %parallel_loop3A_596 : vector<16xf32>
      %parallel_loop3A_637 = arith.mulf %parallel_loop3A_636, %parallel_loop3A_621 : vector<16xf32>
      %parallel_loop3A_638 = arith.mulf %parallel_loop3A_637, %get3A_226 : vector<16xf32>
      %parallel_loop3A_639 = arith.addf %parallel_loop3A_638, %get3A_242 : vector<16xf32>
      %parallel_loop3A_640 = arith.index_cast %parallel_loop3A_479 : i32 to index
      %parallel_loop3A_641 = arith.constant 32 : index
      %parallel_loop3A_642 = tpu.vector_load %arg15[%parallel_loop3A_640, %parallel_loop3A_641] {strides = array<i32>} : memref<128x128xf32, #tpu.memory_space<vmem>>, vector<16xf32>,
      tpu.vector_store %arg15[%parallel_loop3A_640, %parallel_loop3A_641], %parallel_loop3A_639 {strides = array<i32>} : memref<128x128xf32, #tpu.memory_space<vmem>>, vector<16xf32>,
      %parallel_loop3A_643 = arith.subf %parallel_loop3A_521, %parallel_loop3A_596 : vector<16xf32>
      %parallel_loop3A_644 = arith.mulf %parallel_loop3A_643, %parallel_loop3A_621 : vector<16xf32>
      %parallel_loop3A_645 = arith.mulf %parallel_loop3A_644, %get3A_228 : vector<16xf32>
      %parallel_loop3A_646 = arith.addf %parallel_loop3A_645, %get3A_244 : vector<16xf32>
      %parallel_loop3A_647 = arith.index_cast %parallel_loop3A_479 : i32 to index
      %parallel_loop3A_648 = arith.constant 48 : index
      %parallel_loop3A_649 = tpu.vector_load %arg15[%parallel_loop3A_647, %parallel_loop3A_648] {strides = array<i32>} : memref<128x128xf32, #tpu.memory_space<vmem>>, vector<16xf32>,
      tpu.vector_store %arg15[%parallel_loop3A_647, %parallel_loop3A_648], %parallel_loop3A_646 {strides = array<i32>} : memref<128x128xf32, #tpu.memory_space<vmem>>, vector<16xf32>,
      %parallel_loop3A_650 = arith.subf %parallel_loop3A_531, %parallel_loop3A_596 : vector<16xf32>
      %parallel_loop3A_651 = arith.mulf %parallel_loop3A_650, %parallel_loop3A_621 : vector<16xf32>
      %parallel_loop3A_652 = arith.mulf %parallel_loop3A_651, %get3A_230 : vector<16xf32>
      %parallel_loop3A_653 = arith.addf %parallel_loop3A_652, %get3A_246 : vector<16xf32>
      %parallel_loop3A_654 = arith.index_cast %parallel_loop3A_479 : i32 to index
      %parallel_loop3A_655 = arith.constant 64 : index
      %parallel_loop3A_656 = tpu.vector_load %arg15[%parallel_loop3A_654, %parallel_loop3A_655] {strides = array<i32>} : memref<128x128xf32, #tpu.memory_space<vmem>>, vector<16xf32>,
      tpu.vector_store %arg15[%parallel_loop3A_654, %parallel_loop3A_655], %parallel_loop3A_653 {strides = array<i32>} : memref<128x128xf32, #tpu.memory_space<vmem>>, vector<16xf32>,
      %parallel_loop3A_657 = arith.subf %parallel_loop3A_541, %parallel_loop3A_596 : vector<16xf32>
      %parallel_loop3A_658 = arith.mulf %parallel_loop3A_657, %parallel_loop3A_621 : vector<16xf32>
      %parallel_loop3A_659 = arith.mulf %parallel_loop3A_658, %get3A_232 : vector<16xf32>
      %parallel_loop3A_660 = arith.addf %parallel_loop3A_659, %get3A_248 : vector<16xf32>
      %parallel_loop3A_661 = arith.index_cast %parallel_loop3A_479 : i32 to index
      %parallel_loop3A_662 = arith.constant 80 : index
      %parallel_loop3A_663 = tpu.vector_load %arg15[%parallel_loop3A_661, %parallel_loop3A_662] {strides = array<i32>} : memref<128x128xf32, #tpu.memory_space<vmem>>, vector<16xf32>,
      tpu.vector_store %arg15[%parallel_loop3A_661, %parallel_loop3A_662], %parallel_loop3A_660 {strides = array<i32>} : memref<128x128xf32, #tpu.memory_space<vmem>>, vector<16xf32>,
      %parallel_loop3A_664 = arith.subf %parallel_loop3A_551, %parallel_loop3A_596 : vector<16xf32>
      %parallel_loop3A_665 = arith.mulf %parallel_loop3A_664, %parallel_loop3A_621 : vector<16xf32>
      %parallel_loop3A_666 = arith.mulf %parallel_loop3A_665, %get3A_234 : vector<16xf32>
      %parallel_loop3A_667 = arith.addf %parallel_loop3A_666, %get3A_250 : vector<16xf32>
      %parallel_loop3A_668 = arith.index_cast %parallel_loop3A_479 : i32 to index
      %parallel_loop3A_669 = arith.constant 96 : index
      %parallel_loop3A_670 = tpu.vector_load %arg15[%parallel_loop3A_668, %parallel_loop3A_669] {strides = array<i32>} : memref<128x128xf32, #tpu.memory_space<vmem>>, vector<16xf32>,
      tpu.vector_store %arg15[%parallel_loop3A_668, %parallel_loop3A_669], %parallel_loop3A_667 {strides = array<i32>} : memref<128x128xf32, #tpu.memory_space<vmem>>, vector<16xf32>,
      %parallel_loop3A_671 = arith.subf %parallel_loop3A_561, %parallel_loop3A_596 : vector<16xf32>
      %parallel_loop3A_672 = arith.mulf %parallel_loop3A_671, %parallel_loop3A_621 : vector<16xf32>
      %parallel_loop3A_673 = arith.mulf %parallel_loop3A_672, %get3A_236 : vector<16xf32>
      %parallel_loop3A_674 = arith.addf %parallel_loop3A_673, %get3A_252 : vector<16xf32>
      %parallel_loop3A_675 = arith.index_cast %parallel_loop3A_479 : i32 to index
      %parallel_loop3A_676 = arith.constant 112 : index
      %parallel_loop3A_677 = tpu.vector_load %arg15[%parallel_loop3A_675, %parallel_loop3A_676] {strides = array<i32>} : memref<128x128xf32, #tpu.memory_space<vmem>>, vector<16xf32>,
      tpu.vector_store %arg15[%parallel_loop3A_675, %parallel_loop3A_676], %parallel_loop3A_674 {strides = array<i32>} : memref<128x128xf32, #tpu.memory_space<vmem>>, vector<16xf32>,
    } {sc.loop_unroll_factor = 1 : i64, sc.parallel_access}
    %dma_start3A_320 = arith.constant 5 : i32
    %dma_start3A_321 = arith.constant 0 : i32
    %dma_start3A_322 = tpu.memref_slice %arg8[%dma_start3A_320, %dma_start3A_321] : memref<8x128xi32, #tpu.memory_space<vmem>> -> memref<1x128xi32, #tpu.memory_space<vmem>>
    %dma_start3A_323 = tpu.memref_squeeze %dma_start3A_322 : memref<1x128xi32, #tpu.memory_space<vmem>> -> memref<128xi32, #tpu.memory_space<vmem>>
    %dma_start3A_324 = arith.constant 0 : i32
    %dma_start3A_325 = arith.constant 0 : i32
    %dma_start3A_326 = tpu.memref_slice %arg2[%dma_start3A_324, %dma_start3A_325] : memref<100000x128xf32, #tpu.memory_space<hbm>> -> memref<100000x128xf32, #tpu.memory_space<hbm>>
    tpu.enqueue_indirect_dma source(%dma_start3A_326 : memref<100000x128xf32, #tpu.memory_space<hbm>>) target(%arg14 : memref<128x128xf32, #tpu.memory_space<vmem>>) offsets(%dma_start3A_323 : memref<128xi32, #tpu.memory_space<vmem>>) semaphore(%arg19 : memref<!tpu.dma_semaphore, #tpu.memory_space<semaphore_mem>>)
    %mul3A_327 = arith.constant 256 : i32
    %mul3A_328 = arith.muli %add3A, %mul3A_327 : i32
    %add3A_329 = arith.constant 8192 : i32
    %add3A_330 = arith.addi %add3A_329, %mul3A_328 : i32
    %add3A_331 = arith.constant 0 : i32
    %add3A_332 = arith.addi %add3A_330, %add3A_331 : i32
    %dma_start3A_333 = arith.constant 0 : i32
    %dma_start3A_334 = tpu.memref_slice %arg7[%add3A_332, %dma_start3A_333] : memref<32768x128xf32, #tpu.memory_space<hbm>> -> memref<128x128xf32, #tpu.memory_space<hbm>>
    %dma_start3A_335 = arith.constant 0 : i32
    %dma_start3A_336 = tpu.memref_slice %arg7[%add3A_332, %dma_start3A_335] : memref<32768x128xf32, #tpu.memory_space<hbm>> -> memref<128x128xf32, #tpu.memory_space<hbm>>
    tpu.enqueue_dma source(%arg15 : memref<128x128xf32, #tpu.memory_space<vmem>>) target(%dma_start3A_336 : memref<128x128xf32, #tpu.memory_space<hbm>>) target_semaphore(%arg20 : memref<!tpu.dma_semaphore, #tpu.memory_space<semaphore_mem>>)
    %dma_wait3A_337 = arith.constant 3 : i32
    %dma_wait3A_338 = arith.constant 0 : i32
    %dma_wait3A_339 = tpu.memref_slice %arg8[%dma_wait3A_337, %dma_wait3A_338] : memref<8x128xi32, #tpu.memory_space<vmem>> -> memref<1x128xi32, #tpu.memory_space<vmem>>
    %dma_wait3A_340 = tpu.memref_squeeze %dma_wait3A_339 : memref<1x128xi32, #tpu.memory_space<vmem>> -> memref<128xi32, #tpu.memory_space<vmem>>
    %dma_wait3A_341 = arith.constant 0 : i32
    %dma_wait3A_342 = arith.constant 0 : i32
    %dma_wait3A_343 = tpu.memref_slice %arg2[%dma_wait3A_341, %dma_wait3A_342] : memref<100000x128xf32, #tpu.memory_space<hbm>> -> memref<100000x128xf32, #tpu.memory_space<hbm>>
    tpu.wait_indirect_dma semaphore(%arg17 : memref<!tpu.dma_semaphore, #tpu.memory_space<semaphore_mem>>) src(%dma_wait3A_343 : memref<100000x128xf32, #tpu.memory_space<hbm>>) dst(%arg12 : memref<128x128xf32, #tpu.memory_space<vmem>>)
    %dma_wait3A_344 = arith.constant 0 : i32
    %dma_wait3A_345 = tpu.memref_slice %arg7[%add3A_301, %dma_wait3A_344] : memref<32768x128xf32, #tpu.memory_space<hbm>> -> memref<128x128xf32, #tpu.memory_space<hbm>>
    %dma_wait3A_346 = arith.constant 0 : i32
    %dma_wait3A_347 = tpu.memref_slice %arg7[%add3A_301, %dma_wait3A_346] : memref<32768x128xf32, #tpu.memory_space<hbm>> -> memref<128x128xf32, #tpu.memory_space<hbm>>
    tpu.wait_dma2 semaphore(%arg21 : memref<!tpu.dma_semaphore, #tpu.memory_space<semaphore_mem>>) src(%arg16 : memref<128x128xf32, #tpu.memory_space<vmem>>) dst(%dma_wait3A_347 : memref<128x128xf32, #tpu.memory_space<hbm>>)
    %parallel_loop3A_348 = arith.constant 0 : i32
    %parallel_loop3A_349 = arith.constant 128 : i32
    %parallel_loop3A_350 = arith.constant 1 : i32
    scf.for %parallel_loop3A_479 = %parallel_loop3A_348 to %parallel_loop3A_349 step %parallel_loop3A_350  : i32 {
      %parallel_loop3A_480 = arith.constant 128 : i32
      %parallel_loop3A_481 = arith.addi %parallel_loop3A_480, %parallel_loop3A_479 : i32
      %parallel_loop3A_482 = arith.index_cast %parallel_loop3A_479 : i32 to index
      %parallel_loop3A_483 = arith.constant 0 : index
      %parallel_loop3A_484 = tpu.vector_load %arg12[%parallel_loop3A_482, %parallel_loop3A_483] {strides = array<i32>} : memref<128x128xf32, #tpu.memory_space<vmem>>, vector<16xf32>,
      %parallel_loop3A_485 = arith.constant 11.3137083 : f32
      %parallel_loop3A_486 = vector.broadcast %parallel_loop3A_485 : f32 to vector<16xf32>
      %parallel_loop3A_487 = arith.mulf %parallel_loop3A_484, %parallel_loop3A_486 : vector<16xf32>
      %parallel_loop3A_488 = arith.index_cast %parallel_loop3A_481 : i32 to index
      %parallel_loop3A_489 = arith.constant 0 : index
      %parallel_loop3A_490 = tpu.vector_load %arg9[%parallel_loop3A_488, %parallel_loop3A_489] {strides = array<i32>} : memref<256x128xf32, #tpu.memory_space<vmem>>, vector<16xf32>,
      %parallel_loop3A_491 = arith.addf %parallel_loop3A_487, %parallel_loop3A_490 : vector<16xf32>
      %parallel_loop3A_492 = arith.index_cast %parallel_loop3A_479 : i32 to index
      %parallel_loop3A_493 = arith.constant 16 : index
      %parallel_loop3A_494 = tpu.vector_load %arg12[%parallel_loop3A_492, %parallel_loop3A_493] {strides = array<i32>} : memref<128x128xf32, #tpu.memory_space<vmem>>, vector<16xf32>,
      %parallel_loop3A_495 = arith.constant 11.3137083 : f32
      %parallel_loop3A_496 = vector.broadcast %parallel_loop3A_495 : f32 to vector<16xf32>
      %parallel_loop3A_497 = arith.mulf %parallel_loop3A_494, %parallel_loop3A_496 : vector<16xf32>
      %parallel_loop3A_498 = arith.index_cast %parallel_loop3A_481 : i32 to index
      %parallel_loop3A_499 = arith.constant 16 : index
      %parallel_loop3A_500 = tpu.vector_load %arg9[%parallel_loop3A_498, %parallel_loop3A_499] {strides = array<i32>} : memref<256x128xf32, #tpu.memory_space<vmem>>, vector<16xf32>,
      %parallel_loop3A_501 = arith.addf %parallel_loop3A_497, %parallel_loop3A_500 : vector<16xf32>
      %parallel_loop3A_502 = arith.index_cast %parallel_loop3A_479 : i32 to index
      %parallel_loop3A_503 = arith.constant 32 : index
      %parallel_loop3A_504 = tpu.vector_load %arg12[%parallel_loop3A_502, %parallel_loop3A_503] {strides = array<i32>} : memref<128x128xf32, #tpu.memory_space<vmem>>, vector<16xf32>,
      %parallel_loop3A_505 = arith.constant 11.3137083 : f32
      %parallel_loop3A_506 = vector.broadcast %parallel_loop3A_505 : f32 to vector<16xf32>
      %parallel_loop3A_507 = arith.mulf %parallel_loop3A_504, %parallel_loop3A_506 : vector<16xf32>
      %parallel_loop3A_508 = arith.index_cast %parallel_loop3A_481 : i32 to index
      %parallel_loop3A_509 = arith.constant 32 : index
      %parallel_loop3A_510 = tpu.vector_load %arg9[%parallel_loop3A_508, %parallel_loop3A_509] {strides = array<i32>} : memref<256x128xf32, #tpu.memory_space<vmem>>, vector<16xf32>,
      %parallel_loop3A_511 = arith.addf %parallel_loop3A_507, %parallel_loop3A_510 : vector<16xf32>
      %parallel_loop3A_512 = arith.index_cast %parallel_loop3A_479 : i32 to index
      %parallel_loop3A_513 = arith.constant 48 : index
      %parallel_loop3A_514 = tpu.vector_load %arg12[%parallel_loop3A_512, %parallel_loop3A_513] {strides = array<i32>} : memref<128x128xf32, #tpu.memory_space<vmem>>, vector<16xf32>,
      %parallel_loop3A_515 = arith.constant 11.3137083 : f32
      %parallel_loop3A_516 = vector.broadcast %parallel_loop3A_515 : f32 to vector<16xf32>
      %parallel_loop3A_517 = arith.mulf %parallel_loop3A_514, %parallel_loop3A_516 : vector<16xf32>
      %parallel_loop3A_518 = arith.index_cast %parallel_loop3A_481 : i32 to index
      %parallel_loop3A_519 = arith.constant 48 : index
      %parallel_loop3A_520 = tpu.vector_load %arg9[%parallel_loop3A_518, %parallel_loop3A_519] {strides = array<i32>} : memref<256x128xf32, #tpu.memory_space<vmem>>, vector<16xf32>,
      %parallel_loop3A_521 = arith.addf %parallel_loop3A_517, %parallel_loop3A_520 : vector<16xf32>
      %parallel_loop3A_522 = arith.index_cast %parallel_loop3A_479 : i32 to index
      %parallel_loop3A_523 = arith.constant 64 : index
      %parallel_loop3A_524 = tpu.vector_load %arg12[%parallel_loop3A_522, %parallel_loop3A_523] {strides = array<i32>} : memref<128x128xf32, #tpu.memory_space<vmem>>, vector<16xf32>,
      %parallel_loop3A_525 = arith.constant 11.3137083 : f32
      %parallel_loop3A_526 = vector.broadcast %parallel_loop3A_525 : f32 to vector<16xf32>
      %parallel_loop3A_527 = arith.mulf %parallel_loop3A_524, %parallel_loop3A_526 : vector<16xf32>
      %parallel_loop3A_528 = arith.index_cast %parallel_loop3A_481 : i32 to index
      %parallel_loop3A_529 = arith.constant 64 : index
      %parallel_loop3A_530 = tpu.vector_load %arg9[%parallel_loop3A_528, %parallel_loop3A_529] {strides = array<i32>} : memref<256x128xf32, #tpu.memory_space<vmem>>, vector<16xf32>,
      %parallel_loop3A_531 = arith.addf %parallel_loop3A_527, %parallel_loop3A_530 : vector<16xf32>
      %parallel_loop3A_532 = arith.index_cast %parallel_loop3A_479 : i32 to index
      %parallel_loop3A_533 = arith.constant 80 : index
      %parallel_loop3A_534 = tpu.vector_load %arg12[%parallel_loop3A_532, %parallel_loop3A_533] {strides = array<i32>} : memref<128x128xf32, #tpu.memory_space<vmem>>, vector<16xf32>,
      %parallel_loop3A_535 = arith.constant 11.3137083 : f32
      %parallel_loop3A_536 = vector.broadcast %parallel_loop3A_535 : f32 to vector<16xf32>
      %parallel_loop3A_537 = arith.mulf %parallel_loop3A_534, %parallel_loop3A_536 : vector<16xf32>
      %parallel_loop3A_538 = arith.index_cast %parallel_loop3A_481 : i32 to index
      %parallel_loop3A_539 = arith.constant 80 : index
      %parallel_loop3A_540 = tpu.vector_load %arg9[%parallel_loop3A_538, %parallel_loop3A_539] {strides = array<i32>} : memref<256x128xf32, #tpu.memory_space<vmem>>, vector<16xf32>,
      %parallel_loop3A_541 = arith.addf %parallel_loop3A_537, %parallel_loop3A_540 : vector<16xf32>
      %parallel_loop3A_542 = arith.index_cast %parallel_loop3A_479 : i32 to index
      %parallel_loop3A_543 = arith.constant 96 : index
      %parallel_loop3A_544 = tpu.vector_load %arg12[%parallel_loop3A_542, %parallel_loop3A_543] {strides = array<i32>} : memref<128x128xf32, #tpu.memory_space<vmem>>, vector<16xf32>,
      %parallel_loop3A_545 = arith.constant 11.3137083 : f32
      %parallel_loop3A_546 = vector.broadcast %parallel_loop3A_545 : f32 to vector<16xf32>
      %parallel_loop3A_547 = arith.mulf %parallel_loop3A_544, %parallel_loop3A_546 : vector<16xf32>
      %parallel_loop3A_548 = arith.index_cast %parallel_loop3A_481 : i32 to index
      %parallel_loop3A_549 = arith.constant 96 : index
      %parallel_loop3A_550 = tpu.vector_load %arg9[%parallel_loop3A_548, %parallel_loop3A_549] {strides = array<i32>} : memref<256x128xf32, #tpu.memory_space<vmem>>, vector<16xf32>,
      %parallel_loop3A_551 = arith.addf %parallel_loop3A_547, %parallel_loop3A_550 : vector<16xf32>
      %parallel_loop3A_552 = arith.index_cast %parallel_loop3A_479 : i32 to index
      %parallel_loop3A_553 = arith.constant 112 : index
      %parallel_loop3A_554 = tpu.vector_load %arg12[%parallel_loop3A_552, %parallel_loop3A_553] {strides = array<i32>} : memref<128x128xf32, #tpu.memory_space<vmem>>, vector<16xf32>,
      %parallel_loop3A_555 = arith.constant 11.3137083 : f32
      %parallel_loop3A_556 = vector.broadcast %parallel_loop3A_555 : f32 to vector<16xf32>
      %parallel_loop3A_557 = arith.mulf %parallel_loop3A_554, %parallel_loop3A_556 : vector<16xf32>
      %parallel_loop3A_558 = arith.index_cast %parallel_loop3A_481 : i32 to index
      %parallel_loop3A_559 = arith.constant 112 : index
      %parallel_loop3A_560 = tpu.vector_load %arg9[%parallel_loop3A_558, %parallel_loop3A_559] {strides = array<i32>} : memref<256x128xf32, #tpu.memory_space<vmem>>, vector<16xf32>,
      %parallel_loop3A_561 = arith.addf %parallel_loop3A_557, %parallel_loop3A_560 : vector<16xf32>
      %parallel_loop3A_562 = arith.addf %parallel_loop3A_491, %parallel_loop3A_501 : vector<16xf32>
      %parallel_loop3A_563 = arith.addf %parallel_loop3A_511, %parallel_loop3A_521 : vector<16xf32>
      %parallel_loop3A_564 = arith.addf %parallel_loop3A_531, %parallel_loop3A_541 : vector<16xf32>
      %parallel_loop3A_565 = arith.addf %parallel_loop3A_551, %parallel_loop3A_561 : vector<16xf32>
      %parallel_loop3A_566 = arith.addf %parallel_loop3A_562, %parallel_loop3A_563 : vector<16xf32>
      %parallel_loop3A_567 = arith.addf %parallel_loop3A_564, %parallel_loop3A_565 : vector<16xf32>
      %parallel_loop3A_568 = arith.addf %parallel_loop3A_566, %parallel_loop3A_567 : vector<16xf32>
      %parallel_loop3A_569 = arith.constant true
      %parallel_loop3A_570 = vector.broadcast %parallel_loop3A_569 : i1 to vector<16xi1>
      %parallel_loop3A_571 = tpu.scan <sum>, %parallel_loop3A_568 masked %parallel_loop3A_570 : vector<16xf32>, vector<16xi1> -> vector<16xf32>
      %parallel_loop3A_572 = vector.extract %parallel_loop3A_571[15] : f32 from vector<16xf32>
      %parallel_loop3A_573 = vector.broadcast %parallel_loop3A_572 : f32 to vector<16xf32>
      %parallel_loop3A_574 = arith.mulf %parallel_loop3A_491, %parallel_loop3A_491 : vector<16xf32>
      %parallel_loop3A_575 = arith.mulf %parallel_loop3A_501, %parallel_loop3A_501 : vector<16xf32>
      %parallel_loop3A_576 = arith.mulf %parallel_loop3A_511, %parallel_loop3A_511 : vector<16xf32>
      %parallel_loop3A_577 = arith.mulf %parallel_loop3A_521, %parallel_loop3A_521 : vector<16xf32>
      %parallel_loop3A_578 = arith.mulf %parallel_loop3A_531, %parallel_loop3A_531 : vector<16xf32>
      %parallel_loop3A_579 = arith.mulf %parallel_loop3A_541, %parallel_loop3A_541 : vector<16xf32>
      %parallel_loop3A_580 = arith.mulf %parallel_loop3A_551, %parallel_loop3A_551 : vector<16xf32>
      %parallel_loop3A_581 = arith.mulf %parallel_loop3A_561, %parallel_loop3A_561 : vector<16xf32>
      %parallel_loop3A_582 = arith.addf %parallel_loop3A_574, %parallel_loop3A_575 : vector<16xf32>
      %parallel_loop3A_583 = arith.addf %parallel_loop3A_576, %parallel_loop3A_577 : vector<16xf32>
      %parallel_loop3A_584 = arith.addf %parallel_loop3A_578, %parallel_loop3A_579 : vector<16xf32>
      %parallel_loop3A_585 = arith.addf %parallel_loop3A_580, %parallel_loop3A_581 : vector<16xf32>
      %parallel_loop3A_586 = arith.addf %parallel_loop3A_582, %parallel_loop3A_583 : vector<16xf32>
      %parallel_loop3A_587 = arith.addf %parallel_loop3A_584, %parallel_loop3A_585 : vector<16xf32>
      %parallel_loop3A_588 = arith.addf %parallel_loop3A_586, %parallel_loop3A_587 : vector<16xf32>
      %parallel_loop3A_589 = arith.constant true
      %parallel_loop3A_590 = vector.broadcast %parallel_loop3A_589 : i1 to vector<16xi1>
      %parallel_loop3A_591 = tpu.scan <sum>, %parallel_loop3A_588 masked %parallel_loop3A_590 : vector<16xf32>, vector<16xi1> -> vector<16xf32>
      %parallel_loop3A_592 = vector.extract %parallel_loop3A_591[15] : f32 from vector<16xf32>
      %parallel_loop3A_593 = vector.broadcast %parallel_loop3A_592 : f32 to vector<16xf32>
      %parallel_loop3A_594 = arith.constant 7.812500e-03 : f32
      %parallel_loop3A_595 = vector.broadcast %parallel_loop3A_594 : f32 to vector<16xf32>
      %parallel_loop3A_596 = arith.mulf %parallel_loop3A_573, %parallel_loop3A_595 : vector<16xf32>
      %parallel_loop3A_597 = arith.constant 7.812500e-03 : f32
      %parallel_loop3A_598 = vector.broadcast %parallel_loop3A_597 : f32 to vector<16xf32>
      %parallel_loop3A_599 = arith.mulf %parallel_loop3A_593, %parallel_loop3A_598 : vector<16xf32>
      %parallel_loop3A_600 = arith.mulf %parallel_loop3A_596, %parallel_loop3A_596 : vector<16xf32>
      %parallel_loop3A_601 = arith.subf %parallel_loop3A_599, %parallel_loop3A_600 : vector<16xf32>
      %parallel_loop3A_602 = arith.constant 9.99999974E-6 : f32
      %parallel_loop3A_603 = vector.broadcast %parallel_loop3A_602 : f32 to vector<16xf32>
      %parallel_loop3A_604 = arith.addf %parallel_loop3A_601, %parallel_loop3A_603 : vector<16xf32>
      %parallel_loop3A_605 = vector.bitcast %parallel_loop3A_604 : vector<16xf32> to vector<16xi32>
      %parallel_loop3A_606 = arith.constant 1597463007 : i32
      %parallel_loop3A_607 = vector.broadcast %parallel_loop3A_606 : i32 to vector<16xi32>
      %parallel_loop3A_608 = arith.constant 1 : i32
      %parallel_loop3A_609 = vector.broadcast %parallel_loop3A_608 : i32 to vector<16xi32>
      %parallel_loop3A_610 = arith.shrsi %parallel_loop3A_605, %parallel_loop3A_609 : vector<16xi32>
      %parallel_loop3A_611 = arith.subi %parallel_loop3A_607, %parallel_loop3A_610 : vector<16xi32>
      %parallel_loop3A_612 = vector.bitcast %parallel_loop3A_611 : vector<16xi32> to vector<16xf32>
      %parallel_loop3A_613 = arith.constant 5.000000e-01 : f32
      %parallel_loop3A_614 = vector.broadcast %parallel_loop3A_613 : f32 to vector<16xf32>
      %parallel_loop3A_615 = arith.mulf %parallel_loop3A_614, %parallel_loop3A_604 : vector<16xf32>
      %parallel_loop3A_616 = arith.mulf %parallel_loop3A_615, %parallel_loop3A_612 : vector<16xf32>
      %parallel_loop3A_617 = arith.mulf %parallel_loop3A_616, %parallel_loop3A_612 : vector<16xf32>
      %parallel_loop3A_618 = arith.constant 1.500000e+00 : f32
      %parallel_loop3A_619 = vector.broadcast %parallel_loop3A_618 : f32 to vector<16xf32>
      %parallel_loop3A_620 = arith.subf %parallel_loop3A_619, %parallel_loop3A_617 : vector<16xf32>
      %parallel_loop3A_621 = arith.mulf %parallel_loop3A_612, %parallel_loop3A_620 : vector<16xf32>
      %parallel_loop3A_622 = arith.subf %parallel_loop3A_491, %parallel_loop3A_596 : vector<16xf32>
      %parallel_loop3A_623 = arith.mulf %parallel_loop3A_622, %parallel_loop3A_621 : vector<16xf32>
      %parallel_loop3A_624 = arith.mulf %parallel_loop3A_623, %get3A_222 : vector<16xf32>
      %parallel_loop3A_625 = arith.addf %parallel_loop3A_624, %get3A_238 : vector<16xf32>
      %parallel_loop3A_626 = arith.index_cast %parallel_loop3A_479 : i32 to index
      %parallel_loop3A_627 = arith.constant 0 : index
      %parallel_loop3A_628 = tpu.vector_load %arg16[%parallel_loop3A_626, %parallel_loop3A_627] {strides = array<i32>} : memref<128x128xf32, #tpu.memory_space<vmem>>, vector<16xf32>,
      tpu.vector_store %arg16[%parallel_loop3A_626, %parallel_loop3A_627], %parallel_loop3A_625 {strides = array<i32>} : memref<128x128xf32, #tpu.memory_space<vmem>>, vector<16xf32>,
      %parallel_loop3A_629 = arith.subf %parallel_loop3A_501, %parallel_loop3A_596 : vector<16xf32>
      %parallel_loop3A_630 = arith.mulf %parallel_loop3A_629, %parallel_loop3A_621 : vector<16xf32>
      %parallel_loop3A_631 = arith.mulf %parallel_loop3A_630, %get3A_224 : vector<16xf32>
      %parallel_loop3A_632 = arith.addf %parallel_loop3A_631, %get3A_240 : vector<16xf32>
      %parallel_loop3A_633 = arith.index_cast %parallel_loop3A_479 : i32 to index
      %parallel_loop3A_634 = arith.constant 16 : index
      %parallel_loop3A_635 = tpu.vector_load %arg16[%parallel_loop3A_633, %parallel_loop3A_634] {strides = array<i32>} : memref<128x128xf32, #tpu.memory_space<vmem>>, vector<16xf32>,
      tpu.vector_store %arg16[%parallel_loop3A_633, %parallel_loop3A_634], %parallel_loop3A_632 {strides = array<i32>} : memref<128x128xf32, #tpu.memory_space<vmem>>, vector<16xf32>,
      %parallel_loop3A_636 = arith.subf %parallel_loop3A_511, %parallel_loop3A_596 : vector<16xf32>
      %parallel_loop3A_637 = arith.mulf %parallel_loop3A_636, %parallel_loop3A_621 : vector<16xf32>
      %parallel_loop3A_638 = arith.mulf %parallel_loop3A_637, %get3A_226 : vector<16xf32>
      %parallel_loop3A_639 = arith.addf %parallel_loop3A_638, %get3A_242 : vector<16xf32>
      %parallel_loop3A_640 = arith.index_cast %parallel_loop3A_479 : i32 to index
      %parallel_loop3A_641 = arith.constant 32 : index
      %parallel_loop3A_642 = tpu.vector_load %arg16[%parallel_loop3A_640, %parallel_loop3A_641] {strides = array<i32>} : memref<128x128xf32, #tpu.memory_space<vmem>>, vector<16xf32>,
      tpu.vector_store %arg16[%parallel_loop3A_640, %parallel_loop3A_641], %parallel_loop3A_639 {strides = array<i32>} : memref<128x128xf32, #tpu.memory_space<vmem>>, vector<16xf32>,
      %parallel_loop3A_643 = arith.subf %parallel_loop3A_521, %parallel_loop3A_596 : vector<16xf32>
      %parallel_loop3A_644 = arith.mulf %parallel_loop3A_643, %parallel_loop3A_621 : vector<16xf32>
      %parallel_loop3A_645 = arith.mulf %parallel_loop3A_644, %get3A_228 : vector<16xf32>
      %parallel_loop3A_646 = arith.addf %parallel_loop3A_645, %get3A_244 : vector<16xf32>
      %parallel_loop3A_647 = arith.index_cast %parallel_loop3A_479 : i32 to index
      %parallel_loop3A_648 = arith.constant 48 : index
      %parallel_loop3A_649 = tpu.vector_load %arg16[%parallel_loop3A_647, %parallel_loop3A_648] {strides = array<i32>} : memref<128x128xf32, #tpu.memory_space<vmem>>, vector<16xf32>,
      tpu.vector_store %arg16[%parallel_loop3A_647, %parallel_loop3A_648], %parallel_loop3A_646 {strides = array<i32>} : memref<128x128xf32, #tpu.memory_space<vmem>>, vector<16xf32>,
      %parallel_loop3A_650 = arith.subf %parallel_loop3A_531, %parallel_loop3A_596 : vector<16xf32>
      %parallel_loop3A_651 = arith.mulf %parallel_loop3A_650, %parallel_loop3A_621 : vector<16xf32>
      %parallel_loop3A_652 = arith.mulf %parallel_loop3A_651, %get3A_230 : vector<16xf32>
      %parallel_loop3A_653 = arith.addf %parallel_loop3A_652, %get3A_246 : vector<16xf32>
      %parallel_loop3A_654 = arith.index_cast %parallel_loop3A_479 : i32 to index
      %parallel_loop3A_655 = arith.constant 64 : index
      %parallel_loop3A_656 = tpu.vector_load %arg16[%parallel_loop3A_654, %parallel_loop3A_655] {strides = array<i32>} : memref<128x128xf32, #tpu.memory_space<vmem>>, vector<16xf32>,
      tpu.vector_store %arg16[%parallel_loop3A_654, %parallel_loop3A_655], %parallel_loop3A_653 {strides = array<i32>} : memref<128x128xf32, #tpu.memory_space<vmem>>, vector<16xf32>,
      %parallel_loop3A_657 = arith.subf %parallel_loop3A_541, %parallel_loop3A_596 : vector<16xf32>
      %parallel_loop3A_658 = arith.mulf %parallel_loop3A_657, %parallel_loop3A_621 : vector<16xf32>
      %parallel_loop3A_659 = arith.mulf %parallel_loop3A_658, %get3A_232 : vector<16xf32>
      %parallel_loop3A_660 = arith.addf %parallel_loop3A_659, %get3A_248 : vector<16xf32>
      %parallel_loop3A_661 = arith.index_cast %parallel_loop3A_479 : i32 to index
      %parallel_loop3A_662 = arith.constant 80 : index
      %parallel_loop3A_663 = tpu.vector_load %arg16[%parallel_loop3A_661, %parallel_loop3A_662] {strides = array<i32>} : memref<128x128xf32, #tpu.memory_space<vmem>>, vector<16xf32>,
      tpu.vector_store %arg16[%parallel_loop3A_661, %parallel_loop3A_662], %parallel_loop3A_660 {strides = array<i32>} : memref<128x128xf32, #tpu.memory_space<vmem>>, vector<16xf32>,
      %parallel_loop3A_664 = arith.subf %parallel_loop3A_551, %parallel_loop3A_596 : vector<16xf32>
      %parallel_loop3A_665 = arith.mulf %parallel_loop3A_664, %parallel_loop3A_621 : vector<16xf32>
      %parallel_loop3A_666 = arith.mulf %parallel_loop3A_665, %get3A_234 : vector<16xf32>
      %parallel_loop3A_667 = arith.addf %parallel_loop3A_666, %get3A_250 : vector<16xf32>
      %parallel_loop3A_668 = arith.index_cast %parallel_loop3A_479 : i32 to index
      %parallel_loop3A_669 = arith.constant 96 : index
      %parallel_loop3A_670 = tpu.vector_load %arg16[%parallel_loop3A_668, %parallel_loop3A_669] {strides = array<i32>} : memref<128x128xf32, #tpu.memory_space<vmem>>, vector<16xf32>,
      tpu.vector_store %arg16[%parallel_loop3A_668, %parallel_loop3A_669], %parallel_loop3A_667 {strides = array<i32>} : memref<128x128xf32, #tpu.memory_space<vmem>>, vector<16xf32>,
      %parallel_loop3A_671 = arith.subf %parallel_loop3A_561, %parallel_loop3A_596 : vector<16xf32>
      %parallel_loop3A_672 = arith.mulf %parallel_loop3A_671, %parallel_loop3A_621 : vector<16xf32>
      %parallel_loop3A_673 = arith.mulf %parallel_loop3A_672, %get3A_236 : vector<16xf32>
      %parallel_loop3A_674 = arith.addf %parallel_loop3A_673, %get3A_252 : vector<16xf32>
      %parallel_loop3A_675 = arith.index_cast %parallel_loop3A_479 : i32 to index
      %parallel_loop3A_676 = arith.constant 112 : index
      %parallel_loop3A_677 = tpu.vector_load %arg16[%parallel_loop3A_675, %parallel_loop3A_676] {strides = array<i32>} : memref<128x128xf32, #tpu.memory_space<vmem>>, vector<16xf32>,
      tpu.vector_store %arg16[%parallel_loop3A_675, %parallel_loop3A_676], %parallel_loop3A_674 {strides = array<i32>} : memref<128x128xf32, #tpu.memory_space<vmem>>, vector<16xf32>,
    } {sc.loop_unroll_factor = 1 : i64, sc.parallel_access}
    %dma_start3A_351 = arith.constant 6 : i32
    %dma_start3A_352 = arith.constant 0 : i32
    %dma_start3A_353 = tpu.memref_slice %arg8[%dma_start3A_351, %dma_start3A_352] : memref<8x128xi32, #tpu.memory_space<vmem>> -> memref<1x128xi32, #tpu.memory_space<vmem>>
    %dma_start3A_354 = tpu.memref_squeeze %dma_start3A_353 : memref<1x128xi32, #tpu.memory_space<vmem>> -> memref<128xi32, #tpu.memory_space<vmem>>
    %dma_start3A_355 = arith.constant 0 : i32
    %dma_start3A_356 = arith.constant 0 : i32
    %dma_start3A_357 = tpu.memref_slice %arg2[%dma_start3A_355, %dma_start3A_356] : memref<100000x128xf32, #tpu.memory_space<hbm>> -> memref<100000x128xf32, #tpu.memory_space<hbm>>
    tpu.enqueue_indirect_dma source(%dma_start3A_357 : memref<100000x128xf32, #tpu.memory_space<hbm>>) target(%arg12 : memref<128x128xf32, #tpu.memory_space<vmem>>) offsets(%dma_start3A_354 : memref<128xi32, #tpu.memory_space<vmem>>) semaphore(%arg17 : memref<!tpu.dma_semaphore, #tpu.memory_space<semaphore_mem>>)
    %mul3A_358 = arith.constant 256 : i32
    %mul3A_359 = arith.muli %add3A, %mul3A_358 : i32
    %add3A_360 = arith.constant 8192 : i32
    %add3A_361 = arith.addi %add3A_360, %mul3A_359 : i32
    %add3A_362 = arith.constant 128 : i32
    %add3A_363 = arith.addi %add3A_361, %add3A_362 : i32
    %dma_start3A_364 = arith.constant 0 : i32
    %dma_start3A_365 = tpu.memref_slice %arg7[%add3A_363, %dma_start3A_364] : memref<32768x128xf32, #tpu.memory_space<hbm>> -> memref<128x128xf32, #tpu.memory_space<hbm>>
    %dma_start3A_366 = arith.constant 0 : i32
    %dma_start3A_367 = tpu.memref_slice %arg7[%add3A_363, %dma_start3A_366] : memref<32768x128xf32, #tpu.memory_space<hbm>> -> memref<128x128xf32, #tpu.memory_space<hbm>>
    tpu.enqueue_dma source(%arg16 : memref<128x128xf32, #tpu.memory_space<vmem>>) target(%dma_start3A_367 : memref<128x128xf32, #tpu.memory_space<hbm>>) target_semaphore(%arg21 : memref<!tpu.dma_semaphore, #tpu.memory_space<semaphore_mem>>)
    %dma_wait3A_368 = arith.constant 4 : i32
    %dma_wait3A_369 = arith.constant 0 : i32
    %dma_wait3A_370 = tpu.memref_slice %arg8[%dma_wait3A_368, %dma_wait3A_369] : memref<8x128xi32, #tpu.memory_space<vmem>> -> memref<1x128xi32, #tpu.memory_space<vmem>>
    %dma_wait3A_371 = tpu.memref_squeeze %dma_wait3A_370 : memref<1x128xi32, #tpu.memory_space<vmem>> -> memref<128xi32, #tpu.memory_space<vmem>>
    %dma_wait3A_372 = arith.constant 0 : i32
    %dma_wait3A_373 = arith.constant 0 : i32
    %dma_wait3A_374 = tpu.memref_slice %arg2[%dma_wait3A_372, %dma_wait3A_373] : memref<100000x128xf32, #tpu.memory_space<hbm>> -> memref<100000x128xf32, #tpu.memory_space<hbm>>
    tpu.wait_indirect_dma semaphore(%arg18 : memref<!tpu.dma_semaphore, #tpu.memory_space<semaphore_mem>>) src(%dma_wait3A_374 : memref<100000x128xf32, #tpu.memory_space<hbm>>) dst(%arg13 : memref<128x128xf32, #tpu.memory_space<vmem>>)
    %dma_wait3A_375 = arith.constant 0 : i32
    %dma_wait3A_376 = tpu.memref_slice %arg7[%add3A_332, %dma_wait3A_375] : memref<32768x128xf32, #tpu.memory_space<hbm>> -> memref<128x128xf32, #tpu.memory_space<hbm>>
    %dma_wait3A_377 = arith.constant 0 : i32
    %dma_wait3A_378 = tpu.memref_slice %arg7[%add3A_332, %dma_wait3A_377] : memref<32768x128xf32, #tpu.memory_space<hbm>> -> memref<128x128xf32, #tpu.memory_space<hbm>>
    tpu.wait_dma2 semaphore(%arg20 : memref<!tpu.dma_semaphore, #tpu.memory_space<semaphore_mem>>) src(%arg15 : memref<128x128xf32, #tpu.memory_space<vmem>>) dst(%dma_wait3A_378 : memref<128x128xf32, #tpu.memory_space<hbm>>)
    %parallel_loop3A_379 = arith.constant 0 : i32
    %parallel_loop3A_380 = arith.constant 128 : i32
    %parallel_loop3A_381 = arith.constant 1 : i32
    scf.for %parallel_loop3A_479 = %parallel_loop3A_379 to %parallel_loop3A_380 step %parallel_loop3A_381  : i32 {
      %parallel_loop3A_480 = arith.constant 0 : i32
      %parallel_loop3A_481 = arith.addi %parallel_loop3A_480, %parallel_loop3A_479 : i32
      %parallel_loop3A_482 = arith.index_cast %parallel_loop3A_479 : i32 to index
      %parallel_loop3A_483 = arith.constant 0 : index
      %parallel_loop3A_484 = tpu.vector_load %arg13[%parallel_loop3A_482, %parallel_loop3A_483] {strides = array<i32>} : memref<128x128xf32, #tpu.memory_space<vmem>>, vector<16xf32>,
      %parallel_loop3A_485 = arith.constant 11.3137083 : f32
      %parallel_loop3A_486 = vector.broadcast %parallel_loop3A_485 : f32 to vector<16xf32>
      %parallel_loop3A_487 = arith.mulf %parallel_loop3A_484, %parallel_loop3A_486 : vector<16xf32>
      %parallel_loop3A_488 = arith.index_cast %parallel_loop3A_481 : i32 to index
      %parallel_loop3A_489 = arith.constant 0 : index
      %parallel_loop3A_490 = tpu.vector_load %arg9[%parallel_loop3A_488, %parallel_loop3A_489] {strides = array<i32>} : memref<256x128xf32, #tpu.memory_space<vmem>>, vector<16xf32>,
      %parallel_loop3A_491 = arith.addf %parallel_loop3A_487, %parallel_loop3A_490 : vector<16xf32>
      %parallel_loop3A_492 = arith.index_cast %parallel_loop3A_479 : i32 to index
      %parallel_loop3A_493 = arith.constant 16 : index
      %parallel_loop3A_494 = tpu.vector_load %arg13[%parallel_loop3A_492, %parallel_loop3A_493] {strides = array<i32>} : memref<128x128xf32, #tpu.memory_space<vmem>>, vector<16xf32>,
      %parallel_loop3A_495 = arith.constant 11.3137083 : f32
      %parallel_loop3A_496 = vector.broadcast %parallel_loop3A_495 : f32 to vector<16xf32>
      %parallel_loop3A_497 = arith.mulf %parallel_loop3A_494, %parallel_loop3A_496 : vector<16xf32>
      %parallel_loop3A_498 = arith.index_cast %parallel_loop3A_481 : i32 to index
      %parallel_loop3A_499 = arith.constant 16 : index
      %parallel_loop3A_500 = tpu.vector_load %arg9[%parallel_loop3A_498, %parallel_loop3A_499] {strides = array<i32>} : memref<256x128xf32, #tpu.memory_space<vmem>>, vector<16xf32>,
      %parallel_loop3A_501 = arith.addf %parallel_loop3A_497, %parallel_loop3A_500 : vector<16xf32>
      %parallel_loop3A_502 = arith.index_cast %parallel_loop3A_479 : i32 to index
      %parallel_loop3A_503 = arith.constant 32 : index
      %parallel_loop3A_504 = tpu.vector_load %arg13[%parallel_loop3A_502, %parallel_loop3A_503] {strides = array<i32>} : memref<128x128xf32, #tpu.memory_space<vmem>>, vector<16xf32>,
      %parallel_loop3A_505 = arith.constant 11.3137083 : f32
      %parallel_loop3A_506 = vector.broadcast %parallel_loop3A_505 : f32 to vector<16xf32>
      %parallel_loop3A_507 = arith.mulf %parallel_loop3A_504, %parallel_loop3A_506 : vector<16xf32>
      %parallel_loop3A_508 = arith.index_cast %parallel_loop3A_481 : i32 to index
      %parallel_loop3A_509 = arith.constant 32 : index
      %parallel_loop3A_510 = tpu.vector_load %arg9[%parallel_loop3A_508, %parallel_loop3A_509] {strides = array<i32>} : memref<256x128xf32, #tpu.memory_space<vmem>>, vector<16xf32>,
      %parallel_loop3A_511 = arith.addf %parallel_loop3A_507, %parallel_loop3A_510 : vector<16xf32>
      %parallel_loop3A_512 = arith.index_cast %parallel_loop3A_479 : i32 to index
      %parallel_loop3A_513 = arith.constant 48 : index
      %parallel_loop3A_514 = tpu.vector_load %arg13[%parallel_loop3A_512, %parallel_loop3A_513] {strides = array<i32>} : memref<128x128xf32, #tpu.memory_space<vmem>>, vector<16xf32>,
      %parallel_loop3A_515 = arith.constant 11.3137083 : f32
      %parallel_loop3A_516 = vector.broadcast %parallel_loop3A_515 : f32 to vector<16xf32>
      %parallel_loop3A_517 = arith.mulf %parallel_loop3A_514, %parallel_loop3A_516 : vector<16xf32>
      %parallel_loop3A_518 = arith.index_cast %parallel_loop3A_481 : i32 to index
      %parallel_loop3A_519 = arith.constant 48 : index
      %parallel_loop3A_520 = tpu.vector_load %arg9[%parallel_loop3A_518, %parallel_loop3A_519] {strides = array<i32>} : memref<256x128xf32, #tpu.memory_space<vmem>>, vector<16xf32>,
      %parallel_loop3A_521 = arith.addf %parallel_loop3A_517, %parallel_loop3A_520 : vector<16xf32>
      %parallel_loop3A_522 = arith.index_cast %parallel_loop3A_479 : i32 to index
      %parallel_loop3A_523 = arith.constant 64 : index
      %parallel_loop3A_524 = tpu.vector_load %arg13[%parallel_loop3A_522, %parallel_loop3A_523] {strides = array<i32>} : memref<128x128xf32, #tpu.memory_space<vmem>>, vector<16xf32>,
      %parallel_loop3A_525 = arith.constant 11.3137083 : f32
      %parallel_loop3A_526 = vector.broadcast %parallel_loop3A_525 : f32 to vector<16xf32>
      %parallel_loop3A_527 = arith.mulf %parallel_loop3A_524, %parallel_loop3A_526 : vector<16xf32>
      %parallel_loop3A_528 = arith.index_cast %parallel_loop3A_481 : i32 to index
      %parallel_loop3A_529 = arith.constant 64 : index
      %parallel_loop3A_530 = tpu.vector_load %arg9[%parallel_loop3A_528, %parallel_loop3A_529] {strides = array<i32>} : memref<256x128xf32, #tpu.memory_space<vmem>>, vector<16xf32>,
      %parallel_loop3A_531 = arith.addf %parallel_loop3A_527, %parallel_loop3A_530 : vector<16xf32>
      %parallel_loop3A_532 = arith.index_cast %parallel_loop3A_479 : i32 to index
      %parallel_loop3A_533 = arith.constant 80 : index
      %parallel_loop3A_534 = tpu.vector_load %arg13[%parallel_loop3A_532, %parallel_loop3A_533] {strides = array<i32>} : memref<128x128xf32, #tpu.memory_space<vmem>>, vector<16xf32>,
      %parallel_loop3A_535 = arith.constant 11.3137083 : f32
      %parallel_loop3A_536 = vector.broadcast %parallel_loop3A_535 : f32 to vector<16xf32>
      %parallel_loop3A_537 = arith.mulf %parallel_loop3A_534, %parallel_loop3A_536 : vector<16xf32>
      %parallel_loop3A_538 = arith.index_cast %parallel_loop3A_481 : i32 to index
      %parallel_loop3A_539 = arith.constant 80 : index
      %parallel_loop3A_540 = tpu.vector_load %arg9[%parallel_loop3A_538, %parallel_loop3A_539] {strides = array<i32>} : memref<256x128xf32, #tpu.memory_space<vmem>>, vector<16xf32>,
      %parallel_loop3A_541 = arith.addf %parallel_loop3A_537, %parallel_loop3A_540 : vector<16xf32>
      %parallel_loop3A_542 = arith.index_cast %parallel_loop3A_479 : i32 to index
      %parallel_loop3A_543 = arith.constant 96 : index
      %parallel_loop3A_544 = tpu.vector_load %arg13[%parallel_loop3A_542, %parallel_loop3A_543] {strides = array<i32>} : memref<128x128xf32, #tpu.memory_space<vmem>>, vector<16xf32>,
      %parallel_loop3A_545 = arith.constant 11.3137083 : f32
      %parallel_loop3A_546 = vector.broadcast %parallel_loop3A_545 : f32 to vector<16xf32>
      %parallel_loop3A_547 = arith.mulf %parallel_loop3A_544, %parallel_loop3A_546 : vector<16xf32>
      %parallel_loop3A_548 = arith.index_cast %parallel_loop3A_481 : i32 to index
      %parallel_loop3A_549 = arith.constant 96 : index
      %parallel_loop3A_550 = tpu.vector_load %arg9[%parallel_loop3A_548, %parallel_loop3A_549] {strides = array<i32>} : memref<256x128xf32, #tpu.memory_space<vmem>>, vector<16xf32>,
      %parallel_loop3A_551 = arith.addf %parallel_loop3A_547, %parallel_loop3A_550 : vector<16xf32>
      %parallel_loop3A_552 = arith.index_cast %parallel_loop3A_479 : i32 to index
      %parallel_loop3A_553 = arith.constant 112 : index
      %parallel_loop3A_554 = tpu.vector_load %arg13[%parallel_loop3A_552, %parallel_loop3A_553] {strides = array<i32>} : memref<128x128xf32, #tpu.memory_space<vmem>>, vector<16xf32>,
      %parallel_loop3A_555 = arith.constant 11.3137083 : f32
      %parallel_loop3A_556 = vector.broadcast %parallel_loop3A_555 : f32 to vector<16xf32>
      %parallel_loop3A_557 = arith.mulf %parallel_loop3A_554, %parallel_loop3A_556 : vector<16xf32>
      %parallel_loop3A_558 = arith.index_cast %parallel_loop3A_481 : i32 to index
      %parallel_loop3A_559 = arith.constant 112 : index
      %parallel_loop3A_560 = tpu.vector_load %arg9[%parallel_loop3A_558, %parallel_loop3A_559] {strides = array<i32>} : memref<256x128xf32, #tpu.memory_space<vmem>>, vector<16xf32>,
      %parallel_loop3A_561 = arith.addf %parallel_loop3A_557, %parallel_loop3A_560 : vector<16xf32>
      %parallel_loop3A_562 = arith.addf %parallel_loop3A_491, %parallel_loop3A_501 : vector<16xf32>
      %parallel_loop3A_563 = arith.addf %parallel_loop3A_511, %parallel_loop3A_521 : vector<16xf32>
      %parallel_loop3A_564 = arith.addf %parallel_loop3A_531, %parallel_loop3A_541 : vector<16xf32>
      %parallel_loop3A_565 = arith.addf %parallel_loop3A_551, %parallel_loop3A_561 : vector<16xf32>
      %parallel_loop3A_566 = arith.addf %parallel_loop3A_562, %parallel_loop3A_563 : vector<16xf32>
      %parallel_loop3A_567 = arith.addf %parallel_loop3A_564, %parallel_loop3A_565 : vector<16xf32>
      %parallel_loop3A_568 = arith.addf %parallel_loop3A_566, %parallel_loop3A_567 : vector<16xf32>
      %parallel_loop3A_569 = arith.constant true
      %parallel_loop3A_570 = vector.broadcast %parallel_loop3A_569 : i1 to vector<16xi1>
      %parallel_loop3A_571 = tpu.scan <sum>, %parallel_loop3A_568 masked %parallel_loop3A_570 : vector<16xf32>, vector<16xi1> -> vector<16xf32>
      %parallel_loop3A_572 = vector.extract %parallel_loop3A_571[15] : f32 from vector<16xf32>
      %parallel_loop3A_573 = vector.broadcast %parallel_loop3A_572 : f32 to vector<16xf32>
      %parallel_loop3A_574 = arith.mulf %parallel_loop3A_491, %parallel_loop3A_491 : vector<16xf32>
      %parallel_loop3A_575 = arith.mulf %parallel_loop3A_501, %parallel_loop3A_501 : vector<16xf32>
      %parallel_loop3A_576 = arith.mulf %parallel_loop3A_511, %parallel_loop3A_511 : vector<16xf32>
      %parallel_loop3A_577 = arith.mulf %parallel_loop3A_521, %parallel_loop3A_521 : vector<16xf32>
      %parallel_loop3A_578 = arith.mulf %parallel_loop3A_531, %parallel_loop3A_531 : vector<16xf32>
      %parallel_loop3A_579 = arith.mulf %parallel_loop3A_541, %parallel_loop3A_541 : vector<16xf32>
      %parallel_loop3A_580 = arith.mulf %parallel_loop3A_551, %parallel_loop3A_551 : vector<16xf32>
      %parallel_loop3A_581 = arith.mulf %parallel_loop3A_561, %parallel_loop3A_561 : vector<16xf32>
      %parallel_loop3A_582 = arith.addf %parallel_loop3A_574, %parallel_loop3A_575 : vector<16xf32>
      %parallel_loop3A_583 = arith.addf %parallel_loop3A_576, %parallel_loop3A_577 : vector<16xf32>
      %parallel_loop3A_584 = arith.addf %parallel_loop3A_578, %parallel_loop3A_579 : vector<16xf32>
      %parallel_loop3A_585 = arith.addf %parallel_loop3A_580, %parallel_loop3A_581 : vector<16xf32>
      %parallel_loop3A_586 = arith.addf %parallel_loop3A_582, %parallel_loop3A_583 : vector<16xf32>
      %parallel_loop3A_587 = arith.addf %parallel_loop3A_584, %parallel_loop3A_585 : vector<16xf32>
      %parallel_loop3A_588 = arith.addf %parallel_loop3A_586, %parallel_loop3A_587 : vector<16xf32>
      %parallel_loop3A_589 = arith.constant true
      %parallel_loop3A_590 = vector.broadcast %parallel_loop3A_589 : i1 to vector<16xi1>
      %parallel_loop3A_591 = tpu.scan <sum>, %parallel_loop3A_588 masked %parallel_loop3A_590 : vector<16xf32>, vector<16xi1> -> vector<16xf32>
      %parallel_loop3A_592 = vector.extract %parallel_loop3A_591[15] : f32 from vector<16xf32>
      %parallel_loop3A_593 = vector.broadcast %parallel_loop3A_592 : f32 to vector<16xf32>
      %parallel_loop3A_594 = arith.constant 7.812500e-03 : f32
      %parallel_loop3A_595 = vector.broadcast %parallel_loop3A_594 : f32 to vector<16xf32>
      %parallel_loop3A_596 = arith.mulf %parallel_loop3A_573, %parallel_loop3A_595 : vector<16xf32>
      %parallel_loop3A_597 = arith.constant 7.812500e-03 : f32
      %parallel_loop3A_598 = vector.broadcast %parallel_loop3A_597 : f32 to vector<16xf32>
      %parallel_loop3A_599 = arith.mulf %parallel_loop3A_593, %parallel_loop3A_598 : vector<16xf32>
      %parallel_loop3A_600 = arith.mulf %parallel_loop3A_596, %parallel_loop3A_596 : vector<16xf32>
      %parallel_loop3A_601 = arith.subf %parallel_loop3A_599, %parallel_loop3A_600 : vector<16xf32>
      %parallel_loop3A_602 = arith.constant 9.99999974E-6 : f32
      %parallel_loop3A_603 = vector.broadcast %parallel_loop3A_602 : f32 to vector<16xf32>
      %parallel_loop3A_604 = arith.addf %parallel_loop3A_601, %parallel_loop3A_603 : vector<16xf32>
      %parallel_loop3A_605 = vector.bitcast %parallel_loop3A_604 : vector<16xf32> to vector<16xi32>
      %parallel_loop3A_606 = arith.constant 1597463007 : i32
      %parallel_loop3A_607 = vector.broadcast %parallel_loop3A_606 : i32 to vector<16xi32>
      %parallel_loop3A_608 = arith.constant 1 : i32
      %parallel_loop3A_609 = vector.broadcast %parallel_loop3A_608 : i32 to vector<16xi32>
      %parallel_loop3A_610 = arith.shrsi %parallel_loop3A_605, %parallel_loop3A_609 : vector<16xi32>
      %parallel_loop3A_611 = arith.subi %parallel_loop3A_607, %parallel_loop3A_610 : vector<16xi32>
      %parallel_loop3A_612 = vector.bitcast %parallel_loop3A_611 : vector<16xi32> to vector<16xf32>
      %parallel_loop3A_613 = arith.constant 5.000000e-01 : f32
      %parallel_loop3A_614 = vector.broadcast %parallel_loop3A_613 : f32 to vector<16xf32>
      %parallel_loop3A_615 = arith.mulf %parallel_loop3A_614, %parallel_loop3A_604 : vector<16xf32>
      %parallel_loop3A_616 = arith.mulf %parallel_loop3A_615, %parallel_loop3A_612 : vector<16xf32>
      %parallel_loop3A_617 = arith.mulf %parallel_loop3A_616, %parallel_loop3A_612 : vector<16xf32>
      %parallel_loop3A_618 = arith.constant 1.500000e+00 : f32
      %parallel_loop3A_619 = vector.broadcast %parallel_loop3A_618 : f32 to vector<16xf32>
      %parallel_loop3A_620 = arith.subf %parallel_loop3A_619, %parallel_loop3A_617 : vector<16xf32>
      %parallel_loop3A_621 = arith.mulf %parallel_loop3A_612, %parallel_loop3A_620 : vector<16xf32>
      %parallel_loop3A_622 = arith.subf %parallel_loop3A_491, %parallel_loop3A_596 : vector<16xf32>
      %parallel_loop3A_623 = arith.mulf %parallel_loop3A_622, %parallel_loop3A_621 : vector<16xf32>
      %parallel_loop3A_624 = arith.mulf %parallel_loop3A_623, %get3A_222 : vector<16xf32>
      %parallel_loop3A_625 = arith.addf %parallel_loop3A_624, %get3A_238 : vector<16xf32>
      %parallel_loop3A_626 = arith.index_cast %parallel_loop3A_479 : i32 to index
      %parallel_loop3A_627 = arith.constant 0 : index
      %parallel_loop3A_628 = tpu.vector_load %arg15[%parallel_loop3A_626, %parallel_loop3A_627] {strides = array<i32>} : memref<128x128xf32, #tpu.memory_space<vmem>>, vector<16xf32>,
      tpu.vector_store %arg15[%parallel_loop3A_626, %parallel_loop3A_627], %parallel_loop3A_625 {strides = array<i32>} : memref<128x128xf32, #tpu.memory_space<vmem>>, vector<16xf32>,
      %parallel_loop3A_629 = arith.subf %parallel_loop3A_501, %parallel_loop3A_596 : vector<16xf32>
      %parallel_loop3A_630 = arith.mulf %parallel_loop3A_629, %parallel_loop3A_621 : vector<16xf32>
      %parallel_loop3A_631 = arith.mulf %parallel_loop3A_630, %get3A_224 : vector<16xf32>
      %parallel_loop3A_632 = arith.addf %parallel_loop3A_631, %get3A_240 : vector<16xf32>
      %parallel_loop3A_633 = arith.index_cast %parallel_loop3A_479 : i32 to index
      %parallel_loop3A_634 = arith.constant 16 : index
      %parallel_loop3A_635 = tpu.vector_load %arg15[%parallel_loop3A_633, %parallel_loop3A_634] {strides = array<i32>} : memref<128x128xf32, #tpu.memory_space<vmem>>, vector<16xf32>,
      tpu.vector_store %arg15[%parallel_loop3A_633, %parallel_loop3A_634], %parallel_loop3A_632 {strides = array<i32>} : memref<128x128xf32, #tpu.memory_space<vmem>>, vector<16xf32>,
      %parallel_loop3A_636 = arith.subf %parallel_loop3A_511, %parallel_loop3A_596 : vector<16xf32>
      %parallel_loop3A_637 = arith.mulf %parallel_loop3A_636, %parallel_loop3A_621 : vector<16xf32>
      %parallel_loop3A_638 = arith.mulf %parallel_loop3A_637, %get3A_226 : vector<16xf32>
      %parallel_loop3A_639 = arith.addf %parallel_loop3A_638, %get3A_242 : vector<16xf32>
      %parallel_loop3A_640 = arith.index_cast %parallel_loop3A_479 : i32 to index
      %parallel_loop3A_641 = arith.constant 32 : index
      %parallel_loop3A_642 = tpu.vector_load %arg15[%parallel_loop3A_640, %parallel_loop3A_641] {strides = array<i32>} : memref<128x128xf32, #tpu.memory_space<vmem>>, vector<16xf32>,
      tpu.vector_store %arg15[%parallel_loop3A_640, %parallel_loop3A_641], %parallel_loop3A_639 {strides = array<i32>} : memref<128x128xf32, #tpu.memory_space<vmem>>, vector<16xf32>,
      %parallel_loop3A_643 = arith.subf %parallel_loop3A_521, %parallel_loop3A_596 : vector<16xf32>
      %parallel_loop3A_644 = arith.mulf %parallel_loop3A_643, %parallel_loop3A_621 : vector<16xf32>
      %parallel_loop3A_645 = arith.mulf %parallel_loop3A_644, %get3A_228 : vector<16xf32>
      %parallel_loop3A_646 = arith.addf %parallel_loop3A_645, %get3A_244 : vector<16xf32>
      %parallel_loop3A_647 = arith.index_cast %parallel_loop3A_479 : i32 to index
      %parallel_loop3A_648 = arith.constant 48 : index
      %parallel_loop3A_649 = tpu.vector_load %arg15[%parallel_loop3A_647, %parallel_loop3A_648] {strides = array<i32>} : memref<128x128xf32, #tpu.memory_space<vmem>>, vector<16xf32>,
      tpu.vector_store %arg15[%parallel_loop3A_647, %parallel_loop3A_648], %parallel_loop3A_646 {strides = array<i32>} : memref<128x128xf32, #tpu.memory_space<vmem>>, vector<16xf32>,
      %parallel_loop3A_650 = arith.subf %parallel_loop3A_531, %parallel_loop3A_596 : vector<16xf32>
      %parallel_loop3A_651 = arith.mulf %parallel_loop3A_650, %parallel_loop3A_621 : vector<16xf32>
      %parallel_loop3A_652 = arith.mulf %parallel_loop3A_651, %get3A_230 : vector<16xf32>
      %parallel_loop3A_653 = arith.addf %parallel_loop3A_652, %get3A_246 : vector<16xf32>
      %parallel_loop3A_654 = arith.index_cast %parallel_loop3A_479 : i32 to index
      %parallel_loop3A_655 = arith.constant 64 : index
      %parallel_loop3A_656 = tpu.vector_load %arg15[%parallel_loop3A_654, %parallel_loop3A_655] {strides = array<i32>} : memref<128x128xf32, #tpu.memory_space<vmem>>, vector<16xf32>,
      tpu.vector_store %arg15[%parallel_loop3A_654, %parallel_loop3A_655], %parallel_loop3A_653 {strides = array<i32>} : memref<128x128xf32, #tpu.memory_space<vmem>>, vector<16xf32>,
      %parallel_loop3A_657 = arith.subf %parallel_loop3A_541, %parallel_loop3A_596 : vector<16xf32>
      %parallel_loop3A_658 = arith.mulf %parallel_loop3A_657, %parallel_loop3A_621 : vector<16xf32>
      %parallel_loop3A_659 = arith.mulf %parallel_loop3A_658, %get3A_232 : vector<16xf32>
      %parallel_loop3A_660 = arith.addf %parallel_loop3A_659, %get3A_248 : vector<16xf32>
      %parallel_loop3A_661 = arith.index_cast %parallel_loop3A_479 : i32 to index
      %parallel_loop3A_662 = arith.constant 80 : index
      %parallel_loop3A_663 = tpu.vector_load %arg15[%parallel_loop3A_661, %parallel_loop3A_662] {strides = array<i32>} : memref<128x128xf32, #tpu.memory_space<vmem>>, vector<16xf32>,
      tpu.vector_store %arg15[%parallel_loop3A_661, %parallel_loop3A_662], %parallel_loop3A_660 {strides = array<i32>} : memref<128x128xf32, #tpu.memory_space<vmem>>, vector<16xf32>,
      %parallel_loop3A_664 = arith.subf %parallel_loop3A_551, %parallel_loop3A_596 : vector<16xf32>
      %parallel_loop3A_665 = arith.mulf %parallel_loop3A_664, %parallel_loop3A_621 : vector<16xf32>
      %parallel_loop3A_666 = arith.mulf %parallel_loop3A_665, %get3A_234 : vector<16xf32>
      %parallel_loop3A_667 = arith.addf %parallel_loop3A_666, %get3A_250 : vector<16xf32>
      %parallel_loop3A_668 = arith.index_cast %parallel_loop3A_479 : i32 to index
      %parallel_loop3A_669 = arith.constant 96 : index
      %parallel_loop3A_670 = tpu.vector_load %arg15[%parallel_loop3A_668, %parallel_loop3A_669] {strides = array<i32>} : memref<128x128xf32, #tpu.memory_space<vmem>>, vector<16xf32>,
      tpu.vector_store %arg15[%parallel_loop3A_668, %parallel_loop3A_669], %parallel_loop3A_667 {strides = array<i32>} : memref<128x128xf32, #tpu.memory_space<vmem>>, vector<16xf32>,
      %parallel_loop3A_671 = arith.subf %parallel_loop3A_561, %parallel_loop3A_596 : vector<16xf32>
      %parallel_loop3A_672 = arith.mulf %parallel_loop3A_671, %parallel_loop3A_621 : vector<16xf32>
      %parallel_loop3A_673 = arith.mulf %parallel_loop3A_672, %get3A_236 : vector<16xf32>
      %parallel_loop3A_674 = arith.addf %parallel_loop3A_673, %get3A_252 : vector<16xf32>
      %parallel_loop3A_675 = arith.index_cast %parallel_loop3A_479 : i32 to index
      %parallel_loop3A_676 = arith.constant 112 : index
      %parallel_loop3A_677 = tpu.vector_load %arg15[%parallel_loop3A_675, %parallel_loop3A_676] {strides = array<i32>} : memref<128x128xf32, #tpu.memory_space<vmem>>, vector<16xf32>,
      tpu.vector_store %arg15[%parallel_loop3A_675, %parallel_loop3A_676], %parallel_loop3A_674 {strides = array<i32>} : memref<128x128xf32, #tpu.memory_space<vmem>>, vector<16xf32>,
    } {sc.loop_unroll_factor = 1 : i64, sc.parallel_access}
    %dma_start3A_382 = arith.constant 7 : i32
    %dma_start3A_383 = arith.constant 0 : i32
    %dma_start3A_384 = tpu.memref_slice %arg8[%dma_start3A_382, %dma_start3A_383] : memref<8x128xi32, #tpu.memory_space<vmem>> -> memref<1x128xi32, #tpu.memory_space<vmem>>
    %dma_start3A_385 = tpu.memref_squeeze %dma_start3A_384 : memref<1x128xi32, #tpu.memory_space<vmem>> -> memref<128xi32, #tpu.memory_space<vmem>>
    %dma_start3A_386 = arith.constant 0 : i32
    %dma_start3A_387 = arith.constant 0 : i32
    %dma_start3A_388 = tpu.memref_slice %arg2[%dma_start3A_386, %dma_start3A_387] : memref<100000x128xf32, #tpu.memory_space<hbm>> -> memref<100000x128xf32, #tpu.memory_space<hbm>>
    tpu.enqueue_indirect_dma source(%dma_start3A_388 : memref<100000x128xf32, #tpu.memory_space<hbm>>) target(%arg13 : memref<128x128xf32, #tpu.memory_space<vmem>>) offsets(%dma_start3A_385 : memref<128xi32, #tpu.memory_space<vmem>>) semaphore(%arg18 : memref<!tpu.dma_semaphore, #tpu.memory_space<semaphore_mem>>)
    %mul3A_389 = arith.constant 256 : i32
    %mul3A_390 = arith.muli %add3A, %mul3A_389 : i32
    %add3A_391 = arith.constant 16384 : i32
    %add3A_392 = arith.addi %add3A_391, %mul3A_390 : i32
    %add3A_393 = arith.constant 0 : i32
    %add3A_394 = arith.addi %add3A_392, %add3A_393 : i32
    %dma_start3A_395 = arith.constant 0 : i32
    %dma_start3A_396 = tpu.memref_slice %arg7[%add3A_394, %dma_start3A_395] : memref<32768x128xf32, #tpu.memory_space<hbm>> -> memref<128x128xf32, #tpu.memory_space<hbm>>
    %dma_start3A_397 = arith.constant 0 : i32
    %dma_start3A_398 = tpu.memref_slice %arg7[%add3A_394, %dma_start3A_397] : memref<32768x128xf32, #tpu.memory_space<hbm>> -> memref<128x128xf32, #tpu.memory_space<hbm>>
    tpu.enqueue_dma source(%arg15 : memref<128x128xf32, #tpu.memory_space<vmem>>) target(%dma_start3A_398 : memref<128x128xf32, #tpu.memory_space<hbm>>) target_semaphore(%arg20 : memref<!tpu.dma_semaphore, #tpu.memory_space<semaphore_mem>>)
    %dma_wait3A_399 = arith.constant 5 : i32
    %dma_wait3A_400 = arith.constant 0 : i32
    %dma_wait3A_401 = tpu.memref_slice %arg8[%dma_wait3A_399, %dma_wait3A_400] : memref<8x128xi32, #tpu.memory_space<vmem>> -> memref<1x128xi32, #tpu.memory_space<vmem>>
    %dma_wait3A_402 = tpu.memref_squeeze %dma_wait3A_401 : memref<1x128xi32, #tpu.memory_space<vmem>> -> memref<128xi32, #tpu.memory_space<vmem>>
    %dma_wait3A_403 = arith.constant 0 : i32
    %dma_wait3A_404 = arith.constant 0 : i32
    %dma_wait3A_405 = tpu.memref_slice %arg2[%dma_wait3A_403, %dma_wait3A_404] : memref<100000x128xf32, #tpu.memory_space<hbm>> -> memref<100000x128xf32, #tpu.memory_space<hbm>>
    tpu.wait_indirect_dma semaphore(%arg19 : memref<!tpu.dma_semaphore, #tpu.memory_space<semaphore_mem>>) src(%dma_wait3A_405 : memref<100000x128xf32, #tpu.memory_space<hbm>>) dst(%arg14 : memref<128x128xf32, #tpu.memory_space<vmem>>)
    %dma_wait3A_406 = arith.constant 0 : i32
    %dma_wait3A_407 = tpu.memref_slice %arg7[%add3A_363, %dma_wait3A_406] : memref<32768x128xf32, #tpu.memory_space<hbm>> -> memref<128x128xf32, #tpu.memory_space<hbm>>
    %dma_wait3A_408 = arith.constant 0 : i32
    %dma_wait3A_409 = tpu.memref_slice %arg7[%add3A_363, %dma_wait3A_408] : memref<32768x128xf32, #tpu.memory_space<hbm>> -> memref<128x128xf32, #tpu.memory_space<hbm>>
    tpu.wait_dma2 semaphore(%arg21 : memref<!tpu.dma_semaphore, #tpu.memory_space<semaphore_mem>>) src(%arg16 : memref<128x128xf32, #tpu.memory_space<vmem>>) dst(%dma_wait3A_409 : memref<128x128xf32, #tpu.memory_space<hbm>>)
    %parallel_loop3A_410 = arith.constant 0 : i32
    %parallel_loop3A_411 = arith.constant 128 : i32
    %parallel_loop3A_412 = arith.constant 1 : i32
    scf.for %parallel_loop3A_479 = %parallel_loop3A_410 to %parallel_loop3A_411 step %parallel_loop3A_412  : i32 {
      %parallel_loop3A_480 = arith.constant 128 : i32
      %parallel_loop3A_481 = arith.addi %parallel_loop3A_480, %parallel_loop3A_479 : i32
      %parallel_loop3A_482 = arith.index_cast %parallel_loop3A_479 : i32 to index
      %parallel_loop3A_483 = arith.constant 0 : index
      %parallel_loop3A_484 = tpu.vector_load %arg14[%parallel_loop3A_482, %parallel_loop3A_483] {strides = array<i32>} : memref<128x128xf32, #tpu.memory_space<vmem>>, vector<16xf32>,
      %parallel_loop3A_485 = arith.constant 11.3137083 : f32
      %parallel_loop3A_486 = vector.broadcast %parallel_loop3A_485 : f32 to vector<16xf32>
      %parallel_loop3A_487 = arith.mulf %parallel_loop3A_484, %parallel_loop3A_486 : vector<16xf32>
      %parallel_loop3A_488 = arith.index_cast %parallel_loop3A_481 : i32 to index
      %parallel_loop3A_489 = arith.constant 0 : index
      %parallel_loop3A_490 = tpu.vector_load %arg9[%parallel_loop3A_488, %parallel_loop3A_489] {strides = array<i32>} : memref<256x128xf32, #tpu.memory_space<vmem>>, vector<16xf32>,
      %parallel_loop3A_491 = arith.addf %parallel_loop3A_487, %parallel_loop3A_490 : vector<16xf32>
      %parallel_loop3A_492 = arith.index_cast %parallel_loop3A_479 : i32 to index
      %parallel_loop3A_493 = arith.constant 16 : index
      %parallel_loop3A_494 = tpu.vector_load %arg14[%parallel_loop3A_492, %parallel_loop3A_493] {strides = array<i32>} : memref<128x128xf32, #tpu.memory_space<vmem>>, vector<16xf32>,
      %parallel_loop3A_495 = arith.constant 11.3137083 : f32
      %parallel_loop3A_496 = vector.broadcast %parallel_loop3A_495 : f32 to vector<16xf32>
      %parallel_loop3A_497 = arith.mulf %parallel_loop3A_494, %parallel_loop3A_496 : vector<16xf32>
      %parallel_loop3A_498 = arith.index_cast %parallel_loop3A_481 : i32 to index
      %parallel_loop3A_499 = arith.constant 16 : index
      %parallel_loop3A_500 = tpu.vector_load %arg9[%parallel_loop3A_498, %parallel_loop3A_499] {strides = array<i32>} : memref<256x128xf32, #tpu.memory_space<vmem>>, vector<16xf32>,
      %parallel_loop3A_501 = arith.addf %parallel_loop3A_497, %parallel_loop3A_500 : vector<16xf32>
      %parallel_loop3A_502 = arith.index_cast %parallel_loop3A_479 : i32 to index
      %parallel_loop3A_503 = arith.constant 32 : index
      %parallel_loop3A_504 = tpu.vector_load %arg14[%parallel_loop3A_502, %parallel_loop3A_503] {strides = array<i32>} : memref<128x128xf32, #tpu.memory_space<vmem>>, vector<16xf32>,
      %parallel_loop3A_505 = arith.constant 11.3137083 : f32
      %parallel_loop3A_506 = vector.broadcast %parallel_loop3A_505 : f32 to vector<16xf32>
      %parallel_loop3A_507 = arith.mulf %parallel_loop3A_504, %parallel_loop3A_506 : vector<16xf32>
      %parallel_loop3A_508 = arith.index_cast %parallel_loop3A_481 : i32 to index
      %parallel_loop3A_509 = arith.constant 32 : index
      %parallel_loop3A_510 = tpu.vector_load %arg9[%parallel_loop3A_508, %parallel_loop3A_509] {strides = array<i32>} : memref<256x128xf32, #tpu.memory_space<vmem>>, vector<16xf32>,
      %parallel_loop3A_511 = arith.addf %parallel_loop3A_507, %parallel_loop3A_510 : vector<16xf32>
      %parallel_loop3A_512 = arith.index_cast %parallel_loop3A_479 : i32 to index
      %parallel_loop3A_513 = arith.constant 48 : index
      %parallel_loop3A_514 = tpu.vector_load %arg14[%parallel_loop3A_512, %parallel_loop3A_513] {strides = array<i32>} : memref<128x128xf32, #tpu.memory_space<vmem>>, vector<16xf32>,
      %parallel_loop3A_515 = arith.constant 11.3137083 : f32
      %parallel_loop3A_516 = vector.broadcast %parallel_loop3A_515 : f32 to vector<16xf32>
      %parallel_loop3A_517 = arith.mulf %parallel_loop3A_514, %parallel_loop3A_516 : vector<16xf32>
      %parallel_loop3A_518 = arith.index_cast %parallel_loop3A_481 : i32 to index
      %parallel_loop3A_519 = arith.constant 48 : index
      %parallel_loop3A_520 = tpu.vector_load %arg9[%parallel_loop3A_518, %parallel_loop3A_519] {strides = array<i32>} : memref<256x128xf32, #tpu.memory_space<vmem>>, vector<16xf32>,
      %parallel_loop3A_521 = arith.addf %parallel_loop3A_517, %parallel_loop3A_520 : vector<16xf32>
      %parallel_loop3A_522 = arith.index_cast %parallel_loop3A_479 : i32 to index
      %parallel_loop3A_523 = arith.constant 64 : index
      %parallel_loop3A_524 = tpu.vector_load %arg14[%parallel_loop3A_522, %parallel_loop3A_523] {strides = array<i32>} : memref<128x128xf32, #tpu.memory_space<vmem>>, vector<16xf32>,
      %parallel_loop3A_525 = arith.constant 11.3137083 : f32
      %parallel_loop3A_526 = vector.broadcast %parallel_loop3A_525 : f32 to vector<16xf32>
      %parallel_loop3A_527 = arith.mulf %parallel_loop3A_524, %parallel_loop3A_526 : vector<16xf32>
      %parallel_loop3A_528 = arith.index_cast %parallel_loop3A_481 : i32 to index
      %parallel_loop3A_529 = arith.constant 64 : index
      %parallel_loop3A_530 = tpu.vector_load %arg9[%parallel_loop3A_528, %parallel_loop3A_529] {strides = array<i32>} : memref<256x128xf32, #tpu.memory_space<vmem>>, vector<16xf32>,
      %parallel_loop3A_531 = arith.addf %parallel_loop3A_527, %parallel_loop3A_530 : vector<16xf32>
      %parallel_loop3A_532 = arith.index_cast %parallel_loop3A_479 : i32 to index
      %parallel_loop3A_533 = arith.constant 80 : index
      %parallel_loop3A_534 = tpu.vector_load %arg14[%parallel_loop3A_532, %parallel_loop3A_533] {strides = array<i32>} : memref<128x128xf32, #tpu.memory_space<vmem>>, vector<16xf32>,
      %parallel_loop3A_535 = arith.constant 11.3137083 : f32
      %parallel_loop3A_536 = vector.broadcast %parallel_loop3A_535 : f32 to vector<16xf32>
      %parallel_loop3A_537 = arith.mulf %parallel_loop3A_534, %parallel_loop3A_536 : vector<16xf32>
      %parallel_loop3A_538 = arith.index_cast %parallel_loop3A_481 : i32 to index
      %parallel_loop3A_539 = arith.constant 80 : index
      %parallel_loop3A_540 = tpu.vector_load %arg9[%parallel_loop3A_538, %parallel_loop3A_539] {strides = array<i32>} : memref<256x128xf32, #tpu.memory_space<vmem>>, vector<16xf32>,
      %parallel_loop3A_541 = arith.addf %parallel_loop3A_537, %parallel_loop3A_540 : vector<16xf32>
      %parallel_loop3A_542 = arith.index_cast %parallel_loop3A_479 : i32 to index
      %parallel_loop3A_543 = arith.constant 96 : index
      %parallel_loop3A_544 = tpu.vector_load %arg14[%parallel_loop3A_542, %parallel_loop3A_543] {strides = array<i32>} : memref<128x128xf32, #tpu.memory_space<vmem>>, vector<16xf32>,
      %parallel_loop3A_545 = arith.constant 11.3137083 : f32
      %parallel_loop3A_546 = vector.broadcast %parallel_loop3A_545 : f32 to vector<16xf32>
      %parallel_loop3A_547 = arith.mulf %parallel_loop3A_544, %parallel_loop3A_546 : vector<16xf32>
      %parallel_loop3A_548 = arith.index_cast %parallel_loop3A_481 : i32 to index
      %parallel_loop3A_549 = arith.constant 96 : index
      %parallel_loop3A_550 = tpu.vector_load %arg9[%parallel_loop3A_548, %parallel_loop3A_549] {strides = array<i32>} : memref<256x128xf32, #tpu.memory_space<vmem>>, vector<16xf32>,
      %parallel_loop3A_551 = arith.addf %parallel_loop3A_547, %parallel_loop3A_550 : vector<16xf32>
      %parallel_loop3A_552 = arith.index_cast %parallel_loop3A_479 : i32 to index
      %parallel_loop3A_553 = arith.constant 112 : index
      %parallel_loop3A_554 = tpu.vector_load %arg14[%parallel_loop3A_552, %parallel_loop3A_553] {strides = array<i32>} : memref<128x128xf32, #tpu.memory_space<vmem>>, vector<16xf32>,
      %parallel_loop3A_555 = arith.constant 11.3137083 : f32
      %parallel_loop3A_556 = vector.broadcast %parallel_loop3A_555 : f32 to vector<16xf32>
      %parallel_loop3A_557 = arith.mulf %parallel_loop3A_554, %parallel_loop3A_556 : vector<16xf32>
      %parallel_loop3A_558 = arith.index_cast %parallel_loop3A_481 : i32 to index
      %parallel_loop3A_559 = arith.constant 112 : index
      %parallel_loop3A_560 = tpu.vector_load %arg9[%parallel_loop3A_558, %parallel_loop3A_559] {strides = array<i32>} : memref<256x128xf32, #tpu.memory_space<vmem>>, vector<16xf32>,
      %parallel_loop3A_561 = arith.addf %parallel_loop3A_557, %parallel_loop3A_560 : vector<16xf32>
      %parallel_loop3A_562 = arith.addf %parallel_loop3A_491, %parallel_loop3A_501 : vector<16xf32>
      %parallel_loop3A_563 = arith.addf %parallel_loop3A_511, %parallel_loop3A_521 : vector<16xf32>
      %parallel_loop3A_564 = arith.addf %parallel_loop3A_531, %parallel_loop3A_541 : vector<16xf32>
      %parallel_loop3A_565 = arith.addf %parallel_loop3A_551, %parallel_loop3A_561 : vector<16xf32>
      %parallel_loop3A_566 = arith.addf %parallel_loop3A_562, %parallel_loop3A_563 : vector<16xf32>
      %parallel_loop3A_567 = arith.addf %parallel_loop3A_564, %parallel_loop3A_565 : vector<16xf32>
      %parallel_loop3A_568 = arith.addf %parallel_loop3A_566, %parallel_loop3A_567 : vector<16xf32>
      %parallel_loop3A_569 = arith.constant true
      %parallel_loop3A_570 = vector.broadcast %parallel_loop3A_569 : i1 to vector<16xi1>
      %parallel_loop3A_571 = tpu.scan <sum>, %parallel_loop3A_568 masked %parallel_loop3A_570 : vector<16xf32>, vector<16xi1> -> vector<16xf32>
      %parallel_loop3A_572 = vector.extract %parallel_loop3A_571[15] : f32 from vector<16xf32>
      %parallel_loop3A_573 = vector.broadcast %parallel_loop3A_572 : f32 to vector<16xf32>
      %parallel_loop3A_574 = arith.mulf %parallel_loop3A_491, %parallel_loop3A_491 : vector<16xf32>
      %parallel_loop3A_575 = arith.mulf %parallel_loop3A_501, %parallel_loop3A_501 : vector<16xf32>
      %parallel_loop3A_576 = arith.mulf %parallel_loop3A_511, %parallel_loop3A_511 : vector<16xf32>
      %parallel_loop3A_577 = arith.mulf %parallel_loop3A_521, %parallel_loop3A_521 : vector<16xf32>
      %parallel_loop3A_578 = arith.mulf %parallel_loop3A_531, %parallel_loop3A_531 : vector<16xf32>
      %parallel_loop3A_579 = arith.mulf %parallel_loop3A_541, %parallel_loop3A_541 : vector<16xf32>
      %parallel_loop3A_580 = arith.mulf %parallel_loop3A_551, %parallel_loop3A_551 : vector<16xf32>
      %parallel_loop3A_581 = arith.mulf %parallel_loop3A_561, %parallel_loop3A_561 : vector<16xf32>
      %parallel_loop3A_582 = arith.addf %parallel_loop3A_574, %parallel_loop3A_575 : vector<16xf32>
      %parallel_loop3A_583 = arith.addf %parallel_loop3A_576, %parallel_loop3A_577 : vector<16xf32>
      %parallel_loop3A_584 = arith.addf %parallel_loop3A_578, %parallel_loop3A_579 : vector<16xf32>
      %parallel_loop3A_585 = arith.addf %parallel_loop3A_580, %parallel_loop3A_581 : vector<16xf32>
      %parallel_loop3A_586 = arith.addf %parallel_loop3A_582, %parallel_loop3A_583 : vector<16xf32>
      %parallel_loop3A_587 = arith.addf %parallel_loop3A_584, %parallel_loop3A_585 : vector<16xf32>
      %parallel_loop3A_588 = arith.addf %parallel_loop3A_586, %parallel_loop3A_587 : vector<16xf32>
      %parallel_loop3A_589 = arith.constant true
      %parallel_loop3A_590 = vector.broadcast %parallel_loop3A_589 : i1 to vector<16xi1>
      %parallel_loop3A_591 = tpu.scan <sum>, %parallel_loop3A_588 masked %parallel_loop3A_590 : vector<16xf32>, vector<16xi1> -> vector<16xf32>
      %parallel_loop3A_592 = vector.extract %parallel_loop3A_591[15] : f32 from vector<16xf32>
      %parallel_loop3A_593 = vector.broadcast %parallel_loop3A_592 : f32 to vector<16xf32>
      %parallel_loop3A_594 = arith.constant 7.812500e-03 : f32
      %parallel_loop3A_595 = vector.broadcast %parallel_loop3A_594 : f32 to vector<16xf32>
      %parallel_loop3A_596 = arith.mulf %parallel_loop3A_573, %parallel_loop3A_595 : vector<16xf32>
      %parallel_loop3A_597 = arith.constant 7.812500e-03 : f32
      %parallel_loop3A_598 = vector.broadcast %parallel_loop3A_597 : f32 to vector<16xf32>
      %parallel_loop3A_599 = arith.mulf %parallel_loop3A_593, %parallel_loop3A_598 : vector<16xf32>
      %parallel_loop3A_600 = arith.mulf %parallel_loop3A_596, %parallel_loop3A_596 : vector<16xf32>
      %parallel_loop3A_601 = arith.subf %parallel_loop3A_599, %parallel_loop3A_600 : vector<16xf32>
      %parallel_loop3A_602 = arith.constant 9.99999974E-6 : f32
      %parallel_loop3A_603 = vector.broadcast %parallel_loop3A_602 : f32 to vector<16xf32>
      %parallel_loop3A_604 = arith.addf %parallel_loop3A_601, %parallel_loop3A_603 : vector<16xf32>
      %parallel_loop3A_605 = vector.bitcast %parallel_loop3A_604 : vector<16xf32> to vector<16xi32>
      %parallel_loop3A_606 = arith.constant 1597463007 : i32
      %parallel_loop3A_607 = vector.broadcast %parallel_loop3A_606 : i32 to vector<16xi32>
      %parallel_loop3A_608 = arith.constant 1 : i32
      %parallel_loop3A_609 = vector.broadcast %parallel_loop3A_608 : i32 to vector<16xi32>
      %parallel_loop3A_610 = arith.shrsi %parallel_loop3A_605, %parallel_loop3A_609 : vector<16xi32>
      %parallel_loop3A_611 = arith.subi %parallel_loop3A_607, %parallel_loop3A_610 : vector<16xi32>
      %parallel_loop3A_612 = vector.bitcast %parallel_loop3A_611 : vector<16xi32> to vector<16xf32>
      %parallel_loop3A_613 = arith.constant 5.000000e-01 : f32
      %parallel_loop3A_614 = vector.broadcast %parallel_loop3A_613 : f32 to vector<16xf32>
      %parallel_loop3A_615 = arith.mulf %parallel_loop3A_614, %parallel_loop3A_604 : vector<16xf32>
      %parallel_loop3A_616 = arith.mulf %parallel_loop3A_615, %parallel_loop3A_612 : vector<16xf32>
      %parallel_loop3A_617 = arith.mulf %parallel_loop3A_616, %parallel_loop3A_612 : vector<16xf32>
      %parallel_loop3A_618 = arith.constant 1.500000e+00 : f32
      %parallel_loop3A_619 = vector.broadcast %parallel_loop3A_618 : f32 to vector<16xf32>
      %parallel_loop3A_620 = arith.subf %parallel_loop3A_619, %parallel_loop3A_617 : vector<16xf32>
      %parallel_loop3A_621 = arith.mulf %parallel_loop3A_612, %parallel_loop3A_620 : vector<16xf32>
      %parallel_loop3A_622 = arith.subf %parallel_loop3A_491, %parallel_loop3A_596 : vector<16xf32>
      %parallel_loop3A_623 = arith.mulf %parallel_loop3A_622, %parallel_loop3A_621 : vector<16xf32>
      %parallel_loop3A_624 = arith.mulf %parallel_loop3A_623, %get3A_222 : vector<16xf32>
      %parallel_loop3A_625 = arith.addf %parallel_loop3A_624, %get3A_238 : vector<16xf32>
      %parallel_loop3A_626 = arith.index_cast %parallel_loop3A_479 : i32 to index
      %parallel_loop3A_627 = arith.constant 0 : index
      %parallel_loop3A_628 = tpu.vector_load %arg16[%parallel_loop3A_626, %parallel_loop3A_627] {strides = array<i32>} : memref<128x128xf32, #tpu.memory_space<vmem>>, vector<16xf32>,
      tpu.vector_store %arg16[%parallel_loop3A_626, %parallel_loop3A_627], %parallel_loop3A_625 {strides = array<i32>} : memref<128x128xf32, #tpu.memory_space<vmem>>, vector<16xf32>,
      %parallel_loop3A_629 = arith.subf %parallel_loop3A_501, %parallel_loop3A_596 : vector<16xf32>
      %parallel_loop3A_630 = arith.mulf %parallel_loop3A_629, %parallel_loop3A_621 : vector<16xf32>
      %parallel_loop3A_631 = arith.mulf %parallel_loop3A_630, %get3A_224 : vector<16xf32>
      %parallel_loop3A_632 = arith.addf %parallel_loop3A_631, %get3A_240 : vector<16xf32>
      %parallel_loop3A_633 = arith.index_cast %parallel_loop3A_479 : i32 to index
      %parallel_loop3A_634 = arith.constant 16 : index
      %parallel_loop3A_635 = tpu.vector_load %arg16[%parallel_loop3A_633, %parallel_loop3A_634] {strides = array<i32>} : memref<128x128xf32, #tpu.memory_space<vmem>>, vector<16xf32>,
      tpu.vector_store %arg16[%parallel_loop3A_633, %parallel_loop3A_634], %parallel_loop3A_632 {strides = array<i32>} : memref<128x128xf32, #tpu.memory_space<vmem>>, vector<16xf32>,
      %parallel_loop3A_636 = arith.subf %parallel_loop3A_511, %parallel_loop3A_596 : vector<16xf32>
      %parallel_loop3A_637 = arith.mulf %parallel_loop3A_636, %parallel_loop3A_621 : vector<16xf32>
      %parallel_loop3A_638 = arith.mulf %parallel_loop3A_637, %get3A_226 : vector<16xf32>
      %parallel_loop3A_639 = arith.addf %parallel_loop3A_638, %get3A_242 : vector<16xf32>
      %parallel_loop3A_640 = arith.index_cast %parallel_loop3A_479 : i32 to index
      %parallel_loop3A_641 = arith.constant 32 : index
      %parallel_loop3A_642 = tpu.vector_load %arg16[%parallel_loop3A_640, %parallel_loop3A_641] {strides = array<i32>} : memref<128x128xf32, #tpu.memory_space<vmem>>, vector<16xf32>,
      tpu.vector_store %arg16[%parallel_loop3A_640, %parallel_loop3A_641], %parallel_loop3A_639 {strides = array<i32>} : memref<128x128xf32, #tpu.memory_space<vmem>>, vector<16xf32>,
      %parallel_loop3A_643 = arith.subf %parallel_loop3A_521, %parallel_loop3A_596 : vector<16xf32>
      %parallel_loop3A_644 = arith.mulf %parallel_loop3A_643, %parallel_loop3A_621 : vector<16xf32>
      %parallel_loop3A_645 = arith.mulf %parallel_loop3A_644, %get3A_228 : vector<16xf32>
      %parallel_loop3A_646 = arith.addf %parallel_loop3A_645, %get3A_244 : vector<16xf32>
      %parallel_loop3A_647 = arith.index_cast %parallel_loop3A_479 : i32 to index
      %parallel_loop3A_648 = arith.constant 48 : index
      %parallel_loop3A_649 = tpu.vector_load %arg16[%parallel_loop3A_647, %parallel_loop3A_648] {strides = array<i32>} : memref<128x128xf32, #tpu.memory_space<vmem>>, vector<16xf32>,
      tpu.vector_store %arg16[%parallel_loop3A_647, %parallel_loop3A_648], %parallel_loop3A_646 {strides = array<i32>} : memref<128x128xf32, #tpu.memory_space<vmem>>, vector<16xf32>,
      %parallel_loop3A_650 = arith.subf %parallel_loop3A_531, %parallel_loop3A_596 : vector<16xf32>
      %parallel_loop3A_651 = arith.mulf %parallel_loop3A_650, %parallel_loop3A_621 : vector<16xf32>
      %parallel_loop3A_652 = arith.mulf %parallel_loop3A_651, %get3A_230 : vector<16xf32>
      %parallel_loop3A_653 = arith.addf %parallel_loop3A_652, %get3A_246 : vector<16xf32>
      %parallel_loop3A_654 = arith.index_cast %parallel_loop3A_479 : i32 to index
      %parallel_loop3A_655 = arith.constant 64 : index
      %parallel_loop3A_656 = tpu.vector_load %arg16[%parallel_loop3A_654, %parallel_loop3A_655] {strides = array<i32>} : memref<128x128xf32, #tpu.memory_space<vmem>>, vector<16xf32>,
      tpu.vector_store %arg16[%parallel_loop3A_654, %parallel_loop3A_655], %parallel_loop3A_653 {strides = array<i32>} : memref<128x128xf32, #tpu.memory_space<vmem>>, vector<16xf32>,
      %parallel_loop3A_657 = arith.subf %parallel_loop3A_541, %parallel_loop3A_596 : vector<16xf32>
      %parallel_loop3A_658 = arith.mulf %parallel_loop3A_657, %parallel_loop3A_621 : vector<16xf32>
      %parallel_loop3A_659 = arith.mulf %parallel_loop3A_658, %get3A_232 : vector<16xf32>
      %parallel_loop3A_660 = arith.addf %parallel_loop3A_659, %get3A_248 : vector<16xf32>
      %parallel_loop3A_661 = arith.index_cast %parallel_loop3A_479 : i32 to index
      %parallel_loop3A_662 = arith.constant 80 : index
      %parallel_loop3A_663 = tpu.vector_load %arg16[%parallel_loop3A_661, %parallel_loop3A_662] {strides = array<i32>} : memref<128x128xf32, #tpu.memory_space<vmem>>, vector<16xf32>,
      tpu.vector_store %arg16[%parallel_loop3A_661, %parallel_loop3A_662], %parallel_loop3A_660 {strides = array<i32>} : memref<128x128xf32, #tpu.memory_space<vmem>>, vector<16xf32>,
      %parallel_loop3A_664 = arith.subf %parallel_loop3A_551, %parallel_loop3A_596 : vector<16xf32>
      %parallel_loop3A_665 = arith.mulf %parallel_loop3A_664, %parallel_loop3A_621 : vector<16xf32>
      %parallel_loop3A_666 = arith.mulf %parallel_loop3A_665, %get3A_234 : vector<16xf32>
      %parallel_loop3A_667 = arith.addf %parallel_loop3A_666, %get3A_250 : vector<16xf32>
      %parallel_loop3A_668 = arith.index_cast %parallel_loop3A_479 : i32 to index
      %parallel_loop3A_669 = arith.constant 96 : index
      %parallel_loop3A_670 = tpu.vector_load %arg16[%parallel_loop3A_668, %parallel_loop3A_669] {strides = array<i32>} : memref<128x128xf32, #tpu.memory_space<vmem>>, vector<16xf32>,
      tpu.vector_store %arg16[%parallel_loop3A_668, %parallel_loop3A_669], %parallel_loop3A_667 {strides = array<i32>} : memref<128x128xf32, #tpu.memory_space<vmem>>, vector<16xf32>,
      %parallel_loop3A_671 = arith.subf %parallel_loop3A_561, %parallel_loop3A_596 : vector<16xf32>
      %parallel_loop3A_672 = arith.mulf %parallel_loop3A_671, %parallel_loop3A_621 : vector<16xf32>
      %parallel_loop3A_673 = arith.mulf %parallel_loop3A_672, %get3A_236 : vector<16xf32>
      %parallel_loop3A_674 = arith.addf %parallel_loop3A_673, %get3A_252 : vector<16xf32>
      %parallel_loop3A_675 = arith.index_cast %parallel_loop3A_479 : i32 to index
      %parallel_loop3A_676 = arith.constant 112 : index
      %parallel_loop3A_677 = tpu.vector_load %arg16[%parallel_loop3A_675, %parallel_loop3A_676] {strides = array<i32>} : memref<128x128xf32, #tpu.memory_space<vmem>>, vector<16xf32>,
      tpu.vector_store %arg16[%parallel_loop3A_675, %parallel_loop3A_676], %parallel_loop3A_674 {strides = array<i32>} : memref<128x128xf32, #tpu.memory_space<vmem>>, vector<16xf32>,
    } {sc.loop_unroll_factor = 1 : i64, sc.parallel_access}
    %mul3A_413 = arith.constant 256 : i32
    %mul3A_414 = arith.muli %add3A, %mul3A_413 : i32
    %add3A_415 = arith.constant 16384 : i32
    %add3A_416 = arith.addi %add3A_415, %mul3A_414 : i32
    %add3A_417 = arith.constant 128 : i32
    %add3A_418 = arith.addi %add3A_416, %add3A_417 : i32
    %dma_start3A_419 = arith.constant 0 : i32
    %dma_start3A_420 = tpu.memref_slice %arg7[%add3A_418, %dma_start3A_419] : memref<32768x128xf32, #tpu.memory_space<hbm>> -> memref<128x128xf32, #tpu.memory_space<hbm>>
    %dma_start3A_421 = arith.constant 0 : i32
    %dma_start3A_422 = tpu.memref_slice %arg7[%add3A_418, %dma_start3A_421] : memref<32768x128xf32, #tpu.memory_space<hbm>> -> memref<128x128xf32, #tpu.memory_space<hbm>>
    tpu.enqueue_dma source(%arg16 : memref<128x128xf32, #tpu.memory_space<vmem>>) target(%dma_start3A_422 : memref<128x128xf32, #tpu.memory_space<hbm>>) target_semaphore(%arg21 : memref<!tpu.dma_semaphore, #tpu.memory_space<semaphore_mem>>)
    %dma_wait3A_423 = arith.constant 6 : i32
    %dma_wait3A_424 = arith.constant 0 : i32
    %dma_wait3A_425 = tpu.memref_slice %arg8[%dma_wait3A_423, %dma_wait3A_424] : memref<8x128xi32, #tpu.memory_space<vmem>> -> memref<1x128xi32, #tpu.memory_space<vmem>>
    %dma_wait3A_426 = tpu.memref_squeeze %dma_wait3A_425 : memref<1x128xi32, #tpu.memory_space<vmem>> -> memref<128xi32, #tpu.memory_space<vmem>>
    %dma_wait3A_427 = arith.constant 0 : i32
    %dma_wait3A_428 = arith.constant 0 : i32
    %dma_wait3A_429 = tpu.memref_slice %arg2[%dma_wait3A_427, %dma_wait3A_428] : memref<100000x128xf32, #tpu.memory_space<hbm>> -> memref<100000x128xf32, #tpu.memory_space<hbm>>
    tpu.wait_indirect_dma semaphore(%arg17 : memref<!tpu.dma_semaphore, #tpu.memory_space<semaphore_mem>>) src(%dma_wait3A_429 : memref<100000x128xf32, #tpu.memory_space<hbm>>) dst(%arg12 : memref<128x128xf32, #tpu.memory_space<vmem>>)
    %dma_wait3A_430 = arith.constant 0 : i32
    %dma_wait3A_431 = tpu.memref_slice %arg7[%add3A_394, %dma_wait3A_430] : memref<32768x128xf32, #tpu.memory_space<hbm>> -> memref<128x128xf32, #tpu.memory_space<hbm>>
    %dma_wait3A_432 = arith.constant 0 : i32
    %dma_wait3A_433 = tpu.memref_slice %arg7[%add3A_394, %dma_wait3A_432] : memref<32768x128xf32, #tpu.memory_space<hbm>> -> memref<128x128xf32, #tpu.memory_space<hbm>>
    tpu.wait_dma2 semaphore(%arg20 : memref<!tpu.dma_semaphore, #tpu.memory_space<semaphore_mem>>) src(%arg15 : memref<128x128xf32, #tpu.memory_space<vmem>>) dst(%dma_wait3A_433 : memref<128x128xf32, #tpu.memory_space<hbm>>)
    %parallel_loop3A_434 = arith.constant 0 : i32
    %parallel_loop3A_435 = arith.constant 128 : i32
    %parallel_loop3A_436 = arith.constant 1 : i32
    scf.for %parallel_loop3A_479 = %parallel_loop3A_434 to %parallel_loop3A_435 step %parallel_loop3A_436  : i32 {
      %parallel_loop3A_480 = arith.constant 0 : i32
      %parallel_loop3A_481 = arith.addi %parallel_loop3A_480, %parallel_loop3A_479 : i32
      %parallel_loop3A_482 = arith.index_cast %parallel_loop3A_479 : i32 to index
      %parallel_loop3A_483 = arith.constant 0 : index
      %parallel_loop3A_484 = tpu.vector_load %arg12[%parallel_loop3A_482, %parallel_loop3A_483] {strides = array<i32>} : memref<128x128xf32, #tpu.memory_space<vmem>>, vector<16xf32>,
      %parallel_loop3A_485 = arith.constant 11.3137083 : f32
      %parallel_loop3A_486 = vector.broadcast %parallel_loop3A_485 : f32 to vector<16xf32>
      %parallel_loop3A_487 = arith.mulf %parallel_loop3A_484, %parallel_loop3A_486 : vector<16xf32>
      %parallel_loop3A_488 = arith.index_cast %parallel_loop3A_481 : i32 to index
      %parallel_loop3A_489 = arith.constant 0 : index
      %parallel_loop3A_490 = tpu.vector_load %arg9[%parallel_loop3A_488, %parallel_loop3A_489] {strides = array<i32>} : memref<256x128xf32, #tpu.memory_space<vmem>>, vector<16xf32>,
      %parallel_loop3A_491 = arith.addf %parallel_loop3A_487, %parallel_loop3A_490 : vector<16xf32>
      %parallel_loop3A_492 = arith.index_cast %parallel_loop3A_479 : i32 to index
      %parallel_loop3A_493 = arith.constant 16 : index
      %parallel_loop3A_494 = tpu.vector_load %arg12[%parallel_loop3A_492, %parallel_loop3A_493] {strides = array<i32>} : memref<128x128xf32, #tpu.memory_space<vmem>>, vector<16xf32>,
      %parallel_loop3A_495 = arith.constant 11.3137083 : f32
      %parallel_loop3A_496 = vector.broadcast %parallel_loop3A_495 : f32 to vector<16xf32>
      %parallel_loop3A_497 = arith.mulf %parallel_loop3A_494, %parallel_loop3A_496 : vector<16xf32>
      %parallel_loop3A_498 = arith.index_cast %parallel_loop3A_481 : i32 to index
      %parallel_loop3A_499 = arith.constant 16 : index
      %parallel_loop3A_500 = tpu.vector_load %arg9[%parallel_loop3A_498, %parallel_loop3A_499] {strides = array<i32>} : memref<256x128xf32, #tpu.memory_space<vmem>>, vector<16xf32>,
      %parallel_loop3A_501 = arith.addf %parallel_loop3A_497, %parallel_loop3A_500 : vector<16xf32>
      %parallel_loop3A_502 = arith.index_cast %parallel_loop3A_479 : i32 to index
      %parallel_loop3A_503 = arith.constant 32 : index
      %parallel_loop3A_504 = tpu.vector_load %arg12[%parallel_loop3A_502, %parallel_loop3A_503] {strides = array<i32>} : memref<128x128xf32, #tpu.memory_space<vmem>>, vector<16xf32>,
      %parallel_loop3A_505 = arith.constant 11.3137083 : f32
      %parallel_loop3A_506 = vector.broadcast %parallel_loop3A_505 : f32 to vector<16xf32>
      %parallel_loop3A_507 = arith.mulf %parallel_loop3A_504, %parallel_loop3A_506 : vector<16xf32>
      %parallel_loop3A_508 = arith.index_cast %parallel_loop3A_481 : i32 to index
      %parallel_loop3A_509 = arith.constant 32 : index
      %parallel_loop3A_510 = tpu.vector_load %arg9[%parallel_loop3A_508, %parallel_loop3A_509] {strides = array<i32>} : memref<256x128xf32, #tpu.memory_space<vmem>>, vector<16xf32>,
      %parallel_loop3A_511 = arith.addf %parallel_loop3A_507, %parallel_loop3A_510 : vector<16xf32>
      %parallel_loop3A_512 = arith.index_cast %parallel_loop3A_479 : i32 to index
      %parallel_loop3A_513 = arith.constant 48 : index
      %parallel_loop3A_514 = tpu.vector_load %arg12[%parallel_loop3A_512, %parallel_loop3A_513] {strides = array<i32>} : memref<128x128xf32, #tpu.memory_space<vmem>>, vector<16xf32>,
      %parallel_loop3A_515 = arith.constant 11.3137083 : f32
      %parallel_loop3A_516 = vector.broadcast %parallel_loop3A_515 : f32 to vector<16xf32>
      %parallel_loop3A_517 = arith.mulf %parallel_loop3A_514, %parallel_loop3A_516 : vector<16xf32>
      %parallel_loop3A_518 = arith.index_cast %parallel_loop3A_481 : i32 to index
      %parallel_loop3A_519 = arith.constant 48 : index
      %parallel_loop3A_520 = tpu.vector_load %arg9[%parallel_loop3A_518, %parallel_loop3A_519] {strides = array<i32>} : memref<256x128xf32, #tpu.memory_space<vmem>>, vector<16xf32>,
      %parallel_loop3A_521 = arith.addf %parallel_loop3A_517, %parallel_loop3A_520 : vector<16xf32>
      %parallel_loop3A_522 = arith.index_cast %parallel_loop3A_479 : i32 to index
      %parallel_loop3A_523 = arith.constant 64 : index
      %parallel_loop3A_524 = tpu.vector_load %arg12[%parallel_loop3A_522, %parallel_loop3A_523] {strides = array<i32>} : memref<128x128xf32, #tpu.memory_space<vmem>>, vector<16xf32>,
      %parallel_loop3A_525 = arith.constant 11.3137083 : f32
      %parallel_loop3A_526 = vector.broadcast %parallel_loop3A_525 : f32 to vector<16xf32>
      %parallel_loop3A_527 = arith.mulf %parallel_loop3A_524, %parallel_loop3A_526 : vector<16xf32>
      %parallel_loop3A_528 = arith.index_cast %parallel_loop3A_481 : i32 to index
      %parallel_loop3A_529 = arith.constant 64 : index
      %parallel_loop3A_530 = tpu.vector_load %arg9[%parallel_loop3A_528, %parallel_loop3A_529] {strides = array<i32>} : memref<256x128xf32, #tpu.memory_space<vmem>>, vector<16xf32>,
      %parallel_loop3A_531 = arith.addf %parallel_loop3A_527, %parallel_loop3A_530 : vector<16xf32>
      %parallel_loop3A_532 = arith.index_cast %parallel_loop3A_479 : i32 to index
      %parallel_loop3A_533 = arith.constant 80 : index
      %parallel_loop3A_534 = tpu.vector_load %arg12[%parallel_loop3A_532, %parallel_loop3A_533] {strides = array<i32>} : memref<128x128xf32, #tpu.memory_space<vmem>>, vector<16xf32>,
      %parallel_loop3A_535 = arith.constant 11.3137083 : f32
      %parallel_loop3A_536 = vector.broadcast %parallel_loop3A_535 : f32 to vector<16xf32>
      %parallel_loop3A_537 = arith.mulf %parallel_loop3A_534, %parallel_loop3A_536 : vector<16xf32>
      %parallel_loop3A_538 = arith.index_cast %parallel_loop3A_481 : i32 to index
      %parallel_loop3A_539 = arith.constant 80 : index
      %parallel_loop3A_540 = tpu.vector_load %arg9[%parallel_loop3A_538, %parallel_loop3A_539] {strides = array<i32>} : memref<256x128xf32, #tpu.memory_space<vmem>>, vector<16xf32>,
      %parallel_loop3A_541 = arith.addf %parallel_loop3A_537, %parallel_loop3A_540 : vector<16xf32>
      %parallel_loop3A_542 = arith.index_cast %parallel_loop3A_479 : i32 to index
      %parallel_loop3A_543 = arith.constant 96 : index
      %parallel_loop3A_544 = tpu.vector_load %arg12[%parallel_loop3A_542, %parallel_loop3A_543] {strides = array<i32>} : memref<128x128xf32, #tpu.memory_space<vmem>>, vector<16xf32>,
      %parallel_loop3A_545 = arith.constant 11.3137083 : f32
      %parallel_loop3A_546 = vector.broadcast %parallel_loop3A_545 : f32 to vector<16xf32>
      %parallel_loop3A_547 = arith.mulf %parallel_loop3A_544, %parallel_loop3A_546 : vector<16xf32>
      %parallel_loop3A_548 = arith.index_cast %parallel_loop3A_481 : i32 to index
      %parallel_loop3A_549 = arith.constant 96 : index
      %parallel_loop3A_550 = tpu.vector_load %arg9[%parallel_loop3A_548, %parallel_loop3A_549] {strides = array<i32>} : memref<256x128xf32, #tpu.memory_space<vmem>>, vector<16xf32>,
      %parallel_loop3A_551 = arith.addf %parallel_loop3A_547, %parallel_loop3A_550 : vector<16xf32>
      %parallel_loop3A_552 = arith.index_cast %parallel_loop3A_479 : i32 to index
      %parallel_loop3A_553 = arith.constant 112 : index
      %parallel_loop3A_554 = tpu.vector_load %arg12[%parallel_loop3A_552, %parallel_loop3A_553] {strides = array<i32>} : memref<128x128xf32, #tpu.memory_space<vmem>>, vector<16xf32>,
      %parallel_loop3A_555 = arith.constant 11.3137083 : f32
      %parallel_loop3A_556 = vector.broadcast %parallel_loop3A_555 : f32 to vector<16xf32>
      %parallel_loop3A_557 = arith.mulf %parallel_loop3A_554, %parallel_loop3A_556 : vector<16xf32>
      %parallel_loop3A_558 = arith.index_cast %parallel_loop3A_481 : i32 to index
      %parallel_loop3A_559 = arith.constant 112 : index
      %parallel_loop3A_560 = tpu.vector_load %arg9[%parallel_loop3A_558, %parallel_loop3A_559] {strides = array<i32>} : memref<256x128xf32, #tpu.memory_space<vmem>>, vector<16xf32>,
      %parallel_loop3A_561 = arith.addf %parallel_loop3A_557, %parallel_loop3A_560 : vector<16xf32>
      %parallel_loop3A_562 = arith.addf %parallel_loop3A_491, %parallel_loop3A_501 : vector<16xf32>
      %parallel_loop3A_563 = arith.addf %parallel_loop3A_511, %parallel_loop3A_521 : vector<16xf32>
      %parallel_loop3A_564 = arith.addf %parallel_loop3A_531, %parallel_loop3A_541 : vector<16xf32>
      %parallel_loop3A_565 = arith.addf %parallel_loop3A_551, %parallel_loop3A_561 : vector<16xf32>
      %parallel_loop3A_566 = arith.addf %parallel_loop3A_562, %parallel_loop3A_563 : vector<16xf32>
      %parallel_loop3A_567 = arith.addf %parallel_loop3A_564, %parallel_loop3A_565 : vector<16xf32>
      %parallel_loop3A_568 = arith.addf %parallel_loop3A_566, %parallel_loop3A_567 : vector<16xf32>
      %parallel_loop3A_569 = arith.constant true
      %parallel_loop3A_570 = vector.broadcast %parallel_loop3A_569 : i1 to vector<16xi1>
      %parallel_loop3A_571 = tpu.scan <sum>, %parallel_loop3A_568 masked %parallel_loop3A_570 : vector<16xf32>, vector<16xi1> -> vector<16xf32>
      %parallel_loop3A_572 = vector.extract %parallel_loop3A_571[15] : f32 from vector<16xf32>
      %parallel_loop3A_573 = vector.broadcast %parallel_loop3A_572 : f32 to vector<16xf32>
      %parallel_loop3A_574 = arith.mulf %parallel_loop3A_491, %parallel_loop3A_491 : vector<16xf32>
      %parallel_loop3A_575 = arith.mulf %parallel_loop3A_501, %parallel_loop3A_501 : vector<16xf32>
      %parallel_loop3A_576 = arith.mulf %parallel_loop3A_511, %parallel_loop3A_511 : vector<16xf32>
      %parallel_loop3A_577 = arith.mulf %parallel_loop3A_521, %parallel_loop3A_521 : vector<16xf32>
      %parallel_loop3A_578 = arith.mulf %parallel_loop3A_531, %parallel_loop3A_531 : vector<16xf32>
      %parallel_loop3A_579 = arith.mulf %parallel_loop3A_541, %parallel_loop3A_541 : vector<16xf32>
      %parallel_loop3A_580 = arith.mulf %parallel_loop3A_551, %parallel_loop3A_551 : vector<16xf32>
      %parallel_loop3A_581 = arith.mulf %parallel_loop3A_561, %parallel_loop3A_561 : vector<16xf32>
      %parallel_loop3A_582 = arith.addf %parallel_loop3A_574, %parallel_loop3A_575 : vector<16xf32>
      %parallel_loop3A_583 = arith.addf %parallel_loop3A_576, %parallel_loop3A_577 : vector<16xf32>
      %parallel_loop3A_584 = arith.addf %parallel_loop3A_578, %parallel_loop3A_579 : vector<16xf32>
      %parallel_loop3A_585 = arith.addf %parallel_loop3A_580, %parallel_loop3A_581 : vector<16xf32>
      %parallel_loop3A_586 = arith.addf %parallel_loop3A_582, %parallel_loop3A_583 : vector<16xf32>
      %parallel_loop3A_587 = arith.addf %parallel_loop3A_584, %parallel_loop3A_585 : vector<16xf32>
      %parallel_loop3A_588 = arith.addf %parallel_loop3A_586, %parallel_loop3A_587 : vector<16xf32>
      %parallel_loop3A_589 = arith.constant true
      %parallel_loop3A_590 = vector.broadcast %parallel_loop3A_589 : i1 to vector<16xi1>
      %parallel_loop3A_591 = tpu.scan <sum>, %parallel_loop3A_588 masked %parallel_loop3A_590 : vector<16xf32>, vector<16xi1> -> vector<16xf32>
      %parallel_loop3A_592 = vector.extract %parallel_loop3A_591[15] : f32 from vector<16xf32>
      %parallel_loop3A_593 = vector.broadcast %parallel_loop3A_592 : f32 to vector<16xf32>
      %parallel_loop3A_594 = arith.constant 7.812500e-03 : f32
      %parallel_loop3A_595 = vector.broadcast %parallel_loop3A_594 : f32 to vector<16xf32>
      %parallel_loop3A_596 = arith.mulf %parallel_loop3A_573, %parallel_loop3A_595 : vector<16xf32>
      %parallel_loop3A_597 = arith.constant 7.812500e-03 : f32
      %parallel_loop3A_598 = vector.broadcast %parallel_loop3A_597 : f32 to vector<16xf32>
      %parallel_loop3A_599 = arith.mulf %parallel_loop3A_593, %parallel_loop3A_598 : vector<16xf32>
      %parallel_loop3A_600 = arith.mulf %parallel_loop3A_596, %parallel_loop3A_596 : vector<16xf32>
      %parallel_loop3A_601 = arith.subf %parallel_loop3A_599, %parallel_loop3A_600 : vector<16xf32>
      %parallel_loop3A_602 = arith.constant 9.99999974E-6 : f32
      %parallel_loop3A_603 = vector.broadcast %parallel_loop3A_602 : f32 to vector<16xf32>
      %parallel_loop3A_604 = arith.addf %parallel_loop3A_601, %parallel_loop3A_603 : vector<16xf32>
      %parallel_loop3A_605 = vector.bitcast %parallel_loop3A_604 : vector<16xf32> to vector<16xi32>
      %parallel_loop3A_606 = arith.constant 1597463007 : i32
      %parallel_loop3A_607 = vector.broadcast %parallel_loop3A_606 : i32 to vector<16xi32>
      %parallel_loop3A_608 = arith.constant 1 : i32
      %parallel_loop3A_609 = vector.broadcast %parallel_loop3A_608 : i32 to vector<16xi32>
      %parallel_loop3A_610 = arith.shrsi %parallel_loop3A_605, %parallel_loop3A_609 : vector<16xi32>
      %parallel_loop3A_611 = arith.subi %parallel_loop3A_607, %parallel_loop3A_610 : vector<16xi32>
      %parallel_loop3A_612 = vector.bitcast %parallel_loop3A_611 : vector<16xi32> to vector<16xf32>
      %parallel_loop3A_613 = arith.constant 5.000000e-01 : f32
      %parallel_loop3A_614 = vector.broadcast %parallel_loop3A_613 : f32 to vector<16xf32>
      %parallel_loop3A_615 = arith.mulf %parallel_loop3A_614, %parallel_loop3A_604 : vector<16xf32>
      %parallel_loop3A_616 = arith.mulf %parallel_loop3A_615, %parallel_loop3A_612 : vector<16xf32>
      %parallel_loop3A_617 = arith.mulf %parallel_loop3A_616, %parallel_loop3A_612 : vector<16xf32>
      %parallel_loop3A_618 = arith.constant 1.500000e+00 : f32
      %parallel_loop3A_619 = vector.broadcast %parallel_loop3A_618 : f32 to vector<16xf32>
      %parallel_loop3A_620 = arith.subf %parallel_loop3A_619, %parallel_loop3A_617 : vector<16xf32>
      %parallel_loop3A_621 = arith.mulf %parallel_loop3A_612, %parallel_loop3A_620 : vector<16xf32>
      %parallel_loop3A_622 = arith.subf %parallel_loop3A_491, %parallel_loop3A_596 : vector<16xf32>
      %parallel_loop3A_623 = arith.mulf %parallel_loop3A_622, %parallel_loop3A_621 : vector<16xf32>
      %parallel_loop3A_624 = arith.mulf %parallel_loop3A_623, %get3A_222 : vector<16xf32>
      %parallel_loop3A_625 = arith.addf %parallel_loop3A_624, %get3A_238 : vector<16xf32>
      %parallel_loop3A_626 = arith.index_cast %parallel_loop3A_479 : i32 to index
      %parallel_loop3A_627 = arith.constant 0 : index
      %parallel_loop3A_628 = tpu.vector_load %arg15[%parallel_loop3A_626, %parallel_loop3A_627] {strides = array<i32>} : memref<128x128xf32, #tpu.memory_space<vmem>>, vector<16xf32>,
      tpu.vector_store %arg15[%parallel_loop3A_626, %parallel_loop3A_627], %parallel_loop3A_625 {strides = array<i32>} : memref<128x128xf32, #tpu.memory_space<vmem>>, vector<16xf32>,
      %parallel_loop3A_629 = arith.subf %parallel_loop3A_501, %parallel_loop3A_596 : vector<16xf32>
      %parallel_loop3A_630 = arith.mulf %parallel_loop3A_629, %parallel_loop3A_621 : vector<16xf32>
      %parallel_loop3A_631 = arith.mulf %parallel_loop3A_630, %get3A_224 : vector<16xf32>
      %parallel_loop3A_632 = arith.addf %parallel_loop3A_631, %get3A_240 : vector<16xf32>
      %parallel_loop3A_633 = arith.index_cast %parallel_loop3A_479 : i32 to index
      %parallel_loop3A_634 = arith.constant 16 : index
      %parallel_loop3A_635 = tpu.vector_load %arg15[%parallel_loop3A_633, %parallel_loop3A_634] {strides = array<i32>} : memref<128x128xf32, #tpu.memory_space<vmem>>, vector<16xf32>,
      tpu.vector_store %arg15[%parallel_loop3A_633, %parallel_loop3A_634], %parallel_loop3A_632 {strides = array<i32>} : memref<128x128xf32, #tpu.memory_space<vmem>>, vector<16xf32>,
      %parallel_loop3A_636 = arith.subf %parallel_loop3A_511, %parallel_loop3A_596 : vector<16xf32>
      %parallel_loop3A_637 = arith.mulf %parallel_loop3A_636, %parallel_loop3A_621 : vector<16xf32>
      %parallel_loop3A_638 = arith.mulf %parallel_loop3A_637, %get3A_226 : vector<16xf32>
      %parallel_loop3A_639 = arith.addf %parallel_loop3A_638, %get3A_242 : vector<16xf32>
      %parallel_loop3A_640 = arith.index_cast %parallel_loop3A_479 : i32 to index
      %parallel_loop3A_641 = arith.constant 32 : index
      %parallel_loop3A_642 = tpu.vector_load %arg15[%parallel_loop3A_640, %parallel_loop3A_641] {strides = array<i32>} : memref<128x128xf32, #tpu.memory_space<vmem>>, vector<16xf32>,
      tpu.vector_store %arg15[%parallel_loop3A_640, %parallel_loop3A_641], %parallel_loop3A_639 {strides = array<i32>} : memref<128x128xf32, #tpu.memory_space<vmem>>, vector<16xf32>,
      %parallel_loop3A_643 = arith.subf %parallel_loop3A_521, %parallel_loop3A_596 : vector<16xf32>
      %parallel_loop3A_644 = arith.mulf %parallel_loop3A_643, %parallel_loop3A_621 : vector<16xf32>
      %parallel_loop3A_645 = arith.mulf %parallel_loop3A_644, %get3A_228 : vector<16xf32>
      %parallel_loop3A_646 = arith.addf %parallel_loop3A_645, %get3A_244 : vector<16xf32>
      %parallel_loop3A_647 = arith.index_cast %parallel_loop3A_479 : i32 to index
      %parallel_loop3A_648 = arith.constant 48 : index
      %parallel_loop3A_649 = tpu.vector_load %arg15[%parallel_loop3A_647, %parallel_loop3A_648] {strides = array<i32>} : memref<128x128xf32, #tpu.memory_space<vmem>>, vector<16xf32>,
      tpu.vector_store %arg15[%parallel_loop3A_647, %parallel_loop3A_648], %parallel_loop3A_646 {strides = array<i32>} : memref<128x128xf32, #tpu.memory_space<vmem>>, vector<16xf32>,
      %parallel_loop3A_650 = arith.subf %parallel_loop3A_531, %parallel_loop3A_596 : vector<16xf32>
      %parallel_loop3A_651 = arith.mulf %parallel_loop3A_650, %parallel_loop3A_621 : vector<16xf32>
      %parallel_loop3A_652 = arith.mulf %parallel_loop3A_651, %get3A_230 : vector<16xf32>
      %parallel_loop3A_653 = arith.addf %parallel_loop3A_652, %get3A_246 : vector<16xf32>
      %parallel_loop3A_654 = arith.index_cast %parallel_loop3A_479 : i32 to index
      %parallel_loop3A_655 = arith.constant 64 : index
      %parallel_loop3A_656 = tpu.vector_load %arg15[%parallel_loop3A_654, %parallel_loop3A_655] {strides = array<i32>} : memref<128x128xf32, #tpu.memory_space<vmem>>, vector<16xf32>,
      tpu.vector_store %arg15[%parallel_loop3A_654, %parallel_loop3A_655], %parallel_loop3A_653 {strides = array<i32>} : memref<128x128xf32, #tpu.memory_space<vmem>>, vector<16xf32>,
      %parallel_loop3A_657 = arith.subf %parallel_loop3A_541, %parallel_loop3A_596 : vector<16xf32>
      %parallel_loop3A_658 = arith.mulf %parallel_loop3A_657, %parallel_loop3A_621 : vector<16xf32>
      %parallel_loop3A_659 = arith.mulf %parallel_loop3A_658, %get3A_232 : vector<16xf32>
      %parallel_loop3A_660 = arith.addf %parallel_loop3A_659, %get3A_248 : vector<16xf32>
      %parallel_loop3A_661 = arith.index_cast %parallel_loop3A_479 : i32 to index
      %parallel_loop3A_662 = arith.constant 80 : index
      %parallel_loop3A_663 = tpu.vector_load %arg15[%parallel_loop3A_661, %parallel_loop3A_662] {strides = array<i32>} : memref<128x128xf32, #tpu.memory_space<vmem>>, vector<16xf32>,
      tpu.vector_store %arg15[%parallel_loop3A_661, %parallel_loop3A_662], %parallel_loop3A_660 {strides = array<i32>} : memref<128x128xf32, #tpu.memory_space<vmem>>, vector<16xf32>,
      %parallel_loop3A_664 = arith.subf %parallel_loop3A_551, %parallel_loop3A_596 : vector<16xf32>
      %parallel_loop3A_665 = arith.mulf %parallel_loop3A_664, %parallel_loop3A_621 : vector<16xf32>
      %parallel_loop3A_666 = arith.mulf %parallel_loop3A_665, %get3A_234 : vector<16xf32>
      %parallel_loop3A_667 = arith.addf %parallel_loop3A_666, %get3A_250 : vector<16xf32>
      %parallel_loop3A_668 = arith.index_cast %parallel_loop3A_479 : i32 to index
      %parallel_loop3A_669 = arith.constant 96 : index
      %parallel_loop3A_670 = tpu.vector_load %arg15[%parallel_loop3A_668, %parallel_loop3A_669] {strides = array<i32>} : memref<128x128xf32, #tpu.memory_space<vmem>>, vector<16xf32>,
      tpu.vector_store %arg15[%parallel_loop3A_668, %parallel_loop3A_669], %parallel_loop3A_667 {strides = array<i32>} : memref<128x128xf32, #tpu.memory_space<vmem>>, vector<16xf32>,
      %parallel_loop3A_671 = arith.subf %parallel_loop3A_561, %parallel_loop3A_596 : vector<16xf32>
      %parallel_loop3A_672 = arith.mulf %parallel_loop3A_671, %parallel_loop3A_621 : vector<16xf32>
      %parallel_loop3A_673 = arith.mulf %parallel_loop3A_672, %get3A_236 : vector<16xf32>
      %parallel_loop3A_674 = arith.addf %parallel_loop3A_673, %get3A_252 : vector<16xf32>
      %parallel_loop3A_675 = arith.index_cast %parallel_loop3A_479 : i32 to index
      %parallel_loop3A_676 = arith.constant 112 : index
      %parallel_loop3A_677 = tpu.vector_load %arg15[%parallel_loop3A_675, %parallel_loop3A_676] {strides = array<i32>} : memref<128x128xf32, #tpu.memory_space<vmem>>, vector<16xf32>,
      tpu.vector_store %arg15[%parallel_loop3A_675, %parallel_loop3A_676], %parallel_loop3A_674 {strides = array<i32>} : memref<128x128xf32, #tpu.memory_space<vmem>>, vector<16xf32>,
    } {sc.loop_unroll_factor = 1 : i64, sc.parallel_access}
    %mul3A_437 = arith.constant 256 : i32
    %mul3A_438 = arith.muli %add3A, %mul3A_437 : i32
    %add3A_439 = arith.constant 24576 : i32
    %add3A_440 = arith.addi %add3A_439, %mul3A_438 : i32
    %add3A_441 = arith.constant 0 : i32
    %add3A_442 = arith.addi %add3A_440, %add3A_441 : i32
    %dma_start3A_443 = arith.constant 0 : i32
    %dma_start3A_444 = tpu.memref_slice %arg7[%add3A_442, %dma_start3A_443] : memref<32768x128xf32, #tpu.memory_space<hbm>> -> memref<128x128xf32, #tpu.memory_space<hbm>>
    %dma_start3A_445 = arith.constant 0 : i32
    %dma_start3A_446 = tpu.memref_slice %arg7[%add3A_442, %dma_start3A_445] : memref<32768x128xf32, #tpu.memory_space<hbm>> -> memref<128x128xf32, #tpu.memory_space<hbm>>
    tpu.enqueue_dma source(%arg15 : memref<128x128xf32, #tpu.memory_space<vmem>>) target(%dma_start3A_446 : memref<128x128xf32, #tpu.memory_space<hbm>>) target_semaphore(%arg20 : memref<!tpu.dma_semaphore, #tpu.memory_space<semaphore_mem>>)
    %dma_wait3A_447 = arith.constant 7 : i32
    %dma_wait3A_448 = arith.constant 0 : i32
    %dma_wait3A_449 = tpu.memref_slice %arg8[%dma_wait3A_447, %dma_wait3A_448] : memref<8x128xi32, #tpu.memory_space<vmem>> -> memref<1x128xi32, #tpu.memory_space<vmem>>
    %dma_wait3A_450 = tpu.memref_squeeze %dma_wait3A_449 : memref<1x128xi32, #tpu.memory_space<vmem>> -> memref<128xi32, #tpu.memory_space<vmem>>
    %dma_wait3A_451 = arith.constant 0 : i32
    %dma_wait3A_452 = arith.constant 0 : i32
    %dma_wait3A_453 = tpu.memref_slice %arg2[%dma_wait3A_451, %dma_wait3A_452] : memref<100000x128xf32, #tpu.memory_space<hbm>> -> memref<100000x128xf32, #tpu.memory_space<hbm>>
    tpu.wait_indirect_dma semaphore(%arg18 : memref<!tpu.dma_semaphore, #tpu.memory_space<semaphore_mem>>) src(%dma_wait3A_453 : memref<100000x128xf32, #tpu.memory_space<hbm>>) dst(%arg13 : memref<128x128xf32, #tpu.memory_space<vmem>>)
    %dma_wait3A_454 = arith.constant 0 : i32
    %dma_wait3A_455 = tpu.memref_slice %arg7[%add3A_418, %dma_wait3A_454] : memref<32768x128xf32, #tpu.memory_space<hbm>> -> memref<128x128xf32, #tpu.memory_space<hbm>>
    %dma_wait3A_456 = arith.constant 0 : i32
    %dma_wait3A_457 = tpu.memref_slice %arg7[%add3A_418, %dma_wait3A_456] : memref<32768x128xf32, #tpu.memory_space<hbm>> -> memref<128x128xf32, #tpu.memory_space<hbm>>
    tpu.wait_dma2 semaphore(%arg21 : memref<!tpu.dma_semaphore, #tpu.memory_space<semaphore_mem>>) src(%arg16 : memref<128x128xf32, #tpu.memory_space<vmem>>) dst(%dma_wait3A_457 : memref<128x128xf32, #tpu.memory_space<hbm>>)
    %parallel_loop3A_458 = arith.constant 0 : i32
    %parallel_loop3A_459 = arith.constant 128 : i32
    %parallel_loop3A_460 = arith.constant 1 : i32
    scf.for %parallel_loop3A_479 = %parallel_loop3A_458 to %parallel_loop3A_459 step %parallel_loop3A_460  : i32 {
      %parallel_loop3A_480 = arith.constant 128 : i32
      %parallel_loop3A_481 = arith.addi %parallel_loop3A_480, %parallel_loop3A_479 : i32
      %parallel_loop3A_482 = arith.index_cast %parallel_loop3A_479 : i32 to index
      %parallel_loop3A_483 = arith.constant 0 : index
      %parallel_loop3A_484 = tpu.vector_load %arg13[%parallel_loop3A_482, %parallel_loop3A_483] {strides = array<i32>} : memref<128x128xf32, #tpu.memory_space<vmem>>, vector<16xf32>,
      %parallel_loop3A_485 = arith.constant 11.3137083 : f32
      %parallel_loop3A_486 = vector.broadcast %parallel_loop3A_485 : f32 to vector<16xf32>
      %parallel_loop3A_487 = arith.mulf %parallel_loop3A_484, %parallel_loop3A_486 : vector<16xf32>
      %parallel_loop3A_488 = arith.index_cast %parallel_loop3A_481 : i32 to index
      %parallel_loop3A_489 = arith.constant 0 : index
      %parallel_loop3A_490 = tpu.vector_load %arg9[%parallel_loop3A_488, %parallel_loop3A_489] {strides = array<i32>} : memref<256x128xf32, #tpu.memory_space<vmem>>, vector<16xf32>,
      %parallel_loop3A_491 = arith.addf %parallel_loop3A_487, %parallel_loop3A_490 : vector<16xf32>
      %parallel_loop3A_492 = arith.index_cast %parallel_loop3A_479 : i32 to index
      %parallel_loop3A_493 = arith.constant 16 : index
      %parallel_loop3A_494 = tpu.vector_load %arg13[%parallel_loop3A_492, %parallel_loop3A_493] {strides = array<i32>} : memref<128x128xf32, #tpu.memory_space<vmem>>, vector<16xf32>,
      %parallel_loop3A_495 = arith.constant 11.3137083 : f32
      %parallel_loop3A_496 = vector.broadcast %parallel_loop3A_495 : f32 to vector<16xf32>
      %parallel_loop3A_497 = arith.mulf %parallel_loop3A_494, %parallel_loop3A_496 : vector<16xf32>
      %parallel_loop3A_498 = arith.index_cast %parallel_loop3A_481 : i32 to index
      %parallel_loop3A_499 = arith.constant 16 : index
      %parallel_loop3A_500 = tpu.vector_load %arg9[%parallel_loop3A_498, %parallel_loop3A_499] {strides = array<i32>} : memref<256x128xf32, #tpu.memory_space<vmem>>, vector<16xf32>,
      %parallel_loop3A_501 = arith.addf %parallel_loop3A_497, %parallel_loop3A_500 : vector<16xf32>
      %parallel_loop3A_502 = arith.index_cast %parallel_loop3A_479 : i32 to index
      %parallel_loop3A_503 = arith.constant 32 : index
      %parallel_loop3A_504 = tpu.vector_load %arg13[%parallel_loop3A_502, %parallel_loop3A_503] {strides = array<i32>} : memref<128x128xf32, #tpu.memory_space<vmem>>, vector<16xf32>,
      %parallel_loop3A_505 = arith.constant 11.3137083 : f32
      %parallel_loop3A_506 = vector.broadcast %parallel_loop3A_505 : f32 to vector<16xf32>
      %parallel_loop3A_507 = arith.mulf %parallel_loop3A_504, %parallel_loop3A_506 : vector<16xf32>
      %parallel_loop3A_508 = arith.index_cast %parallel_loop3A_481 : i32 to index
      %parallel_loop3A_509 = arith.constant 32 : index
      %parallel_loop3A_510 = tpu.vector_load %arg9[%parallel_loop3A_508, %parallel_loop3A_509] {strides = array<i32>} : memref<256x128xf32, #tpu.memory_space<vmem>>, vector<16xf32>,
      %parallel_loop3A_511 = arith.addf %parallel_loop3A_507, %parallel_loop3A_510 : vector<16xf32>
      %parallel_loop3A_512 = arith.index_cast %parallel_loop3A_479 : i32 to index
      %parallel_loop3A_513 = arith.constant 48 : index
      %parallel_loop3A_514 = tpu.vector_load %arg13[%parallel_loop3A_512, %parallel_loop3A_513] {strides = array<i32>} : memref<128x128xf32, #tpu.memory_space<vmem>>, vector<16xf32>,
      %parallel_loop3A_515 = arith.constant 11.3137083 : f32
      %parallel_loop3A_516 = vector.broadcast %parallel_loop3A_515 : f32 to vector<16xf32>
      %parallel_loop3A_517 = arith.mulf %parallel_loop3A_514, %parallel_loop3A_516 : vector<16xf32>
      %parallel_loop3A_518 = arith.index_cast %parallel_loop3A_481 : i32 to index
      %parallel_loop3A_519 = arith.constant 48 : index
      %parallel_loop3A_520 = tpu.vector_load %arg9[%parallel_loop3A_518, %parallel_loop3A_519] {strides = array<i32>} : memref<256x128xf32, #tpu.memory_space<vmem>>, vector<16xf32>,
      %parallel_loop3A_521 = arith.addf %parallel_loop3A_517, %parallel_loop3A_520 : vector<16xf32>
      %parallel_loop3A_522 = arith.index_cast %parallel_loop3A_479 : i32 to index
      %parallel_loop3A_523 = arith.constant 64 : index
      %parallel_loop3A_524 = tpu.vector_load %arg13[%parallel_loop3A_522, %parallel_loop3A_523] {strides = array<i32>} : memref<128x128xf32, #tpu.memory_space<vmem>>, vector<16xf32>,
      %parallel_loop3A_525 = arith.constant 11.3137083 : f32
      %parallel_loop3A_526 = vector.broadcast %parallel_loop3A_525 : f32 to vector<16xf32>
      %parallel_loop3A_527 = arith.mulf %parallel_loop3A_524, %parallel_loop3A_526 : vector<16xf32>
      %parallel_loop3A_528 = arith.index_cast %parallel_loop3A_481 : i32 to index
      %parallel_loop3A_529 = arith.constant 64 : index
      %parallel_loop3A_530 = tpu.vector_load %arg9[%parallel_loop3A_528, %parallel_loop3A_529] {strides = array<i32>} : memref<256x128xf32, #tpu.memory_space<vmem>>, vector<16xf32>,
      %parallel_loop3A_531 = arith.addf %parallel_loop3A_527, %parallel_loop3A_530 : vector<16xf32>
      %parallel_loop3A_532 = arith.index_cast %parallel_loop3A_479 : i32 to index
      %parallel_loop3A_533 = arith.constant 80 : index
      %parallel_loop3A_534 = tpu.vector_load %arg13[%parallel_loop3A_532, %parallel_loop3A_533] {strides = array<i32>} : memref<128x128xf32, #tpu.memory_space<vmem>>, vector<16xf32>,
      %parallel_loop3A_535 = arith.constant 11.3137083 : f32
      %parallel_loop3A_536 = vector.broadcast %parallel_loop3A_535 : f32 to vector<16xf32>
      %parallel_loop3A_537 = arith.mulf %parallel_loop3A_534, %parallel_loop3A_536 : vector<16xf32>
      %parallel_loop3A_538 = arith.index_cast %parallel_loop3A_481 : i32 to index
      %parallel_loop3A_539 = arith.constant 80 : index
      %parallel_loop3A_540 = tpu.vector_load %arg9[%parallel_loop3A_538, %parallel_loop3A_539] {strides = array<i32>} : memref<256x128xf32, #tpu.memory_space<vmem>>, vector<16xf32>,
      %parallel_loop3A_541 = arith.addf %parallel_loop3A_537, %parallel_loop3A_540 : vector<16xf32>
      %parallel_loop3A_542 = arith.index_cast %parallel_loop3A_479 : i32 to index
      %parallel_loop3A_543 = arith.constant 96 : index
      %parallel_loop3A_544 = tpu.vector_load %arg13[%parallel_loop3A_542, %parallel_loop3A_543] {strides = array<i32>} : memref<128x128xf32, #tpu.memory_space<vmem>>, vector<16xf32>,
      %parallel_loop3A_545 = arith.constant 11.3137083 : f32
      %parallel_loop3A_546 = vector.broadcast %parallel_loop3A_545 : f32 to vector<16xf32>
      %parallel_loop3A_547 = arith.mulf %parallel_loop3A_544, %parallel_loop3A_546 : vector<16xf32>
      %parallel_loop3A_548 = arith.index_cast %parallel_loop3A_481 : i32 to index
      %parallel_loop3A_549 = arith.constant 96 : index
      %parallel_loop3A_550 = tpu.vector_load %arg9[%parallel_loop3A_548, %parallel_loop3A_549] {strides = array<i32>} : memref<256x128xf32, #tpu.memory_space<vmem>>, vector<16xf32>,
      %parallel_loop3A_551 = arith.addf %parallel_loop3A_547, %parallel_loop3A_550 : vector<16xf32>
      %parallel_loop3A_552 = arith.index_cast %parallel_loop3A_479 : i32 to index
      %parallel_loop3A_553 = arith.constant 112 : index
      %parallel_loop3A_554 = tpu.vector_load %arg13[%parallel_loop3A_552, %parallel_loop3A_553] {strides = array<i32>} : memref<128x128xf32, #tpu.memory_space<vmem>>, vector<16xf32>,
      %parallel_loop3A_555 = arith.constant 11.3137083 : f32
      %parallel_loop3A_556 = vector.broadcast %parallel_loop3A_555 : f32 to vector<16xf32>
      %parallel_loop3A_557 = arith.mulf %parallel_loop3A_554, %parallel_loop3A_556 : vector<16xf32>
      %parallel_loop3A_558 = arith.index_cast %parallel_loop3A_481 : i32 to index
      %parallel_loop3A_559 = arith.constant 112 : index
      %parallel_loop3A_560 = tpu.vector_load %arg9[%parallel_loop3A_558, %parallel_loop3A_559] {strides = array<i32>} : memref<256x128xf32, #tpu.memory_space<vmem>>, vector<16xf32>,
      %parallel_loop3A_561 = arith.addf %parallel_loop3A_557, %parallel_loop3A_560 : vector<16xf32>
      %parallel_loop3A_562 = arith.addf %parallel_loop3A_491, %parallel_loop3A_501 : vector<16xf32>
      %parallel_loop3A_563 = arith.addf %parallel_loop3A_511, %parallel_loop3A_521 : vector<16xf32>
      %parallel_loop3A_564 = arith.addf %parallel_loop3A_531, %parallel_loop3A_541 : vector<16xf32>
      %parallel_loop3A_565 = arith.addf %parallel_loop3A_551, %parallel_loop3A_561 : vector<16xf32>
      %parallel_loop3A_566 = arith.addf %parallel_loop3A_562, %parallel_loop3A_563 : vector<16xf32>
      %parallel_loop3A_567 = arith.addf %parallel_loop3A_564, %parallel_loop3A_565 : vector<16xf32>
      %parallel_loop3A_568 = arith.addf %parallel_loop3A_566, %parallel_loop3A_567 : vector<16xf32>
      %parallel_loop3A_569 = arith.constant true
      %parallel_loop3A_570 = vector.broadcast %parallel_loop3A_569 : i1 to vector<16xi1>
      %parallel_loop3A_571 = tpu.scan <sum>, %parallel_loop3A_568 masked %parallel_loop3A_570 : vector<16xf32>, vector<16xi1> -> vector<16xf32>
      %parallel_loop3A_572 = vector.extract %parallel_loop3A_571[15] : f32 from vector<16xf32>
      %parallel_loop3A_573 = vector.broadcast %parallel_loop3A_572 : f32 to vector<16xf32>
      %parallel_loop3A_574 = arith.mulf %parallel_loop3A_491, %parallel_loop3A_491 : vector<16xf32>
      %parallel_loop3A_575 = arith.mulf %parallel_loop3A_501, %parallel_loop3A_501 : vector<16xf32>
      %parallel_loop3A_576 = arith.mulf %parallel_loop3A_511, %parallel_loop3A_511 : vector<16xf32>
      %parallel_loop3A_577 = arith.mulf %parallel_loop3A_521, %parallel_loop3A_521 : vector<16xf32>
      %parallel_loop3A_578 = arith.mulf %parallel_loop3A_531, %parallel_loop3A_531 : vector<16xf32>
      %parallel_loop3A_579 = arith.mulf %parallel_loop3A_541, %parallel_loop3A_541 : vector<16xf32>
      %parallel_loop3A_580 = arith.mulf %parallel_loop3A_551, %parallel_loop3A_551 : vector<16xf32>
      %parallel_loop3A_581 = arith.mulf %parallel_loop3A_561, %parallel_loop3A_561 : vector<16xf32>
      %parallel_loop3A_582 = arith.addf %parallel_loop3A_574, %parallel_loop3A_575 : vector<16xf32>
      %parallel_loop3A_583 = arith.addf %parallel_loop3A_576, %parallel_loop3A_577 : vector<16xf32>
      %parallel_loop3A_584 = arith.addf %parallel_loop3A_578, %parallel_loop3A_579 : vector<16xf32>
      %parallel_loop3A_585 = arith.addf %parallel_loop3A_580, %parallel_loop3A_581 : vector<16xf32>
      %parallel_loop3A_586 = arith.addf %parallel_loop3A_582, %parallel_loop3A_583 : vector<16xf32>
      %parallel_loop3A_587 = arith.addf %parallel_loop3A_584, %parallel_loop3A_585 : vector<16xf32>
      %parallel_loop3A_588 = arith.addf %parallel_loop3A_586, %parallel_loop3A_587 : vector<16xf32>
      %parallel_loop3A_589 = arith.constant true
      %parallel_loop3A_590 = vector.broadcast %parallel_loop3A_589 : i1 to vector<16xi1>
      %parallel_loop3A_591 = tpu.scan <sum>, %parallel_loop3A_588 masked %parallel_loop3A_590 : vector<16xf32>, vector<16xi1> -> vector<16xf32>
      %parallel_loop3A_592 = vector.extract %parallel_loop3A_591[15] : f32 from vector<16xf32>
      %parallel_loop3A_593 = vector.broadcast %parallel_loop3A_592 : f32 to vector<16xf32>
      %parallel_loop3A_594 = arith.constant 7.812500e-03 : f32
      %parallel_loop3A_595 = vector.broadcast %parallel_loop3A_594 : f32 to vector<16xf32>
      %parallel_loop3A_596 = arith.mulf %parallel_loop3A_573, %parallel_loop3A_595 : vector<16xf32>
      %parallel_loop3A_597 = arith.constant 7.812500e-03 : f32
      %parallel_loop3A_598 = vector.broadcast %parallel_loop3A_597 : f32 to vector<16xf32>
      %parallel_loop3A_599 = arith.mulf %parallel_loop3A_593, %parallel_loop3A_598 : vector<16xf32>
      %parallel_loop3A_600 = arith.mulf %parallel_loop3A_596, %parallel_loop3A_596 : vector<16xf32>
      %parallel_loop3A_601 = arith.subf %parallel_loop3A_599, %parallel_loop3A_600 : vector<16xf32>
      %parallel_loop3A_602 = arith.constant 9.99999974E-6 : f32
      %parallel_loop3A_603 = vector.broadcast %parallel_loop3A_602 : f32 to vector<16xf32>
      %parallel_loop3A_604 = arith.addf %parallel_loop3A_601, %parallel_loop3A_603 : vector<16xf32>
      %parallel_loop3A_605 = vector.bitcast %parallel_loop3A_604 : vector<16xf32> to vector<16xi32>
      %parallel_loop3A_606 = arith.constant 1597463007 : i32
      %parallel_loop3A_607 = vector.broadcast %parallel_loop3A_606 : i32 to vector<16xi32>
      %parallel_loop3A_608 = arith.constant 1 : i32
      %parallel_loop3A_609 = vector.broadcast %parallel_loop3A_608 : i32 to vector<16xi32>
      %parallel_loop3A_610 = arith.shrsi %parallel_loop3A_605, %parallel_loop3A_609 : vector<16xi32>
      %parallel_loop3A_611 = arith.subi %parallel_loop3A_607, %parallel_loop3A_610 : vector<16xi32>
      %parallel_loop3A_612 = vector.bitcast %parallel_loop3A_611 : vector<16xi32> to vector<16xf32>
      %parallel_loop3A_613 = arith.constant 5.000000e-01 : f32
      %parallel_loop3A_614 = vector.broadcast %parallel_loop3A_613 : f32 to vector<16xf32>
      %parallel_loop3A_615 = arith.mulf %parallel_loop3A_614, %parallel_loop3A_604 : vector<16xf32>
      %parallel_loop3A_616 = arith.mulf %parallel_loop3A_615, %parallel_loop3A_612 : vector<16xf32>
      %parallel_loop3A_617 = arith.mulf %parallel_loop3A_616, %parallel_loop3A_612 : vector<16xf32>
      %parallel_loop3A_618 = arith.constant 1.500000e+00 : f32
      %parallel_loop3A_619 = vector.broadcast %parallel_loop3A_618 : f32 to vector<16xf32>
      %parallel_loop3A_620 = arith.subf %parallel_loop3A_619, %parallel_loop3A_617 : vector<16xf32>
      %parallel_loop3A_621 = arith.mulf %parallel_loop3A_612, %parallel_loop3A_620 : vector<16xf32>
      %parallel_loop3A_622 = arith.subf %parallel_loop3A_491, %parallel_loop3A_596 : vector<16xf32>
      %parallel_loop3A_623 = arith.mulf %parallel_loop3A_622, %parallel_loop3A_621 : vector<16xf32>
      %parallel_loop3A_624 = arith.mulf %parallel_loop3A_623, %get3A_222 : vector<16xf32>
      %parallel_loop3A_625 = arith.addf %parallel_loop3A_624, %get3A_238 : vector<16xf32>
      %parallel_loop3A_626 = arith.index_cast %parallel_loop3A_479 : i32 to index
      %parallel_loop3A_627 = arith.constant 0 : index
      %parallel_loop3A_628 = tpu.vector_load %arg16[%parallel_loop3A_626, %parallel_loop3A_627] {strides = array<i32>} : memref<128x128xf32, #tpu.memory_space<vmem>>, vector<16xf32>,
      tpu.vector_store %arg16[%parallel_loop3A_626, %parallel_loop3A_627], %parallel_loop3A_625 {strides = array<i32>} : memref<128x128xf32, #tpu.memory_space<vmem>>, vector<16xf32>,
      %parallel_loop3A_629 = arith.subf %parallel_loop3A_501, %parallel_loop3A_596 : vector<16xf32>
      %parallel_loop3A_630 = arith.mulf %parallel_loop3A_629, %parallel_loop3A_621 : vector<16xf32>
      %parallel_loop3A_631 = arith.mulf %parallel_loop3A_630, %get3A_224 : vector<16xf32>
      %parallel_loop3A_632 = arith.addf %parallel_loop3A_631, %get3A_240 : vector<16xf32>
      %parallel_loop3A_633 = arith.index_cast %parallel_loop3A_479 : i32 to index
      %parallel_loop3A_634 = arith.constant 16 : index
      %parallel_loop3A_635 = tpu.vector_load %arg16[%parallel_loop3A_633, %parallel_loop3A_634] {strides = array<i32>} : memref<128x128xf32, #tpu.memory_space<vmem>>, vector<16xf32>,
      tpu.vector_store %arg16[%parallel_loop3A_633, %parallel_loop3A_634], %parallel_loop3A_632 {strides = array<i32>} : memref<128x128xf32, #tpu.memory_space<vmem>>, vector<16xf32>,
      %parallel_loop3A_636 = arith.subf %parallel_loop3A_511, %parallel_loop3A_596 : vector<16xf32>
      %parallel_loop3A_637 = arith.mulf %parallel_loop3A_636, %parallel_loop3A_621 : vector<16xf32>
      %parallel_loop3A_638 = arith.mulf %parallel_loop3A_637, %get3A_226 : vector<16xf32>
      %parallel_loop3A_639 = arith.addf %parallel_loop3A_638, %get3A_242 : vector<16xf32>
      %parallel_loop3A_640 = arith.index_cast %parallel_loop3A_479 : i32 to index
      %parallel_loop3A_641 = arith.constant 32 : index
      %parallel_loop3A_642 = tpu.vector_load %arg16[%parallel_loop3A_640, %parallel_loop3A_641] {strides = array<i32>} : memref<128x128xf32, #tpu.memory_space<vmem>>, vector<16xf32>,
      tpu.vector_store %arg16[%parallel_loop3A_640, %parallel_loop3A_641], %parallel_loop3A_639 {strides = array<i32>} : memref<128x128xf32, #tpu.memory_space<vmem>>, vector<16xf32>,
      %parallel_loop3A_643 = arith.subf %parallel_loop3A_521, %parallel_loop3A_596 : vector<16xf32>
      %parallel_loop3A_644 = arith.mulf %parallel_loop3A_643, %parallel_loop3A_621 : vector<16xf32>
      %parallel_loop3A_645 = arith.mulf %parallel_loop3A_644, %get3A_228 : vector<16xf32>
      %parallel_loop3A_646 = arith.addf %parallel_loop3A_645, %get3A_244 : vector<16xf32>
      %parallel_loop3A_647 = arith.index_cast %parallel_loop3A_479 : i32 to index
      %parallel_loop3A_648 = arith.constant 48 : index
      %parallel_loop3A_649 = tpu.vector_load %arg16[%parallel_loop3A_647, %parallel_loop3A_648] {strides = array<i32>} : memref<128x128xf32, #tpu.memory_space<vmem>>, vector<16xf32>,
      tpu.vector_store %arg16[%parallel_loop3A_647, %parallel_loop3A_648], %parallel_loop3A_646 {strides = array<i32>} : memref<128x128xf32, #tpu.memory_space<vmem>>, vector<16xf32>,
      %parallel_loop3A_650 = arith.subf %parallel_loop3A_531, %parallel_loop3A_596 : vector<16xf32>
      %parallel_loop3A_651 = arith.mulf %parallel_loop3A_650, %parallel_loop3A_621 : vector<16xf32>
      %parallel_loop3A_652 = arith.mulf %parallel_loop3A_651, %get3A_230 : vector<16xf32>
      %parallel_loop3A_653 = arith.addf %parallel_loop3A_652, %get3A_246 : vector<16xf32>
      %parallel_loop3A_654 = arith.index_cast %parallel_loop3A_479 : i32 to index
      %parallel_loop3A_655 = arith.constant 64 : index
      %parallel_loop3A_656 = tpu.vector_load %arg16[%parallel_loop3A_654, %parallel_loop3A_655] {strides = array<i32>} : memref<128x128xf32, #tpu.memory_space<vmem>>, vector<16xf32>,
      tpu.vector_store %arg16[%parallel_loop3A_654, %parallel_loop3A_655], %parallel_loop3A_653 {strides = array<i32>} : memref<128x128xf32, #tpu.memory_space<vmem>>, vector<16xf32>,
      %parallel_loop3A_657 = arith.subf %parallel_loop3A_541, %parallel_loop3A_596 : vector<16xf32>
      %parallel_loop3A_658 = arith.mulf %parallel_loop3A_657, %parallel_loop3A_621 : vector<16xf32>
      %parallel_loop3A_659 = arith.mulf %parallel_loop3A_658, %get3A_232 : vector<16xf32>
      %parallel_loop3A_660 = arith.addf %parallel_loop3A_659, %get3A_248 : vector<16xf32>
      %parallel_loop3A_661 = arith.index_cast %parallel_loop3A_479 : i32 to index
      %parallel_loop3A_662 = arith.constant 80 : index
      %parallel_loop3A_663 = tpu.vector_load %arg16[%parallel_loop3A_661, %parallel_loop3A_662] {strides = array<i32>} : memref<128x128xf32, #tpu.memory_space<vmem>>, vector<16xf32>,
      tpu.vector_store %arg16[%parallel_loop3A_661, %parallel_loop3A_662], %parallel_loop3A_660 {strides = array<i32>} : memref<128x128xf32, #tpu.memory_space<vmem>>, vector<16xf32>,
      %parallel_loop3A_664 = arith.subf %parallel_loop3A_551, %parallel_loop3A_596 : vector<16xf32>
      %parallel_loop3A_665 = arith.mulf %parallel_loop3A_664, %parallel_loop3A_621 : vector<16xf32>
      %parallel_loop3A_666 = arith.mulf %parallel_loop3A_665, %get3A_234 : vector<16xf32>
      %parallel_loop3A_667 = arith.addf %parallel_loop3A_666, %get3A_250 : vector<16xf32>
      %parallel_loop3A_668 = arith.index_cast %parallel_loop3A_479 : i32 to index
      %parallel_loop3A_669 = arith.constant 96 : index
      %parallel_loop3A_670 = tpu.vector_load %arg16[%parallel_loop3A_668, %parallel_loop3A_669] {strides = array<i32>} : memref<128x128xf32, #tpu.memory_space<vmem>>, vector<16xf32>,
      tpu.vector_store %arg16[%parallel_loop3A_668, %parallel_loop3A_669], %parallel_loop3A_667 {strides = array<i32>} : memref<128x128xf32, #tpu.memory_space<vmem>>, vector<16xf32>,
      %parallel_loop3A_671 = arith.subf %parallel_loop3A_561, %parallel_loop3A_596 : vector<16xf32>
      %parallel_loop3A_672 = arith.mulf %parallel_loop3A_671, %parallel_loop3A_621 : vector<16xf32>
      %parallel_loop3A_673 = arith.mulf %parallel_loop3A_672, %get3A_236 : vector<16xf32>
      %parallel_loop3A_674 = arith.addf %parallel_loop3A_673, %get3A_252 : vector<16xf32>
      %parallel_loop3A_675 = arith.index_cast %parallel_loop3A_479 : i32 to index
      %parallel_loop3A_676 = arith.constant 112 : index
      %parallel_loop3A_677 = tpu.vector_load %arg16[%parallel_loop3A_675, %parallel_loop3A_676] {strides = array<i32>} : memref<128x128xf32, #tpu.memory_space<vmem>>, vector<16xf32>,
      tpu.vector_store %arg16[%parallel_loop3A_675, %parallel_loop3A_676], %parallel_loop3A_674 {strides = array<i32>} : memref<128x128xf32, #tpu.memory_space<vmem>>, vector<16xf32>,
    } {sc.loop_unroll_factor = 1 : i64, sc.parallel_access}
    %mul3A_461 = arith.constant 256 : i32
    %mul3A_462 = arith.muli %add3A, %mul3A_461 : i32
    %add3A_463 = arith.constant 24576 : i32
    %add3A_464 = arith.addi %add3A_463, %mul3A_462 : i32
    %add3A_465 = arith.constant 128 : i32
    %add3A_466 = arith.addi %add3A_464, %add3A_465 : i32
    %dma_start3A_467 = arith.constant 0 : i32
    %dma_start3A_468 = tpu.memref_slice %arg7[%add3A_466, %dma_start3A_467] : memref<32768x128xf32, #tpu.memory_space<hbm>> -> memref<128x128xf32, #tpu.memory_space<hbm>>
    %dma_start3A_469 = arith.constant 0 : i32
    %dma_start3A_470 = tpu.memref_slice %arg7[%add3A_466, %dma_start3A_469] : memref<32768x128xf32, #tpu.memory_space<hbm>> -> memref<128x128xf32, #tpu.memory_space<hbm>>
    tpu.enqueue_dma source(%arg16 : memref<128x128xf32, #tpu.memory_space<vmem>>) target(%dma_start3A_470 : memref<128x128xf32, #tpu.memory_space<hbm>>) target_semaphore(%arg21 : memref<!tpu.dma_semaphore, #tpu.memory_space<semaphore_mem>>)
    %dma_wait3A_471 = arith.constant 0 : i32
    %dma_wait3A_472 = tpu.memref_slice %arg7[%add3A_442, %dma_wait3A_471] : memref<32768x128xf32, #tpu.memory_space<hbm>> -> memref<128x128xf32, #tpu.memory_space<hbm>>
    %dma_wait3A_473 = arith.constant 0 : i32
    %dma_wait3A_474 = tpu.memref_slice %arg7[%add3A_442, %dma_wait3A_473] : memref<32768x128xf32, #tpu.memory_space<hbm>> -> memref<128x128xf32, #tpu.memory_space<hbm>>
    tpu.wait_dma2 semaphore(%arg20 : memref<!tpu.dma_semaphore, #tpu.memory_space<semaphore_mem>>) src(%arg15 : memref<128x128xf32, #tpu.memory_space<vmem>>) dst(%dma_wait3A_474 : memref<128x128xf32, #tpu.memory_space<hbm>>)
    %dma_wait3A_475 = arith.constant 0 : i32
    %dma_wait3A_476 = tpu.memref_slice %arg7[%add3A_466, %dma_wait3A_475] : memref<32768x128xf32, #tpu.memory_space<hbm>> -> memref<128x128xf32, #tpu.memory_space<hbm>>
    %dma_wait3A_477 = arith.constant 0 : i32
    %dma_wait3A_478 = tpu.memref_slice %arg7[%add3A_466, %dma_wait3A_477] : memref<32768x128xf32, #tpu.memory_space<hbm>> -> memref<128x128xf32, #tpu.memory_space<hbm>>
    tpu.wait_dma2 semaphore(%arg21 : memref<!tpu.dma_semaphore, #tpu.memory_space<semaphore_mem>>) src(%arg16 : memref<128x128xf32, #tpu.memory_space<vmem>>) dst(%dma_wait3A_478 : memref<128x128xf32, #tpu.memory_space<hbm>>)
    return
  }
}

</mosaic_0001>

<sc_bundles>
// kernel: kernel.3.cloned.1.call-start
scs
__scs_entry_jumppad:
0x0: {  	(pc) =	sbr.rel $0x88, $3  }
0x1: {  	(tag) =	ssettag $0x0;
	lr =	simm.s32 $0x1  }
0x2: {  	[smem:$0x3F9C] =	sst lr;
	_ =	strace $0xD0000000  }
0x3: {  	_ = 	snop  }
0x4: {  	_ = 	snop  }
0x5: {  	_ = 	snop  }
0x6: {  	_ = 	snop  }
0x7: {  	_ = 	snop  }
__scs_overlays_trampoline_lowered:
0x8: {  	[smem:$0x3FAB] =	sst s0  }
0x9: {  	[smem:$0x3FAC] =	sst s1  }
0xa: {  	[smem:$0x3FAD] =	sst s2  }
0xb: {  	[smem:$0x3FAE] =	sst s3  }
0xc: {  	[smem:$0x3FAF] =	sst s4  }
0xd: {  	[smem:$0x3FB0] =	sst s5  }
0xe: {  	[smem:$0x3FB1] =	sst s6  }
0xf: {  	[smem:$0x3FB2] =	sst s7  }
0x10: {  	[smem:$0x3FB3] =	sst s8  }
0x11: {  	[smem:$0x3FB4] =	sst s9;
	s0 =	simm.s32 @!p0 $0x0  }
0x12: {  	s1 =	sld [smem:$0x3F9A];
	s0 =	simm.s32 @p0 $0x1  }
0x13: {  	[smem:$0x3FB5] =	sst s0;
	s0 =	simm.s32 @!p1 $0x0  }
0x14: {  	s2 =	sld [smem:$0x3F99];
	s0 =	simm.s32 @p1 $0x1  }
0x15: {  	[smem:$0x3FB6] =	sst s0;
	s0 =	simm.s32 @!p2 $0x0  }
0x16: {  	s3 =	sld [smem:$0x3FDB];
	s0 =	simm.s32 @p2 $0x1  }
0x17: {  	s4 =	simm.s32 $0x1BF5;
	[smem:$0x3FB8] =	sst s0  }
0x18: {  	s0 =	sld [smem:$0x3F9B];
	_ =	swait.ge [sflag:s4], $0x0  }
0x19: {  	s7 =	sld [smem:$0x3F9C]  }
0x1a: {  	s8 =	sadd.s32 $0xFFFFE003, lr  }
0x1b: {  	s9 =	sadd.s32 $0xFFFFFEF7, lr;
	s5 =	simm.s32 $0xFFFFFFFF;
	p2 =	slt.u32 s8, $0xFFFFF086  }
0x1c: {  	p1 =	slt.u32 s9, $0xF7A;
	s5 =	simm.s32 @!p2 $0x0  }
0x1d: {  	s5 =	simm.s32 @p1 $0x1;
	p0 =	seq.s32 s7, s2  }
0x1e: {  	s7 =	smul.u32 @!p0 $0xF7A, s2;
	p2 =	seq.s32 @!p0 s5, $0x0  }
0x1f: {  	s9 =	smul.u32 $0xF7A, s1;
	s8 =	simm.s32 @!p0 $0x1BF5;
	p2 =	por !p2, p0  }
0x20: {  	[sflag:s8] =	ssyncset.s32 @!p0 $0xFFFFF086;
	s6 =	sadd.s32 @!p0 s3, s7;
	s7 =	simm.s32 @!p0 $0x108  }
0x21: {  	s3 =	sadd.s32 s3, s9;
	s6 =	sadd.s32 @!p0 $0x88, s6;
	s7 =	simm.s32 @p2 $0x1082  }
0x22: {  	[simem:s7], [sflag:s8] =	dma.local @!p0 [hbm:s6], $0xF7A  }
0x23: {  	s9 =	sor.u32 $0xD0000000, s2;
	s6 =	simm.s32 $0x108;
	_ =	swait.ge @!p0 [sflag:s8], $0x0  }
0x24: {  	s3 =	sadd.s32 $0x88, s3;
	s6 =	simm.s32 @!p1 $0x1082;
	[sflag:s4] =	ssyncset.s32 $0xFFFFF086  }
0x25: {  	[simem:s6], [sflag:s4] =	dma.local [hbm:s3], $0xF7A  }
0x26: {  	[smem:$0x3F9C] =	sst s1;
	(tag) =	ssettag s2;
	_ =	strace s9  }
0x27: {  	s1 =	sld [smem:$0x3FAC]  }
0x28: {  	s2 =	sld [smem:$0x3FAD]  }
0x29: {  	s4 =	sld [smem:$0x3FAF]  }
0x2a: {  	p0 =	seq.s32 s5, $0x0;
	s5 =	sld [smem:$0x3FB0]  }
0x2b: {  	s6 =	sld [smem:$0x3FB1]  }
0x2c: {  	s7 =	sld [smem:$0x3FB2]  }
0x2d: {  	s3 =	simm.s32 $0x108;
	s8 =	sld [smem:$0x3FB3]  }
0x2e: {  	s3 =	simm.s32 @!p0 $0x1082;
	s9 =	sld [smem:$0x3FB4]  }
0x2f: {  	lr =	sadd.s32 s0, s3;
	s0 =	sld [smem:$0x3FAB]  }
0x30: {  	s3 =	sld [smem:$0x3FAE]  }
0x31: {  	[smem:$0x3FB7] =	sst s10  }
0x32: {  	s10 =	sld [smem:$0x3FB5];
	_ =	sdelay $0x3  }
0x33: {  	p0 =	seq.s32 s10, $0x1;
	s10 =	sld [smem:$0x3FB7];
	_ =	sdelay $0x3  }
0x34: {  	[smem:$0x3FB7] =	sst s10  }
0x35: {  	s10 =	sld [smem:$0x3FB6];
	_ =	sdelay $0x3  }
0x36: {  	p1 =	seq.s32 s10, $0x1;
	s10 =	sld [smem:$0x3FB7];
	_ =	sdelay $0x3  }
0x37: {  	[smem:$0x3FB7] =	sst s10  }
0x38: {  	s10 =	sld [smem:$0x3FB8]  }
0x39: {  	_ = 	snop;
	(pc) =	sbr.ind lr, $3  }
0x3a: {  	_ = 	snop  }
0x3b: {  	_ = 	snop  }
0x3c: {  	p2 =	seq.s32 s10, $0x1;
	s10 =	sld [smem:$0x3FB7]  }
0x3d: {  	_ =	shalt  }
0x3e: {  	_ =	shalt  }
0x3f: {  	_ =	shalt  }
0x40: {  	_ =	shalt  }
0x41: {  	_ =	shalt  }
0x42: {  	_ =	shalt  }
0x43: {  	_ =	shalt  }
0x44: {  	_ =	shalt  }
0x45: {  	_ =	shalt  }
0x46: {  	_ =	shalt  }
0x47: {  	_ =	shalt  }
0x48: {  	_ =	shalt  }
0x49: {  	_ =	shalt  }
0x4a: {  	_ =	shalt  }
0x4b: {  	_ =	shalt  }
0x4c: {  	_ =	shalt  }
0x4d: {  	_ =	shalt  }
0x4e: {  	_ =	shalt  }
0x4f: {  	_ =	shalt  }
0x50: {  	_ =	shalt  }
0x51: {  	_ =	shalt  }
0x52: {  	_ =	shalt  }
0x53: {  	_ =	shalt  }
0x54: {  	_ =	shalt  }
0x55: {  	_ =	shalt  }
0x56: {  	_ =	shalt  }
0x57: {  	_ =	shalt  }
0x58: {  	_ =	shalt  }
0x59: {  	_ =	shalt  }
0x5a: {  	_ =	shalt  }
0x5b: {  	_ =	shalt  }
0x5c: {  	_ =	shalt  }
0x5d: {  	_ =	shalt  }
0x5e: {  	_ =	shalt  }
0x5f: {  	_ =	shalt  }
0x60: {  	_ =	shalt  }
0x61: {  	_ =	shalt  }
0x62: {  	_ =	shalt  }
0x63: {  	_ =	shalt  }
0x64: {  	_ =	shalt  }
0x65: {  	_ =	shalt  }
0x66: {  	_ =	shalt  }
0x67: {  	_ =	shalt  }
0x68: {  	_ =	shalt  }
0x69: {  	_ =	shalt  }
0x6a: {  	_ =	shalt  }
0x6b: {  	_ =	shalt  }
0x6c: {  	_ =	shalt  }
0x6d: {  	_ =	shalt  }
0x6e: {  	_ =	shalt  }
0x6f: {  	_ =	shalt  }
0x70: {  	_ =	shalt  }
0x71: {  	_ =	shalt  }
0x72: {  	_ =	shalt  }
0x73: {  	_ =	shalt  }
0x74: {  	_ =	shalt  }
0x75: {  	_ =	shalt  }
0x76: {  	_ =	shalt  }
0x77: {  	_ =	shalt  }
0x78: {  	_ =	shalt  }
0x79: {  	_ =	shalt  }
0x7a: {  	_ =	shalt  }
0x7b: {  	_ =	shalt  }
0x7c: {  	_ =	shalt  }
0x7d: {  	_ =	shalt  }
0x7e: {  	_ =	shalt  }
0x7f: {  	_ =	shalt  }
0x80: {  	_ =	shalt  }
0x81: {  	_ =	shalt  }
0x82: {  	_ =	shalt  }
0x83: {  	_ =	shalt  }
0x84: {  	_ =	shalt  }
0x85: {  	_ =	shalt  }
0x86: {  	_ =	shalt  }
0x87: {  	_ =	shalt  }
.Lfunc_end0:
.L_simem_size_0:
called_computation_lowered:
.L_overlay_start_0:
0x88: {  	s2 =	sld [smem:$0x3FD9]  }
0x89: {  	s3 =	sld [smem:$0x3FFE];
	_ =	sdelay $0x1  }
0x8a: {  	s1 =	srdreg.scid  }
0x8b: {  	s0 =	sand.u32 $0x1, s1  }
0x8c: {  	s17 =	sshll.u32 s0, $0xA;
	s2 =	sadd.s32 s3, s2  }
0x8d: {  	s2 =	sadd.s32 s2, s17  }
0x8e: {  	[smem:$0x3FC3] =	sst s2  }
0x8f: {  	_ = 	snop  }
0x90: {  	s2 =	sld [smem:$0x3FC8]  }
0x91: {  	s18 =	sld [smem:$0x3FC7]  }
0x92: {  	s4 =	sld [smem:$0x3FC6]  }
0x93: {  	s5 =	sld [smem:$0x3FC5]  }
0x94: {  	s6 =	sld [smem:$0x3FD0];
	(tm) =	ssettm $0x1  }
0x95: {  	s7 =	sld [smem:$0x3FFB];
	_ =	sdelay $0x3  }
0x96: {  	_ =	strace s7  }
0x97: {  	s7 =	sld [smem:$0x3FFC];
	_ =	sdelay $0x3  }
0x98: {  	_ =	strace s7  }
0x99: {  	s7 =	sld [smem:$0x3FFD];
	_ =	sdelay $0x3  }
0x9a: {  	_ =	strace s7  }
0x9b: {  	_ =	strace $0x8FFFFFFF  }
0x9c: {  	s19 =	sld [smem:$0x3FDB];
	_ =	sdelay $0x1  }
0x9d: {  	s8 =	simm.s32 $_scs_section_size  }
0x9e: {  	s9 =	simm.s32 $_size__tile_overlayer_lowered;
	s10 =	simm.s32 $_tile_overlayer_lowered  }
0x9f: {  	s22 =	simm.s32 $0x1BFF;
	s21 =	sshll.u32 s10, $0x1;
	s7 =	sadd.s32 s8, s19  }
0xa0: {  	s11 =	simm.s32 $0x0;
	s20 =	sshll.u32 s9, $0x1;
	s9 =	sadd.s32 s21, s7  }
0xa1: {  	[timem:s11], [sflag:s22] =	dma.local [hbm:s9], s20  }
0xa2: {  	_ =	swait.ge [sflag:s22], s20  }
0xa3: {  	s8 =	ssub.s32 $0x0, s20;
	[sflag:s22] =	ssyncset.done $0x0  }
0xa4: {  	[sflag:s22] =	ssyncadd.s32 s8;
	_ =	sdelay $0x1  }
0xa5: {  	s23 =	simm.s32 $0x1B8B  }
0xa6: {  	_ =	swait.ge [sflag:s23], $0x1  }
0xa7: {  	[sflag:s23] =	ssyncset.done $0x0  }
0xa8: {  	s25 =	simm.s32 $0x1B8E;
	s24 =	sld [smem:$0x3FFE];
	[sflag:s23] =	ssyncadd.s32 $0xFFFFFFFF  }
0xa9: {  	s26 =	simm.s32 $execute0_lowered;
	[smem:$0x3FD2] =	sst s25  }
0xaa: {  	s9 =	sshll.u32 s26, $0x1;
	_ =	strace $0x80000046;
	[dreg:$0x1] =	wrdreg $0xFFFFFFFF  }
0xab: {  	s28 =	simm.s32 $_size_execute0_lowered;
	s7 =	sadd.s32 s7, s9;
	[dreg:$0x0] =	wrdreg $0x0  }
0xac: {  	s9 =	sshll.u32 s28, $0x1;
	[dreg:$0x2] =	wrdreg s7  }
0xad: {  	[dreg:$0x3] =	wrdreg s9  }
0xae: {  	[dreg:$0x4] =	wrdreg $0xC0  }
0xaf: {  	_ =	task [dreg:s11], $0x5FFFF  }
0xb0: {  	[dreg:$0x1] =	wrdreg $0xFFFFFFFF  }
0xb1: {  	[dreg:$0x0] =	wrdreg $0x60  }
0xb2: {  	[dreg:$0x2] =	wrdreg s2  }
0xb3: {  	[dreg:$0x3] =	wrdreg s24  }
0xb4: {  	[dreg:$0x4] =	wrdreg s5  }
0xb5: {  	[dreg:$0x5] =	wrdreg s18  }
0xb6: {  	[dreg:$0x6] =	wrdreg s4  }
0xb7: {  	[dreg:$0x7] =	wrdreg s6  }
0xb8: {  	[dreg:$0x8] =	wrdreg $0x9  }
0xb9: {  	_ =	task.clear_ibuf [dreg:s11], $0x9FFFF;
	_ =	strace $0x90000046  }
0xba: {  	s29 =	simm.s32 $0x9;
	_ =	strace $0x80000048  }
0xbb: {  	_ =	swait.ge [sflag:s29], $0x1  }
0xbc: {  	[sflag:s29] =	ssyncadd.s32 $0xFFFFFFFF  }
0xbd: {  	_ =	strace $0x90000048  }
0xbe: {  	_ =	sfence  }
0xbf: {  	s30 =	sld [smem:$0x0];
	_ =	sdelay $0x2  }
0xc0: {  	s31 =	sshll.u32 s1, $0xD;
	s1 =	sshrl.u32 s1, $0x2  }
0xc1: {  	s3 =	sand.u32 $0x4000, s31;
	s1 =	sadd.s32 s1, s30  }
0xc2: {  	s0 =	sor.u32 s3, s0;
	s1 =	sshll.u32 s1, $0x11  }
0xc3: {  	s0 =	sor.u32 s1, s0  }
0xc4: {  	s0 =	sadd.s32 $0x8F2B, s0  }
0xc5: {  	[sflag:s0] =	ssyncadd.remote.s32 $0x1  }
0xc6: {  	_ =	sfence.sel $0xFFFF  }
0xc7: {  	[dreg:$0x0] =	wrdreg $0xFFFFFFFF;
	(pc) =	sbr.abs _section_cstart, $3  }
0xc8: {  	[dreg:$0x1] =	wrdreg $0xFFFFFFFF  }
0xc9: {  	_ =	task.clear_ibuf [dreg:s11], $0x2FFFF;
	_ =	strace $0x9FFFFFFF  }
0xca: {  	(tm) =	ssettm $0x7FFFFFFF  }
0xcb: {  	_ =	shalt  }
tec
execute0_lowered:
.L_overlay_start_1:
0x0: {  	(tag) =	ssettag $0x1  }
0x1: {  	s1 =	rddreg [dreg:$0x0]  }
0x2: {  	s0 =	rddreg [dreg:$0x1]  }
0x3: {  	s2 =	rddreg [dreg:$0x2]  }
0x4: {  	s3 =	rddreg [dreg:$0x5];
	s5 =	simm.s32 $0x0  }
0x5: {  	s4 =	srdreg.scid;
	s7 =	stileid.u32;
	s28 =	simm.s32 $0x14500  }
0x6: {  	s29 =	simm.s32 $0x2;
	s30 =	simm.s32 $0x18500;
	s31 =	simm.s32 $0x3  }
0x7: {  	[smem:$0x7FF] =	sst s5;
	s4 =	sand.u32 $0x1, s4;
	s7 =	sshll.u32 s7, $0x9  }
0x8: {  	s0 =	sadd.s32 $0x400, s0;
	s6 =	ssub.s32 $0x2, s4;
	s4 =	sshll.u32 s4, $0x8  }
0x9: {  	_ =	strace $0x80000047;
	s8 =	sshrl.u32 s6, $0x1;
	s4 =	sor.u32 s4, s7  }
0xa: {  	s6 =	ssub.s32 s6, s8;
	s7 =	sshrl.u32 s4, $0x3;
	s24 =	sor.u32 $0x80, s4  }
0xb: {  	s9 =	sor.u32 $0x2000, s4;
	s10 =	sor.u32 $0x2080, s4;
	s18 =	sor.u32 $0x4000, s4  }
0xc: {  	s20 =	sor.u32 $0x4080, s4;
	s21 =	sor.u32 $0x6000, s4;
	s22 =	sor.u32 $0x6080, s4  }
0xd: {  	s4 =	sshll.u32 s4, $0x4;
	s7 =	sadd.s32 s0, s7;
	s25 =	sshrl.u32 s24, $0x3  }
0xe: {  	s26 =	sshrl.u32 s9, $0x3;
	s11 =	sshrl.u32 s10, $0x3;
	s12 =	sshrl.u32 s18, $0x3  }
0xf: {  	s13 =	sshrl.u32 s20, $0x3;
	s14 =	sshrl.u32 s21, $0x3;
	s15 =	sshrl.u32 s22, $0x3  }
0x10: {  	s16 =	sshll.u32 s24, $0x4;
	s17 =	sshll.u32 s9, $0x4;
	s19 =	sshll.u32 s10, $0x4  }
0x11: {  	s23 =	sshll.u32 s18, $0x4;
	s24 =	sshll.u32 s20, $0x4;
	[dreg:$0x7] =	wrdreg s7  }
0x12: {  	s7 =	sadd.s32 s0, s25;
	s16 =	sadd.s32 s3, s16;
	s17 =	sadd.s32 s3, s17  }
0x13: {  	s18 =	sadd.s32 s3, s19;
	s19 =	sadd.s32 s3, s23;
	s20 =	sadd.s32 s3, s24  }
0x14: {  	s25 =	sshll.u32 s21, $0x4;
	s23 =	smax.u32 s6, $0x1;
	s24 =	simm.s32 $0x80  }
0x15: {  	[dreg:$0x8] =	wrdreg s7;
	s7 =	sadd.s32 s0, s26;
	s26 =	sshll.u32 s22, $0x4  }
0x16: {  	s21 =	sadd.s32 s3, s25;
	s25 =	simm.s32 $0x4;
	[dreg:$0x9] =	wrdreg s7  }
0x17: {  	s7 =	sadd.s32 s0, s11;
	s11 =	sadd.s32 s0, s13;
	s13 =	sadd.s32 s0, s15  }
0x18: {  	s15 =	sadd.s32 s3, s4;
	s22 =	sadd.s32 s3, s26;
	s3 =	simm.s32 $0x1  }
0x19: {  	s26 =	simm.s32 $0x5;
	[dreg:$0xa] =	wrdreg s7;
	s7 =	sadd.s32 s0, s12  }
0x1a: {  	s12 =	sadd.s32 s0, s14;
	s14 =	sadd.s32 s2, s4;
	s0 =	simm.s32 $0x8500  }
0x1b: {  	s4 =	simm.s32 $0xC500;
	s2 =	simm.s32 $0x0;
	[dreg:$0xb] =	wrdreg s7  }
.LBB2_1:
0x1c: {  	s6 =	rddreg [dreg:$0x7]  }
0x1d: {  	[tilespmem:s5], [sflag:$0x1] =	stream.linear.gather [hbm4b:s6+s5], $0x80, $0x38;
	[tilespmem:$0x1C500] =	vst v63  }
0x1e: {  	s8 =	rddreg [dreg:$0x8]  }
0x1f: {  	[tilespmem:s24], [sflag:$0x1] =	stream.linear.gather [hbm4b:s8+s5], $0x80, $0x38;
	[tilespmem:$0x1C500] =	vst v63  }
0x20: {  	s9 =	rddreg [dreg:$0x9];
	s7 =	simm.s32 $0x100  }
0x21: {  	[tilespmem:s7], [sflag:$0x1] =	stream.linear.gather [hbm4b:s9+s5], $0x80, $0x38;
	[tilespmem:$0x1C500] =	vst v63  }
0x22: {  	s10 =	rddreg [dreg:$0xa];
	s8 =	simm.s32 $0x180  }
0x23: {  	[tilespmem:s8], [sflag:$0x1] =	stream.linear.gather [hbm4b:s10+s5], $0x80, $0x38;
	[tilespmem:$0x1C500] =	vst v63  }
0x24: {  	s9 =	rddreg [dreg:$0xb];
	s10 =	simm.s32 $0x200  }
0x25: {  	[tilespmem:s10], [sflag:$0x1] =	stream.linear.gather [hbm4b:s9+s5], $0x80, $0x38;
	[tilespmem:$0x1C500] =	vst v63  }
0x26: {  	s8 =	simm.s32 $0x280  }
0x27: {  	[tilespmem:s8], [sflag:$0x1] =	stream.linear.gather [hbm4b:s11+s5], $0x80, $0x38;
	[tilespmem:$0x1C500] =	vst v63  }
0x28: {  	s9 =	simm.s32 $0x300  }
0x29: {  	[tilespmem:s9], [sflag:$0x1] =	stream.linear.gather [hbm4b:s12+s5], $0x80, $0x38;
	[tilespmem:$0x1C500] =	vst v63  }
0x2a: {  	s10 =	simm.s32 $0x380  }
0x2b: {  	[tilespmem:s10], [sflag:$0x1] =	stream.linear.gather [hbm4b:s13+s5], $0x80, $0x38;
	[tilespmem:$0x1C500] =	vst v63  }
0x2c: {  	s8 =	simm.s32 $0x400  }
0x2d: {  	[tilespmem:s8], [sflag:$0x4] =	stream.linear.gather [hbm4b:s14+s5], $0x8000, $0x38;
	[tilespmem:$0x1C500] =	vst v63  }
0x2e: {  	s9 =	rddreg [dreg:$0x3];
	s10 =	simm.s32 $0x8400  }
0x2f: {  	[tilespmem:s10], [sflag:$0x5] =	stream.linear.gather [hbm4b:s9+s5], $0x80, $0x38;
	[tilespmem:$0x1C500] =	vst v63  }
0x30: {  	s8 =	rddreg [dreg:$0x4];
	s9 =	simm.s32 $0x8480  }
0x31: {  	[tilespmem:s9], [sflag:$0x5] =	stream.linear.gather [hbm4b:s8+s5], $0x80, $0x38;
	[tilespmem:$0x1C500] =	vst v63  }
0x32: {  	_ =	swait.ge [sflag:s3], $0x80  }
0x33: {  	[sflag:s3] =	ssyncset.done $0x0  }
0x34: {  	[sflag:s3] =	ssyncadd.s32 $0xFFFFFF80  }
0x35: {  	_ =	swait.ge [sflag:s3], $0x80  }
0x36: {  	[sflag:s3] =	ssyncset.done $0x0  }
0x37: {  	[sflag:s3] =	ssyncadd.s32 $0xFFFFFF80  }
0x38: {  	_ =	swait.ge [sflag:s3], $0x80  }
0x39: {  	[sflag:s3] =	ssyncset.done $0x0  }
0x3a: {  	[sflag:s3] =	ssyncadd.s32 $0xFFFFFF80  }
0x3b: {  	_ =	swait.ge [sflag:s3], $0x80  }
0x3c: {  	[sflag:s3] =	ssyncset.done $0x0  }
0x3d: {  	[sflag:s3] =	ssyncadd.s32 $0xFFFFFF80  }
0x3e: {  	_ =	swait.ge [sflag:s3], $0x80  }
0x3f: {  	[sflag:s3] =	ssyncset.done $0x0  }
0x40: {  	[sflag:s3] =	ssyncadd.s32 $0xFFFFFF80  }
0x41: {  	_ =	swait.ge [sflag:s3], $0x80  }
0x42: {  	[sflag:s3] =	ssyncset.done $0x0  }
0x43: {  	[sflag:s3] =	ssyncadd.s32 $0xFFFFFF80  }
0x44: {  	_ =	swait.ge [sflag:s3], $0x80  }
0x45: {  	[sflag:s3] =	ssyncset.done $0x0  }
0x46: {  	[sflag:s3] =	ssyncadd.s32 $0xFFFFFF80  }
0x47: {  	_ =	swait.ge [sflag:s3], $0x80  }
0x48: {  	[sflag:s3] =	ssyncset.done $0x0  }
0x49: {  	[sflag:s3] =	ssyncadd.s32 $0xFFFFFF80  }
0x4a: {  	[tilespmem:s0], [sflag:$0x1] =	stream.indirect.gather [hbm4b:s1+s24], $0x80, s5, s24, $0xb8;
	[tilespmem:$0x1C500] =	vst v63  }
0x4b: {  	_ = 	snop  }
0x4c: {  	[tilespmem:s4], [sflag:$0x2] =	stream.indirect.gather [hbm4b:s1+s24], $0x80, s24, s24, $0xb8;
	[tilespmem:$0x1C500] =	vst v63  }
0x4d: {  	s10 =	simm.s32 $0x10500  }
0x4e: {  	[tilespmem:s10], [sflag:$0x3] =	stream.indirect.gather [hbm4b:s1+s24], $0x80, s7, s24, $0xb8;
	[tilespmem:$0x1C500] =	vst v63  }
0x4f: {  	_ =	swait.ge [sflag:s25], $0x8000  }
0x50: {  	[sflag:s25] =	ssyncset.done $0x0  }
0x51: {  	[sflag:s25] =	ssyncadd.s32 $0xFFFF8000  }
0x52: {  	_ =	swait.ge [sflag:s26], $0x80  }
0x53: {  	[sflag:s26] =	ssyncset.done $0x0  }
0x54: {  	[sflag:s26] =	ssyncadd.s32 $0xFFFFFF80  }
0x55: {  	_ =	swait.ge [sflag:s26], $0x80  }
0x56: {  	[sflag:s26] =	ssyncset.done $0x0  }
0x57: {  	[sflag:s26] =	ssyncadd.s32 $0xFFFFFF80  }
0x58: {  	v12 =	vld [tilespmem:$0x8400]  }
0x59: {  	v10 =	vld [tilespmem:$0x8410]  }
0x5a: {  	v8 =	vld [tilespmem:$0x8420]  }
0x5b: {  	v6 =	vld [tilespmem:$0x8430]  }
0x5c: {  	v3 =	vld [tilespmem:$0x8440]  }
0x5d: {  	v1 =	vld [tilespmem:$0x8450]  }
0x5e: {  	v0 =	vld [tilespmem:$0x8460]  }
0x5f: {  	v14 =	vld [tilespmem:$0x8470]  }
0x60: {  	v13 =	vld [tilespmem:$0x8480]  }
0x61: {  	v11 =	vld [tilespmem:$0x8490]  }
0x62: {  	v9 =	vld [tilespmem:$0x84A0]  }
0x63: {  	v7 =	vld [tilespmem:$0x84B0]  }
0x64: {  	v5 =	vld [tilespmem:$0x84C0]  }
0x65: {  	v4 =	vld [tilespmem:$0x84D0]  }
0x66: {  	v2 =	vld [tilespmem:$0x84E0]  }
0x67: {  	v15 =	vld [tilespmem:$0x84F0];
	_ =	swait.ge [sflag:s3], $0x4000  }
0x68: {  	[sflag:s3] =	ssyncset.done $0x0  }
0x69: {  	s6 =	simm.s32 $0x0;
	[sflag:s3] =	ssyncadd.s32 $0xFFFFC000  }
0x6a: {  	v16 =	vld [tilespmem:s6+$0x400]  }
0x6b: {  	v17 =	vld [tilespmem:s6+$0x410]  }
0x6c: {  	v18 =	vld [tilespmem:s6+$0x420]  }
0x6d: {  	v19 =	vld [tilespmem:s6+$0x430]  }
0x6e: {  	v20 =	vld [tilespmem:s6+$0x440]  }
0x6f: {  	v21 =	vld [tilespmem:s6+$0x8500]  }
0x70: {  	v22 =	vld [tilespmem:s6+$0x8510]  }
0x71: {  	v23 =	vld [tilespmem:s6+$0x8520]  }
0x72: {  	v24 =	vld [tilespmem:s6+$0x8530]  }
0x73: {  	v25 =	vld [tilespmem:s6+$0x8540]  }
0x74: {  	v26 =	vld [tilespmem:s6+$0x8550]  }
0x75: {  	v27 =	vld [tilespmem:s6+$0x8560]  }
0x76: {  	v28 =	vld [tilespmem:s6+$0x450]  }
0x77: {  	v29 =	vld [tilespmem:s6+$0x8570]  }
0x78: {  	v30 =	vld [tilespmem:s6+$0x460];
	v21 =	vmul.f32 $1.131370830e+01, v21;
	v22 =	vmul.f32 $1.131370830e+01, v22  }
0x79: {  	v31 =	vld [tilespmem:s6+$0x470];
	v23 =	vmul.f32 $1.131370830e+01, v23;
	v24 =	vmul.f32 $1.131370830e+01, v24  }
0x7a: {  	v25 =	vmul.f32 $1.131370830e+01, v25;
	v26 =	vmul.f32 $1.131370830e+01, v26;
	v32 =	vadd.f32 v16, v21  }
0x7b: {  	v33 =	vadd.f32 v17, v22;
	v16 =	vmul.f32 $1.131370830e+01, v27;
	v27 =	vadd.f32 v18, v23  }
0x7c: {  	v24 =	vadd.f32 v19, v24;
	v17 =	vmul.f32 $1.131370830e+01, v29;
	v25 =	vadd.f32 v20, v25  }
0x7d: {  	v26 =	vadd.f32 v28, v26;
	v28 =	vadd.f32 v30, v16  }
0x7e: {  	v29 =	vadd.f32 v31, v17;
	v16 =	vadd.f32 v33, v32;
	v18 =	vmul.f32 v32, v32  }
0x7f: {  	v17 =	vadd.f32 v24, v27;
	v19 =	vmul.f32 v33, v33;
	v21 =	vmul.f32 v27, v27  }
0x80: {  	v20 =	vadd.f32 v26, v25;
	v23 =	vmul.f32 v24, v24;
	v30 =	vmul.f32 v25, v25  }
0x81: {  	v31 =	vmul.f32 v26, v26;
	v22 =	vadd.f32 v29, v28;
	v34 =	vmul.f32 v28, v28  }
0x82: {  	v35 =	vmul.f32 v29, v29;
	v16 =	vadd.f32 v17, v16;
	v18 =	vadd.f32 v19, v18  }
0x83: {  	v19 =	vadd.f32 v23, v21;
	v17 =	vadd.f32 v22, v20  }
0x84: {  	s7 =	simm.s32 $0x80;
	v21 =	vadd.f32 v31, v30;
	v22 =	vadd.f32 v35, v34  }
0x85: {  	v46 =	vld [tilespmem:s7+$0x8550];
	v16 =	vadd.f32 v17, v16  }
0x86: {  	v47 =	vld [tilespmem:s7+$0x8560];
	v17 =	vadd.f32 v19, v18;
	v19 =	vadd.f32 v22, v21  }
0x87: {  	v39 =	vld [tilespmem:s7+$0x460]  }
0x88: {  	v23 =	vld [tilespmem:s7+$0x410];
	(xrf2) =	vadd.scan.msk.f32 $0xffff, v16;
	v16 =	vadd.f32 v19, v17  }
0x89: {  	v30 =	vld [tilespmem:s7+$0x8530]  }
0x8a: {  	v31 =	vld [tilespmem:s7+$0x8540];
	(xrf2) =	vadd.scan.msk.f32 $0xffff, v16  }
0x8b: {  	v19 =	vld [tilespmem:s7+$0x8510]  }
0x8c: {  	v17 =	vld [tilespmem:s7+$0x8500]  }
0x8d: {  	v16 =	vld [tilespmem:s7+$0x8520]  }
0x8e: {  	v20 =	vld [tilespmem:s7+$0x400]  }
0x8f: {  	v18 =	vld [tilespmem:s7+$0x420]  }
0x90: {  	v22 =	vld [tilespmem:s7+$0x440];
	v19 =	vmul.f32 $1.131370830e+01, v19  }
0x91: {  	v34 =	vmul.f32 $1.131370830e+01, v46;
	v21 =	vld [tilespmem:s7+$0x430];
	v17 =	vmul.f32 $1.131370830e+01, v17  }
0x92: {  	v38 =	vld [tilespmem:s7+$0x8570];
	v30 =	vmul.f32 $1.131370830e+01, v30;
	v37 =	vmul.f32 $1.131370830e+01, v16;
	v16, _, _ =	vpop (xrf2)  }
0x93: {  	v36 =	vld [tilespmem:s7+$0x450];
	v31 =	vmul.f32 $1.131370830e+01, v31;
	v17 =	vadd.f32 v20, v17;
	v41 =	vmul.f32 $7.812500000e-03, v16  }
0x94: {  	v40 =	vld [tilespmem:s7+$0x470];
	v20 =	vmul.f32 $1.131370830e+01, v47;
	v16 =	vadd.f32 v23, v19;
	v23 =	vadd.f32 v18, v37;
	v19, _, _ =	vpop (xrf2)  }
0x95: {  	v18 =	vadd.f32 v22, v31;
	v48 =	vmul.f32 $7.812500000e-03, v19;
	v49 =	vmul.f32 v41, v41  }
0x96: {  	v51 =	vmul.f32 v17, v17;
	v22 =	vadd.f32 v39, v20;
	v19 =	vadd.f32 v21, v30  }
0x97: {  	v30 =	vmul.f32 $1.131370830e+01, v38;
	v52 =	vmul.f32 v16, v16;
	v31 =	vsub.f32 v48, v49  }
0x98: {  	v21 =	vadd.f32 v36, v34;
	v54 =	vmul.f32 v23, v23;
	v42 =	vmul.f32 v18, v18  }
0x99: {  	v45 =	vmul.f32 v22, v22;
	v20 =	vadd.f32 v40, v30;
	v31 =	vadd.f32 $9.999999740e-06, v31  }
0x9a: {  	v30 =	vadd.f32 v16, v17;
	v50 =	vadd.f32 v19, v23;
	v55 =	vmul.f32 v19, v19  }
0x9b: {  	v53 =	vadd.f32 v21, v18;
	v43 =	vmul.f32 v21, v21;
	v31 =	vbroadcast v31, $0xF  }
0x9c: {  	v35 =	vadd.f32 v52, v51;
	v39 =	vadd.f32 v20, v22;
	v46 =	vmul.f32 v20, v20  }
0x9d: {  	v30 =	vadd.f32 v50, v30;
	v44 =	vshra.s32 v31, $0x1;
	v31 =	vmul.f32 $-5.000000000e-01, v31  }
0x9e: {  	s8 =	simm.s32 $0x100;
	v57 =	vadd.f32 v55, v54;
	v56 =	vadd.f32 v39, v53;
	v44 =	vsub.s32 $0x5F3759DF, v44  }
0x9f: {  	v58 =	vadd.f32 v43, v42;
	v54 =	vld [tilespmem:s8+$0x8520];
	v59 =	vadd.f32 v46, v45;
	v31 =	vmul.f32 v44, v31  }
0xa0: {  	v62 =	vbroadcast v41, $0xF;
	v53 =	vld [tilespmem:s8+$0x8510];
	v30 =	vadd.f32 v56, v30  }
0xa1: {  	v60 =	vadd.f32 v57, v35;
	v61 =	vadd.f32 v59, v58;
	v56 =	vld [tilespmem:s8+$0x8530];
	v31 =	vmul.f32 v44, v31  }
0xa2: {  	v63 =	vld [tilespmem:s8+$0x410];
	v29 =	vsub.f32 v29, v62;
	(xrf2) =	vadd.scan.msk.f32 $0xffff, v30  }
0xa3: {  	v37 =	vld [tilespmem:s8+$0x460];
	v30 =	vadd.f32 v61, v60;
	v31 =	vadd.f32 $1.500000000e+00, v31  }
0xa4: {  	v34 =	vld [tilespmem:s8+$0x440];
	v52 =	vsub.f32 v33, v62;
	v27 =	vsub.f32 v27, v62  }
0xa5: {  	v40 =	vld [tilespmem:s8+$0x400];
	v47 =	vmul.f32 $1.131370830e+01, v54;
	(xrf2) =	vadd.scan.msk.f32 $0xffff, v30;
	v50 =	vmul.f32 v44, v31;
	v31 =	vsub.f32 v32, v62  }
0xa6: {  	v51 =	vld [tilespmem:s8+$0x8500];
	v25 =	vsub.f32 v25, v62;
	v61 =	vmul.f32 $1.131370830e+01, v53;
	v39 =	vmul.f32 $1.131370830e+01, v56  }
0xa7: {  	v26 =	vsub.f32 v26, v62;
	v33 =	vld [tilespmem:s8+$0x430];
	v29 =	vmul.f32 v50, v29;
	v55 =	vmul.f32 v50, v31  }
0xa8: {  	v24 =	vsub.f32 v24, v62;
	v58 =	vld [tilespmem:s8+$0x8540];
	v32 =	vmul.f32 v50, v52;
	v31 =	vmul.f32 v50, v27  }
0xa9: {  	v36 =	vsub.f32 v28, v62;
	v59 =	vld [tilespmem:s8+$0x8560];
	v30 =	vmul.f32 v50, v25;
	v28 =	vmul.f32 v50, v26  }
0xaa: {  	v45 =	vld [tilespmem:s8+$0x420];
	v57 =	vmul.f32 v29, v14;
	v29 =	vmul.f32 v50, v24  }
0xab: {  	v24 =	vld [tilespmem:s8+$0x8550];
	v25 =	vmul.f32 v55, v12;
	v32 =	vmul.f32 v32, v10  }
0xac: {  	v27 =	vmul.f32 v50, v36;
	v26 =	vmul.f32 $1.131370830e+01, v51;
	v36 =	vld [tilespmem:s8+$0x8570];
	v62, _, _ =	vpop (xrf2);
	v60 =	vadd.f32 v57, v15  }
0xad: {  	v35 =	vld [tilespmem:s8+$0x450];
	v25 =	vadd.f32 v25, v13;
	v48 =	vadd.f32 v32, v11;
	v32 =	vmul.f32 $7.812500000e-03, v62  }
0xae: {  	v43 =	vld [tilespmem:s8+$0x470];
	v38 =	vmul.f32 $1.131370830e+01, v58;
	v44 =	vmul.f32 $1.131370830e+01, v59;
	[tilespmem:s6+$0x14570] =	vst v60  }
0xaf: {  	v26 =	vadd.f32 v40, v26;
	[tilespmem:s6+$0x14500] =	vst v25;
	v25 =	vadd.f32 v63, v61;
	v63, _, _ =	vpop (xrf2);
	v42 =	vmul.f32 v32, v32  }
0xb0: {  	s9 =	simm.s32 $0x600;
	[tilespmem:s6+$0x14510] =	vst v48;
	v41 =	vmul.f32 $1.131370830e+01, v24;
	v24 =	vadd.f32 v45, v47;
	v40 =	vmul.f32 $7.812500000e-03, v63  }
.LBB2_2:
0xb1: {  	p0 =	sne.s32 s9, $0xFE00;
	v39 =	vadd.f32 v33, v39;
	v38 =	vadd.f32 v34, v38;
	v33 =	vmul.f32 $1.131370830e+01, v36  }
0xb2: {  	v35 =	vadd.f32 v35, v41;
	v31 =	vmul.f32 v31, v8;
	v34 =	vsub.f32 v40, v42  }
0xb3: {  	v29 =	vmul.f32 v29, v6;
	v36 =	vadd.f32 v37, v44;
	v37 =	vadd.f32 v43, v33  }
0xb4: {  	v30 =	vmul.f32 v30, v3;
	v33 =	vadd.f32 v25, v26;
	v34 =	vadd.f32 $9.999999740e-06, v34  }
0xb5: {  	v41 =	vmul.f32 v26, v26;
	v42 =	vmul.f32 v25, v25;
	v40 =	vadd.f32 v39, v24  }
0xb6: {  	v44 =	vmul.f32 v24, v24;
	v43 =	vadd.f32 v35, v38;
	v34 =	vbroadcast v34, $0xF  }
0xb7: {  	v46 =	vmul.f32 v39, v39;
	v47 =	vmul.f32 v38, v38;
	v45 =	vadd.f32 v37, v36  }
0xb8: {  	v48 =	vmul.f32 v35, v35;
	v49 =	vshra.s32 v34, $0x1;
	v34 =	vmul.f32 $-5.000000000e-01, v34  }
0xb9: {  	v50 =	vmul.f32 v36, v36;
	v51 =	vmul.f32 v37, v37;
	v49 =	vsub.s32 $0x5F3759DF, v49  }
0xba: {  	v33 =	vadd.f32 v40, v33;
	v40 =	vadd.f32 v45, v43;
	v34 =	vmul.f32 v49, v34  }
0xbb: {  	s10 =	sshra.s32 s9, $0x2;
	v41 =	vadd.f32 v42, v41;
	v42 =	vadd.f32 v46, v44;
	v43 =	vmul.f32 v28, v1  }
0xbc: {  	v28 =	vadd.f32 v48, v47;
	v45 =	vadd.f32 v51, v50;
	v44 =	vld [tilespmem:s10+$0x400];
	v34 =	vmul.f32 v49, v34  }
0xbd: {  	v41 =	vadd.f32 v42, v41;
	v42 =	vmul.f32 v27, v0;
	v40 =	vadd.f32 v40, v33;
	v46 =	vld [tilespmem:s10+$0x410]  }
0xbe: {  	v27 =	vadd.f32 v45, v28;
	v28 =	vbroadcast v32, $0xF;
	v47 =	vld [tilespmem:s10+$0x420];
	v32 =	vadd.f32 $1.500000000e+00, v34  }
0xbf: {  	v31 =	vadd.f32 v31, v9;
	v29 =	vadd.f32 v29, v7;
	v33 =	vld [tilespmem:s10+$0x430];
	(xrf2) =	vadd.scan.msk.f32 $0xffff, v40  }
0xc0: {  	v27 =	vadd.f32 v27, v41;
	v40 =	vsub.f32 v20, v28;
	v20 =	vmovc v37;
	v34 =	vld [tilespmem:s10+$0x440];
	v32 =	vmul.f32 v49, v32  }
0xc1: {  	v41 =	vsub.f32 v17, v28;
	v45 =	vsub.f32 v16, v28;
	v17 =	vmovc v26;
	v16 =	vmov v25;
	v37 =	vld [tilespmem:s10+$0x8500];
	[tilespmem:s6+$0x14520] =	vst v31  }
0xc2: {  	v23 =	vsub.f32 v23, v28;
	v26 =	vsub.f32 v19, v28;
	v25 =	vld [tilespmem:s10+$0x8510];
	(xrf2) =	vadd.scan.msk.f32 $0xffff, v27;
	v31 =	vmul.f32 v32, v40  }
0xc3: {  	v51 =	vsub.f32 v21, v28;
	v27 =	vmul.f32 v32, v41;
	v41 =	vsub.f32 v18, v28;
	v40 =	vld [tilespmem:s10+$0x8520];
	[tilespmem:s6+$0x14530] =	vst v29  }
0xc4: {  	v22 =	vsub.f32 v22, v28;
	v19 =	vmovc v39;
	v45 =	vmul.f32 v32, v45;
	v48 =	vld [tilespmem:s10+$0x8530];
	v49 =	vmul.f32 v31, v14  }
0xc5: {  	v18 =	vmovc v38;
	v29 =	vmul.f32 v32, v26;
	v31 =	vmul.f32 v32, v23;
	v23 =	vadd.f32 v30, v5;
	v50 =	vld [tilespmem:s10+$0x8540]  }
0xc6: {  	v21 =	vmovc v35;
	v28 =	vmul.f32 v32, v51;
	v30 =	vmul.f32 v32, v41;
	v26 =	vld [tilespmem:s10+$0x8550];
	v38 =	vadd.f32 v49, v15  }
0xc7: {  	v43 =	vadd.f32 v43, v4;
	v39 =	vmul.f32 v27, v12;
	v27 =	vmul.f32 v32, v22;
	v49 =	vld [tilespmem:s10+$0x8560];
	[tilespmem:s6+$0x14540] =	vst v23  }
0xc8: {  	v32 =	vmul.f32 v45, v10;
	v41 =	vadd.f32 v42, v2;
	v22 =	vmovc v36;
	v51 =	vmul.f32 $1.131370830e+01, v37;
	v35 =	vld [tilespmem:s10+$0x450];
	[tilespmem:s7+$0x14570] =	vst v38  }
.Ltmp0:
0xc9: {  	v45 =	vadd.f32 v39, v13;
	v25 =	vmul.f32 $1.131370830e+01, v25;
	v40 =	vmul.f32 $1.131370830e+01, v40;
	v36 =	vld [tilespmem:s10+$0x8570];
	v42, _, _ =	vpop (xrf2);
	[tilespmem:s6+$0x14550] =	vst v43;
	(pc) =	sbr.rel @p0 .LBB2_2-.Ltmp0, $4  }
0xca: {  	v23 =	vmovc v24;
	v39 =	vmul.f32 $1.131370830e+01, v48;
	v48 =	vadd.f32 v32, v11;
	v38 =	vmul.f32 $1.131370830e+01, v50;
	v37 =	vld [tilespmem:s10+$0x460];
	[tilespmem:s6+$0x14560] =	vst v41;
	s6 =	smov.u32 s7;
	s7 =	smov.u32 s8;
	s8 =	smov.u32 s10  }
0xcb: {  	v32 =	vmul.f32 $7.812500000e-03, v42;
	v41 =	vmul.f32 $1.131370830e+01, v26;
	v43 =	vld [tilespmem:s8+$0x470];
	[tilespmem:s6+$0x14500] =	vst v45  }
0xcc: {  	v25 =	vadd.f32 v46, v25;
	v26 =	vadd.f32 v44, v51;
	v44 =	vmul.f32 $1.131370830e+01, v49;
	v42, _, _ =	vpop (xrf2);
	[tilespmem:s6+$0x14510] =	vst v48  }
0xcd: {  	s9 =	sadd.s32 $0x200, s9;
	v24 =	vadd.f32 v47, v40;
	v40 =	vmul.f32 $7.812500000e-03, v42;
	v42 =	vmul.f32 v32, v32  }
0xce: {  	v33 =	vadd.f32 v33, v39;
	v34 =	vadd.f32 v34, v38  }
0xcf: {  	v36 =	vmul.f32 $1.131370830e+01, v36;
	v35 =	vadd.f32 v35, v41;
	v62 =	vadd.f32 v25, v26  }
0xd0: {  	v63 =	vmul.f32 v26, v26;
	v54 =	vmul.f32 v25, v25;
	v37 =	vadd.f32 v37, v44  }
0xd1: {  	v45 =	vmul.f32 v24, v24;
	v36 =	vadd.f32 v43, v36;
	v39 =	vadd.f32 v33, v24  }
0xd2: {  	v55 =	vadd.f32 v35, v34;
	v47 =	vmul.f32 v33, v33;
	v48 =	vmul.f32 v34, v34  }
0xd3: {  	v49 =	vmul.f32 v35, v35;
	v41 =	vadd.f32 v54, v63;
	v50 =	vmul.f32 v37, v37  }
0xd4: {  	v46 =	vadd.f32 v36, v37;
	v51 =	vmul.f32 v36, v36;
	v38 =	vadd.f32 v39, v62  }
0xd5: {  	v57 =	vadd.f32 v47, v45;
	v58 =	vadd.f32 v49, v48  }
0xd6: {  	v56 =	vadd.f32 v46, v55;
	v59 =	vadd.f32 v51, v50  }
0xd7: {  	v60 =	vadd.f32 v57, v41  }
0xd8: {  	v38 =	vadd.f32 v56, v38;
	v61 =	vadd.f32 v59, v58;
	_ =	sdelay $0x1  }
0xd9: {  	(xrf2) =	vadd.scan.msk.f32 $0xffff, v38;
	v62 =	vadd.f32 v61, v60  }
0xda: {  	v63 =	vsub.f32 v40, v42  }
0xdb: {  	(xrf2) =	vadd.scan.msk.f32 $0xffff, v62  }
0xdc: {  	v42 =	vadd.f32 $9.999999740e-06, v63;
	_ =	sdelay $0x1  }
0xdd: {  	v38 =	vbroadcast v42, $0xF;
	_ =	sdelay $0x1  }
0xde: {  	v43 =	vshra.s32 v38, $0x1;
	v38 =	vmul.f32 $-5.000000000e-01, v38  }
0xdf: {  	v39 =	vsub.s32 $0x5F3759DF, v43  }
0xe0: {  	v31 =	vmul.f32 v31, v8;
	v38 =	vmul.f32 v39, v38  }
0xe1: {  	v29 =	vmul.f32 v29, v6;
	v32 =	vbroadcast v32, $0xF;
	v44, _, _ =	vpop (xrf2)  }
0xe2: {  	v38 =	vmul.f32 v39, v38;
	v40 =	vmul.f32 $7.812500000e-03, v44  }
0xe3: {  	v30 =	vmul.f32 v30, v3;
	v31 =	vadd.f32 v31, v9;
	v29 =	vadd.f32 v29, v7;
	v45, _, _ =	vpop (xrf2)  }
0xe4: {  	v38 =	vadd.f32 $1.500000000e+00, v38;
	v41 =	vmul.f32 $7.812500000e-03, v45;
	v46 =	vmul.f32 v40, v40  }
0xe5: {  	v28 =	vmul.f32 v28, v1;
	v20 =	vsub.f32 v20, v32;
	v17 =	vsub.f32 v17, v32  }
0xe6: {  	v16 =	vsub.f32 v16, v32;
	v38 =	vmul.f32 v39, v38;
	v41 =	vsub.f32 v41, v46  }
0xe7: {  	v27 =	vmul.f32 v27, v0;
	v23 =	vsub.f32 v23, v32;
	v19 =	vsub.f32 v19, v32  }
0xe8: {  	v18 =	vsub.f32 v18, v32;
	v20 =	vmul.f32 v38, v20;
	v47 =	vadd.f32 $9.999999740e-06, v41  }
0xe9: {  	v21 =	vsub.f32 v21, v32;
	v17 =	vmul.f32 v38, v17;
	v16 =	vmul.f32 v38, v16  }
0xea: {  	v22 =	vsub.f32 v22, v32;
	v23 =	vmul.f32 v38, v23;
	v39 =	vbroadcast v47, $0xF  }
0xeb: {  	v30 =	vadd.f32 v30, v5;
	v19 =	vmul.f32 v38, v19;
	v18 =	vmul.f32 v38, v18  }
0xec: {  	v21 =	vmul.f32 v38, v21;
	v48 =	vshra.s32 v39, $0x1;
	v39 =	vmul.f32 $-5.000000000e-01, v39  }
0xed: {  	[tilespmem:s6+$0x14530] =	vst v29;
	v22 =	vmul.f32 v38, v22;
	v29 =	vbroadcast v40, $0xF;
	v41 =	vsub.s32 $0x5F3759DF, v48  }
0xee: {  	v28 =	vadd.f32 v28, v4;
	v20 =	vmul.f32 v20, v14;
	v49 =	vmul.f32 v41, v39  }
0xef: {  	v27 =	vadd.f32 v27, v2;
	v17 =	vmul.f32 v17, v12;
	v16 =	vmul.f32 v16, v10  }
0xf0: {  	[tilespmem:s6+$0x14540] =	vst v30;
	v23 =	vmul.f32 v23, v8;
	v30 =	vsub.f32 v36, v29;
	v32 =	vmul.f32 v41, v49  }
0xf1: {  	[tilespmem:s6+$0x14520] =	vst v31;
	v19 =	vmul.f32 v19, v6;
	v26 =	vsub.f32 v26, v29;
	v20 =	vadd.f32 v20, v15  }
0xf2: {  	[tilespmem:s6+$0x14560] =	vst v27;
	v18 =	vmul.f32 v18, v3;
	v17 =	vadd.f32 v17, v13;
	v31 =	vadd.f32 $1.500000000e+00, v32  }
0xf3: {  	v21 =	vmul.f32 v21, v1;
	v24 =	vsub.f32 v24, v29;
	v16 =	vadd.f32 v16, v11;
	[tilespmem:s7+$0x14570] =	vst v20  }
0xf4: {  	v23 =	vadd.f32 v23, v9;
	v19 =	vadd.f32 v19, v7;
	[tilespmem:s7+$0x14500] =	vst v17;
	v20 =	vmul.f32 v41, v31  }
0xf5: {  	v18 =	vadd.f32 v18, v5;
	v17 =	vmul.f32 v22, v0;
	v22 =	vsub.f32 v25, v29;
	[tilespmem:s7+$0x14510] =	vst v16  }
0xf6: {  	v16 =	vsub.f32 v33, v29;
	v25 =	vsub.f32 v34, v29;
	[tilespmem:s7+$0x14520] =	vst v23;
	v27 =	vmul.f32 v20, v30  }
0xf7: {  	[tilespmem:s7+$0x14540] =	vst v18;
	v18 =	vadd.f32 v21, v4;
	v17 =	vadd.f32 v17, v2;
	v23 =	vmul.f32 v20, v26  }
0xf8: {  	[tilespmem:s7+$0x14530] =	vst v19;
	v26 =	vsub.f32 v35, v29;
	v19 =	vmul.f32 v20, v22;
	v27 =	vmul.f32 v27, v14  }
0xf9: {  	[tilespmem:s6+$0x14550] =	vst v28;
	v22 =	vsub.f32 v37, v29;
	v24 =	vmul.f32 v20, v24;
	v23 =	vmul.f32 v23, v12  }
0xfa: {  	[tilespmem:s7+$0x14550] =	vst v18;
	v16 =	vmul.f32 v20, v16;
	v19 =	vmul.f32 v19, v10;
	v27 =	vadd.f32 v27, v15  }
0xfb: {  	[tilespmem:s7+$0x14560] =	vst v17;
	v21 =	vmul.f32 v20, v25;
	v18 =	vmul.f32 v24, v8;
	v23 =	vadd.f32 v23, v13  }
0xfc: {  	v16 =	vmul.f32 v16, v6;
	v17 =	vmul.f32 v20, v22;
	v19 =	vadd.f32 v19, v11;
	[tilespmem:s8+$0x14570] =	vst v27  }
0xfd: {  	v24 =	vmul.f32 v20, v26;
	v20 =	vmul.f32 v21, v3;
	v18 =	vadd.f32 v18, v9;
	[tilespmem:s8+$0x14500] =	vst v23  }
0xfe: {  	v16 =	vadd.f32 v16, v7;
	v17 =	vmul.f32 v17, v0;
	[tilespmem:s8+$0x14510] =	vst v19  }
0xff: {  	v19 =	vmul.f32 v24, v1;
	[tilespmem:s8+$0x14520] =	vst v18;
	v18 =	vadd.f32 v20, v5  }
0x100: {  	[tilespmem:s8+$0x14530] =	vst v16;
	v17 =	vadd.f32 v17, v2  }
0x101: {  	v16 =	vadd.f32 v19, v4;
	[tilespmem:s8+$0x14540] =	vst v18  }
0x102: {  	[tilespmem:s8+$0x14560] =	vst v17  }
0x103: {  	s9 =	simm.s32 $0x180;
	[tilespmem:s8+$0x14550] =	vst v16  }
0x104: {  	[tilespmem:s0], [sflag:$0x1] =	stream.indirect.gather [hbm4b:s1+s24], $0x80, s9, s24, $0xb8;
	[tilespmem:$0x1C500] =	vst v63  }
0x105: {  	s10 =	simm.s32 $0x0  }
0x106: {  	[hbm4b:s15+s10] =	stream.linear.scatter [tilespmem:s28], [sflag:$0x4], $0x4000, $0x38;
	[tilespmem:$0x1C500] =	vst v63  }
0x107: {  	_ =	swait.ge [sflag:s29], $0x4000  }
0x108: {  	[sflag:s29] =	ssyncset.done $0x0  }
0x109: {  	s6 =	simm.s32 $0x0;
	[sflag:s29] =	ssyncadd.s32 $0xFFFFC000  }
0x10a: {  	v16 =	vld [tilespmem:s6+$0x4400]  }
0x10b: {  	v17 =	vld [tilespmem:s6+$0x4410]  }
0x10c: {  	v18 =	vld [tilespmem:s6+$0x4420]  }
0x10d: {  	v19 =	vld [tilespmem:s6+$0x4430]  }
0x10e: {  	v20 =	vld [tilespmem:s6+$0x4440]  }
0x10f: {  	v21 =	vld [tilespmem:s6+$0xC500]  }
0x110: {  	v22 =	vld [tilespmem:s6+$0xC510]  }
0x111: {  	v23 =	vld [tilespmem:s6+$0xC520]  }
0x112: {  	v24 =	vld [tilespmem:s6+$0xC530]  }
0x113: {  	v25 =	vld [tilespmem:s6+$0xC540]  }
0x114: {  	v26 =	vld [tilespmem:s6+$0xC550]  }
0x115: {  	v27 =	vld [tilespmem:s6+$0xC560]  }
0x116: {  	v28 =	vld [tilespmem:s6+$0x4450]  }
0x117: {  	v29 =	vld [tilespmem:s6+$0xC570]  }
0x118: {  	v30 =	vld [tilespmem:s6+$0x4460];
	v21 =	vmul.f32 $1.131370830e+01, v21;
	v22 =	vmul.f32 $1.131370830e+01, v22  }
0x119: {  	v31 =	vld [tilespmem:s6+$0x4470];
	v23 =	vmul.f32 $1.131370830e+01, v23;
	v24 =	vmul.f32 $1.131370830e+01, v24  }
0x11a: {  	v25 =	vmul.f32 $1.131370830e+01, v25;
	v26 =	vmul.f32 $1.131370830e+01, v26;
	v32 =	vadd.f32 v16, v21  }
0x11b: {  	v33 =	vadd.f32 v17, v22;
	v16 =	vmul.f32 $1.131370830e+01, v27;
	v27 =	vadd.f32 v18, v23  }
0x11c: {  	v24 =	vadd.f32 v19, v24;
	v17 =	vmul.f32 $1.131370830e+01, v29;
	v25 =	vadd.f32 v20, v25  }
0x11d: {  	v26 =	vadd.f32 v28, v26;
	v28 =	vadd.f32 v30, v16  }
0x11e: {  	v29 =	vadd.f32 v31, v17;
	v16 =	vadd.f32 v33, v32;
	v18 =	vmul.f32 v32, v32  }
0x11f: {  	v17 =	vadd.f32 v24, v27;
	v19 =	vmul.f32 v33, v33;
	v21 =	vmul.f32 v27, v27  }
0x120: {  	v20 =	vadd.f32 v26, v25;
	v23 =	vmul.f32 v24, v24;
	v30 =	vmul.f32 v25, v25  }
0x121: {  	v31 =	vmul.f32 v26, v26;
	v22 =	vadd.f32 v29, v28;
	v50 =	vmul.f32 v28, v28  }
0x122: {  	v51 =	vmul.f32 v29, v29;
	v16 =	vadd.f32 v17, v16;
	v18 =	vadd.f32 v19, v18  }
0x123: {  	v19 =	vadd.f32 v23, v21;
	v17 =	vadd.f32 v22, v20  }
0x124: {  	s7 =	simm.s32 $0x80;
	v21 =	vadd.f32 v31, v30;
	v22 =	vadd.f32 v51, v50  }
0x125: {  	v52 =	vld [tilespmem:s7+$0xC550];
	v16 =	vadd.f32 v17, v16  }
0x126: {  	v53 =	vld [tilespmem:s7+$0xC560];
	v17 =	vadd.f32 v19, v18;
	v19 =	vadd.f32 v22, v21  }
0x127: {  	v57 =	vld [tilespmem:s7+$0x4460]  }
0x128: {  	v23 =	vld [tilespmem:s7+$0x4410];
	(xrf2) =	vadd.scan.msk.f32 $0xffff, v16;
	v16 =	vadd.f32 v19, v17  }
0x129: {  	v30 =	vld [tilespmem:s7+$0xC530]  }
0x12a: {  	v31 =	vld [tilespmem:s7+$0xC540];
	(xrf2) =	vadd.scan.msk.f32 $0xffff, v16  }
0x12b: {  	v19 =	vld [tilespmem:s7+$0xC510]  }
0x12c: {  	v17 =	vld [tilespmem:s7+$0xC500]  }
0x12d: {  	v16 =	vld [tilespmem:s7+$0xC520]  }
0x12e: {  	v20 =	vld [tilespmem:s7+$0x4400]  }
0x12f: {  	v18 =	vld [tilespmem:s7+$0x4420]  }
0x130: {  	v22 =	vld [tilespmem:s7+$0x4440];
	v19 =	vmul.f32 $1.131370830e+01, v19  }
0x131: {  	v34 =	vmul.f32 $1.131370830e+01, v52;
	v21 =	vld [tilespmem:s7+$0x4430];
	v17 =	vmul.f32 $1.131370830e+01, v17  }
0x132: {  	v56 =	vld [tilespmem:s7+$0xC570];
	v30 =	vmul.f32 $1.131370830e+01, v30;
	v55 =	vmul.f32 $1.131370830e+01, v16;
	v16, _, _ =	vpop (xrf2)  }
0x133: {  	v54 =	vld [tilespmem:s7+$0x4450];
	v31 =	vmul.f32 $1.131370830e+01, v31;
	v17 =	vadd.f32 v20, v17;
	v41 =	vmul.f32 $7.812500000e-03, v16  }
0x134: {  	v58 =	vld [tilespmem:s7+$0x4470];
	v20 =	vmul.f32 $1.131370830e+01, v53;
	v16 =	vadd.f32 v23, v19;
	v23 =	vadd.f32 v18, v55;
	v19, _, _ =	vpop (xrf2)  }
0x135: {  	v18 =	vadd.f32 v22, v31;
	v59 =	vmul.f32 $7.812500000e-03, v19;
	v60 =	vmul.f32 v41, v41  }
0x136: {  	v62 =	vmul.f32 v17, v17;
	v22 =	vadd.f32 v57, v20;
	v19 =	vadd.f32 v21, v30  }
0x137: {  	v30 =	vmul.f32 $1.131370830e+01, v56;
	v63 =	vmul.f32 v16, v16;
	v31 =	vsub.f32 v59, v60  }
0x138: {  	v21 =	vadd.f32 v54, v34;
	v49 =	vmul.f32 v23, v23;
	v51 =	vmul.f32 v18, v18  }
0x139: {  	v54 =	vmul.f32 v22, v22;
	v20 =	vadd.f32 v58, v30;
	v31 =	vadd.f32 $9.999999740e-06, v31  }
0x13a: {  	v30 =	vadd.f32 v16, v17;
	v61 =	vadd.f32 v19, v23;
	v50 =	vmul.f32 v19, v19  }
0x13b: {  	v48 =	vadd.f32 v21, v18;
	v52 =	vmul.f32 v21, v21;
	v31 =	vbroadcast v31, $0xF  }
0x13c: {  	v35 =	vadd.f32 v63, v62;
	v39 =	vadd.f32 v20, v22;
	v55 =	vmul.f32 v20, v20  }
0x13d: {  	v30 =	vadd.f32 v61, v30;
	v53 =	vshra.s32 v31, $0x1;
	v31 =	vmul.f32 $-5.000000000e-01, v31  }
0x13e: {  	s8 =	simm.s32 $0x100;
	v57 =	vadd.f32 v50, v49;
	v56 =	vadd.f32 v39, v48;
	v44 =	vsub.s32 $0x5F3759DF, v53  }
0x13f: {  	v58 =	vadd.f32 v52, v51;
	v51 =	vld [tilespmem:s8+$0xC510];
	v59 =	vadd.f32 v55, v54;
	v31 =	vmul.f32 v44, v31  }
0x140: {  	v62 =	vbroadcast v41, $0xF;
	v52 =	vld [tilespmem:s8+$0xC520];
	v30 =	vadd.f32 v56, v30  }
0x141: {  	v60 =	vadd.f32 v57, v35;
	v54 =	vld [tilespmem:s8+$0xC530];
	v61 =	vadd.f32 v59, v58;
	v31 =	vmul.f32 v44, v31  }
0x142: {  	v40 =	vld [tilespmem:s8+$0x4400];
	v29 =	vsub.f32 v29, v62;
	(xrf2) =	vadd.scan.msk.f32 $0xffff, v30  }
0x143: {  	v45 =	vld [tilespmem:s8+$0x4420];
	v30 =	vadd.f32 v61, v60;
	v31 =	vadd.f32 $1.500000000e+00, v31  }
0x144: {  	v37 =	vld [tilespmem:s8+$0x4460];
	v50 =	vsub.f32 v33, v62;
	v27 =	vsub.f32 v27, v62  }
0x145: {  	v34 =	vld [tilespmem:s8+$0x4440];
	v59 =	vmul.f32 $1.131370830e+01, v51;
	(xrf2) =	vadd.scan.msk.f32 $0xffff, v30;
	v48 =	vmul.f32 v44, v31;
	v31 =	vsub.f32 v32, v62  }
0x146: {  	v63 =	vld [tilespmem:s8+$0x4410];
	v25 =	vsub.f32 v25, v62;
	v60 =	vmul.f32 $1.131370830e+01, v52;
	v39 =	vmul.f32 $1.131370830e+01, v54  }
0x147: {  	v49 =	vld [tilespmem:s8+$0xC500];
	v26 =	vsub.f32 v26, v62;
	v29 =	vmul.f32 v48, v29;
	v53 =	vmul.f32 v48, v31  }
0x148: {  	v24 =	vsub.f32 v24, v62;
	v57 =	vld [tilespmem:s8+$0xC560];
	v32 =	vmul.f32 v48, v50;
	v31 =	vmul.f32 v48, v27  }
0x149: {  	v36 =	vsub.f32 v28, v62;
	v56 =	vld [tilespmem:s8+$0xC540];
	v30 =	vmul.f32 v48, v25;
	v28 =	vmul.f32 v48, v26  }
0x14a: {  	v33 =	vld [tilespmem:s8+$0x4430];
	v55 =	vmul.f32 v29, v14;
	v29 =	vmul.f32 v48, v24  }
0x14b: {  	v24 =	vld [tilespmem:s8+$0xC550];
	v25 =	vmul.f32 v53, v12;
	v32 =	vmul.f32 v32, v10  }
0x14c: {  	v27 =	vmul.f32 v48, v36;
	v26 =	vmul.f32 $1.131370830e+01, v49;
	v36 =	vld [tilespmem:s8+$0xC570];
	v61, _, _ =	vpop (xrf2);
	v58 =	vadd.f32 v55, v15  }
0x14d: {  	v35 =	vld [tilespmem:s8+$0x4450];
	v25 =	vadd.f32 v25, v13;
	v62 =	vadd.f32 v32, v11;
	v32 =	vmul.f32 $7.812500000e-03, v61  }
0x14e: {  	v43 =	vld [tilespmem:s8+$0x4470];
	v38 =	vmul.f32 $1.131370830e+01, v56;
	v44 =	vmul.f32 $1.131370830e+01, v57;
	[tilespmem:s6+$0x18570] =	vst v58  }
0x14f: {  	v26 =	vadd.f32 v40, v26;
	[tilespmem:s6+$0x18500] =	vst v25;
	v25 =	vadd.f32 v63, v59;
	v63, _, _ =	vpop (xrf2);
	v42 =	vmul.f32 v32, v32  }
0x150: {  	s9 =	simm.s32 $0x600;
	[tilespmem:s6+$0x18510] =	vst v62;
	v41 =	vmul.f32 $1.131370830e+01, v24;
	v24 =	vadd.f32 v45, v60;
	v40 =	vmul.f32 $7.812500000e-03, v63  }
.LBB2_4:
0x151: {  	p0 =	sne.s32 s9, $0xFE00;
	v39 =	vadd.f32 v33, v39;
	v38 =	vadd.f32 v34, v38;
	v33 =	vmul.f32 $1.131370830e+01, v36  }
0x152: {  	v35 =	vadd.f32 v35, v41;
	v31 =	vmul.f32 v31, v8;
	v34 =	vsub.f32 v40, v42  }
0x153: {  	v29 =	vmul.f32 v29, v6;
	v36 =	vadd.f32 v37, v44;
	v37 =	vadd.f32 v43, v33  }
0x154: {  	v30 =	vmul.f32 v30, v3;
	v33 =	vadd.f32 v25, v26;
	v34 =	vadd.f32 $9.999999740e-06, v34  }
0x155: {  	v41 =	vmul.f32 v26, v26;
	v42 =	vmul.f32 v25, v25;
	v40 =	vadd.f32 v39, v24  }
0x156: {  	v44 =	vmul.f32 v24, v24;
	v43 =	vadd.f32 v35, v38;
	v34 =	vbroadcast v34, $0xF  }
0x157: {  	v46 =	vmul.f32 v39, v39;
	v47 =	vmul.f32 v38, v38;
	v45 =	vadd.f32 v37, v36  }
0x158: {  	v48 =	vmul.f32 v35, v35;
	v49 =	vshra.s32 v34, $0x1;
	v34 =	vmul.f32 $-5.000000000e-01, v34  }
0x159: {  	v50 =	vmul.f32 v36, v36;
	v51 =	vmul.f32 v37, v37;
	v49 =	vsub.s32 $0x5F3759DF, v49  }
0x15a: {  	v33 =	vadd.f32 v40, v33;
	v40 =	vadd.f32 v45, v43;
	v34 =	vmul.f32 v49, v34  }
0x15b: {  	s10 =	sshra.s32 s9, $0x2;
	v41 =	vadd.f32 v42, v41;
	v42 =	vadd.f32 v46, v44;
	v43 =	vmul.f32 v28, v1  }
0x15c: {  	v28 =	vadd.f32 v48, v47;
	v45 =	vadd.f32 v51, v50;
	v44 =	vld [tilespmem:s10+$0x4400];
	v34 =	vmul.f32 v49, v34  }
0x15d: {  	v41 =	vadd.f32 v42, v41;
	v42 =	vmul.f32 v27, v0;
	v40 =	vadd.f32 v40, v33;
	v46 =	vld [tilespmem:s10+$0x4410]  }
0x15e: {  	v27 =	vadd.f32 v45, v28;
	v28 =	vbroadcast v32, $0xF;
	v47 =	vld [tilespmem:s10+$0x4420];
	v32 =	vadd.f32 $1.500000000e+00, v34  }
0x15f: {  	v31 =	vadd.f32 v31, v9;
	v29 =	vadd.f32 v29, v7;
	v33 =	vld [tilespmem:s10+$0x4430];
	(xrf2) =	vadd.scan.msk.f32 $0xffff, v40  }
0x160: {  	v27 =	vadd.f32 v27, v41;
	v40 =	vsub.f32 v20, v28;
	v20 =	vmovc v37;
	v34 =	vld [tilespmem:s10+$0x4440];
	v32 =	vmul.f32 v49, v32  }
0x161: {  	v41 =	vsub.f32 v17, v28;
	v45 =	vsub.f32 v16, v28;
	v17 =	vmovc v26;
	v16 =	vmov v25;
	v37 =	vld [tilespmem:s10+$0xC500];
	[tilespmem:s6+$0x18520] =	vst v31  }
0x162: {  	v23 =	vsub.f32 v23, v28;
	v26 =	vsub.f32 v19, v28;
	v25 =	vld [tilespmem:s10+$0xC510];
	(xrf2) =	vadd.scan.msk.f32 $0xffff, v27;
	v31 =	vmul.f32 v32, v40  }
0x163: {  	v51 =	vsub.f32 v21, v28;
	v27 =	vmul.f32 v32, v41;
	v41 =	vsub.f32 v18, v28;
	v40 =	vld [tilespmem:s10+$0xC520];
	[tilespmem:s6+$0x18530] =	vst v29  }
0x164: {  	v22 =	vsub.f32 v22, v28;
	v19 =	vmovc v39;
	v45 =	vmul.f32 v32, v45;
	v48 =	vld [tilespmem:s10+$0xC530];
	v49 =	vmul.f32 v31, v14  }
0x165: {  	v18 =	vmovc v38;
	v29 =	vmul.f32 v32, v26;
	v31 =	vmul.f32 v32, v23;
	v23 =	vadd.f32 v30, v5;
	v50 =	vld [tilespmem:s10+$0xC540]  }
0x166: {  	v21 =	vmovc v35;
	v28 =	vmul.f32 v32, v51;
	v30 =	vmul.f32 v32, v41;
	v26 =	vld [tilespmem:s10+$0xC550];
	v38 =	vadd.f32 v49, v15  }
0x167: {  	v43 =	vadd.f32 v43, v4;
	v39 =	vmul.f32 v27, v12;
	v27 =	vmul.f32 v32, v22;
	v49 =	vld [tilespmem:s10+$0xC560];
	[tilespmem:s6+$0x18540] =	vst v23  }
0x168: {  	v32 =	vmul.f32 v45, v10;
	v41 =	vadd.f32 v42, v2;
	v22 =	vmovc v36;
	v51 =	vmul.f32 $1.131370830e+01, v37;
	v35 =	vld [tilespmem:s10+$0x4450];
	[tilespmem:s7+$0x18570] =	vst v38  }
.Ltmp1:
0x169: {  	v45 =	vadd.f32 v39, v13;
	v25 =	vmul.f32 $1.131370830e+01, v25;
	v40 =	vmul.f32 $1.131370830e+01, v40;
	v36 =	vld [tilespmem:s10+$0xC570];
	v42, _, _ =	vpop (xrf2);
	[tilespmem:s6+$0x18550] =	vst v43;
	(pc) =	sbr.rel @p0 .LBB2_4-.Ltmp1, $4  }
0x16a: {  	v23 =	vmovc v24;
	v39 =	vmul.f32 $1.131370830e+01, v48;
	v48 =	vadd.f32 v32, v11;
	v38 =	vmul.f32 $1.131370830e+01, v50;
	v37 =	vld [tilespmem:s10+$0x4460];
	[tilespmem:s6+$0x18560] =	vst v41;
	s6 =	smov.u32 s7;
	s7 =	smov.u32 s8;
	s8 =	smov.u32 s10  }
0x16b: {  	v32 =	vmul.f32 $7.812500000e-03, v42;
	v41 =	vmul.f32 $1.131370830e+01, v26;
	v43 =	vld [tilespmem:s8+$0x4470];
	[tilespmem:s6+$0x18500] =	vst v45  }
0x16c: {  	v25 =	vadd.f32 v46, v25;
	v26 =	vadd.f32 v44, v51;
	v44 =	vmul.f32 $1.131370830e+01, v49;
	v42, _, _ =	vpop (xrf2);
	[tilespmem:s6+$0x18510] =	vst v48  }
0x16d: {  	s9 =	sadd.s32 $0x200, s9;
	v24 =	vadd.f32 v47, v40;
	v40 =	vmul.f32 $7.812500000e-03, v42;
	v42 =	vmul.f32 v32, v32  }
0x16e: {  	v33 =	vadd.f32 v33, v39;
	v34 =	vadd.f32 v34, v38  }
0x16f: {  	v36 =	vmul.f32 $1.131370830e+01, v36;
	v35 =	vadd.f32 v35, v41;
	v62 =	vadd.f32 v25, v26  }
0x170: {  	v63 =	vmul.f32 v26, v26;
	v54 =	vmul.f32 v25, v25;
	v37 =	vadd.f32 v37, v44  }
0x171: {  	v45 =	vmul.f32 v24, v24;
	v36 =	vadd.f32 v43, v36;
	v39 =	vadd.f32 v33, v24  }
0x172: {  	v55 =	vadd.f32 v35, v34;
	v47 =	vmul.f32 v33, v33;
	v48 =	vmul.f32 v34, v34  }
0x173: {  	v49 =	vmul.f32 v35, v35;
	v41 =	vadd.f32 v54, v63;
	v50 =	vmul.f32 v37, v37  }
0x174: {  	v46 =	vadd.f32 v36, v37;
	v51 =	vmul.f32 v36, v36;
	v38 =	vadd.f32 v39, v62  }
0x175: {  	v57 =	vadd.f32 v47, v45;
	v58 =	vadd.f32 v49, v48  }
0x176: {  	v56 =	vadd.f32 v46, v55;
	v59 =	vadd.f32 v51, v50  }
0x177: {  	v60 =	vadd.f32 v57, v41  }
0x178: {  	v38 =	vadd.f32 v56, v38;
	v61 =	vadd.f32 v59, v58;
	_ =	sdelay $0x1  }
0x179: {  	(xrf2) =	vadd.scan.msk.f32 $0xffff, v38;
	v62 =	vadd.f32 v61, v60  }
0x17a: {  	v63 =	vsub.f32 v40, v42  }
0x17b: {  	(xrf2) =	vadd.scan.msk.f32 $0xffff, v62  }
0x17c: {  	v42 =	vadd.f32 $9.999999740e-06, v63;
	_ =	sdelay $0x1  }
0x17d: {  	v38 =	vbroadcast v42, $0xF;
	_ =	sdelay $0x1  }
0x17e: {  	v43 =	vshra.s32 v38, $0x1;
	v38 =	vmul.f32 $-5.000000000e-01, v38  }
0x17f: {  	v39 =	vsub.s32 $0x5F3759DF, v43  }
0x180: {  	v31 =	vmul.f32 v31, v8;
	v38 =	vmul.f32 v39, v38  }
0x181: {  	v29 =	vmul.f32 v29, v6;
	v32 =	vbroadcast v32, $0xF;
	v44, _, _ =	vpop (xrf2)  }
0x182: {  	v38 =	vmul.f32 v39, v38;
	v40 =	vmul.f32 $7.812500000e-03, v44  }
0x183: {  	v30 =	vmul.f32 v30, v3;
	v31 =	vadd.f32 v31, v9;
	v29 =	vadd.f32 v29, v7;
	v45, _, _ =	vpop (xrf2)  }
0x184: {  	v38 =	vadd.f32 $1.500000000e+00, v38;
	v41 =	vmul.f32 $7.812500000e-03, v45;
	v46 =	vmul.f32 v40, v40  }
0x185: {  	v28 =	vmul.f32 v28, v1;
	v20 =	vsub.f32 v20, v32;
	v17 =	vsub.f32 v17, v32  }
0x186: {  	v16 =	vsub.f32 v16, v32;
	v38 =	vmul.f32 v39, v38;
	v41 =	vsub.f32 v41, v46  }
0x187: {  	v27 =	vmul.f32 v27, v0;
	v23 =	vsub.f32 v23, v32;
	v19 =	vsub.f32 v19, v32  }
0x188: {  	v18 =	vsub.f32 v18, v32;
	v20 =	vmul.f32 v38, v20;
	v47 =	vadd.f32 $9.999999740e-06, v41  }
0x189: {  	v21 =	vsub.f32 v21, v32;
	v17 =	vmul.f32 v38, v17;
	v16 =	vmul.f32 v38, v16  }
0x18a: {  	v22 =	vsub.f32 v22, v32;
	v23 =	vmul.f32 v38, v23;
	v39 =	vbroadcast v47, $0xF  }
0x18b: {  	v30 =	vadd.f32 v30, v5;
	v19 =	vmul.f32 v38, v19;
	v18 =	vmul.f32 v38, v18  }
0x18c: {  	v21 =	vmul.f32 v38, v21;
	v48 =	vshra.s32 v39, $0x1;
	v39 =	vmul.f32 $-5.000000000e-01, v39  }
0x18d: {  	[tilespmem:s6+$0x18530] =	vst v29;
	v22 =	vmul.f32 v38, v22;
	v29 =	vbroadcast v40, $0xF;
	v41 =	vsub.s32 $0x5F3759DF, v48  }
0x18e: {  	v28 =	vadd.f32 v28, v4;
	v20 =	vmul.f32 v20, v14;
	v49 =	vmul.f32 v41, v39  }
0x18f: {  	v27 =	vadd.f32 v27, v2;
	v17 =	vmul.f32 v17, v12;
	v16 =	vmul.f32 v16, v10  }
0x190: {  	[tilespmem:s6+$0x18540] =	vst v30;
	v23 =	vmul.f32 v23, v8;
	v30 =	vsub.f32 v36, v29;
	v32 =	vmul.f32 v41, v49  }
0x191: {  	[tilespmem:s6+$0x18520] =	vst v31;
	v19 =	vmul.f32 v19, v6;
	v26 =	vsub.f32 v26, v29;
	v20 =	vadd.f32 v20, v15  }
0x192: {  	[tilespmem:s6+$0x18560] =	vst v27;
	v18 =	vmul.f32 v18, v3;
	v17 =	vadd.f32 v17, v13;
	v31 =	vadd.f32 $1.500000000e+00, v32  }
0x193: {  	v21 =	vmul.f32 v21, v1;
	v24 =	vsub.f32 v24, v29;
	v16 =	vadd.f32 v16, v11;
	[tilespmem:s7+$0x18570] =	vst v20  }
0x194: {  	v23 =	vadd.f32 v23, v9;
	v19 =	vadd.f32 v19, v7;
	[tilespmem:s7+$0x18500] =	vst v17;
	v20 =	vmul.f32 v41, v31  }
0x195: {  	v18 =	vadd.f32 v18, v5;
	v17 =	vmul.f32 v22, v0;
	v22 =	vsub.f32 v25, v29;
	[tilespmem:s7+$0x18510] =	vst v16  }
0x196: {  	v16 =	vsub.f32 v33, v29;
	v25 =	vsub.f32 v34, v29;
	[tilespmem:s7+$0x18520] =	vst v23;
	v27 =	vmul.f32 v20, v30  }
0x197: {  	[tilespmem:s7+$0x18540] =	vst v18;
	v18 =	vadd.f32 v21, v4;
	v17 =	vadd.f32 v17, v2;
	v23 =	vmul.f32 v20, v26  }
0x198: {  	[tilespmem:s7+$0x18530] =	vst v19;
	v26 =	vsub.f32 v35, v29;
	v19 =	vmul.f32 v20, v22;
	v27 =	vmul.f32 v27, v14  }
0x199: {  	[tilespmem:s6+$0x18550] =	vst v28;
	v22 =	vsub.f32 v37, v29;
	v24 =	vmul.f32 v20, v24;
	v23 =	vmul.f32 v23, v12  }
0x19a: {  	[tilespmem:s7+$0x18550] =	vst v18;
	v16 =	vmul.f32 v20, v16;
	v19 =	vmul.f32 v19, v10;
	v27 =	vadd.f32 v27, v15  }
0x19b: {  	[tilespmem:s7+$0x18560] =	vst v17;
	v21 =	vmul.f32 v20, v25;
	v18 =	vmul.f32 v24, v8;
	v23 =	vadd.f32 v23, v13  }
0x19c: {  	v16 =	vmul.f32 v16, v6;
	v17 =	vmul.f32 v20, v22;
	v19 =	vadd.f32 v19, v11;
	[tilespmem:s8+$0x18570] =	vst v27  }
0x19d: {  	v24 =	vmul.f32 v20, v26;
	v20 =	vmul.f32 v21, v3;
	v18 =	vadd.f32 v18, v9;
	[tilespmem:s8+$0x18500] =	vst v23  }
0x19e: {  	v16 =	vadd.f32 v16, v7;
	v17 =	vmul.f32 v17, v0;
	[tilespmem:s8+$0x18510] =	vst v19  }
0x19f: {  	v19 =	vmul.f32 v24, v1;
	[tilespmem:s8+$0x18520] =	vst v18;
	v18 =	vadd.f32 v20, v5  }
0x1a0: {  	[tilespmem:s8+$0x18530] =	vst v16;
	v17 =	vadd.f32 v17, v2  }
0x1a1: {  	v16 =	vadd.f32 v19, v4;
	[tilespmem:s8+$0x18540] =	vst v18  }
0x1a2: {  	[tilespmem:s8+$0x18560] =	vst v17  }
0x1a3: {  	s9 =	simm.s32 $0x200;
	[tilespmem:s8+$0x18550] =	vst v16  }
0x1a4: {  	[tilespmem:s4], [sflag:$0x2] =	stream.indirect.gather [hbm4b:s1+s24], $0x80, s9, s24, $0xb8;
	[tilespmem:$0x1C500] =	vst v63  }
0x1a5: {  	s10 =	simm.s32 $0x0  }
0x1a6: {  	[hbm4b:s16+s10] =	stream.linear.scatter [tilespmem:s30], [sflag:$0x5], $0x4000, $0x38;
	[tilespmem:$0x1C500] =	vst v63  }
0x1a7: {  	_ =	swait.ge [sflag:s31], $0x4000  }
0x1a8: {  	[sflag:s31] =	ssyncset.done $0x0  }
0x1a9: {  	[sflag:s31] =	ssyncadd.s32 $0xFFFFC000  }
0x1aa: {  	_ =	swait.ge [sflag:s25], $0x4000  }
0x1ab: {  	[sflag:s25] =	ssyncset.done $0x0  }
0x1ac: {  	s6 =	simm.s32 $0x0;
	[sflag:s25] =	ssyncadd.s32 $0xFFFFC000  }
0x1ad: {  	v16 =	vld [tilespmem:s6+$0x400]  }
0x1ae: {  	v17 =	vld [tilespmem:s6+$0x410]  }
0x1af: {  	v18 =	vld [tilespmem:s6+$0x420]  }
0x1b0: {  	v19 =	vld [tilespmem:s6+$0x430]  }
0x1b1: {  	v20 =	vld [tilespmem:s6+$0x440]  }
0x1b2: {  	v21 =	vld [tilespmem:s6+$0x10500]  }
0x1b3: {  	v22 =	vld [tilespmem:s6+$0x10510]  }
0x1b4: {  	v23 =	vld [tilespmem:s6+$0x10520]  }
0x1b5: {  	v24 =	vld [tilespmem:s6+$0x10530]  }
0x1b6: {  	v25 =	vld [tilespmem:s6+$0x10540]  }
0x1b7: {  	v26 =	vld [tilespmem:s6+$0x10550]  }
0x1b8: {  	v27 =	vld [tilespmem:s6+$0x10560]  }
0x1b9: {  	v28 =	vld [tilespmem:s6+$0x450]  }
0x1ba: {  	v29 =	vld [tilespmem:s6+$0x10570]  }
0x1bb: {  	v30 =	vld [tilespmem:s6+$0x460];
	v21 =	vmul.f32 $1.131370830e+01, v21;
	v22 =	vmul.f32 $1.131370830e+01, v22  }
0x1bc: {  	v31 =	vld [tilespmem:s6+$0x470];
	v23 =	vmul.f32 $1.131370830e+01, v23;
	v24 =	vmul.f32 $1.131370830e+01, v24  }
0x1bd: {  	v25 =	vmul.f32 $1.131370830e+01, v25;
	v26 =	vmul.f32 $1.131370830e+01, v26;
	v32 =	vadd.f32 v16, v21  }
0x1be: {  	v33 =	vadd.f32 v17, v22;
	v16 =	vmul.f32 $1.131370830e+01, v27;
	v27 =	vadd.f32 v18, v23  }
0x1bf: {  	v24 =	vadd.f32 v19, v24;
	v17 =	vmul.f32 $1.131370830e+01, v29;
	v25 =	vadd.f32 v20, v25  }
0x1c0: {  	v26 =	vadd.f32 v28, v26;
	v28 =	vadd.f32 v30, v16  }
0x1c1: {  	v29 =	vadd.f32 v31, v17;
	v16 =	vadd.f32 v33, v32;
	v18 =	vmul.f32 v32, v32  }
0x1c2: {  	v17 =	vadd.f32 v24, v27;
	v19 =	vmul.f32 v33, v33;
	v21 =	vmul.f32 v27, v27  }
0x1c3: {  	v20 =	vadd.f32 v26, v25;
	v23 =	vmul.f32 v24, v24;
	v30 =	vmul.f32 v25, v25  }
0x1c4: {  	v31 =	vmul.f32 v26, v26;
	v22 =	vadd.f32 v29, v28;
	v50 =	vmul.f32 v28, v28  }
0x1c5: {  	v51 =	vmul.f32 v29, v29;
	v16 =	vadd.f32 v17, v16;
	v18 =	vadd.f32 v19, v18  }
0x1c6: {  	v19 =	vadd.f32 v23, v21;
	v17 =	vadd.f32 v22, v20  }
0x1c7: {  	s7 =	simm.s32 $0x80;
	v21 =	vadd.f32 v31, v30;
	v22 =	vadd.f32 v51, v50  }
0x1c8: {  	v52 =	vld [tilespmem:s7+$0x10550];
	v16 =	vadd.f32 v17, v16  }
0x1c9: {  	v53 =	vld [tilespmem:s7+$0x10560];
	v17 =	vadd.f32 v19, v18;
	v19 =	vadd.f32 v22, v21  }
0x1ca: {  	v57 =	vld [tilespmem:s7+$0x460]  }
0x1cb: {  	v23 =	vld [tilespmem:s7+$0x410];
	(xrf2) =	vadd.scan.msk.f32 $0xffff, v16;
	v16 =	vadd.f32 v19, v17  }
0x1cc: {  	v30 =	vld [tilespmem:s7+$0x10530]  }
0x1cd: {  	v31 =	vld [tilespmem:s7+$0x10540];
	(xrf2) =	vadd.scan.msk.f32 $0xffff, v16  }
0x1ce: {  	v19 =	vld [tilespmem:s7+$0x10510]  }
0x1cf: {  	v17 =	vld [tilespmem:s7+$0x10500]  }
0x1d0: {  	v16 =	vld [tilespmem:s7+$0x10520]  }
0x1d1: {  	v20 =	vld [tilespmem:s7+$0x400]  }
0x1d2: {  	v18 =	vld [tilespmem:s7+$0x420]  }
0x1d3: {  	v22 =	vld [tilespmem:s7+$0x440];
	v19 =	vmul.f32 $1.131370830e+01, v19  }
0x1d4: {  	v34 =	vmul.f32 $1.131370830e+01, v52;
	v21 =	vld [tilespmem:s7+$0x430];
	v17 =	vmul.f32 $1.131370830e+01, v17  }
0x1d5: {  	v56 =	vld [tilespmem:s7+$0x10570];
	v30 =	vmul.f32 $1.131370830e+01, v30;
	v55 =	vmul.f32 $1.131370830e+01, v16;
	v16, _, _ =	vpop (xrf2)  }
0x1d6: {  	v54 =	vld [tilespmem:s7+$0x450];
	v31 =	vmul.f32 $1.131370830e+01, v31;
	v17 =	vadd.f32 v20, v17;
	v41 =	vmul.f32 $7.812500000e-03, v16  }
0x1d7: {  	v58 =	vld [tilespmem:s7+$0x470];
	v20 =	vmul.f32 $1.131370830e+01, v53;
	v16 =	vadd.f32 v23, v19;
	v23 =	vadd.f32 v18, v55;
	v19, _, _ =	vpop (xrf2)  }
0x1d8: {  	v18 =	vadd.f32 v22, v31;
	v59 =	vmul.f32 $7.812500000e-03, v19;
	v60 =	vmul.f32 v41, v41  }
0x1d9: {  	v62 =	vmul.f32 v17, v17;
	v22 =	vadd.f32 v57, v20;
	v19 =	vadd.f32 v21, v30  }
0x1da: {  	v30 =	vmul.f32 $1.131370830e+01, v56;
	v63 =	vmul.f32 v16, v16;
	v31 =	vsub.f32 v59, v60  }
0x1db: {  	v21 =	vadd.f32 v54, v34;
	v49 =	vmul.f32 v23, v23;
	v51 =	vmul.f32 v18, v18  }
0x1dc: {  	v54 =	vmul.f32 v22, v22;
	v20 =	vadd.f32 v58, v30;
	v31 =	vadd.f32 $9.999999740e-06, v31  }
0x1dd: {  	v30 =	vadd.f32 v16, v17;
	v61 =	vadd.f32 v19, v23;
	v50 =	vmul.f32 v19, v19  }
0x1de: {  	v48 =	vadd.f32 v21, v18;
	v52 =	vmul.f32 v21, v21;
	v31 =	vbroadcast v31, $0xF  }
0x1df: {  	v35 =	vadd.f32 v63, v62;
	v39 =	vadd.f32 v20, v22;
	v55 =	vmul.f32 v20, v20  }
0x1e0: {  	v30 =	vadd.f32 v61, v30;
	v53 =	vshra.s32 v31, $0x1;
	v31 =	vmul.f32 $-5.000000000e-01, v31  }
0x1e1: {  	s8 =	simm.s32 $0x100;
	v57 =	vadd.f32 v50, v49;
	v56 =	vadd.f32 v39, v48;
	v44 =	vsub.s32 $0x5F3759DF, v53  }
0x1e2: {  	v58 =	vadd.f32 v52, v51;
	v51 =	vld [tilespmem:s8+$0x10510];
	v59 =	vadd.f32 v55, v54;
	v31 =	vmul.f32 v44, v31  }
0x1e3: {  	v62 =	vbroadcast v41, $0xF;
	v52 =	vld [tilespmem:s8+$0x10520];
	v30 =	vadd.f32 v56, v30  }
0x1e4: {  	v60 =	vadd.f32 v57, v35;
	v54 =	vld [tilespmem:s8+$0x10530];
	v61 =	vadd.f32 v59, v58;
	v31 =	vmul.f32 v44, v31  }
0x1e5: {  	v40 =	vld [tilespmem:s8+$0x400];
	v29 =	vsub.f32 v29, v62;
	(xrf2) =	vadd.scan.msk.f32 $0xffff, v30  }
0x1e6: {  	v45 =	vld [tilespmem:s8+$0x420];
	v30 =	vadd.f32 v61, v60;
	v31 =	vadd.f32 $1.500000000e+00, v31  }
0x1e7: {  	v37 =	vld [tilespmem:s8+$0x460];
	v50 =	vsub.f32 v33, v62;
	v27 =	vsub.f32 v27, v62  }
0x1e8: {  	v34 =	vld [tilespmem:s8+$0x440];
	v59 =	vmul.f32 $1.131370830e+01, v51;
	(xrf2) =	vadd.scan.msk.f32 $0xffff, v30;
	v48 =	vmul.f32 v44, v31;
	v31 =	vsub.f32 v32, v62  }
0x1e9: {  	v63 =	vld [tilespmem:s8+$0x410];
	v25 =	vsub.f32 v25, v62;
	v60 =	vmul.f32 $1.131370830e+01, v52;
	v39 =	vmul.f32 $1.131370830e+01, v54  }
0x1ea: {  	v49 =	vld [tilespmem:s8+$0x10500];
	v26 =	vsub.f32 v26, v62;
	v29 =	vmul.f32 v48, v29;
	v53 =	vmul.f32 v48, v31  }
0x1eb: {  	v24 =	vsub.f32 v24, v62;
	v57 =	vld [tilespmem:s8+$0x10560];
	v32 =	vmul.f32 v48, v50;
	v31 =	vmul.f32 v48, v27  }
0x1ec: {  	v36 =	vsub.f32 v28, v62;
	v56 =	vld [tilespmem:s8+$0x10540];
	v30 =	vmul.f32 v48, v25;
	v28 =	vmul.f32 v48, v26  }
0x1ed: {  	v33 =	vld [tilespmem:s8+$0x430];
	v55 =	vmul.f32 v29, v14;
	v29 =	vmul.f32 v48, v24  }
0x1ee: {  	v24 =	vld [tilespmem:s8+$0x10550];
	v25 =	vmul.f32 v53, v12;
	v32 =	vmul.f32 v32, v10  }
0x1ef: {  	v27 =	vmul.f32 v48, v36;
	v26 =	vmul.f32 $1.131370830e+01, v49;
	v36 =	vld [tilespmem:s8+$0x10570];
	v61, _, _ =	vpop (xrf2);
	v58 =	vadd.f32 v55, v15  }
0x1f0: {  	v35 =	vld [tilespmem:s8+$0x450];
	v25 =	vadd.f32 v25, v13;
	v62 =	vadd.f32 v32, v11;
	v32 =	vmul.f32 $7.812500000e-03, v61  }
0x1f1: {  	v43 =	vld [tilespmem:s8+$0x470];
	v38 =	vmul.f32 $1.131370830e+01, v56;
	v44 =	vmul.f32 $1.131370830e+01, v57;
	[tilespmem:s6+$0x14570] =	vst v58  }
0x1f2: {  	v26 =	vadd.f32 v40, v26;
	[tilespmem:s6+$0x14500] =	vst v25;
	v25 =	vadd.f32 v63, v59;
	v63, _, _ =	vpop (xrf2);
	v42 =	vmul.f32 v32, v32  }
0x1f3: {  	s9 =	simm.s32 $0x600;
	[tilespmem:s6+$0x14510] =	vst v62;
	v41 =	vmul.f32 $1.131370830e+01, v24;
	v24 =	vadd.f32 v45, v60;
	v40 =	vmul.f32 $7.812500000e-03, v63  }
.LBB2_6:
0x1f4: {  	p0 =	sne.s32 s9, $0xFE00;
	v39 =	vadd.f32 v33, v39;
	v38 =	vadd.f32 v34, v38;
	v33 =	vmul.f32 $1.131370830e+01, v36  }
0x1f5: {  	v35 =	vadd.f32 v35, v41;
	v31 =	vmul.f32 v31, v8;
	v34 =	vsub.f32 v40, v42  }
0x1f6: {  	v29 =	vmul.f32 v29, v6;
	v36 =	vadd.f32 v37, v44;
	v37 =	vadd.f32 v43, v33  }
0x1f7: {  	v30 =	vmul.f32 v30, v3;
	v33 =	vadd.f32 v25, v26;
	v34 =	vadd.f32 $9.999999740e-06, v34  }
0x1f8: {  	v41 =	vmul.f32 v26, v26;
	v42 =	vmul.f32 v25, v25;
	v40 =	vadd.f32 v39, v24  }
0x1f9: {  	v44 =	vmul.f32 v24, v24;
	v43 =	vadd.f32 v35, v38;
	v34 =	vbroadcast v34, $0xF  }
0x1fa: {  	v46 =	vmul.f32 v39, v39;
	v47 =	vmul.f32 v38, v38;
	v45 =	vadd.f32 v37, v36  }
0x1fb: {  	v48 =	vmul.f32 v35, v35;
	v49 =	vshra.s32 v34, $0x1;
	v34 =	vmul.f32 $-5.000000000e-01, v34  }
0x1fc: {  	v50 =	vmul.f32 v36, v36;
	v51 =	vmul.f32 v37, v37;
	v49 =	vsub.s32 $0x5F3759DF, v49  }
0x1fd: {  	v33 =	vadd.f32 v40, v33;
	v40 =	vadd.f32 v45, v43;
	v34 =	vmul.f32 v49, v34  }
0x1fe: {  	s10 =	sshra.s32 s9, $0x2;
	v41 =	vadd.f32 v42, v41;
	v42 =	vadd.f32 v46, v44;
	v43 =	vmul.f32 v28, v1  }
0x1ff: {  	v28 =	vadd.f32 v48, v47;
	v45 =	vadd.f32 v51, v50;
	v44 =	vld [tilespmem:s10+$0x400];
	v34 =	vmul.f32 v49, v34  }
0x200: {  	v41 =	vadd.f32 v42, v41;
	v42 =	vmul.f32 v27, v0;
	v40 =	vadd.f32 v40, v33;
	v46 =	vld [tilespmem:s10+$0x410]  }
0x201: {  	v27 =	vadd.f32 v45, v28;
	v28 =	vbroadcast v32, $0xF;
	v47 =	vld [tilespmem:s10+$0x420];
	v32 =	vadd.f32 $1.500000000e+00, v34  }
0x202: {  	v31 =	vadd.f32 v31, v9;
	v29 =	vadd.f32 v29, v7;
	v33 =	vld [tilespmem:s10+$0x430];
	(xrf2) =	vadd.scan.msk.f32 $0xffff, v40  }
0x203: {  	v27 =	vadd.f32 v27, v41;
	v40 =	vsub.f32 v20, v28;
	v20 =	vmovc v37;
	v34 =	vld [tilespmem:s10+$0x440];
	v32 =	vmul.f32 v49, v32  }
0x204: {  	v41 =	vsub.f32 v17, v28;
	v45 =	vsub.f32 v16, v28;
	v17 =	vmovc v26;
	v16 =	vmov v25;
	v37 =	vld [tilespmem:s10+$0x10500];
	[tilespmem:s6+$0x14520] =	vst v31  }
0x205: {  	v23 =	vsub.f32 v23, v28;
	v26 =	vsub.f32 v19, v28;
	v25 =	vld [tilespmem:s10+$0x10510];
	(xrf2) =	vadd.scan.msk.f32 $0xffff, v27;
	v31 =	vmul.f32 v32, v40  }
0x206: {  	v51 =	vsub.f32 v21, v28;
	v27 =	vmul.f32 v32, v41;
	v41 =	vsub.f32 v18, v28;
	v40 =	vld [tilespmem:s10+$0x10520];
	[tilespmem:s6+$0x14530] =	vst v29  }
0x207: {  	v22 =	vsub.f32 v22, v28;
	v19 =	vmovc v39;
	v45 =	vmul.f32 v32, v45;
	v48 =	vld [tilespmem:s10+$0x10530];
	v49 =	vmul.f32 v31, v14  }
0x208: {  	v18 =	vmovc v38;
	v29 =	vmul.f32 v32, v26;
	v31 =	vmul.f32 v32, v23;
	v23 =	vadd.f32 v30, v5;
	v50 =	vld [tilespmem:s10+$0x10540]  }
0x209: {  	v21 =	vmovc v35;
	v28 =	vmul.f32 v32, v51;
	v30 =	vmul.f32 v32, v41;
	v26 =	vld [tilespmem:s10+$0x10550];
	v38 =	vadd.f32 v49, v15  }
0x20a: {  	v43 =	vadd.f32 v43, v4;
	v39 =	vmul.f32 v27, v12;
	v27 =	vmul.f32 v32, v22;
	v49 =	vld [tilespmem:s10+$0x10560];
	[tilespmem:s6+$0x14540] =	vst v23  }
0x20b: {  	v32 =	vmul.f32 v45, v10;
	v41 =	vadd.f32 v42, v2;
	v22 =	vmovc v36;
	v51 =	vmul.f32 $1.131370830e+01, v37;
	v35 =	vld [tilespmem:s10+$0x450];
	[tilespmem:s7+$0x14570] =	vst v38  }
.Ltmp2:
0x20c: {  	v45 =	vadd.f32 v39, v13;
	v25 =	vmul.f32 $1.131370830e+01, v25;
	v40 =	vmul.f32 $1.131370830e+01, v40;
	v36 =	vld [tilespmem:s10+$0x10570];
	v42, _, _ =	vpop (xrf2);
	[tilespmem:s6+$0x14550] =	vst v43;
	(pc) =	sbr.rel @p0 .LBB2_6-.Ltmp2, $4  }
0x20d: {  	v23 =	vmovc v24;
	v39 =	vmul.f32 $1.131370830e+01, v48;
	v48 =	vadd.f32 v32, v11;
	v38 =	vmul.f32 $1.131370830e+01, v50;
	v37 =	vld [tilespmem:s10+$0x460];
	[tilespmem:s6+$0x14560] =	vst v41;
	s6 =	smov.u32 s7;
	s7 =	smov.u32 s8;
	s8 =	smov.u32 s10  }
0x20e: {  	v32 =	vmul.f32 $7.812500000e-03, v42;
	v41 =	vmul.f32 $1.131370830e+01, v26;
	v43 =	vld [tilespmem:s8+$0x470];
	[tilespmem:s6+$0x14500] =	vst v45  }
0x20f: {  	v25 =	vadd.f32 v46, v25;
	v26 =	vadd.f32 v44, v51;
	v44 =	vmul.f32 $1.131370830e+01, v49;
	v42, _, _ =	vpop (xrf2);
	[tilespmem:s6+$0x14510] =	vst v48  }
0x210: {  	s9 =	sadd.s32 $0x200, s9;
	v24 =	vadd.f32 v47, v40;
	v40 =	vmul.f32 $7.812500000e-03, v42;
	v42 =	vmul.f32 v32, v32  }
0x211: {  	v33 =	vadd.f32 v33, v39;
	v34 =	vadd.f32 v34, v38  }
0x212: {  	v36 =	vmul.f32 $1.131370830e+01, v36;
	v35 =	vadd.f32 v35, v41;
	v62 =	vadd.f32 v25, v26  }
0x213: {  	v63 =	vmul.f32 v26, v26;
	v54 =	vmul.f32 v25, v25;
	v37 =	vadd.f32 v37, v44  }
0x214: {  	v45 =	vmul.f32 v24, v24;
	v36 =	vadd.f32 v43, v36;
	v39 =	vadd.f32 v33, v24  }
0x215: {  	v55 =	vadd.f32 v35, v34;
	v47 =	vmul.f32 v33, v33;
	v48 =	vmul.f32 v34, v34  }
0x216: {  	v49 =	vmul.f32 v35, v35;
	v41 =	vadd.f32 v54, v63;
	v50 =	vmul.f32 v37, v37  }
0x217: {  	v46 =	vadd.f32 v36, v37;
	v51 =	vmul.f32 v36, v36;
	v38 =	vadd.f32 v39, v62  }
0x218: {  	v57 =	vadd.f32 v47, v45;
	v58 =	vadd.f32 v49, v48  }
0x219: {  	v56 =	vadd.f32 v46, v55;
	v59 =	vadd.f32 v51, v50  }
0x21a: {  	v60 =	vadd.f32 v57, v41  }
0x21b: {  	v38 =	vadd.f32 v56, v38;
	v61 =	vadd.f32 v59, v58;
	_ =	sdelay $0x1  }
0x21c: {  	(xrf2) =	vadd.scan.msk.f32 $0xffff, v38;
	v62 =	vadd.f32 v61, v60  }
0x21d: {  	v63 =	vsub.f32 v40, v42  }
0x21e: {  	(xrf2) =	vadd.scan.msk.f32 $0xffff, v62  }
0x21f: {  	v42 =	vadd.f32 $9.999999740e-06, v63;
	_ =	sdelay $0x1  }
0x220: {  	v38 =	vbroadcast v42, $0xF;
	_ =	sdelay $0x1  }
0x221: {  	v43 =	vshra.s32 v38, $0x1;
	v38 =	vmul.f32 $-5.000000000e-01, v38  }
0x222: {  	v39 =	vsub.s32 $0x5F3759DF, v43  }
0x223: {  	v31 =	vmul.f32 v31, v8;
	v38 =	vmul.f32 v39, v38  }
0x224: {  	v29 =	vmul.f32 v29, v6;
	v32 =	vbroadcast v32, $0xF;
	v44, _, _ =	vpop (xrf2)  }
0x225: {  	v38 =	vmul.f32 v39, v38;
	v40 =	vmul.f32 $7.812500000e-03, v44  }
0x226: {  	v30 =	vmul.f32 v30, v3;
	v31 =	vadd.f32 v31, v9;
	v29 =	vadd.f32 v29, v7;
	v45, _, _ =	vpop (xrf2)  }
0x227: {  	v38 =	vadd.f32 $1.500000000e+00, v38;
	v41 =	vmul.f32 $7.812500000e-03, v45;
	v46 =	vmul.f32 v40, v40  }
0x228: {  	v28 =	vmul.f32 v28, v1;
	v20 =	vsub.f32 v20, v32;
	v17 =	vsub.f32 v17, v32  }
0x229: {  	v16 =	vsub.f32 v16, v32;
	v38 =	vmul.f32 v39, v38;
	v41 =	vsub.f32 v41, v46  }
0x22a: {  	v27 =	vmul.f32 v27, v0;
	v23 =	vsub.f32 v23, v32;
	v19 =	vsub.f32 v19, v32  }
0x22b: {  	v18 =	vsub.f32 v18, v32;
	v20 =	vmul.f32 v38, v20;
	v47 =	vadd.f32 $9.999999740e-06, v41  }
0x22c: {  	v21 =	vsub.f32 v21, v32;
	v17 =	vmul.f32 v38, v17;
	v16 =	vmul.f32 v38, v16  }
0x22d: {  	v22 =	vsub.f32 v22, v32;
	v23 =	vmul.f32 v38, v23;
	v39 =	vbroadcast v47, $0xF  }
0x22e: {  	v30 =	vadd.f32 v30, v5;
	v19 =	vmul.f32 v38, v19;
	v18 =	vmul.f32 v38, v18  }
0x22f: {  	v21 =	vmul.f32 v38, v21;
	v48 =	vshra.s32 v39, $0x1;
	v39 =	vmul.f32 $-5.000000000e-01, v39  }
0x230: {  	[tilespmem:s6+$0x14530] =	vst v29;
	v22 =	vmul.f32 v38, v22;
	v29 =	vbroadcast v40, $0xF;
	v41 =	vsub.s32 $0x5F3759DF, v48  }
0x231: {  	v28 =	vadd.f32 v28, v4;
	v20 =	vmul.f32 v20, v14;
	v49 =	vmul.f32 v41, v39  }
0x232: {  	v27 =	vadd.f32 v27, v2;
	v17 =	vmul.f32 v17, v12;
	v16 =	vmul.f32 v16, v10  }
0x233: {  	[tilespmem:s6+$0x14540] =	vst v30;
	v23 =	vmul.f32 v23, v8;
	v30 =	vsub.f32 v36, v29;
	v32 =	vmul.f32 v41, v49  }
0x234: {  	[tilespmem:s6+$0x14520] =	vst v31;
	v19 =	vmul.f32 v19, v6;
	v26 =	vsub.f32 v26, v29;
	v20 =	vadd.f32 v20, v15  }
0x235: {  	[tilespmem:s6+$0x14560] =	vst v27;
	v18 =	vmul.f32 v18, v3;
	v17 =	vadd.f32 v17, v13;
	v31 =	vadd.f32 $1.500000000e+00, v32  }
0x236: {  	v21 =	vmul.f32 v21, v1;
	v24 =	vsub.f32 v24, v29;
	v16 =	vadd.f32 v16, v11;
	[tilespmem:s7+$0x14570] =	vst v20  }
0x237: {  	v23 =	vadd.f32 v23, v9;
	v19 =	vadd.f32 v19, v7;
	[tilespmem:s7+$0x14500] =	vst v17;
	v20 =	vmul.f32 v41, v31  }
0x238: {  	v18 =	vadd.f32 v18, v5;
	v17 =	vmul.f32 v22, v0;
	v22 =	vsub.f32 v25, v29;
	[tilespmem:s7+$0x14510] =	vst v16  }
0x239: {  	v16 =	vsub.f32 v33, v29;
	v25 =	vsub.f32 v34, v29;
	[tilespmem:s7+$0x14520] =	vst v23;
	v27 =	vmul.f32 v20, v30  }
0x23a: {  	[tilespmem:s7+$0x14540] =	vst v18;
	v18 =	vadd.f32 v21, v4;
	v17 =	vadd.f32 v17, v2;
	v23 =	vmul.f32 v20, v26  }
0x23b: {  	[tilespmem:s7+$0x14530] =	vst v19;
	v26 =	vsub.f32 v35, v29;
	v19 =	vmul.f32 v20, v22;
	v27 =	vmul.f32 v27, v14  }
0x23c: {  	[tilespmem:s6+$0x14550] =	vst v28;
	v22 =	vsub.f32 v37, v29;
	v24 =	vmul.f32 v20, v24;
	v23 =	vmul.f32 v23, v12  }
0x23d: {  	[tilespmem:s7+$0x14550] =	vst v18;
	v16 =	vmul.f32 v20, v16;
	v19 =	vmul.f32 v19, v10;
	v27 =	vadd.f32 v27, v15  }
0x23e: {  	[tilespmem:s7+$0x14560] =	vst v17;
	v21 =	vmul.f32 v20, v25;
	v18 =	vmul.f32 v24, v8;
	v23 =	vadd.f32 v23, v13  }
0x23f: {  	v16 =	vmul.f32 v16, v6;
	v17 =	vmul.f32 v20, v22;
	v19 =	vadd.f32 v19, v11;
	[tilespmem:s8+$0x14570] =	vst v27  }
0x240: {  	v24 =	vmul.f32 v20, v26;
	v20 =	vmul.f32 v21, v3;
	v18 =	vadd.f32 v18, v9;
	[tilespmem:s8+$0x14500] =	vst v23  }
0x241: {  	v16 =	vadd.f32 v16, v7;
	v17 =	vmul.f32 v17, v0;
	[tilespmem:s8+$0x14510] =	vst v19  }
0x242: {  	v19 =	vmul.f32 v24, v1;
	[tilespmem:s8+$0x14520] =	vst v18;
	v18 =	vadd.f32 v20, v5  }
0x243: {  	[tilespmem:s8+$0x14530] =	vst v16;
	v17 =	vadd.f32 v17, v2  }
0x244: {  	v16 =	vadd.f32 v19, v4;
	[tilespmem:s8+$0x14540] =	vst v18  }
0x245: {  	[tilespmem:s8+$0x14560] =	vst v17  }
0x246: {  	s9 =	simm.s32 $0x10500;
	[tilespmem:s8+$0x14550] =	vst v16;
	s8 =	simm.s32 $0x280  }
0x247: {  	[tilespmem:s9], [sflag:$0x3] =	stream.indirect.gather [hbm4b:s1+s24], $0x80, s8, s24, $0xb8;
	[tilespmem:$0x1C500] =	vst v63  }
0x248: {  	s10 =	simm.s32 $0x0  }
0x249: {  	[hbm4b:s17+s10] =	stream.linear.scatter [tilespmem:s28], [sflag:$0x4], $0x4000, $0x38;
	[tilespmem:$0x1C500] =	vst v63  }
0x24a: {  	_ =	swait.ge [sflag:s3], $0x4000  }
0x24b: {  	[sflag:s3] =	ssyncset.done $0x0  }
0x24c: {  	[sflag:s3] =	ssyncadd.s32 $0xFFFFC000  }
0x24d: {  	_ =	swait.ge [sflag:s26], $0x4000  }
0x24e: {  	[sflag:s26] =	ssyncset.done $0x0  }
0x24f: {  	s6 =	simm.s32 $0x0;
	[sflag:s26] =	ssyncadd.s32 $0xFFFFC000  }
0x250: {  	v16 =	vld [tilespmem:s6+$0x4400]  }
0x251: {  	v17 =	vld [tilespmem:s6+$0x4410]  }
0x252: {  	v18 =	vld [tilespmem:s6+$0x4420]  }
0x253: {  	v19 =	vld [tilespmem:s6+$0x4430]  }
0x254: {  	v20 =	vld [tilespmem:s6+$0x4440]  }
0x255: {  	v21 =	vld [tilespmem:s6+$0x8500]  }
0x256: {  	v22 =	vld [tilespmem:s6+$0x8510]  }
0x257: {  	v23 =	vld [tilespmem:s6+$0x8520]  }
0x258: {  	v24 =	vld [tilespmem:s6+$0x8530]  }
0x259: {  	v25 =	vld [tilespmem:s6+$0x8540]  }
0x25a: {  	v26 =	vld [tilespmem:s6+$0x8550]  }
0x25b: {  	v27 =	vld [tilespmem:s6+$0x8560]  }
0x25c: {  	v28 =	vld [tilespmem:s6+$0x4450]  }
0x25d: {  	v29 =	vld [tilespmem:s6+$0x8570]  }
0x25e: {  	v30 =	vld [tilespmem:s6+$0x4460];
	v21 =	vmul.f32 $1.131370830e+01, v21;
	v22 =	vmul.f32 $1.131370830e+01, v22  }
0x25f: {  	v31 =	vld [tilespmem:s6+$0x4470];
	v23 =	vmul.f32 $1.131370830e+01, v23;
	v24 =	vmul.f32 $1.131370830e+01, v24  }
0x260: {  	v25 =	vmul.f32 $1.131370830e+01, v25;
	v26 =	vmul.f32 $1.131370830e+01, v26;
	v32 =	vadd.f32 v16, v21  }
0x261: {  	v33 =	vadd.f32 v17, v22;
	v16 =	vmul.f32 $1.131370830e+01, v27;
	v27 =	vadd.f32 v18, v23  }
0x262: {  	v24 =	vadd.f32 v19, v24;
	v17 =	vmul.f32 $1.131370830e+01, v29;
	v25 =	vadd.f32 v20, v25  }
0x263: {  	v26 =	vadd.f32 v28, v26;
	v28 =	vadd.f32 v30, v16  }
0x264: {  	v29 =	vadd.f32 v31, v17;
	v16 =	vadd.f32 v33, v32;
	v18 =	vmul.f32 v32, v32  }
0x265: {  	v17 =	vadd.f32 v24, v27;
	v19 =	vmul.f32 v33, v33;
	v21 =	vmul.f32 v27, v27  }
0x266: {  	v20 =	vadd.f32 v26, v25;
	v23 =	vmul.f32 v24, v24;
	v30 =	vmul.f32 v25, v25  }
0x267: {  	v31 =	vmul.f32 v26, v26;
	v22 =	vadd.f32 v29, v28;
	v50 =	vmul.f32 v28, v28  }
0x268: {  	v51 =	vmul.f32 v29, v29;
	v16 =	vadd.f32 v17, v16;
	v18 =	vadd.f32 v19, v18  }
0x269: {  	v19 =	vadd.f32 v23, v21;
	v17 =	vadd.f32 v22, v20  }
0x26a: {  	s7 =	simm.s32 $0x80;
	v21 =	vadd.f32 v31, v30;
	v22 =	vadd.f32 v51, v50  }
0x26b: {  	v52 =	vld [tilespmem:s7+$0x8550];
	v16 =	vadd.f32 v17, v16  }
0x26c: {  	v53 =	vld [tilespmem:s7+$0x8560];
	v17 =	vadd.f32 v19, v18;
	v19 =	vadd.f32 v22, v21  }
0x26d: {  	v57 =	vld [tilespmem:s7+$0x4460]  }
0x26e: {  	v23 =	vld [tilespmem:s7+$0x4410];
	(xrf2) =	vadd.scan.msk.f32 $0xffff, v16;
	v16 =	vadd.f32 v19, v17  }
0x26f: {  	v30 =	vld [tilespmem:s7+$0x8530]  }
0x270: {  	v31 =	vld [tilespmem:s7+$0x8540];
	(xrf2) =	vadd.scan.msk.f32 $0xffff, v16  }
0x271: {  	v19 =	vld [tilespmem:s7+$0x8510]  }
0x272: {  	v17 =	vld [tilespmem:s7+$0x8500]  }
0x273: {  	v16 =	vld [tilespmem:s7+$0x8520]  }
0x274: {  	v20 =	vld [tilespmem:s7+$0x4400]  }
0x275: {  	v18 =	vld [tilespmem:s7+$0x4420]  }
0x276: {  	v22 =	vld [tilespmem:s7+$0x4440];
	v19 =	vmul.f32 $1.131370830e+01, v19  }
0x277: {  	v34 =	vmul.f32 $1.131370830e+01, v52;
	v21 =	vld [tilespmem:s7+$0x4430];
	v17 =	vmul.f32 $1.131370830e+01, v17  }
0x278: {  	v56 =	vld [tilespmem:s7+$0x8570];
	v30 =	vmul.f32 $1.131370830e+01, v30;
	v55 =	vmul.f32 $1.131370830e+01, v16;
	v16, _, _ =	vpop (xrf2)  }
0x279: {  	v54 =	vld [tilespmem:s7+$0x4450];
	v31 =	vmul.f32 $1.131370830e+01, v31;
	v17 =	vadd.f32 v20, v17;
	v41 =	vmul.f32 $7.812500000e-03, v16  }
0x27a: {  	v58 =	vld [tilespmem:s7+$0x4470];
	v20 =	vmul.f32 $1.131370830e+01, v53;
	v16 =	vadd.f32 v23, v19;
	v23 =	vadd.f32 v18, v55;
	v19, _, _ =	vpop (xrf2)  }
0x27b: {  	v18 =	vadd.f32 v22, v31;
	v59 =	vmul.f32 $7.812500000e-03, v19;
	v60 =	vmul.f32 v41, v41  }
0x27c: {  	v62 =	vmul.f32 v17, v17;
	v22 =	vadd.f32 v57, v20;
	v19 =	vadd.f32 v21, v30  }
0x27d: {  	v30 =	vmul.f32 $1.131370830e+01, v56;
	v63 =	vmul.f32 v16, v16;
	v31 =	vsub.f32 v59, v60  }
0x27e: {  	v21 =	vadd.f32 v54, v34;
	v49 =	vmul.f32 v23, v23;
	v51 =	vmul.f32 v18, v18  }
0x27f: {  	v54 =	vmul.f32 v22, v22;
	v20 =	vadd.f32 v58, v30;
	v31 =	vadd.f32 $9.999999740e-06, v31  }
0x280: {  	v30 =	vadd.f32 v16, v17;
	v61 =	vadd.f32 v19, v23;
	v50 =	vmul.f32 v19, v19  }
0x281: {  	v48 =	vadd.f32 v21, v18;
	v52 =	vmul.f32 v21, v21;
	v31 =	vbroadcast v31, $0xF  }
0x282: {  	v35 =	vadd.f32 v63, v62;
	v39 =	vadd.f32 v20, v22;
	v55 =	vmul.f32 v20, v20  }
0x283: {  	v30 =	vadd.f32 v61, v30;
	v53 =	vshra.s32 v31, $0x1;
	v31 =	vmul.f32 $-5.000000000e-01, v31  }
0x284: {  	s8 =	simm.s32 $0x100;
	v57 =	vadd.f32 v50, v49;
	v56 =	vadd.f32 v39, v48;
	v44 =	vsub.s32 $0x5F3759DF, v53  }
0x285: {  	v58 =	vadd.f32 v52, v51;
	v51 =	vld [tilespmem:s8+$0x8510];
	v59 =	vadd.f32 v55, v54;
	v31 =	vmul.f32 v44, v31  }
0x286: {  	v62 =	vbroadcast v41, $0xF;
	v52 =	vld [tilespmem:s8+$0x8520];
	v30 =	vadd.f32 v56, v30  }
0x287: {  	v60 =	vadd.f32 v57, v35;
	v54 =	vld [tilespmem:s8+$0x8530];
	v61 =	vadd.f32 v59, v58;
	v31 =	vmul.f32 v44, v31  }
0x288: {  	v40 =	vld [tilespmem:s8+$0x4400];
	v29 =	vsub.f32 v29, v62;
	(xrf2) =	vadd.scan.msk.f32 $0xffff, v30  }
0x289: {  	v45 =	vld [tilespmem:s8+$0x4420];
	v30 =	vadd.f32 v61, v60;
	v31 =	vadd.f32 $1.500000000e+00, v31  }
0x28a: {  	v37 =	vld [tilespmem:s8+$0x4460];
	v50 =	vsub.f32 v33, v62;
	v27 =	vsub.f32 v27, v62  }
0x28b: {  	v34 =	vld [tilespmem:s8+$0x4440];
	v59 =	vmul.f32 $1.131370830e+01, v51;
	(xrf2) =	vadd.scan.msk.f32 $0xffff, v30;
	v48 =	vmul.f32 v44, v31;
	v31 =	vsub.f32 v32, v62  }
0x28c: {  	v63 =	vld [tilespmem:s8+$0x4410];
	v25 =	vsub.f32 v25, v62;
	v60 =	vmul.f32 $1.131370830e+01, v52;
	v39 =	vmul.f32 $1.131370830e+01, v54  }
0x28d: {  	v49 =	vld [tilespmem:s8+$0x8500];
	v26 =	vsub.f32 v26, v62;
	v29 =	vmul.f32 v48, v29;
	v53 =	vmul.f32 v48, v31  }
0x28e: {  	v24 =	vsub.f32 v24, v62;
	v57 =	vld [tilespmem:s8+$0x8560];
	v32 =	vmul.f32 v48, v50;
	v31 =	vmul.f32 v48, v27  }
0x28f: {  	v36 =	vsub.f32 v28, v62;
	v56 =	vld [tilespmem:s8+$0x8540];
	v30 =	vmul.f32 v48, v25;
	v28 =	vmul.f32 v48, v26  }
0x290: {  	v33 =	vld [tilespmem:s8+$0x4430];
	v55 =	vmul.f32 v29, v14;
	v29 =	vmul.f32 v48, v24  }
0x291: {  	v24 =	vld [tilespmem:s8+$0x8550];
	v25 =	vmul.f32 v53, v12;
	v32 =	vmul.f32 v32, v10  }
0x292: {  	v27 =	vmul.f32 v48, v36;
	v26 =	vmul.f32 $1.131370830e+01, v49;
	v36 =	vld [tilespmem:s8+$0x8570];
	v61, _, _ =	vpop (xrf2);
	v58 =	vadd.f32 v55, v15  }
0x293: {  	v35 =	vld [tilespmem:s8+$0x4450];
	v25 =	vadd.f32 v25, v13;
	v62 =	vadd.f32 v32, v11;
	v32 =	vmul.f32 $7.812500000e-03, v61  }
0x294: {  	v43 =	vld [tilespmem:s8+$0x4470];
	v38 =	vmul.f32 $1.131370830e+01, v56;
	v44 =	vmul.f32 $1.131370830e+01, v57;
	[tilespmem:s6+$0x18570] =	vst v58  }
0x295: {  	v26 =	vadd.f32 v40, v26;
	[tilespmem:s6+$0x18500] =	vst v25;
	v25 =	vadd.f32 v63, v59;
	v63, _, _ =	vpop (xrf2);
	v42 =	vmul.f32 v32, v32  }
0x296: {  	s9 =	simm.s32 $0x600;
	[tilespmem:s6+$0x18510] =	vst v62;
	v41 =	vmul.f32 $1.131370830e+01, v24;
	v24 =	vadd.f32 v45, v60;
	v40 =	vmul.f32 $7.812500000e-03, v63  }
.LBB2_8:
0x297: {  	p0 =	sne.s32 s9, $0xFE00;
	v39 =	vadd.f32 v33, v39;
	v38 =	vadd.f32 v34, v38;
	v33 =	vmul.f32 $1.131370830e+01, v36  }
0x298: {  	v35 =	vadd.f32 v35, v41;
	v31 =	vmul.f32 v31, v8;
	v34 =	vsub.f32 v40, v42  }
0x299: {  	v29 =	vmul.f32 v29, v6;
	v36 =	vadd.f32 v37, v44;
	v37 =	vadd.f32 v43, v33  }
0x29a: {  	v30 =	vmul.f32 v30, v3;
	v33 =	vadd.f32 v25, v26;
	v34 =	vadd.f32 $9.999999740e-06, v34  }
0x29b: {  	v41 =	vmul.f32 v26, v26;
	v42 =	vmul.f32 v25, v25;
	v40 =	vadd.f32 v39, v24  }
0x29c: {  	v44 =	vmul.f32 v24, v24;
	v43 =	vadd.f32 v35, v38;
	v34 =	vbroadcast v34, $0xF  }
0x29d: {  	v46 =	vmul.f32 v39, v39;
	v47 =	vmul.f32 v38, v38;
	v45 =	vadd.f32 v37, v36  }
0x29e: {  	v48 =	vmul.f32 v35, v35;
	v49 =	vshra.s32 v34, $0x1;
	v34 =	vmul.f32 $-5.000000000e-01, v34  }
0x29f: {  	v50 =	vmul.f32 v36, v36;
	v51 =	vmul.f32 v37, v37;
	v49 =	vsub.s32 $0x5F3759DF, v49  }
0x2a0: {  	v33 =	vadd.f32 v40, v33;
	v40 =	vadd.f32 v45, v43;
	v34 =	vmul.f32 v49, v34  }
0x2a1: {  	s10 =	sshra.s32 s9, $0x2;
	v41 =	vadd.f32 v42, v41;
	v42 =	vadd.f32 v46, v44;
	v43 =	vmul.f32 v28, v1  }
0x2a2: {  	v28 =	vadd.f32 v48, v47;
	v45 =	vadd.f32 v51, v50;
	v44 =	vld [tilespmem:s10+$0x4400];
	v34 =	vmul.f32 v49, v34  }
0x2a3: {  	v41 =	vadd.f32 v42, v41;
	v42 =	vmul.f32 v27, v0;
	v40 =	vadd.f32 v40, v33;
	v46 =	vld [tilespmem:s10+$0x4410]  }
0x2a4: {  	v27 =	vadd.f32 v45, v28;
	v28 =	vbroadcast v32, $0xF;
	v47 =	vld [tilespmem:s10+$0x4420];
	v32 =	vadd.f32 $1.500000000e+00, v34  }
0x2a5: {  	v31 =	vadd.f32 v31, v9;
	v29 =	vadd.f32 v29, v7;
	v33 =	vld [tilespmem:s10+$0x4430];
	(xrf2) =	vadd.scan.msk.f32 $0xffff, v40  }
0x2a6: {  	v27 =	vadd.f32 v27, v41;
	v40 =	vsub.f32 v20, v28;
	v20 =	vmovc v37;
	v34 =	vld [tilespmem:s10+$0x4440];
	v32 =	vmul.f32 v49, v32  }
0x2a7: {  	v41 =	vsub.f32 v17, v28;
	v45 =	vsub.f32 v16, v28;
	v17 =	vmovc v26;
	v16 =	vmov v25;
	v37 =	vld [tilespmem:s10+$0x8500];
	[tilespmem:s6+$0x18520] =	vst v31  }
0x2a8: {  	v23 =	vsub.f32 v23, v28;
	v26 =	vsub.f32 v19, v28;
	v25 =	vld [tilespmem:s10+$0x8510];
	(xrf2) =	vadd.scan.msk.f32 $0xffff, v27;
	v31 =	vmul.f32 v32, v40  }
0x2a9: {  	v51 =	vsub.f32 v21, v28;
	v27 =	vmul.f32 v32, v41;
	v41 =	vsub.f32 v18, v28;
	v40 =	vld [tilespmem:s10+$0x8520];
	[tilespmem:s6+$0x18530] =	vst v29  }
0x2aa: {  	v22 =	vsub.f32 v22, v28;
	v19 =	vmovc v39;
	v45 =	vmul.f32 v32, v45;
	v48 =	vld [tilespmem:s10+$0x8530];
	v49 =	vmul.f32 v31, v14  }
0x2ab: {  	v18 =	vmovc v38;
	v29 =	vmul.f32 v32, v26;
	v31 =	vmul.f32 v32, v23;
	v23 =	vadd.f32 v30, v5;
	v50 =	vld [tilespmem:s10+$0x8540]  }
0x2ac: {  	v21 =	vmovc v35;
	v28 =	vmul.f32 v32, v51;
	v30 =	vmul.f32 v32, v41;
	v26 =	vld [tilespmem:s10+$0x8550];
	v38 =	vadd.f32 v49, v15  }
0x2ad: {  	v43 =	vadd.f32 v43, v4;
	v39 =	vmul.f32 v27, v12;
	v27 =	vmul.f32 v32, v22;
	v49 =	vld [tilespmem:s10+$0x8560];
	[tilespmem:s6+$0x18540] =	vst v23  }
0x2ae: {  	v32 =	vmul.f32 v45, v10;
	v41 =	vadd.f32 v42, v2;
	v22 =	vmovc v36;
	v51 =	vmul.f32 $1.131370830e+01, v37;
	v35 =	vld [tilespmem:s10+$0x4450];
	[tilespmem:s7+$0x18570] =	vst v38  }
.Ltmp3:
0x2af: {  	v45 =	vadd.f32 v39, v13;
	v25 =	vmul.f32 $1.131370830e+01, v25;
	v40 =	vmul.f32 $1.131370830e+01, v40;
	v36 =	vld [tilespmem:s10+$0x8570];
	v42, _, _ =	vpop (xrf2);
	[tilespmem:s6+$0x18550] =	vst v43;
	(pc) =	sbr.rel @p0 .LBB2_8-.Ltmp3, $4  }
0x2b0: {  	v23 =	vmovc v24;
	v39 =	vmul.f32 $1.131370830e+01, v48;
	v48 =	vadd.f32 v32, v11;
	v38 =	vmul.f32 $1.131370830e+01, v50;
	v37 =	vld [tilespmem:s10+$0x4460];
	[tilespmem:s6+$0x18560] =	vst v41;
	s6 =	smov.u32 s7;
	s7 =	smov.u32 s8;
	s8 =	smov.u32 s10  }
0x2b1: {  	v32 =	vmul.f32 $7.812500000e-03, v42;
	v41 =	vmul.f32 $1.131370830e+01, v26;
	v43 =	vld [tilespmem:s8+$0x4470];
	[tilespmem:s6+$0x18500] =	vst v45  }
0x2b2: {  	v25 =	vadd.f32 v46, v25;
	v26 =	vadd.f32 v44, v51;
	v44 =	vmul.f32 $1.131370830e+01, v49;
	v42, _, _ =	vpop (xrf2);
	[tilespmem:s6+$0x18510] =	vst v48  }
0x2b3: {  	s9 =	sadd.s32 $0x200, s9;
	v24 =	vadd.f32 v47, v40;
	v40 =	vmul.f32 $7.812500000e-03, v42;
	v42 =	vmul.f32 v32, v32  }
0x2b4: {  	v33 =	vadd.f32 v33, v39;
	v34 =	vadd.f32 v34, v38  }
0x2b5: {  	v36 =	vmul.f32 $1.131370830e+01, v36;
	v35 =	vadd.f32 v35, v41;
	v62 =	vadd.f32 v25, v26  }
0x2b6: {  	v63 =	vmul.f32 v26, v26;
	v54 =	vmul.f32 v25, v25;
	v37 =	vadd.f32 v37, v44  }
0x2b7: {  	v45 =	vmul.f32 v24, v24;
	v36 =	vadd.f32 v43, v36;
	v39 =	vadd.f32 v33, v24  }
0x2b8: {  	v55 =	vadd.f32 v35, v34;
	v47 =	vmul.f32 v33, v33;
	v48 =	vmul.f32 v34, v34  }
0x2b9: {  	v49 =	vmul.f32 v35, v35;
	v41 =	vadd.f32 v54, v63;
	v50 =	vmul.f32 v37, v37  }
0x2ba: {  	v46 =	vadd.f32 v36, v37;
	v51 =	vmul.f32 v36, v36;
	v38 =	vadd.f32 v39, v62  }
0x2bb: {  	v57 =	vadd.f32 v47, v45;
	v58 =	vadd.f32 v49, v48  }
0x2bc: {  	v56 =	vadd.f32 v46, v55;
	v59 =	vadd.f32 v51, v50  }
0x2bd: {  	v60 =	vadd.f32 v57, v41  }
0x2be: {  	v38 =	vadd.f32 v56, v38;
	v61 =	vadd.f32 v59, v58;
	_ =	sdelay $0x1  }
0x2bf: {  	(xrf2) =	vadd.scan.msk.f32 $0xffff, v38;
	v62 =	vadd.f32 v61, v60  }
0x2c0: {  	v63 =	vsub.f32 v40, v42  }
0x2c1: {  	(xrf2) =	vadd.scan.msk.f32 $0xffff, v62  }
0x2c2: {  	v42 =	vadd.f32 $9.999999740e-06, v63;
	_ =	sdelay $0x1  }
0x2c3: {  	v38 =	vbroadcast v42, $0xF;
	_ =	sdelay $0x1  }
0x2c4: {  	v43 =	vshra.s32 v38, $0x1;
	v38 =	vmul.f32 $-5.000000000e-01, v38  }
0x2c5: {  	v39 =	vsub.s32 $0x5F3759DF, v43  }
0x2c6: {  	v31 =	vmul.f32 v31, v8;
	v38 =	vmul.f32 v39, v38  }
0x2c7: {  	v29 =	vmul.f32 v29, v6;
	v32 =	vbroadcast v32, $0xF;
	v44, _, _ =	vpop (xrf2)  }
0x2c8: {  	v38 =	vmul.f32 v39, v38;
	v40 =	vmul.f32 $7.812500000e-03, v44  }
0x2c9: {  	v30 =	vmul.f32 v30, v3;
	v31 =	vadd.f32 v31, v9;
	v29 =	vadd.f32 v29, v7;
	v45, _, _ =	vpop (xrf2)  }
0x2ca: {  	v38 =	vadd.f32 $1.500000000e+00, v38;
	v41 =	vmul.f32 $7.812500000e-03, v45;
	v46 =	vmul.f32 v40, v40  }
0x2cb: {  	v28 =	vmul.f32 v28, v1;
	v20 =	vsub.f32 v20, v32;
	v17 =	vsub.f32 v17, v32  }
0x2cc: {  	v16 =	vsub.f32 v16, v32;
	v38 =	vmul.f32 v39, v38;
	v41 =	vsub.f32 v41, v46  }
0x2cd: {  	v27 =	vmul.f32 v27, v0;
	v23 =	vsub.f32 v23, v32;
	v19 =	vsub.f32 v19, v32  }
0x2ce: {  	v18 =	vsub.f32 v18, v32;
	v20 =	vmul.f32 v38, v20;
	v47 =	vadd.f32 $9.999999740e-06, v41  }
0x2cf: {  	v21 =	vsub.f32 v21, v32;
	v17 =	vmul.f32 v38, v17;
	v16 =	vmul.f32 v38, v16  }
0x2d0: {  	v22 =	vsub.f32 v22, v32;
	v23 =	vmul.f32 v38, v23;
	v39 =	vbroadcast v47, $0xF  }
0x2d1: {  	v30 =	vadd.f32 v30, v5;
	v19 =	vmul.f32 v38, v19;
	v18 =	vmul.f32 v38, v18  }
0x2d2: {  	v21 =	vmul.f32 v38, v21;
	v48 =	vshra.s32 v39, $0x1;
	v39 =	vmul.f32 $-5.000000000e-01, v39  }
0x2d3: {  	[tilespmem:s6+$0x18530] =	vst v29;
	v22 =	vmul.f32 v38, v22;
	v29 =	vbroadcast v40, $0xF;
	v41 =	vsub.s32 $0x5F3759DF, v48  }
0x2d4: {  	v28 =	vadd.f32 v28, v4;
	v20 =	vmul.f32 v20, v14;
	v49 =	vmul.f32 v41, v39  }
0x2d5: {  	v27 =	vadd.f32 v27, v2;
	v17 =	vmul.f32 v17, v12;
	v16 =	vmul.f32 v16, v10  }
0x2d6: {  	[tilespmem:s6+$0x18540] =	vst v30;
	v23 =	vmul.f32 v23, v8;
	v30 =	vsub.f32 v36, v29;
	v32 =	vmul.f32 v41, v49  }
0x2d7: {  	[tilespmem:s6+$0x18520] =	vst v31;
	v19 =	vmul.f32 v19, v6;
	v26 =	vsub.f32 v26, v29;
	v20 =	vadd.f32 v20, v15  }
0x2d8: {  	[tilespmem:s6+$0x18560] =	vst v27;
	v18 =	vmul.f32 v18, v3;
	v17 =	vadd.f32 v17, v13;
	v31 =	vadd.f32 $1.500000000e+00, v32  }
0x2d9: {  	v21 =	vmul.f32 v21, v1;
	v24 =	vsub.f32 v24, v29;
	v16 =	vadd.f32 v16, v11;
	[tilespmem:s7+$0x18570] =	vst v20  }
0x2da: {  	v23 =	vadd.f32 v23, v9;
	v19 =	vadd.f32 v19, v7;
	[tilespmem:s7+$0x18500] =	vst v17;
	v20 =	vmul.f32 v41, v31  }
0x2db: {  	v18 =	vadd.f32 v18, v5;
	v17 =	vmul.f32 v22, v0;
	v22 =	vsub.f32 v25, v29;
	[tilespmem:s7+$0x18510] =	vst v16  }
0x2dc: {  	v16 =	vsub.f32 v33, v29;
	v25 =	vsub.f32 v34, v29;
	[tilespmem:s7+$0x18520] =	vst v23;
	v27 =	vmul.f32 v20, v30  }
0x2dd: {  	[tilespmem:s7+$0x18540] =	vst v18;
	v18 =	vadd.f32 v21, v4;
	v17 =	vadd.f32 v17, v2;
	v23 =	vmul.f32 v20, v26  }
0x2de: {  	[tilespmem:s7+$0x18530] =	vst v19;
	v26 =	vsub.f32 v35, v29;
	v19 =	vmul.f32 v20, v22;
	v27 =	vmul.f32 v27, v14  }
0x2df: {  	[tilespmem:s6+$0x18550] =	vst v28;
	v22 =	vsub.f32 v37, v29;
	v24 =	vmul.f32 v20, v24;
	v23 =	vmul.f32 v23, v12  }
0x2e0: {  	[tilespmem:s7+$0x18550] =	vst v18;
	v16 =	vmul.f32 v20, v16;
	v19 =	vmul.f32 v19, v10;
	v27 =	vadd.f32 v27, v15  }
0x2e1: {  	[tilespmem:s7+$0x18560] =	vst v17;
	v21 =	vmul.f32 v20, v25;
	v18 =	vmul.f32 v24, v8;
	v23 =	vadd.f32 v23, v13  }
0x2e2: {  	v16 =	vmul.f32 v16, v6;
	v17 =	vmul.f32 v20, v22;
	v19 =	vadd.f32 v19, v11;
	[tilespmem:s8+$0x18570] =	vst v27  }
0x2e3: {  	v24 =	vmul.f32 v20, v26;
	v20 =	vmul.f32 v21, v3;
	v18 =	vadd.f32 v18, v9;
	[tilespmem:s8+$0x18500] =	vst v23  }
0x2e4: {  	v16 =	vadd.f32 v16, v7;
	v17 =	vmul.f32 v17, v0;
	[tilespmem:s8+$0x18510] =	vst v19  }
0x2e5: {  	v19 =	vmul.f32 v24, v1;
	[tilespmem:s8+$0x18520] =	vst v18;
	v18 =	vadd.f32 v20, v5  }
0x2e6: {  	[tilespmem:s8+$0x18530] =	vst v16;
	v17 =	vadd.f32 v17, v2  }
0x2e7: {  	v16 =	vadd.f32 v19, v4;
	[tilespmem:s8+$0x18540] =	vst v18  }
0x2e8: {  	[tilespmem:s8+$0x18560] =	vst v17  }
0x2e9: {  	s9 =	simm.s32 $0x300;
	[tilespmem:s8+$0x18550] =	vst v16  }
0x2ea: {  	[tilespmem:s0], [sflag:$0x1] =	stream.indirect.gather [hbm4b:s1+s24], $0x80, s9, s24, $0xb8;
	[tilespmem:$0x1C500] =	vst v63  }
0x2eb: {  	s10 =	simm.s32 $0x0  }
0x2ec: {  	[hbm4b:s18+s10] =	stream.linear.scatter [tilespmem:s30], [sflag:$0x5], $0x4000, $0x38;
	[tilespmem:$0x1C500] =	vst v63  }
0x2ed: {  	_ =	swait.ge [sflag:s29], $0x4000  }
0x2ee: {  	[sflag:s29] =	ssyncset.done $0x0  }
0x2ef: {  	[sflag:s29] =	ssyncadd.s32 $0xFFFFC000  }
0x2f0: {  	_ =	swait.ge [sflag:s25], $0x4000  }
0x2f1: {  	[sflag:s25] =	ssyncset.done $0x0  }
0x2f2: {  	s6 =	simm.s32 $0x0;
	[sflag:s25] =	ssyncadd.s32 $0xFFFFC000  }
0x2f3: {  	v16 =	vld [tilespmem:s6+$0x400]  }
0x2f4: {  	v17 =	vld [tilespmem:s6+$0x410]  }
0x2f5: {  	v18 =	vld [tilespmem:s6+$0x420]  }
0x2f6: {  	v19 =	vld [tilespmem:s6+$0x430]  }
0x2f7: {  	v20 =	vld [tilespmem:s6+$0x440]  }
0x2f8: {  	v21 =	vld [tilespmem:s6+$0xC500]  }
0x2f9: {  	v22 =	vld [tilespmem:s6+$0xC510]  }
0x2fa: {  	v23 =	vld [tilespmem:s6+$0xC520]  }
0x2fb: {  	v24 =	vld [tilespmem:s6+$0xC530]  }
0x2fc: {  	v25 =	vld [tilespmem:s6+$0xC540]  }
0x2fd: {  	v26 =	vld [tilespmem:s6+$0xC550]  }
0x2fe: {  	v27 =	vld [tilespmem:s6+$0xC560]  }
0x2ff: {  	v28 =	vld [tilespmem:s6+$0x450]  }
0x300: {  	v29 =	vld [tilespmem:s6+$0xC570]  }
0x301: {  	v30 =	vld [tilespmem:s6+$0x460];
	v21 =	vmul.f32 $1.131370830e+01, v21;
	v22 =	vmul.f32 $1.131370830e+01, v22  }
0x302: {  	v31 =	vld [tilespmem:s6+$0x470];
	v23 =	vmul.f32 $1.131370830e+01, v23;
	v24 =	vmul.f32 $1.131370830e+01, v24  }
0x303: {  	v25 =	vmul.f32 $1.131370830e+01, v25;
	v26 =	vmul.f32 $1.131370830e+01, v26;
	v32 =	vadd.f32 v16, v21  }
0x304: {  	v33 =	vadd.f32 v17, v22;
	v16 =	vmul.f32 $1.131370830e+01, v27;
	v27 =	vadd.f32 v18, v23  }
0x305: {  	v24 =	vadd.f32 v19, v24;
	v17 =	vmul.f32 $1.131370830e+01, v29;
	v25 =	vadd.f32 v20, v25  }
0x306: {  	v26 =	vadd.f32 v28, v26;
	v28 =	vadd.f32 v30, v16  }
0x307: {  	v29 =	vadd.f32 v31, v17;
	v16 =	vadd.f32 v33, v32;
	v18 =	vmul.f32 v32, v32  }
0x308: {  	v17 =	vadd.f32 v24, v27;
	v19 =	vmul.f32 v33, v33;
	v21 =	vmul.f32 v27, v27  }
0x309: {  	v20 =	vadd.f32 v26, v25;
	v23 =	vmul.f32 v24, v24;
	v30 =	vmul.f32 v25, v25  }
0x30a: {  	v31 =	vmul.f32 v26, v26;
	v22 =	vadd.f32 v29, v28;
	v50 =	vmul.f32 v28, v28  }
0x30b: {  	v51 =	vmul.f32 v29, v29;
	v16 =	vadd.f32 v17, v16;
	v18 =	vadd.f32 v19, v18  }
0x30c: {  	v19 =	vadd.f32 v23, v21;
	v17 =	vadd.f32 v22, v20  }
0x30d: {  	s7 =	simm.s32 $0x80;
	v21 =	vadd.f32 v31, v30;
	v22 =	vadd.f32 v51, v50  }
0x30e: {  	v52 =	vld [tilespmem:s7+$0xC550];
	v16 =	vadd.f32 v17, v16  }
0x30f: {  	v53 =	vld [tilespmem:s7+$0xC560];
	v17 =	vadd.f32 v19, v18;
	v19 =	vadd.f32 v22, v21  }
0x310: {  	v57 =	vld [tilespmem:s7+$0x460]  }
0x311: {  	v23 =	vld [tilespmem:s7+$0x410];
	(xrf2) =	vadd.scan.msk.f32 $0xffff, v16;
	v16 =	vadd.f32 v19, v17  }
0x312: {  	v30 =	vld [tilespmem:s7+$0xC530]  }
0x313: {  	v31 =	vld [tilespmem:s7+$0xC540];
	(xrf2) =	vadd.scan.msk.f32 $0xffff, v16  }
0x314: {  	v19 =	vld [tilespmem:s7+$0xC510]  }
0x315: {  	v17 =	vld [tilespmem:s7+$0xC500]  }
0x316: {  	v16 =	vld [tilespmem:s7+$0xC520]  }
0x317: {  	v20 =	vld [tilespmem:s7+$0x400]  }
0x318: {  	v18 =	vld [tilespmem:s7+$0x420]  }
0x319: {  	v22 =	vld [tilespmem:s7+$0x440];
	v19 =	vmul.f32 $1.131370830e+01, v19  }
0x31a: {  	v34 =	vmul.f32 $1.131370830e+01, v52;
	v21 =	vld [tilespmem:s7+$0x430];
	v17 =	vmul.f32 $1.131370830e+01, v17  }
0x31b: {  	v56 =	vld [tilespmem:s7+$0xC570];
	v30 =	vmul.f32 $1.131370830e+01, v30;
	v55 =	vmul.f32 $1.131370830e+01, v16;
	v16, _, _ =	vpop (xrf2)  }
0x31c: {  	v54 =	vld [tilespmem:s7+$0x450];
	v31 =	vmul.f32 $1.131370830e+01, v31;
	v17 =	vadd.f32 v20, v17;
	v41 =	vmul.f32 $7.812500000e-03, v16  }
0x31d: {  	v58 =	vld [tilespmem:s7+$0x470];
	v20 =	vmul.f32 $1.131370830e+01, v53;
	v16 =	vadd.f32 v23, v19;
	v23 =	vadd.f32 v18, v55;
	v19, _, _ =	vpop (xrf2)  }
0x31e: {  	v18 =	vadd.f32 v22, v31;
	v59 =	vmul.f32 $7.812500000e-03, v19;
	v60 =	vmul.f32 v41, v41  }
0x31f: {  	v62 =	vmul.f32 v17, v17;
	v22 =	vadd.f32 v57, v20;
	v19 =	vadd.f32 v21, v30  }
0x320: {  	v30 =	vmul.f32 $1.131370830e+01, v56;
	v63 =	vmul.f32 v16, v16;
	v31 =	vsub.f32 v59, v60  }
0x321: {  	v21 =	vadd.f32 v54, v34;
	v49 =	vmul.f32 v23, v23;
	v51 =	vmul.f32 v18, v18  }
0x322: {  	v54 =	vmul.f32 v22, v22;
	v20 =	vadd.f32 v58, v30;
	v31 =	vadd.f32 $9.999999740e-06, v31  }
0x323: {  	v30 =	vadd.f32 v16, v17;
	v61 =	vadd.f32 v19, v23;
	v50 =	vmul.f32 v19, v19  }
0x324: {  	v48 =	vadd.f32 v21, v18;
	v52 =	vmul.f32 v21, v21;
	v31 =	vbroadcast v31, $0xF  }
0x325: {  	v35 =	vadd.f32 v63, v62;
	v39 =	vadd.f32 v20, v22;
	v55 =	vmul.f32 v20, v20  }
0x326: {  	v30 =	vadd.f32 v61, v30;
	v53 =	vshra.s32 v31, $0x1;
	v31 =	vmul.f32 $-5.000000000e-01, v31  }
0x327: {  	s8 =	simm.s32 $0x100;
	v57 =	vadd.f32 v50, v49;
	v56 =	vadd.f32 v39, v48;
	v44 =	vsub.s32 $0x5F3759DF, v53  }
0x328: {  	v58 =	vadd.f32 v52, v51;
	v51 =	vld [tilespmem:s8+$0xC510];
	v59 =	vadd.f32 v55, v54;
	v31 =	vmul.f32 v44, v31  }
0x329: {  	v62 =	vbroadcast v41, $0xF;
	v52 =	vld [tilespmem:s8+$0xC520];
	v30 =	vadd.f32 v56, v30  }
0x32a: {  	v60 =	vadd.f32 v57, v35;
	v54 =	vld [tilespmem:s8+$0xC530];
	v61 =	vadd.f32 v59, v58;
	v31 =	vmul.f32 v44, v31  }
0x32b: {  	v40 =	vld [tilespmem:s8+$0x400];
	v29 =	vsub.f32 v29, v62;
	(xrf2) =	vadd.scan.msk.f32 $0xffff, v30  }
0x32c: {  	v45 =	vld [tilespmem:s8+$0x420];
	v30 =	vadd.f32 v61, v60;
	v31 =	vadd.f32 $1.500000000e+00, v31  }
0x32d: {  	v37 =	vld [tilespmem:s8+$0x460];
	v50 =	vsub.f32 v33, v62;
	v27 =	vsub.f32 v27, v62  }
0x32e: {  	v34 =	vld [tilespmem:s8+$0x440];
	v59 =	vmul.f32 $1.131370830e+01, v51;
	(xrf2) =	vadd.scan.msk.f32 $0xffff, v30;
	v48 =	vmul.f32 v44, v31;
	v31 =	vsub.f32 v32, v62  }
0x32f: {  	v63 =	vld [tilespmem:s8+$0x410];
	v25 =	vsub.f32 v25, v62;
	v60 =	vmul.f32 $1.131370830e+01, v52;
	v39 =	vmul.f32 $1.131370830e+01, v54  }
0x330: {  	v49 =	vld [tilespmem:s8+$0xC500];
	v26 =	vsub.f32 v26, v62;
	v29 =	vmul.f32 v48, v29;
	v53 =	vmul.f32 v48, v31  }
0x331: {  	v24 =	vsub.f32 v24, v62;
	v57 =	vld [tilespmem:s8+$0xC560];
	v32 =	vmul.f32 v48, v50;
	v31 =	vmul.f32 v48, v27  }
0x332: {  	v36 =	vsub.f32 v28, v62;
	v56 =	vld [tilespmem:s8+$0xC540];
	v30 =	vmul.f32 v48, v25;
	v28 =	vmul.f32 v48, v26  }
0x333: {  	v33 =	vld [tilespmem:s8+$0x430];
	v55 =	vmul.f32 v29, v14;
	v29 =	vmul.f32 v48, v24  }
0x334: {  	v24 =	vld [tilespmem:s8+$0xC550];
	v25 =	vmul.f32 v53, v12;
	v32 =	vmul.f32 v32, v10  }
0x335: {  	v27 =	vmul.f32 v48, v36;
	v26 =	vmul.f32 $1.131370830e+01, v49;
	v36 =	vld [tilespmem:s8+$0xC570];
	v61, _, _ =	vpop (xrf2);
	v58 =	vadd.f32 v55, v15  }
0x336: {  	v35 =	vld [tilespmem:s8+$0x450];
	v25 =	vadd.f32 v25, v13;
	v62 =	vadd.f32 v32, v11;
	v32 =	vmul.f32 $7.812500000e-03, v61  }
0x337: {  	v43 =	vld [tilespmem:s8+$0x470];
	v38 =	vmul.f32 $1.131370830e+01, v56;
	v44 =	vmul.f32 $1.131370830e+01, v57;
	[tilespmem:s6+$0x14570] =	vst v58  }
0x338: {  	v26 =	vadd.f32 v40, v26;
	[tilespmem:s6+$0x14500] =	vst v25;
	v25 =	vadd.f32 v63, v59;
	v63, _, _ =	vpop (xrf2);
	v42 =	vmul.f32 v32, v32  }
0x339: {  	s9 =	simm.s32 $0x600;
	[tilespmem:s6+$0x14510] =	vst v62;
	v41 =	vmul.f32 $1.131370830e+01, v24;
	v24 =	vadd.f32 v45, v60;
	v40 =	vmul.f32 $7.812500000e-03, v63  }
.LBB2_10:
0x33a: {  	p0 =	sne.s32 s9, $0xFE00;
	v39 =	vadd.f32 v33, v39;
	v38 =	vadd.f32 v34, v38;
	v33 =	vmul.f32 $1.131370830e+01, v36  }
0x33b: {  	v35 =	vadd.f32 v35, v41;
	v31 =	vmul.f32 v31, v8;
	v34 =	vsub.f32 v40, v42  }
0x33c: {  	v29 =	vmul.f32 v29, v6;
	v36 =	vadd.f32 v37, v44;
	v37 =	vadd.f32 v43, v33  }
0x33d: {  	v30 =	vmul.f32 v30, v3;
	v33 =	vadd.f32 v25, v26;
	v34 =	vadd.f32 $9.999999740e-06, v34  }
0x33e: {  	v41 =	vmul.f32 v26, v26;
	v42 =	vmul.f32 v25, v25;
	v40 =	vadd.f32 v39, v24  }
0x33f: {  	v44 =	vmul.f32 v24, v24;
	v43 =	vadd.f32 v35, v38;
	v34 =	vbroadcast v34, $0xF  }
0x340: {  	v46 =	vmul.f32 v39, v39;
	v47 =	vmul.f32 v38, v38;
	v45 =	vadd.f32 v37, v36  }
0x341: {  	v48 =	vmul.f32 v35, v35;
	v49 =	vshra.s32 v34, $0x1;
	v34 =	vmul.f32 $-5.000000000e-01, v34  }
0x342: {  	v50 =	vmul.f32 v36, v36;
	v51 =	vmul.f32 v37, v37;
	v49 =	vsub.s32 $0x5F3759DF, v49  }
0x343: {  	v33 =	vadd.f32 v40, v33;
	v40 =	vadd.f32 v45, v43;
	v34 =	vmul.f32 v49, v34  }
0x344: {  	s10 =	sshra.s32 s9, $0x2;
	v41 =	vadd.f32 v42, v41;
	v42 =	vadd.f32 v46, v44;
	v43 =	vmul.f32 v28, v1  }
0x345: {  	v28 =	vadd.f32 v48, v47;
	v45 =	vadd.f32 v51, v50;
	v44 =	vld [tilespmem:s10+$0x400];
	v34 =	vmul.f32 v49, v34  }
0x346: {  	v41 =	vadd.f32 v42, v41;
	v42 =	vmul.f32 v27, v0;
	v40 =	vadd.f32 v40, v33;
	v46 =	vld [tilespmem:s10+$0x410]  }
0x347: {  	v27 =	vadd.f32 v45, v28;
	v28 =	vbroadcast v32, $0xF;
	v47 =	vld [tilespmem:s10+$0x420];
	v32 =	vadd.f32 $1.500000000e+00, v34  }
0x348: {  	v31 =	vadd.f32 v31, v9;
	v29 =	vadd.f32 v29, v7;
	v33 =	vld [tilespmem:s10+$0x430];
	(xrf2) =	vadd.scan.msk.f32 $0xffff, v40  }
0x349: {  	v27 =	vadd.f32 v27, v41;
	v40 =	vsub.f32 v20, v28;
	v20 =	vmovc v37;
	v34 =	vld [tilespmem:s10+$0x440];
	v32 =	vmul.f32 v49, v32  }
0x34a: {  	v41 =	vsub.f32 v17, v28;
	v45 =	vsub.f32 v16, v28;
	v17 =	vmovc v26;
	v16 =	vmov v25;
	v37 =	vld [tilespmem:s10+$0xC500];
	[tilespmem:s6+$0x14520] =	vst v31  }
0x34b: {  	v23 =	vsub.f32 v23, v28;
	v26 =	vsub.f32 v19, v28;
	v25 =	vld [tilespmem:s10+$0xC510];
	(xrf2) =	vadd.scan.msk.f32 $0xffff, v27;
	v31 =	vmul.f32 v32, v40  }
0x34c: {  	v51 =	vsub.f32 v21, v28;
	v27 =	vmul.f32 v32, v41;
	v41 =	vsub.f32 v18, v28;
	v40 =	vld [tilespmem:s10+$0xC520];
	[tilespmem:s6+$0x14530] =	vst v29  }
0x34d: {  	v22 =	vsub.f32 v22, v28;
	v19 =	vmovc v39;
	v45 =	vmul.f32 v32, v45;
	v48 =	vld [tilespmem:s10+$0xC530];
	v49 =	vmul.f32 v31, v14  }
0x34e: {  	v18 =	vmovc v38;
	v29 =	vmul.f32 v32, v26;
	v31 =	vmul.f32 v32, v23;
	v23 =	vadd.f32 v30, v5;
	v50 =	vld [tilespmem:s10+$0xC540]  }
0x34f: {  	v21 =	vmovc v35;
	v28 =	vmul.f32 v32, v51;
	v30 =	vmul.f32 v32, v41;
	v26 =	vld [tilespmem:s10+$0xC550];
	v38 =	vadd.f32 v49, v15  }
0x350: {  	v43 =	vadd.f32 v43, v4;
	v39 =	vmul.f32 v27, v12;
	v27 =	vmul.f32 v32, v22;
	v49 =	vld [tilespmem:s10+$0xC560];
	[tilespmem:s6+$0x14540] =	vst v23  }
0x351: {  	v32 =	vmul.f32 v45, v10;
	v41 =	vadd.f32 v42, v2;
	v22 =	vmovc v36;
	v51 =	vmul.f32 $1.131370830e+01, v37;
	v35 =	vld [tilespmem:s10+$0x450];
	[tilespmem:s7+$0x14570] =	vst v38  }
.Ltmp4:
0x352: {  	v45 =	vadd.f32 v39, v13;
	v25 =	vmul.f32 $1.131370830e+01, v25;
	v40 =	vmul.f32 $1.131370830e+01, v40;
	v36 =	vld [tilespmem:s10+$0xC570];
	v42, _, _ =	vpop (xrf2);
	[tilespmem:s6+$0x14550] =	vst v43;
	(pc) =	sbr.rel @p0 .LBB2_10-.Ltmp4, $4  }
0x353: {  	v23 =	vmovc v24;
	v39 =	vmul.f32 $1.131370830e+01, v48;
	v48 =	vadd.f32 v32, v11;
	v38 =	vmul.f32 $1.131370830e+01, v50;
	v37 =	vld [tilespmem:s10+$0x460];
	[tilespmem:s6+$0x14560] =	vst v41;
	s6 =	smov.u32 s7;
	s7 =	smov.u32 s8;
	s8 =	smov.u32 s10  }
0x354: {  	v32 =	vmul.f32 $7.812500000e-03, v42;
	v41 =	vmul.f32 $1.131370830e+01, v26;
	v43 =	vld [tilespmem:s8+$0x470];
	[tilespmem:s6+$0x14500] =	vst v45  }
0x355: {  	v25 =	vadd.f32 v46, v25;
	v26 =	vadd.f32 v44, v51;
	v44 =	vmul.f32 $1.131370830e+01, v49;
	v42, _, _ =	vpop (xrf2);
	[tilespmem:s6+$0x14510] =	vst v48  }
0x356: {  	s9 =	sadd.s32 $0x200, s9;
	v24 =	vadd.f32 v47, v40;
	v40 =	vmul.f32 $7.812500000e-03, v42;
	v42 =	vmul.f32 v32, v32  }
0x357: {  	v33 =	vadd.f32 v33, v39;
	v34 =	vadd.f32 v34, v38  }
0x358: {  	v36 =	vmul.f32 $1.131370830e+01, v36;
	v35 =	vadd.f32 v35, v41;
	v62 =	vadd.f32 v25, v26  }
0x359: {  	v63 =	vmul.f32 v26, v26;
	v54 =	vmul.f32 v25, v25;
	v37 =	vadd.f32 v37, v44  }
0x35a: {  	v45 =	vmul.f32 v24, v24;
	v36 =	vadd.f32 v43, v36;
	v39 =	vadd.f32 v33, v24  }
0x35b: {  	v55 =	vadd.f32 v35, v34;
	v47 =	vmul.f32 v33, v33;
	v48 =	vmul.f32 v34, v34  }
0x35c: {  	v49 =	vmul.f32 v35, v35;
	v41 =	vadd.f32 v54, v63;
	v50 =	vmul.f32 v37, v37  }
0x35d: {  	v46 =	vadd.f32 v36, v37;
	v51 =	vmul.f32 v36, v36;
	v38 =	vadd.f32 v39, v62  }
0x35e: {  	v57 =	vadd.f32 v47, v45;
	v58 =	vadd.f32 v49, v48  }
0x35f: {  	v56 =	vadd.f32 v46, v55;
	v59 =	vadd.f32 v51, v50  }
0x360: {  	v60 =	vadd.f32 v57, v41  }
0x361: {  	v38 =	vadd.f32 v56, v38;
	v61 =	vadd.f32 v59, v58;
	_ =	sdelay $0x1  }
0x362: {  	(xrf2) =	vadd.scan.msk.f32 $0xffff, v38;
	v62 =	vadd.f32 v61, v60  }
0x363: {  	v63 =	vsub.f32 v40, v42  }
0x364: {  	(xrf2) =	vadd.scan.msk.f32 $0xffff, v62  }
0x365: {  	v42 =	vadd.f32 $9.999999740e-06, v63;
	_ =	sdelay $0x1  }
0x366: {  	v38 =	vbroadcast v42, $0xF;
	_ =	sdelay $0x1  }
0x367: {  	v43 =	vshra.s32 v38, $0x1;
	v38 =	vmul.f32 $-5.000000000e-01, v38  }
0x368: {  	v39 =	vsub.s32 $0x5F3759DF, v43  }
0x369: {  	v31 =	vmul.f32 v31, v8;
	v38 =	vmul.f32 v39, v38  }
0x36a: {  	v29 =	vmul.f32 v29, v6;
	v32 =	vbroadcast v32, $0xF;
	v44, _, _ =	vpop (xrf2)  }
0x36b: {  	v38 =	vmul.f32 v39, v38;
	v40 =	vmul.f32 $7.812500000e-03, v44  }
0x36c: {  	v30 =	vmul.f32 v30, v3;
	v31 =	vadd.f32 v31, v9;
	v29 =	vadd.f32 v29, v7;
	v45, _, _ =	vpop (xrf2)  }
0x36d: {  	v38 =	vadd.f32 $1.500000000e+00, v38;
	v41 =	vmul.f32 $7.812500000e-03, v45;
	v46 =	vmul.f32 v40, v40  }
0x36e: {  	v28 =	vmul.f32 v28, v1;
	v20 =	vsub.f32 v20, v32;
	v17 =	vsub.f32 v17, v32  }
0x36f: {  	v16 =	vsub.f32 v16, v32;
	v38 =	vmul.f32 v39, v38;
	v41 =	vsub.f32 v41, v46  }
0x370: {  	v27 =	vmul.f32 v27, v0;
	v23 =	vsub.f32 v23, v32;
	v19 =	vsub.f32 v19, v32  }
0x371: {  	v18 =	vsub.f32 v18, v32;
	v20 =	vmul.f32 v38, v20;
	v47 =	vadd.f32 $9.999999740e-06, v41  }
0x372: {  	v21 =	vsub.f32 v21, v32;
	v17 =	vmul.f32 v38, v17;
	v16 =	vmul.f32 v38, v16  }
0x373: {  	v22 =	vsub.f32 v22, v32;
	v23 =	vmul.f32 v38, v23;
	v39 =	vbroadcast v47, $0xF  }
0x374: {  	v30 =	vadd.f32 v30, v5;
	v19 =	vmul.f32 v38, v19;
	v18 =	vmul.f32 v38, v18  }
0x375: {  	v21 =	vmul.f32 v38, v21;
	v48 =	vshra.s32 v39, $0x1;
	v39 =	vmul.f32 $-5.000000000e-01, v39  }
0x376: {  	[tilespmem:s6+$0x14530] =	vst v29;
	v22 =	vmul.f32 v38, v22;
	v29 =	vbroadcast v40, $0xF;
	v41 =	vsub.s32 $0x5F3759DF, v48  }
0x377: {  	v28 =	vadd.f32 v28, v4;
	v20 =	vmul.f32 v20, v14;
	v49 =	vmul.f32 v41, v39  }
0x378: {  	v27 =	vadd.f32 v27, v2;
	v17 =	vmul.f32 v17, v12;
	v16 =	vmul.f32 v16, v10  }
0x379: {  	[tilespmem:s6+$0x14540] =	vst v30;
	v23 =	vmul.f32 v23, v8;
	v30 =	vsub.f32 v36, v29;
	v32 =	vmul.f32 v41, v49  }
0x37a: {  	[tilespmem:s6+$0x14520] =	vst v31;
	v19 =	vmul.f32 v19, v6;
	v26 =	vsub.f32 v26, v29;
	v20 =	vadd.f32 v20, v15  }
0x37b: {  	[tilespmem:s6+$0x14560] =	vst v27;
	v18 =	vmul.f32 v18, v3;
	v17 =	vadd.f32 v17, v13;
	v31 =	vadd.f32 $1.500000000e+00, v32  }
0x37c: {  	v21 =	vmul.f32 v21, v1;
	v24 =	vsub.f32 v24, v29;
	v16 =	vadd.f32 v16, v11;
	[tilespmem:s7+$0x14570] =	vst v20  }
0x37d: {  	v23 =	vadd.f32 v23, v9;
	v19 =	vadd.f32 v19, v7;
	[tilespmem:s7+$0x14500] =	vst v17;
	v20 =	vmul.f32 v41, v31  }
0x37e: {  	v18 =	vadd.f32 v18, v5;
	v17 =	vmul.f32 v22, v0;
	v22 =	vsub.f32 v25, v29;
	[tilespmem:s7+$0x14510] =	vst v16  }
0x37f: {  	v16 =	vsub.f32 v33, v29;
	v25 =	vsub.f32 v34, v29;
	[tilespmem:s7+$0x14520] =	vst v23;
	v27 =	vmul.f32 v20, v30  }
0x380: {  	[tilespmem:s7+$0x14540] =	vst v18;
	v18 =	vadd.f32 v21, v4;
	v17 =	vadd.f32 v17, v2;
	v23 =	vmul.f32 v20, v26  }
0x381: {  	[tilespmem:s7+$0x14530] =	vst v19;
	v26 =	vsub.f32 v35, v29;
	v19 =	vmul.f32 v20, v22;
	v27 =	vmul.f32 v27, v14  }
0x382: {  	[tilespmem:s6+$0x14550] =	vst v28;
	v22 =	vsub.f32 v37, v29;
	v24 =	vmul.f32 v20, v24;
	v23 =	vmul.f32 v23, v12  }
0x383: {  	[tilespmem:s7+$0x14550] =	vst v18;
	v16 =	vmul.f32 v20, v16;
	v19 =	vmul.f32 v19, v10;
	v27 =	vadd.f32 v27, v15  }
0x384: {  	[tilespmem:s7+$0x14560] =	vst v17;
	v21 =	vmul.f32 v20, v25;
	v18 =	vmul.f32 v24, v8;
	v23 =	vadd.f32 v23, v13  }
0x385: {  	v16 =	vmul.f32 v16, v6;
	v17 =	vmul.f32 v20, v22;
	v19 =	vadd.f32 v19, v11;
	[tilespmem:s8+$0x14570] =	vst v27  }
0x386: {  	v24 =	vmul.f32 v20, v26;
	v20 =	vmul.f32 v21, v3;
	v18 =	vadd.f32 v18, v9;
	[tilespmem:s8+$0x14500] =	vst v23  }
0x387: {  	v16 =	vadd.f32 v16, v7;
	v17 =	vmul.f32 v17, v0;
	[tilespmem:s8+$0x14510] =	vst v19  }
0x388: {  	v19 =	vmul.f32 v24, v1;
	[tilespmem:s8+$0x14520] =	vst v18;
	v18 =	vadd.f32 v20, v5  }
0x389: {  	[tilespmem:s8+$0x14530] =	vst v16;
	v17 =	vadd.f32 v17, v2  }
0x38a: {  	v16 =	vadd.f32 v19, v4;
	[tilespmem:s8+$0x14540] =	vst v18  }
0x38b: {  	[tilespmem:s8+$0x14560] =	vst v17  }
0x38c: {  	s9 =	simm.s32 $0x380;
	[tilespmem:s8+$0x14550] =	vst v16  }
0x38d: {  	[tilespmem:s4], [sflag:$0x2] =	stream.indirect.gather [hbm4b:s1+s24], $0x80, s9, s24, $0xb8;
	[tilespmem:$0x1C500] =	vst v63  }
0x38e: {  	s10 =	simm.s32 $0x0  }
0x38f: {  	[hbm4b:s19+s10] =	stream.linear.scatter [tilespmem:s28], [sflag:$0x4], $0x4000, $0x38;
	[tilespmem:$0x1C500] =	vst v63  }
0x390: {  	_ =	swait.ge [sflag:s31], $0x4000  }
0x391: {  	[sflag:s31] =	ssyncset.done $0x0  }
0x392: {  	[sflag:s31] =	ssyncadd.s32 $0xFFFFC000  }
0x393: {  	_ =	swait.ge [sflag:s26], $0x4000  }
0x394: {  	[sflag:s26] =	ssyncset.done $0x0  }
0x395: {  	s6 =	simm.s32 $0x0;
	[sflag:s26] =	ssyncadd.s32 $0xFFFFC000  }
0x396: {  	v16 =	vld [tilespmem:s6+$0x4400]  }
0x397: {  	v17 =	vld [tilespmem:s6+$0x4410]  }
0x398: {  	v18 =	vld [tilespmem:s6+$0x4420]  }
0x399: {  	v19 =	vld [tilespmem:s6+$0x4430]  }
0x39a: {  	v20 =	vld [tilespmem:s6+$0x4440]  }
0x39b: {  	v21 =	vld [tilespmem:s6+$0x10500]  }
0x39c: {  	v22 =	vld [tilespmem:s6+$0x10510]  }
0x39d: {  	v23 =	vld [tilespmem:s6+$0x10520]  }
0x39e: {  	v24 =	vld [tilespmem:s6+$0x10530]  }
0x39f: {  	v25 =	vld [tilespmem:s6+$0x10540]  }
0x3a0: {  	v26 =	vld [tilespmem:s6+$0x10550]  }
0x3a1: {  	v27 =	vld [tilespmem:s6+$0x10560]  }
0x3a2: {  	v28 =	vld [tilespmem:s6+$0x4450]  }
0x3a3: {  	v29 =	vld [tilespmem:s6+$0x10570]  }
0x3a4: {  	v30 =	vld [tilespmem:s6+$0x4460];
	v21 =	vmul.f32 $1.131370830e+01, v21;
	v22 =	vmul.f32 $1.131370830e+01, v22  }
0x3a5: {  	v31 =	vld [tilespmem:s6+$0x4470];
	v23 =	vmul.f32 $1.131370830e+01, v23;
	v24 =	vmul.f32 $1.131370830e+01, v24  }
0x3a6: {  	v25 =	vmul.f32 $1.131370830e+01, v25;
	v26 =	vmul.f32 $1.131370830e+01, v26;
	v32 =	vadd.f32 v16, v21  }
0x3a7: {  	v33 =	vadd.f32 v17, v22;
	v16 =	vmul.f32 $1.131370830e+01, v27;
	v27 =	vadd.f32 v18, v23  }
0x3a8: {  	v24 =	vadd.f32 v19, v24;
	v17 =	vmul.f32 $1.131370830e+01, v29;
	v25 =	vadd.f32 v20, v25  }
0x3a9: {  	v26 =	vadd.f32 v28, v26;
	v28 =	vadd.f32 v30, v16  }
0x3aa: {  	v29 =	vadd.f32 v31, v17;
	v16 =	vadd.f32 v33, v32;
	v18 =	vmul.f32 v32, v32  }
0x3ab: {  	v17 =	vadd.f32 v24, v27;
	v19 =	vmul.f32 v33, v33;
	v21 =	vmul.f32 v27, v27  }
0x3ac: {  	v20 =	vadd.f32 v26, v25;
	v23 =	vmul.f32 v24, v24;
	v30 =	vmul.f32 v25, v25  }
0x3ad: {  	v31 =	vmul.f32 v26, v26;
	v22 =	vadd.f32 v29, v28;
	v50 =	vmul.f32 v28, v28  }
0x3ae: {  	v51 =	vmul.f32 v29, v29;
	v16 =	vadd.f32 v17, v16;
	v18 =	vadd.f32 v19, v18  }
0x3af: {  	v19 =	vadd.f32 v23, v21;
	v17 =	vadd.f32 v22, v20  }
0x3b0: {  	s7 =	simm.s32 $0x80;
	v21 =	vadd.f32 v31, v30;
	v22 =	vadd.f32 v51, v50  }
0x3b1: {  	v52 =	vld [tilespmem:s7+$0x10550];
	v16 =	vadd.f32 v17, v16  }
0x3b2: {  	v53 =	vld [tilespmem:s7+$0x10560];
	v17 =	vadd.f32 v19, v18;
	v19 =	vadd.f32 v22, v21  }
0x3b3: {  	v57 =	vld [tilespmem:s7+$0x4460]  }
0x3b4: {  	v23 =	vld [tilespmem:s7+$0x4410];
	(xrf2) =	vadd.scan.msk.f32 $0xffff, v16;
	v16 =	vadd.f32 v19, v17  }
0x3b5: {  	v30 =	vld [tilespmem:s7+$0x10530]  }
0x3b6: {  	v31 =	vld [tilespmem:s7+$0x10540];
	(xrf2) =	vadd.scan.msk.f32 $0xffff, v16  }
0x3b7: {  	v19 =	vld [tilespmem:s7+$0x10510]  }
0x3b8: {  	v17 =	vld [tilespmem:s7+$0x10500]  }
0x3b9: {  	v16 =	vld [tilespmem:s7+$0x10520]  }
0x3ba: {  	v20 =	vld [tilespmem:s7+$0x4400]  }
0x3bb: {  	v18 =	vld [tilespmem:s7+$0x4420]  }
0x3bc: {  	v22 =	vld [tilespmem:s7+$0x4440];
	v19 =	vmul.f32 $1.131370830e+01, v19  }
0x3bd: {  	v34 =	vmul.f32 $1.131370830e+01, v52;
	v21 =	vld [tilespmem:s7+$0x4430];
	v17 =	vmul.f32 $1.131370830e+01, v17  }
0x3be: {  	v56 =	vld [tilespmem:s7+$0x10570];
	v30 =	vmul.f32 $1.131370830e+01, v30;
	v55 =	vmul.f32 $1.131370830e+01, v16;
	v16, _, _ =	vpop (xrf2)  }
0x3bf: {  	v54 =	vld [tilespmem:s7+$0x4450];
	v31 =	vmul.f32 $1.131370830e+01, v31;
	v17 =	vadd.f32 v20, v17;
	v41 =	vmul.f32 $7.812500000e-03, v16  }
0x3c0: {  	v58 =	vld [tilespmem:s7+$0x4470];
	v20 =	vmul.f32 $1.131370830e+01, v53;
	v16 =	vadd.f32 v23, v19;
	v23 =	vadd.f32 v18, v55;
	v19, _, _ =	vpop (xrf2)  }
0x3c1: {  	v18 =	vadd.f32 v22, v31;
	v59 =	vmul.f32 $7.812500000e-03, v19;
	v60 =	vmul.f32 v41, v41  }
0x3c2: {  	v62 =	vmul.f32 v17, v17;
	v22 =	vadd.f32 v57, v20;
	v19 =	vadd.f32 v21, v30  }
0x3c3: {  	v30 =	vmul.f32 $1.131370830e+01, v56;
	v63 =	vmul.f32 v16, v16;
	v31 =	vsub.f32 v59, v60  }
0x3c4: {  	v21 =	vadd.f32 v54, v34;
	v49 =	vmul.f32 v23, v23;
	v51 =	vmul.f32 v18, v18  }
0x3c5: {  	v54 =	vmul.f32 v22, v22;
	v20 =	vadd.f32 v58, v30;
	v31 =	vadd.f32 $9.999999740e-06, v31  }
0x3c6: {  	v30 =	vadd.f32 v16, v17;
	v61 =	vadd.f32 v19, v23;
	v50 =	vmul.f32 v19, v19  }
0x3c7: {  	v48 =	vadd.f32 v21, v18;
	v52 =	vmul.f32 v21, v21;
	v31 =	vbroadcast v31, $0xF  }
0x3c8: {  	v35 =	vadd.f32 v63, v62;
	v39 =	vadd.f32 v20, v22;
	v55 =	vmul.f32 v20, v20  }
0x3c9: {  	v30 =	vadd.f32 v61, v30;
	v53 =	vshra.s32 v31, $0x1;
	v31 =	vmul.f32 $-5.000000000e-01, v31  }
0x3ca: {  	s8 =	simm.s32 $0x100;
	v57 =	vadd.f32 v50, v49;
	v56 =	vadd.f32 v39, v48;
	v44 =	vsub.s32 $0x5F3759DF, v53  }
0x3cb: {  	v58 =	vadd.f32 v52, v51;
	v51 =	vld [tilespmem:s8+$0x10510];
	v59 =	vadd.f32 v55, v54;
	v31 =	vmul.f32 v44, v31  }
0x3cc: {  	v62 =	vbroadcast v41, $0xF;
	v52 =	vld [tilespmem:s8+$0x10520];
	v30 =	vadd.f32 v56, v30  }
0x3cd: {  	v60 =	vadd.f32 v57, v35;
	v54 =	vld [tilespmem:s8+$0x10530];
	v61 =	vadd.f32 v59, v58;
	v31 =	vmul.f32 v44, v31  }
0x3ce: {  	v40 =	vld [tilespmem:s8+$0x4400];
	v29 =	vsub.f32 v29, v62;
	(xrf2) =	vadd.scan.msk.f32 $0xffff, v30  }
0x3cf: {  	v45 =	vld [tilespmem:s8+$0x4420];
	v30 =	vadd.f32 v61, v60;
	v31 =	vadd.f32 $1.500000000e+00, v31  }
0x3d0: {  	v37 =	vld [tilespmem:s8+$0x4460];
	v50 =	vsub.f32 v33, v62;
	v27 =	vsub.f32 v27, v62  }
0x3d1: {  	v34 =	vld [tilespmem:s8+$0x4440];
	v59 =	vmul.f32 $1.131370830e+01, v51;
	(xrf2) =	vadd.scan.msk.f32 $0xffff, v30;
	v48 =	vmul.f32 v44, v31;
	v31 =	vsub.f32 v32, v62  }
0x3d2: {  	v63 =	vld [tilespmem:s8+$0x4410];
	v25 =	vsub.f32 v25, v62;
	v60 =	vmul.f32 $1.131370830e+01, v52;
	v39 =	vmul.f32 $1.131370830e+01, v54  }
0x3d3: {  	v49 =	vld [tilespmem:s8+$0x10500];
	v26 =	vsub.f32 v26, v62;
	v29 =	vmul.f32 v48, v29;
	v53 =	vmul.f32 v48, v31  }
0x3d4: {  	v24 =	vsub.f32 v24, v62;
	v57 =	vld [tilespmem:s8+$0x10560];
	v32 =	vmul.f32 v48, v50;
	v31 =	vmul.f32 v48, v27  }
0x3d5: {  	v36 =	vsub.f32 v28, v62;
	v56 =	vld [tilespmem:s8+$0x10540];
	v30 =	vmul.f32 v48, v25;
	v28 =	vmul.f32 v48, v26  }
0x3d6: {  	v33 =	vld [tilespmem:s8+$0x4430];
	v55 =	vmul.f32 v29, v14;
	v29 =	vmul.f32 v48, v24  }
0x3d7: {  	v24 =	vld [tilespmem:s8+$0x10550];
	v25 =	vmul.f32 v53, v12;
	v32 =	vmul.f32 v32, v10  }
0x3d8: {  	v27 =	vmul.f32 v48, v36;
	v26 =	vmul.f32 $1.131370830e+01, v49;
	v36 =	vld [tilespmem:s8+$0x10570];
	v61, _, _ =	vpop (xrf2);
	v58 =	vadd.f32 v55, v15  }
0x3d9: {  	v35 =	vld [tilespmem:s8+$0x4450];
	v25 =	vadd.f32 v25, v13;
	v62 =	vadd.f32 v32, v11;
	v32 =	vmul.f32 $7.812500000e-03, v61  }
0x3da: {  	v43 =	vld [tilespmem:s8+$0x4470];
	v38 =	vmul.f32 $1.131370830e+01, v56;
	v44 =	vmul.f32 $1.131370830e+01, v57;
	[tilespmem:s6+$0x18570] =	vst v58  }
0x3db: {  	v26 =	vadd.f32 v40, v26;
	[tilespmem:s6+$0x18500] =	vst v25;
	v25 =	vadd.f32 v63, v59;
	v63, _, _ =	vpop (xrf2);
	v42 =	vmul.f32 v32, v32  }
0x3dc: {  	s9 =	simm.s32 $0x600;
	[tilespmem:s6+$0x18510] =	vst v62;
	v41 =	vmul.f32 $1.131370830e+01, v24;
	v24 =	vadd.f32 v45, v60;
	v40 =	vmul.f32 $7.812500000e-03, v63  }
.LBB2_12:
0x3dd: {  	p0 =	sne.s32 s9, $0xFE00;
	v39 =	vadd.f32 v33, v39;
	v38 =	vadd.f32 v34, v38;
	v33 =	vmul.f32 $1.131370830e+01, v36  }
0x3de: {  	v35 =	vadd.f32 v35, v41;
	v31 =	vmul.f32 v31, v8;
	v34 =	vsub.f32 v40, v42  }
0x3df: {  	v29 =	vmul.f32 v29, v6;
	v36 =	vadd.f32 v37, v44;
	v37 =	vadd.f32 v43, v33  }
0x3e0: {  	v30 =	vmul.f32 v30, v3;
	v33 =	vadd.f32 v25, v26;
	v34 =	vadd.f32 $9.999999740e-06, v34  }
0x3e1: {  	v41 =	vmul.f32 v26, v26;
	v42 =	vmul.f32 v25, v25;
	v40 =	vadd.f32 v39, v24  }
0x3e2: {  	v44 =	vmul.f32 v24, v24;
	v43 =	vadd.f32 v35, v38;
	v34 =	vbroadcast v34, $0xF  }
0x3e3: {  	v46 =	vmul.f32 v39, v39;
	v47 =	vmul.f32 v38, v38;
	v45 =	vadd.f32 v37, v36  }
0x3e4: {  	v48 =	vmul.f32 v35, v35;
	v49 =	vshra.s32 v34, $0x1;
	v34 =	vmul.f32 $-5.000000000e-01, v34  }
0x3e5: {  	v50 =	vmul.f32 v36, v36;
	v51 =	vmul.f32 v37, v37;
	v49 =	vsub.s32 $0x5F3759DF, v49  }
0x3e6: {  	v33 =	vadd.f32 v40, v33;
	v40 =	vadd.f32 v45, v43;
	v34 =	vmul.f32 v49, v34  }
0x3e7: {  	s10 =	sshra.s32 s9, $0x2;
	v41 =	vadd.f32 v42, v41;
	v42 =	vadd.f32 v46, v44;
	v43 =	vmul.f32 v28, v1  }
0x3e8: {  	v28 =	vadd.f32 v48, v47;
	v45 =	vadd.f32 v51, v50;
	v44 =	vld [tilespmem:s10+$0x4400];
	v34 =	vmul.f32 v49, v34  }
0x3e9: {  	v41 =	vadd.f32 v42, v41;
	v42 =	vmul.f32 v27, v0;
	v40 =	vadd.f32 v40, v33;
	v46 =	vld [tilespmem:s10+$0x4410]  }
0x3ea: {  	v27 =	vadd.f32 v45, v28;
	v28 =	vbroadcast v32, $0xF;
	v47 =	vld [tilespmem:s10+$0x4420];
	v32 =	vadd.f32 $1.500000000e+00, v34  }
0x3eb: {  	v31 =	vadd.f32 v31, v9;
	v29 =	vadd.f32 v29, v7;
	v33 =	vld [tilespmem:s10+$0x4430];
	(xrf2) =	vadd.scan.msk.f32 $0xffff, v40  }
0x3ec: {  	v27 =	vadd.f32 v27, v41;
	v40 =	vsub.f32 v20, v28;
	v20 =	vmovc v37;
	v34 =	vld [tilespmem:s10+$0x4440];
	v32 =	vmul.f32 v49, v32  }
0x3ed: {  	v41 =	vsub.f32 v17, v28;
	v45 =	vsub.f32 v16, v28;
	v17 =	vmovc v26;
	v16 =	vmov v25;
	v37 =	vld [tilespmem:s10+$0x10500];
	[tilespmem:s6+$0x18520] =	vst v31  }
0x3ee: {  	v23 =	vsub.f32 v23, v28;
	v26 =	vsub.f32 v19, v28;
	v25 =	vld [tilespmem:s10+$0x10510];
	(xrf2) =	vadd.scan.msk.f32 $0xffff, v27;
	v31 =	vmul.f32 v32, v40  }
0x3ef: {  	v51 =	vsub.f32 v21, v28;
	v27 =	vmul.f32 v32, v41;
	v41 =	vsub.f32 v18, v28;
	v40 =	vld [tilespmem:s10+$0x10520];
	[tilespmem:s6+$0x18530] =	vst v29  }
0x3f0: {  	v22 =	vsub.f32 v22, v28;
	v19 =	vmovc v39;
	v45 =	vmul.f32 v32, v45;
	v48 =	vld [tilespmem:s10+$0x10530];
	v49 =	vmul.f32 v31, v14  }
0x3f1: {  	v18 =	vmovc v38;
	v29 =	vmul.f32 v32, v26;
	v31 =	vmul.f32 v32, v23;
	v23 =	vadd.f32 v30, v5;
	v50 =	vld [tilespmem:s10+$0x10540]  }
0x3f2: {  	v21 =	vmovc v35;
	v28 =	vmul.f32 v32, v51;
	v30 =	vmul.f32 v32, v41;
	v26 =	vld [tilespmem:s10+$0x10550];
	v38 =	vadd.f32 v49, v15  }
0x3f3: {  	v43 =	vadd.f32 v43, v4;
	v39 =	vmul.f32 v27, v12;
	v27 =	vmul.f32 v32, v22;
	v49 =	vld [tilespmem:s10+$0x10560];
	[tilespmem:s6+$0x18540] =	vst v23  }
0x3f4: {  	v32 =	vmul.f32 v45, v10;
	v41 =	vadd.f32 v42, v2;
	v22 =	vmovc v36;
	v51 =	vmul.f32 $1.131370830e+01, v37;
	v35 =	vld [tilespmem:s10+$0x4450];
	[tilespmem:s7+$0x18570] =	vst v38  }
.Ltmp5:
0x3f5: {  	v45 =	vadd.f32 v39, v13;
	v25 =	vmul.f32 $1.131370830e+01, v25;
	v40 =	vmul.f32 $1.131370830e+01, v40;
	v36 =	vld [tilespmem:s10+$0x10570];
	v42, _, _ =	vpop (xrf2);
	[tilespmem:s6+$0x18550] =	vst v43;
	(pc) =	sbr.rel @p0 .LBB2_12-.Ltmp5, $4  }
0x3f6: {  	v23 =	vmovc v24;
	v39 =	vmul.f32 $1.131370830e+01, v48;
	v48 =	vadd.f32 v32, v11;
	v38 =	vmul.f32 $1.131370830e+01, v50;
	v37 =	vld [tilespmem:s10+$0x4460];
	[tilespmem:s6+$0x18560] =	vst v41;
	s6 =	smov.u32 s7;
	s7 =	smov.u32 s8;
	s8 =	smov.u32 s10  }
0x3f7: {  	v32 =	vmul.f32 $7.812500000e-03, v42;
	v41 =	vmul.f32 $1.131370830e+01, v26;
	v43 =	vld [tilespmem:s8+$0x4470];
	[tilespmem:s6+$0x18500] =	vst v45  }
0x3f8: {  	v25 =	vadd.f32 v46, v25;
	v26 =	vadd.f32 v44, v51;
	v44 =	vmul.f32 $1.131370830e+01, v49;
	v42, _, _ =	vpop (xrf2);
	[tilespmem:s6+$0x18510] =	vst v48  }
0x3f9: {  	s9 =	sadd.s32 $0x200, s9;
	v24 =	vadd.f32 v47, v40;
	v40 =	vmul.f32 $7.812500000e-03, v42;
	v42 =	vmul.f32 v32, v32  }
0x3fa: {  	v33 =	vadd.f32 v33, v39;
	v34 =	vadd.f32 v34, v38  }
0x3fb: {  	v36 =	vmul.f32 $1.131370830e+01, v36;
	v35 =	vadd.f32 v35, v41;
	v62 =	vadd.f32 v25, v26  }
0x3fc: {  	v63 =	vmul.f32 v26, v26;
	v54 =	vmul.f32 v25, v25;
	v37 =	vadd.f32 v37, v44  }
0x3fd: {  	v45 =	vmul.f32 v24, v24;
	v36 =	vadd.f32 v43, v36;
	v39 =	vadd.f32 v33, v24  }
0x3fe: {  	v55 =	vadd.f32 v35, v34;
	v47 =	vmul.f32 v33, v33;
	v48 =	vmul.f32 v34, v34  }
0x3ff: {  	v49 =	vmul.f32 v35, v35;
	v41 =	vadd.f32 v54, v63;
	v50 =	vmul.f32 v37, v37  }
0x400: {  	v46 =	vadd.f32 v36, v37;
	v51 =	vmul.f32 v36, v36;
	v38 =	vadd.f32 v39, v62  }
0x401: {  	v57 =	vadd.f32 v47, v45;
	v58 =	vadd.f32 v49, v48  }
0x402: {  	v56 =	vadd.f32 v46, v55;
	v59 =	vadd.f32 v51, v50  }
0x403: {  	v60 =	vadd.f32 v57, v41  }
0x404: {  	v38 =	vadd.f32 v56, v38;
	v61 =	vadd.f32 v59, v58;
	_ =	sdelay $0x1  }
0x405: {  	(xrf2) =	vadd.scan.msk.f32 $0xffff, v38;
	v62 =	vadd.f32 v61, v60  }
0x406: {  	v63 =	vsub.f32 v40, v42  }
0x407: {  	(xrf2) =	vadd.scan.msk.f32 $0xffff, v62  }
0x408: {  	v42 =	vadd.f32 $9.999999740e-06, v63;
	_ =	sdelay $0x1  }
0x409: {  	v38 =	vbroadcast v42, $0xF;
	_ =	sdelay $0x1  }
0x40a: {  	v43 =	vshra.s32 v38, $0x1;
	v38 =	vmul.f32 $-5.000000000e-01, v38  }
0x40b: {  	v39 =	vsub.s32 $0x5F3759DF, v43  }
0x40c: {  	v31 =	vmul.f32 v31, v8;
	v38 =	vmul.f32 v39, v38  }
0x40d: {  	v29 =	vmul.f32 v29, v6;
	v32 =	vbroadcast v32, $0xF;
	v44, _, _ =	vpop (xrf2)  }
0x40e: {  	v38 =	vmul.f32 v39, v38;
	v40 =	vmul.f32 $7.812500000e-03, v44  }
0x40f: {  	v30 =	vmul.f32 v30, v3;
	v31 =	vadd.f32 v31, v9;
	v29 =	vadd.f32 v29, v7;
	v45, _, _ =	vpop (xrf2)  }
0x410: {  	v38 =	vadd.f32 $1.500000000e+00, v38;
	v41 =	vmul.f32 $7.812500000e-03, v45;
	v46 =	vmul.f32 v40, v40  }
0x411: {  	v28 =	vmul.f32 v28, v1;
	v20 =	vsub.f32 v20, v32;
	v17 =	vsub.f32 v17, v32  }
0x412: {  	v16 =	vsub.f32 v16, v32;
	v38 =	vmul.f32 v39, v38;
	v41 =	vsub.f32 v41, v46  }
0x413: {  	v27 =	vmul.f32 v27, v0;
	v23 =	vsub.f32 v23, v32;
	v19 =	vsub.f32 v19, v32  }
0x414: {  	v18 =	vsub.f32 v18, v32;
	v20 =	vmul.f32 v38, v20;
	v47 =	vadd.f32 $9.999999740e-06, v41  }
0x415: {  	v21 =	vsub.f32 v21, v32;
	v17 =	vmul.f32 v38, v17;
	v16 =	vmul.f32 v38, v16  }
0x416: {  	v22 =	vsub.f32 v22, v32;
	v23 =	vmul.f32 v38, v23;
	v39 =	vbroadcast v47, $0xF  }
0x417: {  	v30 =	vadd.f32 v30, v5;
	v19 =	vmul.f32 v38, v19;
	v18 =	vmul.f32 v38, v18  }
0x418: {  	v21 =	vmul.f32 v38, v21;
	v48 =	vshra.s32 v39, $0x1;
	v39 =	vmul.f32 $-5.000000000e-01, v39  }
0x419: {  	[tilespmem:s6+$0x18530] =	vst v29;
	v22 =	vmul.f32 v38, v22;
	v29 =	vbroadcast v40, $0xF;
	v41 =	vsub.s32 $0x5F3759DF, v48  }
0x41a: {  	v28 =	vadd.f32 v28, v4;
	v20 =	vmul.f32 v20, v14;
	v49 =	vmul.f32 v41, v39  }
0x41b: {  	v27 =	vadd.f32 v27, v2;
	v17 =	vmul.f32 v17, v12;
	v16 =	vmul.f32 v16, v10  }
0x41c: {  	[tilespmem:s6+$0x18540] =	vst v30;
	v23 =	vmul.f32 v23, v8;
	v30 =	vsub.f32 v36, v29;
	v32 =	vmul.f32 v41, v49  }
0x41d: {  	[tilespmem:s6+$0x18520] =	vst v31;
	v19 =	vmul.f32 v19, v6;
	v26 =	vsub.f32 v26, v29;
	v20 =	vadd.f32 v20, v15  }
0x41e: {  	[tilespmem:s6+$0x18560] =	vst v27;
	v18 =	vmul.f32 v18, v3;
	v17 =	vadd.f32 v17, v13;
	v31 =	vadd.f32 $1.500000000e+00, v32  }
0x41f: {  	v21 =	vmul.f32 v21, v1;
	v24 =	vsub.f32 v24, v29;
	v16 =	vadd.f32 v16, v11;
	[tilespmem:s7+$0x18570] =	vst v20  }
0x420: {  	v23 =	vadd.f32 v23, v9;
	v19 =	vadd.f32 v19, v7;
	[tilespmem:s7+$0x18500] =	vst v17;
	v20 =	vmul.f32 v41, v31  }
0x421: {  	v18 =	vadd.f32 v18, v5;
	v17 =	vmul.f32 v22, v0;
	v22 =	vsub.f32 v25, v29;
	[tilespmem:s7+$0x18510] =	vst v16  }
0x422: {  	v16 =	vsub.f32 v33, v29;
	v25 =	vsub.f32 v34, v29;
	[tilespmem:s7+$0x18520] =	vst v23;
	v27 =	vmul.f32 v20, v30  }
0x423: {  	[tilespmem:s7+$0x18540] =	vst v18;
	v18 =	vadd.f32 v21, v4;
	v17 =	vadd.f32 v17, v2;
	v23 =	vmul.f32 v20, v26  }
0x424: {  	[tilespmem:s7+$0x18530] =	vst v19;
	v26 =	vsub.f32 v35, v29;
	v19 =	vmul.f32 v20, v22;
	v27 =	vmul.f32 v27, v14  }
0x425: {  	[tilespmem:s6+$0x18550] =	vst v28;
	v22 =	vsub.f32 v37, v29;
	v24 =	vmul.f32 v20, v24;
	v23 =	vmul.f32 v23, v12  }
0x426: {  	[tilespmem:s7+$0x18550] =	vst v18;
	v16 =	vmul.f32 v20, v16;
	v19 =	vmul.f32 v19, v10;
	v27 =	vadd.f32 v27, v15  }
0x427: {  	[tilespmem:s7+$0x18560] =	vst v17;
	v21 =	vmul.f32 v20, v25;
	v18 =	vmul.f32 v24, v8;
	v23 =	vadd.f32 v23, v13  }
0x428: {  	v16 =	vmul.f32 v16, v6;
	v17 =	vmul.f32 v20, v22;
	v19 =	vadd.f32 v19, v11;
	[tilespmem:s8+$0x18570] =	vst v27  }
0x429: {  	v24 =	vmul.f32 v20, v26;
	v20 =	vmul.f32 v21, v3;
	v18 =	vadd.f32 v18, v9;
	[tilespmem:s8+$0x18500] =	vst v23  }
0x42a: {  	v16 =	vadd.f32 v16, v7;
	v17 =	vmul.f32 v17, v0;
	[tilespmem:s8+$0x18510] =	vst v19  }
0x42b: {  	v19 =	vmul.f32 v24, v1;
	[tilespmem:s8+$0x18520] =	vst v18;
	v18 =	vadd.f32 v20, v5  }
0x42c: {  	[tilespmem:s8+$0x18530] =	vst v16;
	v17 =	vadd.f32 v17, v2  }
0x42d: {  	v16 =	vadd.f32 v19, v4;
	[tilespmem:s8+$0x18540] =	vst v18  }
0x42e: {  	[tilespmem:s8+$0x18560] =	vst v17  }
0x42f: {  	s10 =	simm.s32 $0x0;
	[tilespmem:s8+$0x18550] =	vst v16  }
0x430: {  	[hbm4b:s20+s10] =	stream.linear.scatter [tilespmem:s30], [sflag:$0x5], $0x4000, $0x38;
	[tilespmem:$0x1C500] =	vst v63  }
0x431: {  	_ =	swait.ge [sflag:s3], $0x4000  }
0x432: {  	[sflag:s3] =	ssyncset.done $0x0  }
0x433: {  	[sflag:s3] =	ssyncadd.s32 $0xFFFFC000  }
0x434: {  	_ =	swait.ge [sflag:s25], $0x4000  }
0x435: {  	[sflag:s25] =	ssyncset.done $0x0  }
0x436: {  	s6 =	simm.s32 $0x0;
	[sflag:s25] =	ssyncadd.s32 $0xFFFFC000  }
0x437: {  	v16 =	vld [tilespmem:s6+$0x400]  }
0x438: {  	v17 =	vld [tilespmem:s6+$0x410]  }
0x439: {  	v18 =	vld [tilespmem:s6+$0x420]  }
0x43a: {  	v19 =	vld [tilespmem:s6+$0x430]  }
0x43b: {  	v20 =	vld [tilespmem:s6+$0x440]  }
0x43c: {  	v21 =	vld [tilespmem:s6+$0x8500]  }
0x43d: {  	v22 =	vld [tilespmem:s6+$0x8510]  }
0x43e: {  	v23 =	vld [tilespmem:s6+$0x8520]  }
0x43f: {  	v24 =	vld [tilespmem:s6+$0x8530]  }
0x440: {  	v25 =	vld [tilespmem:s6+$0x8540]  }
0x441: {  	v26 =	vld [tilespmem:s6+$0x8550]  }
0x442: {  	v27 =	vld [tilespmem:s6+$0x8560]  }
0x443: {  	v28 =	vld [tilespmem:s6+$0x450]  }
0x444: {  	v29 =	vld [tilespmem:s6+$0x8570]  }
0x445: {  	v30 =	vld [tilespmem:s6+$0x460];
	v21 =	vmul.f32 $1.131370830e+01, v21;
	v22 =	vmul.f32 $1.131370830e+01, v22  }
0x446: {  	v31 =	vld [tilespmem:s6+$0x470];
	v23 =	vmul.f32 $1.131370830e+01, v23;
	v24 =	vmul.f32 $1.131370830e+01, v24  }
0x447: {  	v25 =	vmul.f32 $1.131370830e+01, v25;
	v26 =	vmul.f32 $1.131370830e+01, v26;
	v32 =	vadd.f32 v16, v21  }
0x448: {  	v33 =	vadd.f32 v17, v22;
	v16 =	vmul.f32 $1.131370830e+01, v27;
	v27 =	vadd.f32 v18, v23  }
0x449: {  	v24 =	vadd.f32 v19, v24;
	v17 =	vmul.f32 $1.131370830e+01, v29;
	v25 =	vadd.f32 v20, v25  }
0x44a: {  	v26 =	vadd.f32 v28, v26;
	v28 =	vadd.f32 v30, v16  }
0x44b: {  	v29 =	vadd.f32 v31, v17;
	v16 =	vadd.f32 v33, v32;
	v18 =	vmul.f32 v32, v32  }
0x44c: {  	v17 =	vadd.f32 v24, v27;
	v19 =	vmul.f32 v33, v33;
	v21 =	vmul.f32 v27, v27  }
0x44d: {  	v20 =	vadd.f32 v26, v25;
	v23 =	vmul.f32 v24, v24;
	v30 =	vmul.f32 v25, v25  }
0x44e: {  	v31 =	vmul.f32 v26, v26;
	v22 =	vadd.f32 v29, v28;
	v50 =	vmul.f32 v28, v28  }
0x44f: {  	v51 =	vmul.f32 v29, v29;
	v16 =	vadd.f32 v17, v16;
	v18 =	vadd.f32 v19, v18  }
0x450: {  	v19 =	vadd.f32 v23, v21;
	v17 =	vadd.f32 v22, v20  }
0x451: {  	s7 =	simm.s32 $0x80;
	v21 =	vadd.f32 v31, v30;
	v22 =	vadd.f32 v51, v50  }
0x452: {  	v52 =	vld [tilespmem:s7+$0x8550];
	v16 =	vadd.f32 v17, v16  }
0x453: {  	v53 =	vld [tilespmem:s7+$0x8560];
	v17 =	vadd.f32 v19, v18;
	v19 =	vadd.f32 v22, v21  }
0x454: {  	v57 =	vld [tilespmem:s7+$0x460]  }
0x455: {  	v23 =	vld [tilespmem:s7+$0x410];
	(xrf2) =	vadd.scan.msk.f32 $0xffff, v16;
	v16 =	vadd.f32 v19, v17  }
0x456: {  	v30 =	vld [tilespmem:s7+$0x8530]  }
0x457: {  	v31 =	vld [tilespmem:s7+$0x8540];
	(xrf2) =	vadd.scan.msk.f32 $0xffff, v16  }
0x458: {  	v19 =	vld [tilespmem:s7+$0x8510]  }
0x459: {  	v17 =	vld [tilespmem:s7+$0x8500]  }
0x45a: {  	v16 =	vld [tilespmem:s7+$0x8520]  }
0x45b: {  	v20 =	vld [tilespmem:s7+$0x400]  }
0x45c: {  	v18 =	vld [tilespmem:s7+$0x420]  }
0x45d: {  	v22 =	vld [tilespmem:s7+$0x440];
	v19 =	vmul.f32 $1.131370830e+01, v19  }
0x45e: {  	v34 =	vmul.f32 $1.131370830e+01, v52;
	v21 =	vld [tilespmem:s7+$0x430];
	v17 =	vmul.f32 $1.131370830e+01, v17  }
0x45f: {  	v56 =	vld [tilespmem:s7+$0x8570];
	v30 =	vmul.f32 $1.131370830e+01, v30;
	v55 =	vmul.f32 $1.131370830e+01, v16;
	v16, _, _ =	vpop (xrf2)  }
0x460: {  	v54 =	vld [tilespmem:s7+$0x450];
	v31 =	vmul.f32 $1.131370830e+01, v31;
	v17 =	vadd.f32 v20, v17;
	v41 =	vmul.f32 $7.812500000e-03, v16  }
0x461: {  	v58 =	vld [tilespmem:s7+$0x470];
	v20 =	vmul.f32 $1.131370830e+01, v53;
	v16 =	vadd.f32 v23, v19;
	v23 =	vadd.f32 v18, v55;
	v19, _, _ =	vpop (xrf2)  }
0x462: {  	v18 =	vadd.f32 v22, v31;
	v59 =	vmul.f32 $7.812500000e-03, v19;
	v60 =	vmul.f32 v41, v41  }
0x463: {  	v62 =	vmul.f32 v17, v17;
	v22 =	vadd.f32 v57, v20;
	v19 =	vadd.f32 v21, v30  }
0x464: {  	v30 =	vmul.f32 $1.131370830e+01, v56;
	v63 =	vmul.f32 v16, v16;
	v31 =	vsub.f32 v59, v60  }
0x465: {  	v21 =	vadd.f32 v54, v34;
	v49 =	vmul.f32 v23, v23;
	v51 =	vmul.f32 v18, v18  }
0x466: {  	v54 =	vmul.f32 v22, v22;
	v20 =	vadd.f32 v58, v30;
	v31 =	vadd.f32 $9.999999740e-06, v31  }
0x467: {  	v30 =	vadd.f32 v16, v17;
	v61 =	vadd.f32 v19, v23;
	v50 =	vmul.f32 v19, v19  }
0x468: {  	v48 =	vadd.f32 v21, v18;
	v52 =	vmul.f32 v21, v21;
	v31 =	vbroadcast v31, $0xF  }
0x469: {  	v35 =	vadd.f32 v63, v62;
	v39 =	vadd.f32 v20, v22;
	v55 =	vmul.f32 v20, v20  }
0x46a: {  	v30 =	vadd.f32 v61, v30;
	v53 =	vshra.s32 v31, $0x1;
	v31 =	vmul.f32 $-5.000000000e-01, v31  }
0x46b: {  	s8 =	simm.s32 $0x100;
	v57 =	vadd.f32 v50, v49;
	v56 =	vadd.f32 v39, v48;
	v44 =	vsub.s32 $0x5F3759DF, v53  }
0x46c: {  	v58 =	vadd.f32 v52, v51;
	v51 =	vld [tilespmem:s8+$0x8510];
	v59 =	vadd.f32 v55, v54;
	v31 =	vmul.f32 v44, v31  }
0x46d: {  	v62 =	vbroadcast v41, $0xF;
	v52 =	vld [tilespmem:s8+$0x8520];
	v30 =	vadd.f32 v56, v30  }
0x46e: {  	v60 =	vadd.f32 v57, v35;
	v54 =	vld [tilespmem:s8+$0x8530];
	v61 =	vadd.f32 v59, v58;
	v31 =	vmul.f32 v44, v31  }
0x46f: {  	v40 =	vld [tilespmem:s8+$0x400];
	v29 =	vsub.f32 v29, v62;
	(xrf2) =	vadd.scan.msk.f32 $0xffff, v30  }
0x470: {  	v45 =	vld [tilespmem:s8+$0x420];
	v30 =	vadd.f32 v61, v60;
	v31 =	vadd.f32 $1.500000000e+00, v31  }
0x471: {  	v37 =	vld [tilespmem:s8+$0x460];
	v50 =	vsub.f32 v33, v62;
	v27 =	vsub.f32 v27, v62  }
0x472: {  	v34 =	vld [tilespmem:s8+$0x440];
	v59 =	vmul.f32 $1.131370830e+01, v51;
	(xrf2) =	vadd.scan.msk.f32 $0xffff, v30;
	v48 =	vmul.f32 v44, v31;
	v31 =	vsub.f32 v32, v62  }
0x473: {  	v63 =	vld [tilespmem:s8+$0x410];
	v25 =	vsub.f32 v25, v62;
	v60 =	vmul.f32 $1.131370830e+01, v52;
	v39 =	vmul.f32 $1.131370830e+01, v54  }
0x474: {  	v49 =	vld [tilespmem:s8+$0x8500];
	v26 =	vsub.f32 v26, v62;
	v29 =	vmul.f32 v48, v29;
	v53 =	vmul.f32 v48, v31  }
0x475: {  	v24 =	vsub.f32 v24, v62;
	v57 =	vld [tilespmem:s8+$0x8560];
	v32 =	vmul.f32 v48, v50;
	v31 =	vmul.f32 v48, v27  }
0x476: {  	v36 =	vsub.f32 v28, v62;
	v56 =	vld [tilespmem:s8+$0x8540];
	v30 =	vmul.f32 v48, v25;
	v28 =	vmul.f32 v48, v26  }
0x477: {  	v33 =	vld [tilespmem:s8+$0x430];
	v55 =	vmul.f32 v29, v14;
	v29 =	vmul.f32 v48, v24  }
0x478: {  	v24 =	vld [tilespmem:s8+$0x8550];
	v25 =	vmul.f32 v53, v12;
	v32 =	vmul.f32 v32, v10  }
0x479: {  	v27 =	vmul.f32 v48, v36;
	v26 =	vmul.f32 $1.131370830e+01, v49;
	v36 =	vld [tilespmem:s8+$0x8570];
	v61, _, _ =	vpop (xrf2);
	v58 =	vadd.f32 v55, v15  }
0x47a: {  	v35 =	vld [tilespmem:s8+$0x450];
	v25 =	vadd.f32 v25, v13;
	v62 =	vadd.f32 v32, v11;
	v32 =	vmul.f32 $7.812500000e-03, v61  }
0x47b: {  	v43 =	vld [tilespmem:s8+$0x470];
	v38 =	vmul.f32 $1.131370830e+01, v56;
	v44 =	vmul.f32 $1.131370830e+01, v57;
	[tilespmem:s6+$0x14570] =	vst v58  }
0x47c: {  	v26 =	vadd.f32 v40, v26;
	[tilespmem:s6+$0x14500] =	vst v25;
	v25 =	vadd.f32 v63, v59;
	v63, _, _ =	vpop (xrf2);
	v42 =	vmul.f32 v32, v32  }
0x47d: {  	s9 =	simm.s32 $0x600;
	[tilespmem:s6+$0x14510] =	vst v62;
	v41 =	vmul.f32 $1.131370830e+01, v24;
	v24 =	vadd.f32 v45, v60;
	v40 =	vmul.f32 $7.812500000e-03, v63  }
.LBB2_14:
0x47e: {  	p0 =	sne.s32 s9, $0xFE00;
	v39 =	vadd.f32 v33, v39;
	v38 =	vadd.f32 v34, v38;
	v33 =	vmul.f32 $1.131370830e+01, v36  }
0x47f: {  	v35 =	vadd.f32 v35, v41;
	v31 =	vmul.f32 v31, v8;
	v34 =	vsub.f32 v40, v42  }
0x480: {  	v29 =	vmul.f32 v29, v6;
	v36 =	vadd.f32 v37, v44;
	v37 =	vadd.f32 v43, v33  }
0x481: {  	v30 =	vmul.f32 v30, v3;
	v33 =	vadd.f32 v25, v26;
	v34 =	vadd.f32 $9.999999740e-06, v34  }
0x482: {  	v41 =	vmul.f32 v26, v26;
	v42 =	vmul.f32 v25, v25;
	v40 =	vadd.f32 v39, v24  }
0x483: {  	v44 =	vmul.f32 v24, v24;
	v43 =	vadd.f32 v35, v38;
	v34 =	vbroadcast v34, $0xF  }
0x484: {  	v46 =	vmul.f32 v39, v39;
	v47 =	vmul.f32 v38, v38;
	v45 =	vadd.f32 v37, v36  }
0x485: {  	v48 =	vmul.f32 v35, v35;
	v49 =	vshra.s32 v34, $0x1;
	v34 =	vmul.f32 $-5.000000000e-01, v34  }
0x486: {  	v50 =	vmul.f32 v36, v36;
	v51 =	vmul.f32 v37, v37;
	v49 =	vsub.s32 $0x5F3759DF, v49  }
0x487: {  	v33 =	vadd.f32 v40, v33;
	v40 =	vadd.f32 v45, v43;
	v34 =	vmul.f32 v49, v34  }
0x488: {  	s10 =	sshra.s32 s9, $0x2;
	v41 =	vadd.f32 v42, v41;
	v42 =	vadd.f32 v46, v44;
	v43 =	vmul.f32 v28, v1  }
0x489: {  	v28 =	vadd.f32 v48, v47;
	v45 =	vadd.f32 v51, v50;
	v44 =	vld [tilespmem:s10+$0x400];
	v34 =	vmul.f32 v49, v34  }
0x48a: {  	v41 =	vadd.f32 v42, v41;
	v42 =	vmul.f32 v27, v0;
	v40 =	vadd.f32 v40, v33;
	v46 =	vld [tilespmem:s10+$0x410]  }
0x48b: {  	v27 =	vadd.f32 v45, v28;
	v28 =	vbroadcast v32, $0xF;
	v47 =	vld [tilespmem:s10+$0x420];
	v32 =	vadd.f32 $1.500000000e+00, v34  }
0x48c: {  	v31 =	vadd.f32 v31, v9;
	v29 =	vadd.f32 v29, v7;
	v33 =	vld [tilespmem:s10+$0x430];
	(xrf2) =	vadd.scan.msk.f32 $0xffff, v40  }
0x48d: {  	v27 =	vadd.f32 v27, v41;
	v40 =	vsub.f32 v20, v28;
	v20 =	vmovc v37;
	v34 =	vld [tilespmem:s10+$0x440];
	v32 =	vmul.f32 v49, v32  }
0x48e: {  	v41 =	vsub.f32 v17, v28;
	v45 =	vsub.f32 v16, v28;
	v17 =	vmovc v26;
	v16 =	vmov v25;
	v37 =	vld [tilespmem:s10+$0x8500];
	[tilespmem:s6+$0x14520] =	vst v31  }
0x48f: {  	v23 =	vsub.f32 v23, v28;
	v26 =	vsub.f32 v19, v28;
	v25 =	vld [tilespmem:s10+$0x8510];
	(xrf2) =	vadd.scan.msk.f32 $0xffff, v27;
	v31 =	vmul.f32 v32, v40  }
0x490: {  	v51 =	vsub.f32 v21, v28;
	v27 =	vmul.f32 v32, v41;
	v41 =	vsub.f32 v18, v28;
	v40 =	vld [tilespmem:s10+$0x8520];
	[tilespmem:s6+$0x14530] =	vst v29  }
0x491: {  	v22 =	vsub.f32 v22, v28;
	v19 =	vmovc v39;
	v45 =	vmul.f32 v32, v45;
	v48 =	vld [tilespmem:s10+$0x8530];
	v49 =	vmul.f32 v31, v14  }
0x492: {  	v18 =	vmovc v38;
	v29 =	vmul.f32 v32, v26;
	v31 =	vmul.f32 v32, v23;
	v23 =	vadd.f32 v30, v5;
	v50 =	vld [tilespmem:s10+$0x8540]  }
0x493: {  	v21 =	vmovc v35;
	v28 =	vmul.f32 v32, v51;
	v30 =	vmul.f32 v32, v41;
	v26 =	vld [tilespmem:s10+$0x8550];
	v38 =	vadd.f32 v49, v15  }
0x494: {  	v43 =	vadd.f32 v43, v4;
	v39 =	vmul.f32 v27, v12;
	v27 =	vmul.f32 v32, v22;
	v49 =	vld [tilespmem:s10+$0x8560];
	[tilespmem:s6+$0x14540] =	vst v23  }
0x495: {  	v32 =	vmul.f32 v45, v10;
	v41 =	vadd.f32 v42, v2;
	v22 =	vmovc v36;
	v51 =	vmul.f32 $1.131370830e+01, v37;
	v35 =	vld [tilespmem:s10+$0x450];
	[tilespmem:s7+$0x14570] =	vst v38  }
.Ltmp6:
0x496: {  	v45 =	vadd.f32 v39, v13;
	v25 =	vmul.f32 $1.131370830e+01, v25;
	v40 =	vmul.f32 $1.131370830e+01, v40;
	v36 =	vld [tilespmem:s10+$0x8570];
	v42, _, _ =	vpop (xrf2);
	[tilespmem:s6+$0x14550] =	vst v43;
	(pc) =	sbr.rel @p0 .LBB2_14-.Ltmp6, $4  }
0x497: {  	v23 =	vmovc v24;
	v39 =	vmul.f32 $1.131370830e+01, v48;
	v48 =	vadd.f32 v32, v11;
	v38 =	vmul.f32 $1.131370830e+01, v50;
	v37 =	vld [tilespmem:s10+$0x460];
	[tilespmem:s6+$0x14560] =	vst v41;
	s6 =	smov.u32 s7;
	s7 =	smov.u32 s8;
	s8 =	smov.u32 s10  }
0x498: {  	v32 =	vmul.f32 $7.812500000e-03, v42;
	v41 =	vmul.f32 $1.131370830e+01, v26;
	v43 =	vld [tilespmem:s8+$0x470];
	[tilespmem:s6+$0x14500] =	vst v45  }
0x499: {  	v25 =	vadd.f32 v46, v25;
	v26 =	vadd.f32 v44, v51;
	v44 =	vmul.f32 $1.131370830e+01, v49;
	v42, _, _ =	vpop (xrf2);
	[tilespmem:s6+$0x14510] =	vst v48  }
0x49a: {  	s9 =	sadd.s32 $0x200, s9;
	v24 =	vadd.f32 v47, v40;
	v40 =	vmul.f32 $7.812500000e-03, v42;
	v42 =	vmul.f32 v32, v32  }
0x49b: {  	v33 =	vadd.f32 v33, v39;
	v34 =	vadd.f32 v34, v38  }
0x49c: {  	v36 =	vmul.f32 $1.131370830e+01, v36;
	v35 =	vadd.f32 v35, v41;
	v62 =	vadd.f32 v25, v26  }
0x49d: {  	v63 =	vmul.f32 v26, v26;
	v54 =	vmul.f32 v25, v25;
	v37 =	vadd.f32 v37, v44  }
0x49e: {  	v45 =	vmul.f32 v24, v24;
	v36 =	vadd.f32 v43, v36;
	v39 =	vadd.f32 v33, v24  }
0x49f: {  	v55 =	vadd.f32 v35, v34;
	v47 =	vmul.f32 v33, v33;
	v48 =	vmul.f32 v34, v34  }
0x4a0: {  	v49 =	vmul.f32 v35, v35;
	v41 =	vadd.f32 v54, v63;
	v50 =	vmul.f32 v37, v37  }
0x4a1: {  	v46 =	vadd.f32 v36, v37;
	v51 =	vmul.f32 v36, v36;
	v38 =	vadd.f32 v39, v62  }
0x4a2: {  	v57 =	vadd.f32 v47, v45;
	v58 =	vadd.f32 v49, v48  }
0x4a3: {  	v56 =	vadd.f32 v46, v55;
	v59 =	vadd.f32 v51, v50  }
0x4a4: {  	v60 =	vadd.f32 v57, v41  }
0x4a5: {  	v38 =	vadd.f32 v56, v38;
	v61 =	vadd.f32 v59, v58;
	_ =	sdelay $0x1  }
0x4a6: {  	(xrf2) =	vadd.scan.msk.f32 $0xffff, v38;
	v62 =	vadd.f32 v61, v60  }
0x4a7: {  	v63 =	vsub.f32 v40, v42  }
0x4a8: {  	(xrf2) =	vadd.scan.msk.f32 $0xffff, v62  }
0x4a9: {  	v42 =	vadd.f32 $9.999999740e-06, v63;
	_ =	sdelay $0x1  }
0x4aa: {  	v38 =	vbroadcast v42, $0xF;
	_ =	sdelay $0x1  }
0x4ab: {  	v43 =	vshra.s32 v38, $0x1;
	v38 =	vmul.f32 $-5.000000000e-01, v38  }
0x4ac: {  	v39 =	vsub.s32 $0x5F3759DF, v43  }
0x4ad: {  	v31 =	vmul.f32 v31, v8;
	v38 =	vmul.f32 v39, v38  }
0x4ae: {  	v29 =	vmul.f32 v29, v6;
	v32 =	vbroadcast v32, $0xF;
	v44, _, _ =	vpop (xrf2)  }
0x4af: {  	v38 =	vmul.f32 v39, v38;
	v40 =	vmul.f32 $7.812500000e-03, v44  }
0x4b0: {  	v30 =	vmul.f32 v30, v3;
	v31 =	vadd.f32 v31, v9;
	v29 =	vadd.f32 v29, v7;
	v45, _, _ =	vpop (xrf2)  }
0x4b1: {  	v38 =	vadd.f32 $1.500000000e+00, v38;
	v41 =	vmul.f32 $7.812500000e-03, v45;
	v46 =	vmul.f32 v40, v40  }
0x4b2: {  	v28 =	vmul.f32 v28, v1;
	v20 =	vsub.f32 v20, v32;
	v17 =	vsub.f32 v17, v32  }
0x4b3: {  	v16 =	vsub.f32 v16, v32;
	v38 =	vmul.f32 v39, v38;
	v41 =	vsub.f32 v41, v46  }
0x4b4: {  	v27 =	vmul.f32 v27, v0;
	v23 =	vsub.f32 v23, v32;
	v19 =	vsub.f32 v19, v32  }
0x4b5: {  	v18 =	vsub.f32 v18, v32;
	v20 =	vmul.f32 v38, v20;
	v47 =	vadd.f32 $9.999999740e-06, v41  }
0x4b6: {  	v21 =	vsub.f32 v21, v32;
	v17 =	vmul.f32 v38, v17;
	v16 =	vmul.f32 v38, v16  }
0x4b7: {  	v22 =	vsub.f32 v22, v32;
	v23 =	vmul.f32 v38, v23;
	v39 =	vbroadcast v47, $0xF  }
0x4b8: {  	v30 =	vadd.f32 v30, v5;
	v19 =	vmul.f32 v38, v19;
	v18 =	vmul.f32 v38, v18  }
0x4b9: {  	v21 =	vmul.f32 v38, v21;
	v48 =	vshra.s32 v39, $0x1;
	v39 =	vmul.f32 $-5.000000000e-01, v39  }
0x4ba: {  	[tilespmem:s6+$0x14530] =	vst v29;
	v22 =	vmul.f32 v38, v22;
	v29 =	vbroadcast v40, $0xF;
	v41 =	vsub.s32 $0x5F3759DF, v48  }
0x4bb: {  	v28 =	vadd.f32 v28, v4;
	v20 =	vmul.f32 v20, v14;
	v49 =	vmul.f32 v41, v39  }
0x4bc: {  	v27 =	vadd.f32 v27, v2;
	v17 =	vmul.f32 v17, v12;
	v16 =	vmul.f32 v16, v10  }
0x4bd: {  	[tilespmem:s6+$0x14540] =	vst v30;
	v23 =	vmul.f32 v23, v8;
	v30 =	vsub.f32 v36, v29;
	v32 =	vmul.f32 v41, v49  }
0x4be: {  	[tilespmem:s6+$0x14520] =	vst v31;
	v19 =	vmul.f32 v19, v6;
	v26 =	vsub.f32 v26, v29;
	v20 =	vadd.f32 v20, v15  }
0x4bf: {  	[tilespmem:s6+$0x14560] =	vst v27;
	v18 =	vmul.f32 v18, v3;
	v17 =	vadd.f32 v17, v13;
	v31 =	vadd.f32 $1.500000000e+00, v32  }
0x4c0: {  	v21 =	vmul.f32 v21, v1;
	v24 =	vsub.f32 v24, v29;
	v16 =	vadd.f32 v16, v11;
	[tilespmem:s7+$0x14570] =	vst v20  }
0x4c1: {  	v23 =	vadd.f32 v23, v9;
	v19 =	vadd.f32 v19, v7;
	[tilespmem:s7+$0x14500] =	vst v17;
	v20 =	vmul.f32 v41, v31  }
0x4c2: {  	v18 =	vadd.f32 v18, v5;
	v17 =	vmul.f32 v22, v0;
	v22 =	vsub.f32 v25, v29;
	[tilespmem:s7+$0x14510] =	vst v16  }
0x4c3: {  	v16 =	vsub.f32 v33, v29;
	v25 =	vsub.f32 v34, v29;
	[tilespmem:s7+$0x14520] =	vst v23;
	v27 =	vmul.f32 v20, v30  }
0x4c4: {  	[tilespmem:s7+$0x14540] =	vst v18;
	v18 =	vadd.f32 v21, v4;
	v17 =	vadd.f32 v17, v2;
	v23 =	vmul.f32 v20, v26  }
0x4c5: {  	[tilespmem:s7+$0x14530] =	vst v19;
	v26 =	vsub.f32 v35, v29;
	v19 =	vmul.f32 v20, v22;
	v27 =	vmul.f32 v27, v14  }
0x4c6: {  	[tilespmem:s6+$0x14550] =	vst v28;
	v22 =	vsub.f32 v37, v29;
	v24 =	vmul.f32 v20, v24;
	v23 =	vmul.f32 v23, v12  }
0x4c7: {  	[tilespmem:s7+$0x14550] =	vst v18;
	v16 =	vmul.f32 v20, v16;
	v19 =	vmul.f32 v19, v10;
	v27 =	vadd.f32 v27, v15  }
0x4c8: {  	[tilespmem:s7+$0x14560] =	vst v17;
	v21 =	vmul.f32 v20, v25;
	v18 =	vmul.f32 v24, v8;
	v23 =	vadd.f32 v23, v13  }
0x4c9: {  	v16 =	vmul.f32 v16, v6;
	v17 =	vmul.f32 v20, v22;
	v19 =	vadd.f32 v19, v11;
	[tilespmem:s8+$0x14570] =	vst v27  }
0x4ca: {  	v24 =	vmul.f32 v20, v26;
	v20 =	vmul.f32 v21, v3;
	v18 =	vadd.f32 v18, v9;
	[tilespmem:s8+$0x14500] =	vst v23  }
0x4cb: {  	v16 =	vadd.f32 v16, v7;
	v17 =	vmul.f32 v17, v0;
	[tilespmem:s8+$0x14510] =	vst v19  }
0x4cc: {  	v19 =	vmul.f32 v24, v1;
	[tilespmem:s8+$0x14520] =	vst v18;
	v18 =	vadd.f32 v20, v5  }
0x4cd: {  	[tilespmem:s8+$0x14530] =	vst v16;
	v17 =	vadd.f32 v17, v2  }
0x4ce: {  	v16 =	vadd.f32 v19, v4;
	[tilespmem:s8+$0x14540] =	vst v18  }
0x4cf: {  	[tilespmem:s8+$0x14560] =	vst v17  }
0x4d0: {  	s10 =	simm.s32 $0x0;
	[tilespmem:s8+$0x14550] =	vst v16  }
0x4d1: {  	[hbm4b:s21+s10] =	stream.linear.scatter [tilespmem:s28], [sflag:$0x4], $0x4000, $0x38;
	[tilespmem:$0x1C500] =	vst v63  }
0x4d2: {  	_ =	swait.ge [sflag:s29], $0x4000  }
0x4d3: {  	[sflag:s29] =	ssyncset.done $0x0  }
0x4d4: {  	[sflag:s29] =	ssyncadd.s32 $0xFFFFC000  }
0x4d5: {  	_ =	swait.ge [sflag:s26], $0x4000  }
0x4d6: {  	[sflag:s26] =	ssyncset.done $0x0  }
0x4d7: {  	s6 =	simm.s32 $0x0;
	[sflag:s26] =	ssyncadd.s32 $0xFFFFC000  }
0x4d8: {  	v16 =	vld [tilespmem:s6+$0x4400]  }
0x4d9: {  	v17 =	vld [tilespmem:s6+$0x4410]  }
0x4da: {  	v18 =	vld [tilespmem:s6+$0x4420]  }
0x4db: {  	v19 =	vld [tilespmem:s6+$0x4430]  }
0x4dc: {  	v20 =	vld [tilespmem:s6+$0x4440]  }
0x4dd: {  	v21 =	vld [tilespmem:s6+$0xC500]  }
0x4de: {  	v22 =	vld [tilespmem:s6+$0xC510]  }
0x4df: {  	v23 =	vld [tilespmem:s6+$0xC520]  }
0x4e0: {  	v24 =	vld [tilespmem:s6+$0xC530]  }
0x4e1: {  	v25 =	vld [tilespmem:s6+$0xC540]  }
0x4e2: {  	v26 =	vld [tilespmem:s6+$0xC550]  }
0x4e3: {  	v27 =	vld [tilespmem:s6+$0xC560]  }
0x4e4: {  	v28 =	vld [tilespmem:s6+$0x4450]  }
0x4e5: {  	v29 =	vld [tilespmem:s6+$0xC570]  }
0x4e6: {  	v30 =	vld [tilespmem:s6+$0x4460];
	v21 =	vmul.f32 $1.131370830e+01, v21;
	v22 =	vmul.f32 $1.131370830e+01, v22  }
0x4e7: {  	v31 =	vld [tilespmem:s6+$0x4470];
	v23 =	vmul.f32 $1.131370830e+01, v23;
	v24 =	vmul.f32 $1.131370830e+01, v24  }
0x4e8: {  	v25 =	vmul.f32 $1.131370830e+01, v25;
	v26 =	vmul.f32 $1.131370830e+01, v26;
	v32 =	vadd.f32 v16, v21  }
0x4e9: {  	v33 =	vadd.f32 v17, v22;
	v16 =	vmul.f32 $1.131370830e+01, v27;
	v27 =	vadd.f32 v18, v23  }
0x4ea: {  	v24 =	vadd.f32 v19, v24;
	v17 =	vmul.f32 $1.131370830e+01, v29;
	v25 =	vadd.f32 v20, v25  }
0x4eb: {  	v26 =	vadd.f32 v28, v26;
	v28 =	vadd.f32 v30, v16  }
0x4ec: {  	v29 =	vadd.f32 v31, v17;
	v16 =	vadd.f32 v33, v32;
	v18 =	vmul.f32 v32, v32  }
0x4ed: {  	v17 =	vadd.f32 v24, v27;
	v19 =	vmul.f32 v33, v33;
	v21 =	vmul.f32 v27, v27  }
0x4ee: {  	v20 =	vadd.f32 v26, v25;
	v23 =	vmul.f32 v24, v24;
	v30 =	vmul.f32 v25, v25  }
0x4ef: {  	v31 =	vmul.f32 v26, v26;
	v22 =	vadd.f32 v29, v28;
	v50 =	vmul.f32 v28, v28  }
0x4f0: {  	v51 =	vmul.f32 v29, v29;
	v16 =	vadd.f32 v17, v16;
	v18 =	vadd.f32 v19, v18  }
0x4f1: {  	v19 =	vadd.f32 v23, v21;
	v17 =	vadd.f32 v22, v20  }
0x4f2: {  	s7 =	simm.s32 $0x80;
	v21 =	vadd.f32 v31, v30;
	v22 =	vadd.f32 v51, v50  }
0x4f3: {  	v52 =	vld [tilespmem:s7+$0xC550];
	v16 =	vadd.f32 v17, v16  }
0x4f4: {  	v53 =	vld [tilespmem:s7+$0xC560];
	v17 =	vadd.f32 v19, v18;
	v19 =	vadd.f32 v22, v21  }
0x4f5: {  	v57 =	vld [tilespmem:s7+$0x4460]  }
0x4f6: {  	v23 =	vld [tilespmem:s7+$0x4410];
	(xrf2) =	vadd.scan.msk.f32 $0xffff, v16;
	v16 =	vadd.f32 v19, v17  }
0x4f7: {  	v30 =	vld [tilespmem:s7+$0xC530]  }
0x4f8: {  	v31 =	vld [tilespmem:s7+$0xC540];
	(xrf2) =	vadd.scan.msk.f32 $0xffff, v16  }
0x4f9: {  	v19 =	vld [tilespmem:s7+$0xC510]  }
0x4fa: {  	v17 =	vld [tilespmem:s7+$0xC500]  }
0x4fb: {  	v16 =	vld [tilespmem:s7+$0xC520]  }
0x4fc: {  	v20 =	vld [tilespmem:s7+$0x4400]  }
0x4fd: {  	v18 =	vld [tilespmem:s7+$0x4420]  }
0x4fe: {  	v22 =	vld [tilespmem:s7+$0x4440];
	v19 =	vmul.f32 $1.131370830e+01, v19  }
0x4ff: {  	v34 =	vmul.f32 $1.131370830e+01, v52;
	v21 =	vld [tilespmem:s7+$0x4430];
	v17 =	vmul.f32 $1.131370830e+01, v17  }
0x500: {  	v56 =	vld [tilespmem:s7+$0xC570];
	v30 =	vmul.f32 $1.131370830e+01, v30;
	v55 =	vmul.f32 $1.131370830e+01, v16;
	v16, _, _ =	vpop (xrf2)  }
0x501: {  	v54 =	vld [tilespmem:s7+$0x4450];
	v31 =	vmul.f32 $1.131370830e+01, v31;
	v17 =	vadd.f32 v20, v17;
	v41 =	vmul.f32 $7.812500000e-03, v16  }
0x502: {  	v58 =	vld [tilespmem:s7+$0x4470];
	v20 =	vmul.f32 $1.131370830e+01, v53;
	v16 =	vadd.f32 v23, v19;
	v23 =	vadd.f32 v18, v55;
	v19, _, _ =	vpop (xrf2)  }
0x503: {  	v18 =	vadd.f32 v22, v31;
	v59 =	vmul.f32 $7.812500000e-03, v19;
	v60 =	vmul.f32 v41, v41  }
0x504: {  	v62 =	vmul.f32 v17, v17;
	v22 =	vadd.f32 v57, v20;
	v19 =	vadd.f32 v21, v30  }
0x505: {  	v30 =	vmul.f32 $1.131370830e+01, v56;
	v63 =	vmul.f32 v16, v16;
	v31 =	vsub.f32 v59, v60  }
0x506: {  	v21 =	vadd.f32 v54, v34;
	v49 =	vmul.f32 v23, v23;
	v51 =	vmul.f32 v18, v18  }
0x507: {  	v54 =	vmul.f32 v22, v22;
	v20 =	vadd.f32 v58, v30;
	v31 =	vadd.f32 $9.999999740e-06, v31  }
0x508: {  	v30 =	vadd.f32 v16, v17;
	v61 =	vadd.f32 v19, v23;
	v50 =	vmul.f32 v19, v19  }
0x509: {  	v48 =	vadd.f32 v21, v18;
	v52 =	vmul.f32 v21, v21;
	v31 =	vbroadcast v31, $0xF  }
0x50a: {  	v35 =	vadd.f32 v63, v62;
	v39 =	vadd.f32 v20, v22;
	v55 =	vmul.f32 v20, v20  }
0x50b: {  	v30 =	vadd.f32 v61, v30;
	v53 =	vshra.s32 v31, $0x1;
	v31 =	vmul.f32 $-5.000000000e-01, v31  }
0x50c: {  	s8 =	simm.s32 $0x100;
	v57 =	vadd.f32 v50, v49;
	v56 =	vadd.f32 v39, v48;
	v44 =	vsub.s32 $0x5F3759DF, v53  }
0x50d: {  	v58 =	vadd.f32 v52, v51;
	v51 =	vld [tilespmem:s8+$0xC510];
	v59 =	vadd.f32 v55, v54;
	v31 =	vmul.f32 v44, v31  }
0x50e: {  	v62 =	vbroadcast v41, $0xF;
	v52 =	vld [tilespmem:s8+$0xC520];
	v30 =	vadd.f32 v56, v30  }
0x50f: {  	v60 =	vadd.f32 v57, v35;
	v54 =	vld [tilespmem:s8+$0xC530];
	v61 =	vadd.f32 v59, v58;
	v31 =	vmul.f32 v44, v31  }
0x510: {  	v40 =	vld [tilespmem:s8+$0x4400];
	v29 =	vsub.f32 v29, v62;
	(xrf2) =	vadd.scan.msk.f32 $0xffff, v30  }
0x511: {  	v45 =	vld [tilespmem:s8+$0x4420];
	v30 =	vadd.f32 v61, v60;
	v31 =	vadd.f32 $1.500000000e+00, v31  }
0x512: {  	v37 =	vld [tilespmem:s8+$0x4460];
	v50 =	vsub.f32 v33, v62;
	v27 =	vsub.f32 v27, v62  }
0x513: {  	v34 =	vld [tilespmem:s8+$0x4440];
	v59 =	vmul.f32 $1.131370830e+01, v51;
	(xrf2) =	vadd.scan.msk.f32 $0xffff, v30;
	v48 =	vmul.f32 v44, v31;
	v31 =	vsub.f32 v32, v62  }
0x514: {  	v63 =	vld [tilespmem:s8+$0x4410];
	v25 =	vsub.f32 v25, v62;
	v60 =	vmul.f32 $1.131370830e+01, v52;
	v39 =	vmul.f32 $1.131370830e+01, v54  }
0x515: {  	v49 =	vld [tilespmem:s8+$0xC500];
	v26 =	vsub.f32 v26, v62;
	v29 =	vmul.f32 v48, v29;
	v53 =	vmul.f32 v48, v31  }
0x516: {  	v24 =	vsub.f32 v24, v62;
	v57 =	vld [tilespmem:s8+$0xC560];
	v32 =	vmul.f32 v48, v50;
	v31 =	vmul.f32 v48, v27  }
0x517: {  	v36 =	vsub.f32 v28, v62;
	v56 =	vld [tilespmem:s8+$0xC540];
	v30 =	vmul.f32 v48, v25;
	v28 =	vmul.f32 v48, v26  }
0x518: {  	v33 =	vld [tilespmem:s8+$0x4430];
	v55 =	vmul.f32 v29, v14;
	v29 =	vmul.f32 v48, v24  }
0x519: {  	v24 =	vld [tilespmem:s8+$0xC550];
	v25 =	vmul.f32 v53, v12;
	v32 =	vmul.f32 v32, v10  }
0x51a: {  	v27 =	vmul.f32 v48, v36;
	v26 =	vmul.f32 $1.131370830e+01, v49;
	v36 =	vld [tilespmem:s8+$0xC570];
	v61, _, _ =	vpop (xrf2);
	v58 =	vadd.f32 v55, v15  }
0x51b: {  	v35 =	vld [tilespmem:s8+$0x4450];
	v25 =	vadd.f32 v25, v13;
	v62 =	vadd.f32 v32, v11;
	v32 =	vmul.f32 $7.812500000e-03, v61  }
0x51c: {  	v43 =	vld [tilespmem:s8+$0x4470];
	v38 =	vmul.f32 $1.131370830e+01, v56;
	v44 =	vmul.f32 $1.131370830e+01, v57;
	[tilespmem:s6+$0x18570] =	vst v58  }
0x51d: {  	v26 =	vadd.f32 v40, v26;
	[tilespmem:s6+$0x18500] =	vst v25;
	v25 =	vadd.f32 v63, v59;
	v63, _, _ =	vpop (xrf2);
	v42 =	vmul.f32 v32, v32  }
0x51e: {  	s9 =	simm.s32 $0x600;
	[tilespmem:s6+$0x18510] =	vst v62;
	v41 =	vmul.f32 $1.131370830e+01, v24;
	v24 =	vadd.f32 v45, v60;
	v40 =	vmul.f32 $7.812500000e-03, v63  }
.LBB2_16:
0x51f: {  	p0 =	sne.s32 s9, $0xFE00;
	v39 =	vadd.f32 v33, v39;
	v38 =	vadd.f32 v34, v38;
	v33 =	vmul.f32 $1.131370830e+01, v36  }
0x520: {  	v35 =	vadd.f32 v35, v41;
	v31 =	vmul.f32 v31, v8;
	v34 =	vsub.f32 v40, v42  }
0x521: {  	v29 =	vmul.f32 v29, v6;
	v36 =	vadd.f32 v37, v44;
	v37 =	vadd.f32 v43, v33  }
0x522: {  	v30 =	vmul.f32 v30, v3;
	v33 =	vadd.f32 v25, v26;
	v34 =	vadd.f32 $9.999999740e-06, v34  }
0x523: {  	v41 =	vmul.f32 v26, v26;
	v42 =	vmul.f32 v25, v25;
	v40 =	vadd.f32 v39, v24  }
0x524: {  	v44 =	vmul.f32 v24, v24;
	v43 =	vadd.f32 v35, v38;
	v34 =	vbroadcast v34, $0xF  }
0x525: {  	v46 =	vmul.f32 v39, v39;
	v47 =	vmul.f32 v38, v38;
	v45 =	vadd.f32 v37, v36  }
0x526: {  	v48 =	vmul.f32 v35, v35;
	v49 =	vshra.s32 v34, $0x1;
	v34 =	vmul.f32 $-5.000000000e-01, v34  }
0x527: {  	v50 =	vmul.f32 v36, v36;
	v51 =	vmul.f32 v37, v37;
	v49 =	vsub.s32 $0x5F3759DF, v49  }
0x528: {  	v33 =	vadd.f32 v40, v33;
	v40 =	vadd.f32 v45, v43;
	v34 =	vmul.f32 v49, v34  }
0x529: {  	s10 =	sshra.s32 s9, $0x2;
	v41 =	vadd.f32 v42, v41;
	v42 =	vadd.f32 v46, v44;
	v43 =	vmul.f32 v28, v1  }
0x52a: {  	v28 =	vadd.f32 v48, v47;
	v45 =	vadd.f32 v51, v50;
	v44 =	vld [tilespmem:s10+$0x4400];
	v34 =	vmul.f32 v49, v34  }
0x52b: {  	v41 =	vadd.f32 v42, v41;
	v42 =	vmul.f32 v27, v0;
	v40 =	vadd.f32 v40, v33;
	v46 =	vld [tilespmem:s10+$0x4410]  }
0x52c: {  	v27 =	vadd.f32 v45, v28;
	v28 =	vbroadcast v32, $0xF;
	v47 =	vld [tilespmem:s10+$0x4420];
	v32 =	vadd.f32 $1.500000000e+00, v34  }
0x52d: {  	v31 =	vadd.f32 v31, v9;
	v29 =	vadd.f32 v29, v7;
	v33 =	vld [tilespmem:s10+$0x4430];
	(xrf2) =	vadd.scan.msk.f32 $0xffff, v40  }
0x52e: {  	v27 =	vadd.f32 v27, v41;
	v40 =	vsub.f32 v20, v28;
	v20 =	vmovc v37;
	v34 =	vld [tilespmem:s10+$0x4440];
	v32 =	vmul.f32 v49, v32  }
0x52f: {  	v41 =	vsub.f32 v17, v28;
	v45 =	vsub.f32 v16, v28;
	v17 =	vmovc v26;
	v16 =	vmov v25;
	v37 =	vld [tilespmem:s10+$0xC500];
	[tilespmem:s6+$0x18520] =	vst v31  }
0x530: {  	v23 =	vsub.f32 v23, v28;
	v26 =	vsub.f32 v19, v28;
	v25 =	vld [tilespmem:s10+$0xC510];
	(xrf2) =	vadd.scan.msk.f32 $0xffff, v27;
	v31 =	vmul.f32 v32, v40  }
0x531: {  	v51 =	vsub.f32 v21, v28;
	v27 =	vmul.f32 v32, v41;
	v41 =	vsub.f32 v18, v28;
	v40 =	vld [tilespmem:s10+$0xC520];
	[tilespmem:s6+$0x18530] =	vst v29  }
0x532: {  	v22 =	vsub.f32 v22, v28;
	v19 =	vmovc v39;
	v45 =	vmul.f32 v32, v45;
	v48 =	vld [tilespmem:s10+$0xC530];
	v49 =	vmul.f32 v31, v14  }
0x533: {  	v18 =	vmovc v38;
	v29 =	vmul.f32 v32, v26;
	v31 =	vmul.f32 v32, v23;
	v23 =	vadd.f32 v30, v5;
	v50 =	vld [tilespmem:s10+$0xC540]  }
0x534: {  	v21 =	vmovc v35;
	v28 =	vmul.f32 v32, v51;
	v30 =	vmul.f32 v32, v41;
	v26 =	vld [tilespmem:s10+$0xC550];
	v38 =	vadd.f32 v49, v15  }
0x535: {  	v43 =	vadd.f32 v43, v4;
	v39 =	vmul.f32 v27, v12;
	v27 =	vmul.f32 v32, v22;
	v49 =	vld [tilespmem:s10+$0xC560];
	[tilespmem:s6+$0x18540] =	vst v23  }
0x536: {  	v32 =	vmul.f32 v45, v10;
	v41 =	vadd.f32 v42, v2;
	v22 =	vmovc v36;
	v51 =	vmul.f32 $1.131370830e+01, v37;
	v35 =	vld [tilespmem:s10+$0x4450];
	[tilespmem:s7+$0x18570] =	vst v38  }
.Ltmp7:
0x537: {  	v45 =	vadd.f32 v39, v13;
	v25 =	vmul.f32 $1.131370830e+01, v25;
	v40 =	vmul.f32 $1.131370830e+01, v40;
	v36 =	vld [tilespmem:s10+$0xC570];
	v42, _, _ =	vpop (xrf2);
	[tilespmem:s6+$0x18550] =	vst v43;
	(pc) =	sbr.rel @p0 .LBB2_16-.Ltmp7, $4  }
0x538: {  	v23 =	vmovc v24;
	v39 =	vmul.f32 $1.131370830e+01, v48;
	v48 =	vadd.f32 v32, v11;
	v38 =	vmul.f32 $1.131370830e+01, v50;
	v37 =	vld [tilespmem:s10+$0x4460];
	[tilespmem:s6+$0x18560] =	vst v41;
	s6 =	smov.u32 s7;
	s7 =	smov.u32 s8;
	s8 =	smov.u32 s10  }
0x539: {  	v32 =	vmul.f32 $7.812500000e-03, v42;
	v41 =	vmul.f32 $1.131370830e+01, v26;
	v43 =	vld [tilespmem:s8+$0x4470];
	[tilespmem:s6+$0x18500] =	vst v45  }
0x53a: {  	v25 =	vadd.f32 v46, v25;
	v26 =	vadd.f32 v44, v51;
	v44 =	vmul.f32 $1.131370830e+01, v49;
	v42, _, _ =	vpop (xrf2);
	[tilespmem:s6+$0x18510] =	vst v48  }
0x53b: {  	s9 =	sadd.s32 $0x200, s9;
	v24 =	vadd.f32 v47, v40;
	v40 =	vmul.f32 $7.812500000e-03, v42;
	v42 =	vmul.f32 v32, v32  }
0x53c: {  	v33 =	vadd.f32 v33, v39;
	v34 =	vadd.f32 v34, v38  }
0x53d: {  	v36 =	vmul.f32 $1.131370830e+01, v36;
	v35 =	vadd.f32 v35, v41;
	v57 =	vadd.f32 v25, v26  }
0x53e: {  	v58 =	vmul.f32 v26, v26;
	v59 =	vmul.f32 v25, v25;
	v37 =	vadd.f32 v37, v44  }
0x53f: {  	v45 =	vmul.f32 v24, v24;
	v36 =	vadd.f32 v43, v36;
	v39 =	vadd.f32 v33, v24  }
0x540: {  	v60 =	vadd.f32 v35, v34;
	v47 =	vmul.f32 v33, v33;
	v48 =	vmul.f32 v34, v34  }
0x541: {  	v49 =	vmul.f32 v35, v35;
	v41 =	vadd.f32 v59, v58;
	v50 =	vmul.f32 v37, v37  }
0x542: {  	v46 =	vadd.f32 v36, v37;
	v51 =	vmul.f32 v36, v36;
	v38 =	vadd.f32 v39, v57  }
0x543: {  	v62 =	vadd.f32 v47, v45;
	v63 =	vadd.f32 v49, v48  }
0x544: {  	v61 =	vadd.f32 v46, v60;
	v48 =	vadd.f32 v51, v50  }
0x545: {  	v49 =	vadd.f32 v62, v41  }
0x546: {  	v38 =	vadd.f32 v61, v38;
	v50 =	vadd.f32 v48, v63;
	_ =	sdelay $0x1  }
0x547: {  	(xrf2) =	vadd.scan.msk.f32 $0xffff, v38;
	v51 =	vadd.f32 v50, v49  }
0x548: {  	v52 =	vsub.f32 v40, v42  }
0x549: {  	(xrf2) =	vadd.scan.msk.f32 $0xffff, v51  }
0x54a: {  	v53 =	vadd.f32 $9.999999740e-06, v52;
	_ =	sdelay $0x1  }
0x54b: {  	v38 =	vbroadcast v53, $0xF;
	_ =	sdelay $0x1  }
0x54c: {  	v54 =	vshra.s32 v38, $0x1;
	v38 =	vmul.f32 $-5.000000000e-01, v38  }
0x54d: {  	v39 =	vsub.s32 $0x5F3759DF, v54  }
0x54e: {  	v31 =	vmul.f32 v31, v8;
	v38 =	vmul.f32 v39, v38  }
0x54f: {  	v29 =	vmul.f32 v29, v6;
	v32 =	vbroadcast v32, $0xF;
	v55, _, _ =	vpop (xrf2)  }
0x550: {  	v38 =	vmul.f32 v39, v38;
	v40 =	vmul.f32 $7.812500000e-03, v55  }
0x551: {  	v30 =	vmul.f32 v30, v3;
	v31 =	vadd.f32 v31, v9;
	v29 =	vadd.f32 v29, v7;
	v56, _, _ =	vpop (xrf2)  }
0x552: {  	v38 =	vadd.f32 $1.500000000e+00, v38;
	v41 =	vmul.f32 $7.812500000e-03, v56;
	v57 =	vmul.f32 v40, v40  }
0x553: {  	v28 =	vmul.f32 v28, v1;
	v20 =	vsub.f32 v20, v32;
	v17 =	vsub.f32 v17, v32  }
0x554: {  	v16 =	vsub.f32 v16, v32;
	v38 =	vmul.f32 v39, v38;
	v41 =	vsub.f32 v41, v57  }
0x555: {  	v27 =	vmul.f32 v27, v0;
	v23 =	vsub.f32 v23, v32;
	v19 =	vsub.f32 v19, v32  }
0x556: {  	v18 =	vsub.f32 v18, v32;
	v20 =	vmul.f32 v38, v20;
	v58 =	vadd.f32 $9.999999740e-06, v41  }
0x557: {  	v21 =	vsub.f32 v21, v32;
	v17 =	vmul.f32 v38, v17;
	v16 =	vmul.f32 v38, v16  }
0x558: {  	v22 =	vsub.f32 v22, v32;
	v23 =	vmul.f32 v38, v23;
	v39 =	vbroadcast v58, $0xF  }
0x559: {  	v30 =	vadd.f32 v30, v5;
	v19 =	vmul.f32 v38, v19;
	v18 =	vmul.f32 v38, v18  }
0x55a: {  	v21 =	vmul.f32 v38, v21;
	v59 =	vshra.s32 v39, $0x1;
	v39 =	vmul.f32 $-5.000000000e-01, v39  }
0x55b: {  	v22 =	vmul.f32 v38, v22;
	v61 =	vbroadcast v40, $0xF;
	v41 =	vsub.s32 $0x5F3759DF, v59  }
0x55c: {  	v28 =	vadd.f32 v28, v4;
	v20 =	vmul.f32 v20, v14;
	v60 =	vmul.f32 v41, v39  }
0x55d: {  	v27 =	vadd.f32 v27, v2;
	[tilespmem:s6+$0x18520] =	vst v31;
	v17 =	vmul.f32 v17, v12;
	v16 =	vmul.f32 v16, v10  }
0x55e: {  	[tilespmem:s6+$0x18530] =	vst v29;
	v38 =	vsub.f32 v36, v61;
	v42 =	vsub.f32 v25, v61;
	v32 =	vmul.f32 v41, v60  }
0x55f: {  	[tilespmem:s6+$0x18540] =	vst v30;
	v23 =	vmul.f32 v23, v8;
	v43 =	vsub.f32 v24, v61;
	v44 =	vsub.f32 v33, v61  }
0x560: {  	[tilespmem:s6+$0x18550] =	vst v28;
	v19 =	vmul.f32 v19, v6;
	v20 =	vadd.f32 v20, v15;
	v62 =	vadd.f32 $1.500000000e+00, v32  }
0x561: {  	[tilespmem:s6+$0x18560] =	vst v27;
	v18 =	vmul.f32 v18, v3;
	v45 =	vsub.f32 v34, v61;
	v17 =	vadd.f32 v17, v13  }
0x562: {  	v48 =	vsub.f32 v35, v61;
	v16 =	vadd.f32 v16, v11;
	[tilespmem:s7+$0x18570] =	vst v20;
	v63 =	vmul.f32 v41, v62  }
0x563: {  	v21 =	vmul.f32 v21, v1;
	v23 =	vadd.f32 v23, v9;
	[tilespmem:s7+$0x18500] =	vst v17;
	v39 =	vsub.f32 v26, v61  }
0x564: {  	v50 =	vsub.f32 v37, v61;
	v19 =	vadd.f32 v19, v7;
	[tilespmem:s7+$0x18510] =	vst v16;
	v40 =	vmul.f32 v63, v38  }
0x565: {  	v18 =	vadd.f32 v18, v5;
	[tilespmem:s7+$0x18520] =	vst v23;
	v41 =	vmul.f32 v22, v0;
	v47 =	vmul.f32 v63, v39  }
0x566: {  	v53 =	vadd.f32 v21, v4;
	[tilespmem:s7+$0x18530] =	vst v19;
	v49 =	vmul.f32 v63, v42;
	v46 =	vmul.f32 v40, v14  }
0x567: {  	[tilespmem:s7+$0x18540] =	vst v18;
	v51 =	vmul.f32 v63, v43;
	v55 =	vadd.f32 v41, v2;
	v52 =	vmul.f32 v47, v12  }
0x568: {  	[tilespmem:s7+$0x18550] =	vst v53;
	v16 =	vmul.f32 v63, v44;
	v54 =	vmul.f32 v49, v10;
	v14 =	vadd.f32 v46, v15  }
0x569: {  	v56 =	vmul.f32 v63, v45;
	v57 =	vmul.f32 v51, v8;
	[tilespmem:s7+$0x18560] =	vst v55;
	v12 =	vadd.f32 v52, v13  }
0x56a: {  	v58 =	vmul.f32 v63, v48;
	v59 =	vmul.f32 v16, v6;
	v10 =	vadd.f32 v54, v11;
	[tilespmem:s8+$0x18570] =	vst v14  }
0x56b: {  	v60 =	vmul.f32 v63, v50;
	v61 =	vmul.f32 v56, v3;
	v8 =	vadd.f32 v57, v9;
	[tilespmem:s8+$0x18500] =	vst v12  }
0x56c: {  	v62 =	vmul.f32 v58, v1;
	v6 =	vadd.f32 v59, v7;
	[tilespmem:s8+$0x18510] =	vst v10  }
0x56d: {  	v63 =	vmul.f32 v60, v0;
	v3 =	vadd.f32 v61, v5;
	[tilespmem:s8+$0x18520] =	vst v8  }
0x56e: {  	v1 =	vadd.f32 v62, v4;
	[tilespmem:s8+$0x18530] =	vst v6  }
0x56f: {  	v0 =	vadd.f32 v63, v2;
	[tilespmem:s8+$0x18540] =	vst v3  }
0x570: {  	[tilespmem:s8+$0x18550] =	vst v1  }
0x571: {  	s2 =	sadd.s32 $0x1, s2;
	[tilespmem:s8+$0x18560] =	vst v0  }
0x572: {  	[hbm4b:s22+s5] =	stream.linear.scatter [tilespmem:s30], [sflag:$0x5], $0x4000, $0x38;
	[tilespmem:$0x1C500] =	vst v63  }
0x573: {  	p0 =	sne.s32 s2, s23;
	_ =	swait.ge [sflag:s25], $0x4000  }
.Ltmp8:
0x574: {  	[sflag:s25] =	ssyncset.done $0x0;
	(pc) =	sbr.rel @p0 .LBB2_1-.Ltmp8, $4  }
0x575: {  	[sflag:s25] =	ssyncadd.s32 $0xFFFFC000  }
0x576: {  	_ =	swait.ge [sflag:s26], $0x4000  }
0x577: {  	[sflag:s26] =	ssyncset.done $0x0  }
0x578: {  	[sflag:s26] =	ssyncadd.s32 $0xFFFFC000  }
0x579: {  	_ =	sfence.sel $0x180000  }
0x57a: {  	[bflag:$0x0] =	sbarrier.arrive $0xFFFF  }
0x57b: {  	_ =	strace $0x90000047  }
0x57c: {  	s0 =	stileid.u32;
	[bflag:$0x2] =	sbarrier.arrive $0xFFFF  }
0x57d: {  	p0 =	sne.s32 s0, $0x0;
	s0 =	rddreg [dreg:$0x6]  }
0x57e: {  	s0 =	sadd.s32 @!p0 $0x100000, s0  }
0x57f: {  	[sflag:s0] =	ssyncadd.tile.s32 @!p0 $0x1;
	_ =	shalt  }
.Lfunc_end2:
_tile_overlayer_lowered:
.L_overlay_start_2:
0x580: {  	(tag) =	ssettag $0x2  }
0x581: {  	s0 =	rddreg [dreg:$0x0];
	s2 =	stileid.u32  }
0x582: {  	s1 =	rddreg [dreg:$0x1];
	p0 =	sne.s32 s2, $0x0  }
0x583: {  	s3 =	rddreg [dreg:$0x2];
	[bflag:$0x3] =	sbarrier.arrive $0xFFFF;
	s2 =	simm.s32 @!p0 $0x1C06  }
0x584: {  	[timem:s3], [sflag:s2] =	dma.local @!p0 [hbm:s0], s1  }
0x585: {  	s0 =	simm.s32 @!p0 $0x6  }
0x586: {  	_ =	swait.ge @!p0 [sflag:s0], s1  }
0x587: {  	s1 =	ssub.s32 @!p0 $0x0, s1;
	[sflag:s0] =	ssyncset.done @!p0 $0x0  }
0x588: {  	[sflag:s0] =	ssyncadd.s32 @!p0 s1  }
0x589: {  	[bflag:$0x3] =	sbarrier.arrive $0xFFFF  }
0x58a: {  	_ =	shalt  }

</sc_bundles>
